<compile_context>
chip_gen: v7x
topology: tpu7x:2x2x1
jax: 0.10.2.dev20260603
libtpu: 0.0.44.dev20260713+nightly
codegen_flags: <defaults>
</compile_context>

<pallas_src>
import functools

import jax
import jax.numpy as jnp
from jax import lax
from jax.experimental import pallas as pl
from jax.experimental.pallas import tpu as pltpu
from jax.experimental.pallas import tpu_sc as plsc

N_NODES = 10000
N_PAD = 10240
E_EDGES = 320000
E_PAD = 327680
N_WORKERS = 32
CHUNKS = 320
CHUNK = 32
NBUF = 8
BLKC = 16
FEAT = 128
ROWS_PER_TILE = N_PAD // 16
BLK = 1024
GRID = N_PAD // BLK
G = 256
OUT = 12

@functools.cache
def _sc_mesh():
    return plsc.VectorSubcoreMesh(core_axis_name="c", subcore_axis_name="s")


def _zero_vmem(buf, nrows, ncols16):
    z = jnp.zeros((16,), jnp.float32)

    def body(i, _):
        for k in range(ncols16):
            buf[i, pl.ds(k * 16, 16)] = z
        return 0

    lax.fori_loop(0, nrows, body, 0)


def _zero_accum_slice(accum, zbuf, sid, zrows, sem):
    base = sid * ROWS_PER_TILE
    cps = [
        pltpu.async_copy(zbuf, accum.at[pl.ds(base + i * zrows, zrows)], sem)
        for i in range(ROWS_PER_TILE // zrows)
    ]
    for c in cps:
        c.wait()


def _writeback_slice(accum, out_hbm, cid, sid, width, sem):
    base = sid * ROWS_PER_TILE
    q = ROWS_PER_TILE // 4
    cps = [
        pltpu.async_copy(
            accum.at[pl.ds(base + i * q, q)],
            out_hbm.at[cid, pl.ds(base + i * q, q)],
            sem,
        )
        for i in range(4)
    ]
    for c in cps:
        c.wait()


def _deg_body(dst_hbm, out_hbm, dst_c, ones_v, zbuf, accum, sem, wsem):
    cid = lax.axis_index("c")
    sid = lax.axis_index("s")
    wid = cid * 16 + sid

    one = jnp.ones((16,), jnp.float32)

    def fill_ones(i, _):
        ones_v[i] = one
        return 0

    lax.fori_loop(0, CHUNK, fill_ones, 0)
    _zero_vmem(zbuf, 64, 1)
    _zero_accum_slice(accum, zbuf, sid, 64, sem)
    plsc.subcore_barrier()

    def outer(t, _):
        pltpu.sync_copy(dst_hbm.at[wid, pl.ds(t * 16, 16)], dst_c)
        cps = [
            pltpu.async_copy(ones_v, accum.at[dst_c.at[p]], sem, add=True)
            for p in range(16)
        ]
        for c in cps:
            c.wait()
        return 0

    lax.fori_loop(0, CHUNKS // 16, outer, 0)
    plsc.subcore_barrier()
    _writeback_slice(accum, out_hbm, cid, sid, 16, wsem)


def _edge_body(table_hbm, src_hbm, dst_hbm, out_hbm, src_c, dst_c, *rest):
    rows = rest[:NBUF]
    zbuf = rest[NBUF]
    accum = rest[NBUF + 1]
    gsems = rest[NBUF + 2:2 * NBUF + 2]
    ssems = rest[2 * NBUF + 2:3 * NBUF + 2]
    wsem = rest[3 * NBUF + 2]
    cid = lax.axis_index("c")
    sid = lax.axis_index("s")
    wid = cid * 16 + sid
    base = sid * ROWS_PER_TILE

    _zero_vmem(zbuf, 64, FEAT // 16)
    _zero_accum_slice(accum, zbuf, sid, 64, wsem)
    plsc.subcore_barrier()

    def outer(t, _):
        pltpu.sync_copy(src_hbm.at[wid, pl.ds(t * BLKC, BLKC)], src_c)
        pltpu.sync_copy(dst_hbm.at[wid, pl.ds(t * BLKC, BLKC)], dst_c)
        gs = [
            pltpu.async_copy(table_hbm.at[src_c.at[p]], rows[p], gsems[p])
            for p in range(NBUF)
        ]
        ss = [None] * NBUF
        for j in range(BLKC):
            p = j % NBUF
            gs[p].wait()
            ss[p] = pltpu.async_copy(
                rows[p], accum.at[dst_c.at[j]], ssems[p], add=True)
            if j + NBUF < BLKC:
                ss[p].wait()
                gs[p] = pltpu.async_copy(
                    table_hbm.at[src_c.at[j + NBUF]], rows[p], gsems[p])
        for p in range(NBUF):
            ss[p].wait()
        return 0

    lax.fori_loop(0, CHUNKS // BLKC, outer, 0)
    plsc.subcore_barrier()
    _writeback_slice(accum, out_hbm, cid, sid, FEAT, wsem)


@functools.cache
def _deg_sc_kernel():
    return pl.kernel(
        _deg_body,
        out_type=jax.ShapeDtypeStruct((2, N_PAD, 16), jnp.float32),
        mesh=_sc_mesh(),
        scratch_types=[
            pltpu.VMEM((16, CHUNK), jnp.int32),
            pltpu.VMEM((CHUNK, 16), jnp.float32),
            pltpu.VMEM((64, 16), jnp.float32),
            pltpu.VMEM_SHARED((N_PAD, 16), jnp.float32),
            pltpu.SemaphoreType.DMA,
            pltpu.SemaphoreType.DMA,
        ],
    )


@functools.cache
def _edge_sc_kernel():
    return pl.kernel(
        _edge_body,
        out_type=jax.ShapeDtypeStruct((2, N_PAD, FEAT), jnp.float32),
        mesh=_sc_mesh(),
        scratch_types=(
            [pltpu.VMEM((BLKC, CHUNK), jnp.int32)] * 2
            + [pltpu.VMEM((CHUNK, FEAT), jnp.float32)] * NBUF
            + [pltpu.VMEM((64, FEAT), jnp.float32)]
            + [pltpu.VMEM_SHARED((N_PAD, FEAT), jnp.float32)]
            + [pltpu.SemaphoreType.DMA] * (2 * NBUF + 1)
        ),
    )


def _dinv_block(cnt_blk):
    deg = cnt_blk[0, :, 0] + cnt_blk[1, :, 0] + 1.0
    return lax.rsqrt(deg)


def _row_mask(k):
    rows = k * BLK + lax.broadcasted_iota(jnp.int32, (BLK, 1), 0)
    return (rows < N_NODES).astype(jnp.float32)


def _tc_first(x_ref, w_ref, cnt_ref, h_ref, hn_ref):
    k = pl.program_id(0)
    h = jnp.dot(x_ref[...], w_ref[...], preferred_element_type=jnp.float32)
    dinv = _dinv_block(cnt_ref[...])
    h_ref[...] = h
    hn_ref[...] = h * dinv[:, None] * _row_mask(k)


def _tc_mid(s_ref, h_ref, cnt_ref, b_ref, w_ref, h2_ref, hn2_ref):
    k = pl.program_id(0)
    dinv = _dinv_block(cnt_ref[...])
    s = s_ref[0].astype(jnp.float32) + s_ref[1].astype(jnp.float32)
    out1 = jnp.maximum(
        dinv[:, None] * s + (dinv * dinv)[:, None] * h_ref[...] + b_ref[...], 0.0)
    h2 = jnp.dot(out1, w_ref[...], preferred_element_type=jnp.float32)
    h2_ref[...] = h2
    hn2_ref[...] = h2 * dinv[:, None] * _row_mask(k)


def _tc_last(s_ref, h_ref, cnt_ref, b_ref, batch_ref, desc_ref, wd_ref, bd_ref,
             wo_ref, bo_ref, out_ref, acc, cacc):
    k = pl.program_id(0)

    @pl.when(k == 0)
    def _():
        acc[...] = jnp.zeros_like(acc)
        cacc[...] = jnp.zeros_like(cacc)

    dinv = _dinv_block(cnt_ref[...])
    s = s_ref[0].astype(jnp.float32) + s_ref[1].astype(jnp.float32)
    out2 = jnp.maximum(
        dinv[:, None] * s + (dinv * dinv)[:, None] * h_ref[...] + b_ref[...], 0.0)
    b = batch_ref[0, 0, :]
    onehot = (b[None, :] == lax.broadcasted_iota(jnp.int32, (G, BLK), 0)
              ).astype(jnp.float32)
    acc[...] += jnp.dot(onehot, out2, preferred_element_type=jnp.float32)
    cacc[...] += jnp.broadcast_to(jnp.sum(onehot, axis=1)[:, None], (G, FEAT))

    @pl.when(k == GRID - 1)
    def _():
        pooled = acc[...] / jnp.maximum(cacc[...], 1.0)
        d = jnp.maximum(
            jnp.dot(desc_ref[...], wd_ref[...],
                    preferred_element_type=jnp.float32) + bd_ref[...], 0.0)
        cat = jnp.concatenate([pooled, d], axis=1)
        out_ref[...] = jnp.dot(cat, wo_ref[...],
                               preferred_element_type=jnp.float32) + bo_ref[...]


def kernel(x, edge_index, batch, descriptors, W1, b1, W2, b2, Wd, bd, Wo, bo):
    f32 = jnp.float32
    x_pad = jnp.pad(x, ((0, N_PAD - N_NODES), (0, 0)))
    pad_i = jnp.arange(E_PAD - E_EDGES, dtype=jnp.int32)
    src_fill = N_NODES + pad_i % (N_PAD - N_NODES)
    dst_fill = N_NODES + pad_i % (N_PAD - N_NODES)
    src3 = jnp.concatenate([edge_index[0], src_fill]
                           ).reshape(N_WORKERS, CHUNKS, CHUNK)
    dst3 = jnp.concatenate([edge_index[1], dst_fill]
                           ).reshape(N_WORKERS, CHUNKS, CHUNK)
    batch3 = jnp.pad(batch, (0, N_PAD - N_NODES),
                     constant_values=G).reshape(GRID, 1, BLK)
    b1r = b1.reshape(1, FEAT)
    b2r = b2.reshape(1, FEAT)
    bdr = bd.reshape(1, FEAT)
    bor = bo.reshape(1, OUT)

    cnt = _deg_sc_kernel()(dst3)

    row_blk = lambda k: (k, 0)
    cnt_spec = pl.BlockSpec((2, BLK, 16), lambda k: (0, k, 0))
    s_spec = pl.BlockSpec((2, BLK, FEAT), lambda k: (0, k, 0))
    full = lambda shape: pl.BlockSpec(shape, lambda k: tuple(0 for _ in shape))

    h1, hn1 = pl.pallas_call(
        _tc_first,
        grid=(GRID,),
        in_specs=[
            pl.BlockSpec((BLK, FEAT), row_blk),
            full((FEAT, FEAT)),
            cnt_spec,
        ],
        out_specs=[pl.BlockSpec((BLK, FEAT), row_blk)] * 2,
        out_shape=[jax.ShapeDtypeStruct((N_PAD, FEAT), f32),
                   jax.ShapeDtypeStruct((N_PAD, FEAT), f32)],
    )(x_pad, W1, cnt)

    s1 = _edge_sc_kernel()(hn1, src3, dst3)

    h2, hn2 = pl.pallas_call(
        _tc_mid,
        grid=(GRID,),
        in_specs=[
            s_spec,
            pl.BlockSpec((BLK, FEAT), row_blk),
            cnt_spec,
            full((1, FEAT)),
            full((FEAT, FEAT)),
        ],
        out_specs=[pl.BlockSpec((BLK, FEAT), row_blk)] * 2,
        out_shape=[jax.ShapeDtypeStruct((N_PAD, FEAT), f32),
                   jax.ShapeDtypeStruct((N_PAD, FEAT), f32)],
    )(s1, h1, cnt, b1r, W2)

    s2 = _edge_sc_kernel()(hn2, src3, dst3)

    out = pl.pallas_call(
        _tc_last,
        grid=(GRID,),
        in_specs=[
            s_spec,
            pl.BlockSpec((BLK, FEAT), row_blk),
            cnt_spec,
            full((1, FEAT)),
            pl.BlockSpec((1, 1, BLK), lambda k: (k, 0, 0)),
            full((G, 64)),
            full((64, FEAT)),
            full((1, FEAT)),
            full((2 * FEAT, OUT)),
            full((1, OUT)),
        ],
        out_specs=pl.BlockSpec((G, OUT), lambda k: (0, 0)),
        out_shape=jax.ShapeDtypeStruct((G, OUT), f32),
        scratch_shapes=[
            pltpu.VMEM((G, FEAT), f32),
            pltpu.VMEM((G, FEAT), f32),
        ],
    )(s2, h2, cnt, b2r, batch3, descriptors, Wd, bdr, Wo, bor)

    return out

# --- scband reference (transcript-rebuilt; emitter-appended) ---
"""Pipeline reference for scband-chem-hazard-gcn-12687333392905 (READ-ONLY COPY).

The authoritative reference and input builder live on the scoring server;
editing this copy changes nothing except your own understanding.
"""

import jax, jax.numpy as jnp
import numpy as np

N = 10000
E = 320000
D = 128
H = 128
DESC = 64
OUT = 12
G = 256


def setup_inputs(seed: int = 0) -> dict:
    key = jax.random.key(seed)
    ks = jax.random.split(key, 12)
    x = jax.random.normal(ks[0], (N, D), dtype=jnp.float32)
    edge_index = jax.random.randint(ks[1], (2, E), 0, N, dtype=jnp.int32)
    batch = jnp.sort(jax.random.randint(ks[2], (N,), 0, G, dtype=jnp.int32))
    descriptors = jax.random.normal(ks[3], (G, DESC), dtype=jnp.float32)
    W1 = jax.random.normal(ks[4], (D, H), dtype=jnp.float32) / np.sqrt(D)
    b1 = jnp.zeros((H,), dtype=jnp.float32)
    W2 = jax.random.normal(ks[5], (H, H), dtype=jnp.float32) / np.sqrt(H)
    b2 = jnp.zeros((H,), dtype=jnp.float32)
    Wd = jax.random.normal(ks[6], (DESC, H), dtype=jnp.float32) / np.sqrt(DESC)
    bd = jnp.zeros((H,), dtype=jnp.float32)
    Wo = jax.random.normal(ks[7], (2 * H, OUT), dtype=jnp.float32) / np.sqrt(2 * H)
    bo = jnp.zeros((OUT,), dtype=jnp.float32)
    return {"x": x, "edge_index": edge_index, "batch": batch, "descriptors": descriptors,
            "W1": W1, "b1": b1, "W2": W2, "b2": b2, "Wd": Wd, "bd": bd, "Wo": Wo, "bo": bo}


def _gcn_conv(x, edge_index, W, b, num_nodes):
    # PyG GCNConv: add self-loops, symmetric normalization, scatter-add of x_j @ W
    loop = jnp.arange(num_nodes, dtype=edge_index.dtype)
    src = jnp.concatenate([edge_index[0], loop])
    dst = jnp.concatenate([edge_index[1], loop])
    deg = jnp.zeros((num_nodes,), dtype=x.dtype).at[dst].add(1.0)
    dinv = jnp.where(deg > 0, deg ** -0.5, 0.0)
    norm = dinv[src] * dinv[dst]
    h = x @ W
    msg = h[src] * norm[:, None]
    out = jnp.zeros((num_nodes, W.shape[1]), dtype=x.dtype).at[dst].add(msg)
    return out + b


def reference(x, edge_index, batch, descriptors, W1, b1, W2, b2, Wd, bd, Wo, bo):
    num_nodes = x.shape[0]
    h = jax.nn.relu(_gcn_conv(x, edge_index, W1, b1, num_nodes))
    h = jax.nn.relu(_gcn_conv(h, edge_index, W2, b2, num_nodes))
    # global_mean_pool over graph ids
    sums = jax.ops.segment_sum(h, batch, num_segments=G)
    counts = jax.ops.segment_sum(jnp.ones((num_nodes,), dtype=h.dtype), batch, num_segments=G)
    pooled = sums / jnp.maximum(counts, 1.0)[:, None]
    d = jax.nn.relu(descriptors @ Wd + bd)
    out = jnp.concatenate([pooled, d], axis=1)
    return out @ Wo + bo

if __name__ == "__main__":
    import jax
    _d = setup_inputs()
    print(jax.jit(kernel)(*tuple(_d.values())))

</pallas_src>

<mosaic_0001>
#map = affine_map<(d0, d1) -> (0, 0)>
#map1 = affine_map<(d0, d1) -> (0, 0, 0)>
module attributes {stable_mosaic.version = 14 : i64} {
  func.func @_edge_body(%arg0: i32, %arg1: i32, %arg2: memref<10240x128xf32, #tpu.memory_space<hbm>>, %arg3: memref<32x320x32xi32, #tpu.memory_space<hbm>>, %arg4: memref<32x320x32xi32, #tpu.memory_space<hbm>>, %arg5: memref<2x10240x128xf32, #tpu.memory_space<hbm>>, %arg6: memref<16x32xi32, #tpu.memory_space<vmem>>, %arg7: memref<16x32xi32, #tpu.memory_space<vmem>>, %arg8: memref<32x128xf32, #tpu.memory_space<vmem>>, %arg9: memref<32x128xf32, #tpu.memory_space<vmem>>, %arg10: memref<32x128xf32, #tpu.memory_space<vmem>>, %arg11: memref<32x128xf32, #tpu.memory_space<vmem>>, %arg12: memref<32x128xf32, #tpu.memory_space<vmem>>, %arg13: memref<32x128xf32, #tpu.memory_space<vmem>>, %arg14: memref<32x128xf32, #tpu.memory_space<vmem>>, %arg15: memref<32x128xf32, #tpu.memory_space<vmem>>, %arg16: memref<64x128xf32, #tpu.memory_space<vmem>>, %arg17: memref<10240x128xf32, #tpu.memory_space<vmem_shared>>, %arg18: memref<!tpu.dma_semaphore, #tpu.memory_space<semaphore_mem>>, %arg19: memref<!tpu.dma_semaphore, #tpu.memory_space<semaphore_mem>>, %arg20: memref<!tpu.dma_semaphore, #tpu.memory_space<semaphore_mem>>, %arg21: memref<!tpu.dma_semaphore, #tpu.memory_space<semaphore_mem>>, %arg22: memref<!tpu.dma_semaphore, #tpu.memory_space<semaphore_mem>>, %arg23: memref<!tpu.dma_semaphore, #tpu.memory_space<semaphore_mem>>, %arg24: memref<!tpu.dma_semaphore, #tpu.memory_space<semaphore_mem>>, %arg25: memref<!tpu.dma_semaphore, #tpu.memory_space<semaphore_mem>>, %arg26: memref<!tpu.dma_semaphore, #tpu.memory_space<semaphore_mem>>, %arg27: memref<!tpu.dma_semaphore, #tpu.memory_space<semaphore_mem>>, %arg28: memref<!tpu.dma_semaphore, #tpu.memory_space<semaphore_mem>>, %arg29: memref<!tpu.dma_semaphore, #tpu.memory_space<semaphore_mem>>, %arg30: memref<!tpu.dma_semaphore, #tpu.memory_space<semaphore_mem>>, %arg31: memref<!tpu.dma_semaphore, #tpu.memory_space<semaphore_mem>>, %arg32: memref<!tpu.dma_semaphore, #tpu.memory_space<semaphore_mem>>, %arg33: memref<!tpu.dma_semaphore, #tpu.memory_space<semaphore_mem>>, %arg34: memref<!tpu.dma_semaphore, #tpu.memory_space<semaphore_mem>>) attributes {dimension_semantics = [#tpu.dimension_semantics<core_parallel>, #tpu.dimension_semantics<subcore_parallel>], iteration_bounds = array<i64: 2, 16>, scalar_prefetch = 0 : i64, scratch_operands = 29 : i64, tpu.core_type = #tpu.core_type<sc_vector_subcore>, window_params = [{transform_indices = #map}, {transform_indices = #map1}, {transform_indices = #map1}, {transform_indices = #map1}]} {
    %mul3A = arith.constant 16 : i32
    %mul3A_0 = arith.muli %arg0, %mul3A : i32
    %add3A = arith.addi %mul3A_0, %arg1 : i32
    %mul3A_1 = arith.constant 640 : i32
    %mul3A_2 = arith.muli %arg1, %mul3A_1 : i32
    %broadcast_in_dim3A = arith.constant 0.000000e+00 : f32
    %broadcast_in_dim3A_3 = vector.broadcast %broadcast_in_dim3A : f32 to vector<16xf32>
    %scan3A = arith.constant 0 : i32
    %scan3A_4 = arith.constant 0 : i32
    %scan3A_5 = arith.constant 64 : i32
    %scan3A_6 = arith.addi %scan3A_4, %scan3A_5 : i32
    %scan3A_7 = arith.constant 1 : i32
    %scan3A_8 = scf.for %scan3A_176 = %scan3A_4 to %scan3A_6 step %scan3A_7 iter_args(%scan3A_177 = %scan3A) -> (i32)  : i32 {
      %swap3A = arith.index_cast %scan3A_176 : i32 to index
      %swap3A_178 = arith.constant 0 : index
      %swap3A_179 = tpu.vector_load %arg16[%swap3A, %swap3A_178] {strides = array<i32>} : memref<64x128xf32, #tpu.memory_space<vmem>>, vector<1x16xf32>,
      %swap3A_180 = vector.shape_cast %swap3A_179 : vector<1x16xf32> to vector<16xf32>
      %swap3A_181 = vector.shape_cast %broadcast_in_dim3A_3 : vector<16xf32> to vector<1x16xf32>
      tpu.vector_store %arg16[%swap3A, %swap3A_178], %swap3A_181 {strides = array<i32>} : memref<64x128xf32, #tpu.memory_space<vmem>>, vector<1x16xf32>,
      %swap3A_182 = arith.index_cast %scan3A_176 : i32 to index
      %swap3A_183 = arith.constant 16 : index
      %swap3A_184 = tpu.vector_load %arg16[%swap3A_182, %swap3A_183] {strides = array<i32>} : memref<64x128xf32, #tpu.memory_space<vmem>>, vector<1x16xf32>,
      %swap3A_185 = vector.shape_cast %swap3A_184 : vector<1x16xf32> to vector<16xf32>
      %swap3A_186 = vector.shape_cast %broadcast_in_dim3A_3 : vector<16xf32> to vector<1x16xf32>
      tpu.vector_store %arg16[%swap3A_182, %swap3A_183], %swap3A_186 {strides = array<i32>} : memref<64x128xf32, #tpu.memory_space<vmem>>, vector<1x16xf32>,
      %swap3A_187 = arith.index_cast %scan3A_176 : i32 to index
      %swap3A_188 = arith.constant 32 : index
      %swap3A_189 = tpu.vector_load %arg16[%swap3A_187, %swap3A_188] {strides = array<i32>} : memref<64x128xf32, #tpu.memory_space<vmem>>, vector<1x16xf32>,
      %swap3A_190 = vector.shape_cast %swap3A_189 : vector<1x16xf32> to vector<16xf32>
      %swap3A_191 = vector.shape_cast %broadcast_in_dim3A_3 : vector<16xf32> to vector<1x16xf32>
      tpu.vector_store %arg16[%swap3A_187, %swap3A_188], %swap3A_191 {strides = array<i32>} : memref<64x128xf32, #tpu.memory_space<vmem>>, vector<1x16xf32>,
      %swap3A_192 = arith.index_cast %scan3A_176 : i32 to index
      %swap3A_193 = arith.constant 48 : index
      %swap3A_194 = tpu.vector_load %arg16[%swap3A_192, %swap3A_193] {strides = array<i32>} : memref<64x128xf32, #tpu.memory_space<vmem>>, vector<1x16xf32>,
      %swap3A_195 = vector.shape_cast %swap3A_194 : vector<1x16xf32> to vector<16xf32>
      %swap3A_196 = vector.shape_cast %broadcast_in_dim3A_3 : vector<16xf32> to vector<1x16xf32>
      tpu.vector_store %arg16[%swap3A_192, %swap3A_193], %swap3A_196 {strides = array<i32>} : memref<64x128xf32, #tpu.memory_space<vmem>>, vector<1x16xf32>,
      %swap3A_197 = arith.index_cast %scan3A_176 : i32 to index
      %swap3A_198 = arith.constant 64 : index
      %swap3A_199 = tpu.vector_load %arg16[%swap3A_197, %swap3A_198] {strides = array<i32>} : memref<64x128xf32, #tpu.memory_space<vmem>>, vector<1x16xf32>,
      %swap3A_200 = vector.shape_cast %swap3A_199 : vector<1x16xf32> to vector<16xf32>
      %swap3A_201 = vector.shape_cast %broadcast_in_dim3A_3 : vector<16xf32> to vector<1x16xf32>
      tpu.vector_store %arg16[%swap3A_197, %swap3A_198], %swap3A_201 {strides = array<i32>} : memref<64x128xf32, #tpu.memory_space<vmem>>, vector<1x16xf32>,
      %swap3A_202 = arith.index_cast %scan3A_176 : i32 to index
      %swap3A_203 = arith.constant 80 : index
      %swap3A_204 = tpu.vector_load %arg16[%swap3A_202, %swap3A_203] {strides = array<i32>} : memref<64x128xf32, #tpu.memory_space<vmem>>, vector<1x16xf32>,
      %swap3A_205 = vector.shape_cast %swap3A_204 : vector<1x16xf32> to vector<16xf32>
      %swap3A_206 = vector.shape_cast %broadcast_in_dim3A_3 : vector<16xf32> to vector<1x16xf32>
      tpu.vector_store %arg16[%swap3A_202, %swap3A_203], %swap3A_206 {strides = array<i32>} : memref<64x128xf32, #tpu.memory_space<vmem>>, vector<1x16xf32>,
      %swap3A_207 = arith.index_cast %scan3A_176 : i32 to index
      %swap3A_208 = arith.constant 96 : index
      %swap3A_209 = tpu.vector_load %arg16[%swap3A_207, %swap3A_208] {strides = array<i32>} : memref<64x128xf32, #tpu.memory_space<vmem>>, vector<1x16xf32>,
      %swap3A_210 = vector.shape_cast %swap3A_209 : vector<1x16xf32> to vector<16xf32>
      %swap3A_211 = vector.shape_cast %broadcast_in_dim3A_3 : vector<16xf32> to vector<1x16xf32>
      tpu.vector_store %arg16[%swap3A_207, %swap3A_208], %swap3A_211 {strides = array<i32>} : memref<64x128xf32, #tpu.memory_space<vmem>>, vector<1x16xf32>,
      %swap3A_212 = arith.index_cast %scan3A_176 : i32 to index
      %swap3A_213 = arith.constant 112 : index
      %swap3A_214 = tpu.vector_load %arg16[%swap3A_212, %swap3A_213] {strides = array<i32>} : memref<64x128xf32, #tpu.memory_space<vmem>>, vector<1x16xf32>,
      %swap3A_215 = vector.shape_cast %swap3A_214 : vector<1x16xf32> to vector<16xf32>
      %swap3A_216 = vector.shape_cast %broadcast_in_dim3A_3 : vector<16xf32> to vector<1x16xf32>
      tpu.vector_store %arg16[%swap3A_212, %swap3A_213], %swap3A_216 {strides = array<i32>} : memref<64x128xf32, #tpu.memory_space<vmem>>, vector<1x16xf32>,
      %scan3A_217 = arith.constant 0 : i32
      scf.yield %scan3A_217 : i32
    }
    %scan3A_9 = arith.constant 64 : i32
    %mul3A_10 = arith.constant 640 : i32
    %mul3A_11 = arith.muli %arg1, %mul3A_10 : i32
    %add3A_12 = arith.constant 0 : i32
    %add3A_13 = arith.addi %mul3A_11, %add3A_12 : i32
    %dma_start3A = arith.constant 0 : i32
    %dma_start3A_14 = tpu.memref_slice %arg17[%add3A_13, %dma_start3A] : memref<10240x128xf32, #tpu.memory_space<vmem_shared>> -> memref<64x128xf32, #tpu.memory_space<vmem_shared>>
    %dma_start3A_15 = arith.constant 0 : i32
    %dma_start3A_16 = tpu.memref_slice %arg17[%add3A_13, %dma_start3A_15] : memref<10240x128xf32, #tpu.memory_space<vmem_shared>> -> memref<64x128xf32, #tpu.memory_space<vmem_shared>>
    tpu.enqueue_dma source(%arg16 : memref<64x128xf32, #tpu.memory_space<vmem>>) target(%dma_start3A_16 : memref<64x128xf32, #tpu.memory_space<vmem_shared>>) target_semaphore(%arg34 : memref<!tpu.dma_semaphore, #tpu.memory_space<semaphore_mem>>)
    %add3A_17 = arith.constant 64 : i32
    %add3A_18 = arith.addi %mul3A_11, %add3A_17 : i32
    %dma_start3A_19 = arith.constant 0 : i32
    %dma_start3A_20 = tpu.memref_slice %arg17[%add3A_18, %dma_start3A_19] : memref<10240x128xf32, #tpu.memory_space<vmem_shared>> -> memref<64x128xf32, #tpu.memory_space<vmem_shared>>
    %dma_start3A_21 = arith.constant 0 : i32
    %dma_start3A_22 = tpu.memref_slice %arg17[%add3A_18, %dma_start3A_21] : memref<10240x128xf32, #tpu.memory_space<vmem_shared>> -> memref<64x128xf32, #tpu.memory_space<vmem_shared>>
    tpu.enqueue_dma source(%arg16 : memref<64x128xf32, #tpu.memory_space<vmem>>) target(%dma_start3A_22 : memref<64x128xf32, #tpu.memory_space<vmem_shared>>) target_semaphore(%arg34 : memref<!tpu.dma_semaphore, #tpu.memory_space<semaphore_mem>>)
    %add3A_23 = arith.constant 128 : i32
    %add3A_24 = arith.addi %mul3A_11, %add3A_23 : i32
    %dma_start3A_25 = arith.constant 0 : i32
    %dma_start3A_26 = tpu.memref_slice %arg17[%add3A_24, %dma_start3A_25] : memref<10240x128xf32, #tpu.memory_space<vmem_shared>> -> memref<64x128xf32, #tpu.memory_space<vmem_shared>>
    %dma_start3A_27 = arith.constant 0 : i32
    %dma_start3A_28 = tpu.memref_slice %arg17[%add3A_24, %dma_start3A_27] : memref<10240x128xf32, #tpu.memory_space<vmem_shared>> -> memref<64x128xf32, #tpu.memory_space<vmem_shared>>
    tpu.enqueue_dma source(%arg16 : memref<64x128xf32, #tpu.memory_space<vmem>>) target(%dma_start3A_28 : memref<64x128xf32, #tpu.memory_space<vmem_shared>>) target_semaphore(%arg34 : memref<!tpu.dma_semaphore, #tpu.memory_space<semaphore_mem>>)
    %add3A_29 = arith.constant 192 : i32
    %add3A_30 = arith.addi %mul3A_11, %add3A_29 : i32
    %dma_start3A_31 = arith.constant 0 : i32
    %dma_start3A_32 = tpu.memref_slice %arg17[%add3A_30, %dma_start3A_31] : memref<10240x128xf32, #tpu.memory_space<vmem_shared>> -> memref<64x128xf32, #tpu.memory_space<vmem_shared>>
    %dma_start3A_33 = arith.constant 0 : i32
    %dma_start3A_34 = tpu.memref_slice %arg17[%add3A_30, %dma_start3A_33] : memref<10240x128xf32, #tpu.memory_space<vmem_shared>> -> memref<64x128xf32, #tpu.memory_space<vmem_shared>>
    tpu.enqueue_dma source(%arg16 : memref<64x128xf32, #tpu.memory_space<vmem>>) target(%dma_start3A_34 : memref<64x128xf32, #tpu.memory_space<vmem_shared>>) target_semaphore(%arg34 : memref<!tpu.dma_semaphore, #tpu.memory_space<semaphore_mem>>)
    %add3A_35 = arith.constant 256 : i32
    %add3A_36 = arith.addi %mul3A_11, %add3A_35 : i32
    %dma_start3A_37 = arith.constant 0 : i32
    %dma_start3A_38 = tpu.memref_slice %arg17[%add3A_36, %dma_start3A_37] : memref<10240x128xf32, #tpu.memory_space<vmem_shared>> -> memref<64x128xf32, #tpu.memory_space<vmem_shared>>
    %dma_start3A_39 = arith.constant 0 : i32
    %dma_start3A_40 = tpu.memref_slice %arg17[%add3A_36, %dma_start3A_39] : memref<10240x128xf32, #tpu.memory_space<vmem_shared>> -> memref<64x128xf32, #tpu.memory_space<vmem_shared>>
    tpu.enqueue_dma source(%arg16 : memref<64x128xf32, #tpu.memory_space<vmem>>) target(%dma_start3A_40 : memref<64x128xf32, #tpu.memory_space<vmem_shared>>) target_semaphore(%arg34 : memref<!tpu.dma_semaphore, #tpu.memory_space<semaphore_mem>>)
    %add3A_41 = arith.constant 320 : i32
    %add3A_42 = arith.addi %mul3A_11, %add3A_41 : i32
    %dma_start3A_43 = arith.constant 0 : i32
    %dma_start3A_44 = tpu.memref_slice %arg17[%add3A_42, %dma_start3A_43] : memref<10240x128xf32, #tpu.memory_space<vmem_shared>> -> memref<64x128xf32, #tpu.memory_space<vmem_shared>>
    %dma_start3A_45 = arith.constant 0 : i32
    %dma_start3A_46 = tpu.memref_slice %arg17[%add3A_42, %dma_start3A_45] : memref<10240x128xf32, #tpu.memory_space<vmem_shared>> -> memref<64x128xf32, #tpu.memory_space<vmem_shared>>
    tpu.enqueue_dma source(%arg16 : memref<64x128xf32, #tpu.memory_space<vmem>>) target(%dma_start3A_46 : memref<64x128xf32, #tpu.memory_space<vmem_shared>>) target_semaphore(%arg34 : memref<!tpu.dma_semaphore, #tpu.memory_space<semaphore_mem>>)
    %add3A_47 = arith.constant 384 : i32
    %add3A_48 = arith.addi %mul3A_11, %add3A_47 : i32
    %dma_start3A_49 = arith.constant 0 : i32
    %dma_start3A_50 = tpu.memref_slice %arg17[%add3A_48, %dma_start3A_49] : memref<10240x128xf32, #tpu.memory_space<vmem_shared>> -> memref<64x128xf32, #tpu.memory_space<vmem_shared>>
    %dma_start3A_51 = arith.constant 0 : i32
    %dma_start3A_52 = tpu.memref_slice %arg17[%add3A_48, %dma_start3A_51] : memref<10240x128xf32, #tpu.memory_space<vmem_shared>> -> memref<64x128xf32, #tpu.memory_space<vmem_shared>>
    tpu.enqueue_dma source(%arg16 : memref<64x128xf32, #tpu.memory_space<vmem>>) target(%dma_start3A_52 : memref<64x128xf32, #tpu.memory_space<vmem_shared>>) target_semaphore(%arg34 : memref<!tpu.dma_semaphore, #tpu.memory_space<semaphore_mem>>)
    %add3A_53 = arith.constant 448 : i32
    %add3A_54 = arith.addi %mul3A_11, %add3A_53 : i32
    %dma_start3A_55 = arith.constant 0 : i32
    %dma_start3A_56 = tpu.memref_slice %arg17[%add3A_54, %dma_start3A_55] : memref<10240x128xf32, #tpu.memory_space<vmem_shared>> -> memref<64x128xf32, #tpu.memory_space<vmem_shared>>
    %dma_start3A_57 = arith.constant 0 : i32
    %dma_start3A_58 = tpu.memref_slice %arg17[%add3A_54, %dma_start3A_57] : memref<10240x128xf32, #tpu.memory_space<vmem_shared>> -> memref<64x128xf32, #tpu.memory_space<vmem_shared>>
    tpu.enqueue_dma source(%arg16 : memref<64x128xf32, #tpu.memory_space<vmem>>) target(%dma_start3A_58 : memref<64x128xf32, #tpu.memory_space<vmem_shared>>) target_semaphore(%arg34 : memref<!tpu.dma_semaphore, #tpu.memory_space<semaphore_mem>>)
    %add3A_59 = arith.constant 512 : i32
    %add3A_60 = arith.addi %mul3A_11, %add3A_59 : i32
    %dma_start3A_61 = arith.constant 0 : i32
    %dma_start3A_62 = tpu.memref_slice %arg17[%add3A_60, %dma_start3A_61] : memref<10240x128xf32, #tpu.memory_space<vmem_shared>> -> memref<64x128xf32, #tpu.memory_space<vmem_shared>>
    %dma_start3A_63 = arith.constant 0 : i32
    %dma_start3A_64 = tpu.memref_slice %arg17[%add3A_60, %dma_start3A_63] : memref<10240x128xf32, #tpu.memory_space<vmem_shared>> -> memref<64x128xf32, #tpu.memory_space<vmem_shared>>
    tpu.enqueue_dma source(%arg16 : memref<64x128xf32, #tpu.memory_space<vmem>>) target(%dma_start3A_64 : memref<64x128xf32, #tpu.memory_space<vmem_shared>>) target_semaphore(%arg34 : memref<!tpu.dma_semaphore, #tpu.memory_space<semaphore_mem>>)
    %add3A_65 = arith.constant 576 : i32
    %add3A_66 = arith.addi %mul3A_11, %add3A_65 : i32
    %dma_start3A_67 = arith.constant 0 : i32
    %dma_start3A_68 = tpu.memref_slice %arg17[%add3A_66, %dma_start3A_67] : memref<10240x128xf32, #tpu.memory_space<vmem_shared>> -> memref<64x128xf32, #tpu.memory_space<vmem_shared>>
    %dma_start3A_69 = arith.constant 0 : i32
    %dma_start3A_70 = tpu.memref_slice %arg17[%add3A_66, %dma_start3A_69] : memref<10240x128xf32, #tpu.memory_space<vmem_shared>> -> memref<64x128xf32, #tpu.memory_space<vmem_shared>>
    tpu.enqueue_dma source(%arg16 : memref<64x128xf32, #tpu.memory_space<vmem>>) target(%dma_start3A_70 : memref<64x128xf32, #tpu.memory_space<vmem_shared>>) target_semaphore(%arg34 : memref<!tpu.dma_semaphore, #tpu.memory_space<semaphore_mem>>)
    %dma_wait3A = arith.constant 0 : i32
    %dma_wait3A_71 = tpu.memref_slice %arg17[%add3A_13, %dma_wait3A] : memref<10240x128xf32, #tpu.memory_space<vmem_shared>> -> memref<64x128xf32, #tpu.memory_space<vmem_shared>>
    %dma_wait3A_72 = arith.constant 0 : i32
    %dma_wait3A_73 = tpu.memref_slice %arg17[%add3A_13, %dma_wait3A_72] : memref<10240x128xf32, #tpu.memory_space<vmem_shared>> -> memref<64x128xf32, #tpu.memory_space<vmem_shared>>
    tpu.wait_dma2 semaphore(%arg34 : memref<!tpu.dma_semaphore, #tpu.memory_space<semaphore_mem>>) src(%arg16 : memref<64x128xf32, #tpu.memory_space<vmem>>) dst(%dma_wait3A_73 : memref<64x128xf32, #tpu.memory_space<vmem_shared>>)
    %dma_wait3A_74 = arith.constant 0 : i32
    %dma_wait3A_75 = tpu.memref_slice %arg17[%add3A_18, %dma_wait3A_74] : memref<10240x128xf32, #tpu.memory_space<vmem_shared>> -> memref<64x128xf32, #tpu.memory_space<vmem_shared>>
    %dma_wait3A_76 = arith.constant 0 : i32
    %dma_wait3A_77 = tpu.memref_slice %arg17[%add3A_18, %dma_wait3A_76] : memref<10240x128xf32, #tpu.memory_space<vmem_shared>> -> memref<64x128xf32, #tpu.memory_space<vmem_shared>>
    tpu.wait_dma2 semaphore(%arg34 : memref<!tpu.dma_semaphore, #tpu.memory_space<semaphore_mem>>) src(%arg16 : memref<64x128xf32, #tpu.memory_space<vmem>>) dst(%dma_wait3A_77 : memref<64x128xf32, #tpu.memory_space<vmem_shared>>)
    %dma_wait3A_78 = arith.constant 0 : i32
    %dma_wait3A_79 = tpu.memref_slice %arg17[%add3A_24, %dma_wait3A_78] : memref<10240x128xf32, #tpu.memory_space<vmem_shared>> -> memref<64x128xf32, #tpu.memory_space<vmem_shared>>
    %dma_wait3A_80 = arith.constant 0 : i32
    %dma_wait3A_81 = tpu.memref_slice %arg17[%add3A_24, %dma_wait3A_80] : memref<10240x128xf32, #tpu.memory_space<vmem_shared>> -> memref<64x128xf32, #tpu.memory_space<vmem_shared>>
    tpu.wait_dma2 semaphore(%arg34 : memref<!tpu.dma_semaphore, #tpu.memory_space<semaphore_mem>>) src(%arg16 : memref<64x128xf32, #tpu.memory_space<vmem>>) dst(%dma_wait3A_81 : memref<64x128xf32, #tpu.memory_space<vmem_shared>>)
    %dma_wait3A_82 = arith.constant 0 : i32
    %dma_wait3A_83 = tpu.memref_slice %arg17[%add3A_30, %dma_wait3A_82] : memref<10240x128xf32, #tpu.memory_space<vmem_shared>> -> memref<64x128xf32, #tpu.memory_space<vmem_shared>>
    %dma_wait3A_84 = arith.constant 0 : i32
    %dma_wait3A_85 = tpu.memref_slice %arg17[%add3A_30, %dma_wait3A_84] : memref<10240x128xf32, #tpu.memory_space<vmem_shared>> -> memref<64x128xf32, #tpu.memory_space<vmem_shared>>
    tpu.wait_dma2 semaphore(%arg34 : memref<!tpu.dma_semaphore, #tpu.memory_space<semaphore_mem>>) src(%arg16 : memref<64x128xf32, #tpu.memory_space<vmem>>) dst(%dma_wait3A_85 : memref<64x128xf32, #tpu.memory_space<vmem_shared>>)
    %dma_wait3A_86 = arith.constant 0 : i32
    %dma_wait3A_87 = tpu.memref_slice %arg17[%add3A_36, %dma_wait3A_86] : memref<10240x128xf32, #tpu.memory_space<vmem_shared>> -> memref<64x128xf32, #tpu.memory_space<vmem_shared>>
    %dma_wait3A_88 = arith.constant 0 : i32
    %dma_wait3A_89 = tpu.memref_slice %arg17[%add3A_36, %dma_wait3A_88] : memref<10240x128xf32, #tpu.memory_space<vmem_shared>> -> memref<64x128xf32, #tpu.memory_space<vmem_shared>>
    tpu.wait_dma2 semaphore(%arg34 : memref<!tpu.dma_semaphore, #tpu.memory_space<semaphore_mem>>) src(%arg16 : memref<64x128xf32, #tpu.memory_space<vmem>>) dst(%dma_wait3A_89 : memref<64x128xf32, #tpu.memory_space<vmem_shared>>)
    %dma_wait3A_90 = arith.constant 0 : i32
    %dma_wait3A_91 = tpu.memref_slice %arg17[%add3A_42, %dma_wait3A_90] : memref<10240x128xf32, #tpu.memory_space<vmem_shared>> -> memref<64x128xf32, #tpu.memory_space<vmem_shared>>
    %dma_wait3A_92 = arith.constant 0 : i32
    %dma_wait3A_93 = tpu.memref_slice %arg17[%add3A_42, %dma_wait3A_92] : memref<10240x128xf32, #tpu.memory_space<vmem_shared>> -> memref<64x128xf32, #tpu.memory_space<vmem_shared>>
    tpu.wait_dma2 semaphore(%arg34 : memref<!tpu.dma_semaphore, #tpu.memory_space<semaphore_mem>>) src(%arg16 : memref<64x128xf32, #tpu.memory_space<vmem>>) dst(%dma_wait3A_93 : memref<64x128xf32, #tpu.memory_space<vmem_shared>>)
    %dma_wait3A_94 = arith.constant 0 : i32
    %dma_wait3A_95 = tpu.memref_slice %arg17[%add3A_48, %dma_wait3A_94] : memref<10240x128xf32, #tpu.memory_space<vmem_shared>> -> memref<64x128xf32, #tpu.memory_space<vmem_shared>>
    %dma_wait3A_96 = arith.constant 0 : i32
    %dma_wait3A_97 = tpu.memref_slice %arg17[%add3A_48, %dma_wait3A_96] : memref<10240x128xf32, #tpu.memory_space<vmem_shared>> -> memref<64x128xf32, #tpu.memory_space<vmem_shared>>
    tpu.wait_dma2 semaphore(%arg34 : memref<!tpu.dma_semaphore, #tpu.memory_space<semaphore_mem>>) src(%arg16 : memref<64x128xf32, #tpu.memory_space<vmem>>) dst(%dma_wait3A_97 : memref<64x128xf32, #tpu.memory_space<vmem_shared>>)
    %dma_wait3A_98 = arith.constant 0 : i32
    %dma_wait3A_99 = tpu.memref_slice %arg17[%add3A_54, %dma_wait3A_98] : memref<10240x128xf32, #tpu.memory_space<vmem_shared>> -> memref<64x128xf32, #tpu.memory_space<vmem_shared>>
    %dma_wait3A_100 = arith.constant 0 : i32
    %dma_wait3A_101 = tpu.memref_slice %arg17[%add3A_54, %dma_wait3A_100] : memref<10240x128xf32, #tpu.memory_space<vmem_shared>> -> memref<64x128xf32, #tpu.memory_space<vmem_shared>>
    tpu.wait_dma2 semaphore(%arg34 : memref<!tpu.dma_semaphore, #tpu.memory_space<semaphore_mem>>) src(%arg16 : memref<64x128xf32, #tpu.memory_space<vmem>>) dst(%dma_wait3A_101 : memref<64x128xf32, #tpu.memory_space<vmem_shared>>)
    %dma_wait3A_102 = arith.constant 0 : i32
    %dma_wait3A_103 = tpu.memref_slice %arg17[%add3A_60, %dma_wait3A_102] : memref<10240x128xf32, #tpu.memory_space<vmem_shared>> -> memref<64x128xf32, #tpu.memory_space<vmem_shared>>
    %dma_wait3A_104 = arith.constant 0 : i32
    %dma_wait3A_105 = tpu.memref_slice %arg17[%add3A_60, %dma_wait3A_104] : memref<10240x128xf32, #tpu.memory_space<vmem_shared>> -> memref<64x128xf32, #tpu.memory_space<vmem_shared>>
    tpu.wait_dma2 semaphore(%arg34 : memref<!tpu.dma_semaphore, #tpu.memory_space<semaphore_mem>>) src(%arg16 : memref<64x128xf32, #tpu.memory_space<vmem>>) dst(%dma_wait3A_105 : memref<64x128xf32, #tpu.memory_space<vmem_shared>>)
    %dma_wait3A_106 = arith.constant 0 : i32
    %dma_wait3A_107 = tpu.memref_slice %arg17[%add3A_66, %dma_wait3A_106] : memref<10240x128xf32, #tpu.memory_space<vmem_shared>> -> memref<64x128xf32, #tpu.memory_space<vmem_shared>>
    %dma_wait3A_108 = arith.constant 0 : i32
    %dma_wait3A_109 = tpu.memref_slice %arg17[%add3A_66, %dma_wait3A_108] : memref<10240x128xf32, #tpu.memory_space<vmem_shared>> -> memref<64x128xf32, #tpu.memory_space<vmem_shared>>
    tpu.wait_dma2 semaphore(%arg34 : memref<!tpu.dma_semaphore, #tpu.memory_space<semaphore_mem>>) src(%arg16 : memref<64x128xf32, #tpu.memory_space<vmem>>) dst(%dma_wait3A_109 : memref<64x128xf32, #tpu.memory_space<vmem_shared>>)
    %barrier3A = arith.constant 0 : index
    tpu.barrier barrier_id(%barrier3A)
    %scan3A_110 = arith.constant 0 : i32
    %scan3A_111 = arith.constant 0 : i32
    %scan3A_112 = arith.constant 20 : i32
    %scan3A_113 = arith.addi %scan3A_111, %scan3A_112 : i32
    %scan3A_114 = arith.constant 1 : i32
    %scan3A_115 = scf.for %scan3A_176 = %scan3A_111 to %scan3A_113 step %scan3A_114 iter_args(%scan3A_177 = %scan3A_110) -> (i32)  : i32 {
      %mul3A_178 = arith.constant 16 : i32
      %mul3A_179 = arith.muli %scan3A_176, %mul3A_178 : i32
      "tpu.region"() ({
        %run_scoped3A = tpu.sem_alloc : memref<!tpu.dma_semaphore, #tpu.memory_space<semaphore_mem>>
        %dma_start3A_631 = arith.constant 0 : i32
        %dma_start3A_632 = tpu.memref_slice %arg3[%add3A, %mul3A_179, %dma_start3A_631] : memref<32x320x32xi32, #tpu.memory_space<hbm>> -> memref<1x16x32xi32, #tpu.memory_space<hbm>>
        %dma_start3A_633 = tpu.memref_squeeze %dma_start3A_632 : memref<1x16x32xi32, #tpu.memory_space<hbm>> -> memref<16x32xi32, #tpu.memory_space<hbm>>
        %dma_start3A_634 = arith.constant 0 : i32
        %dma_start3A_635 = tpu.memref_slice %arg3[%add3A, %mul3A_179, %dma_start3A_634] : memref<32x320x32xi32, #tpu.memory_space<hbm>> -> memref<1x16x32xi32, #tpu.memory_space<hbm>>
        %dma_start3A_636 = tpu.memref_squeeze %dma_start3A_635 : memref<1x16x32xi32, #tpu.memory_space<hbm>> -> memref<16x32xi32, #tpu.memory_space<hbm>>
        tpu.enqueue_dma source(%dma_start3A_636 : memref<16x32xi32, #tpu.memory_space<hbm>>) target(%arg6 : memref<16x32xi32, #tpu.memory_space<vmem>>) target_semaphore(%run_scoped3A : memref<!tpu.dma_semaphore, #tpu.memory_space<semaphore_mem>>)
        %dma_wait3A_637 = arith.constant 0 : i32
        %dma_wait3A_638 = tpu.memref_slice %arg3[%add3A, %mul3A_179, %dma_wait3A_637] : memref<32x320x32xi32, #tpu.memory_space<hbm>> -> memref<1x16x32xi32, #tpu.memory_space<hbm>>
        %dma_wait3A_639 = tpu.memref_squeeze %dma_wait3A_638 : memref<1x16x32xi32, #tpu.memory_space<hbm>> -> memref<16x32xi32, #tpu.memory_space<hbm>>
        %dma_wait3A_640 = arith.constant 0 : i32
        %dma_wait3A_641 = tpu.memref_slice %arg3[%add3A, %mul3A_179, %dma_wait3A_640] : memref<32x320x32xi32, #tpu.memory_space<hbm>> -> memref<1x16x32xi32, #tpu.memory_space<hbm>>
        %dma_wait3A_642 = tpu.memref_squeeze %dma_wait3A_641 : memref<1x16x32xi32, #tpu.memory_space<hbm>> -> memref<16x32xi32, #tpu.memory_space<hbm>>
        tpu.wait_dma2 semaphore(%run_scoped3A : memref<!tpu.dma_semaphore, #tpu.memory_space<semaphore_mem>>) src(%dma_wait3A_642 : memref<16x32xi32, #tpu.memory_space<hbm>>) dst(%arg6 : memref<16x32xi32, #tpu.memory_space<vmem>>)
        tpu.yield
      }) : () -> ()
      %mul3A_180 = arith.constant 16 : i32
      %mul3A_181 = arith.muli %scan3A_176, %mul3A_180 : i32
      "tpu.region"() ({
        %run_scoped3A = tpu.sem_alloc : memref<!tpu.dma_semaphore, #tpu.memory_space<semaphore_mem>>
        %dma_start3A_631 = arith.constant 0 : i32
        %dma_start3A_632 = tpu.memref_slice %arg4[%add3A, %mul3A_181, %dma_start3A_631] : memref<32x320x32xi32, #tpu.memory_space<hbm>> -> memref<1x16x32xi32, #tpu.memory_space<hbm>>
        %dma_start3A_633 = tpu.memref_squeeze %dma_start3A_632 : memref<1x16x32xi32, #tpu.memory_space<hbm>> -> memref<16x32xi32, #tpu.memory_space<hbm>>
        %dma_start3A_634 = arith.constant 0 : i32
        %dma_start3A_635 = tpu.memref_slice %arg4[%add3A, %mul3A_181, %dma_start3A_634] : memref<32x320x32xi32, #tpu.memory_space<hbm>> -> memref<1x16x32xi32, #tpu.memory_space<hbm>>
        %dma_start3A_636 = tpu.memref_squeeze %dma_start3A_635 : memref<1x16x32xi32, #tpu.memory_space<hbm>> -> memref<16x32xi32, #tpu.memory_space<hbm>>
        tpu.enqueue_dma source(%dma_start3A_636 : memref<16x32xi32, #tpu.memory_space<hbm>>) target(%arg7 : memref<16x32xi32, #tpu.memory_space<vmem>>) target_semaphore(%run_scoped3A : memref<!tpu.dma_semaphore, #tpu.memory_space<semaphore_mem>>)
        %dma_wait3A_637 = arith.constant 0 : i32
        %dma_wait3A_638 = tpu.memref_slice %arg4[%add3A, %mul3A_181, %dma_wait3A_637] : memref<32x320x32xi32, #tpu.memory_space<hbm>> -> memref<1x16x32xi32, #tpu.memory_space<hbm>>
        %dma_wait3A_639 = tpu.memref_squeeze %dma_wait3A_638 : memref<1x16x32xi32, #tpu.memory_space<hbm>> -> memref<16x32xi32, #tpu.memory_space<hbm>>
        %dma_wait3A_640 = arith.constant 0 : i32
        %dma_wait3A_641 = tpu.memref_slice %arg4[%add3A, %mul3A_181, %dma_wait3A_640] : memref<32x320x32xi32, #tpu.memory_space<hbm>> -> memref<1x16x32xi32, #tpu.memory_space<hbm>>
        %dma_wait3A_642 = tpu.memref_squeeze %dma_wait3A_641 : memref<1x16x32xi32, #tpu.memory_space<hbm>> -> memref<16x32xi32, #tpu.memory_space<hbm>>
        tpu.wait_dma2 semaphore(%run_scoped3A : memref<!tpu.dma_semaphore, #tpu.memory_space<semaphore_mem>>) src(%dma_wait3A_642 : memref<16x32xi32, #tpu.memory_space<hbm>>) dst(%arg7 : memref<16x32xi32, #tpu.memory_space<vmem>>)
        tpu.yield
      }) : () -> ()
      %dma_start3A_182 = arith.constant 0 : i32
      %dma_start3A_183 = arith.constant 0 : i32
      %dma_start3A_184 = tpu.memref_slice %arg6[%dma_start3A_182, %dma_start3A_183] : memref<16x32xi32, #tpu.memory_space<vmem>> -> memref<1x32xi32, #tpu.memory_space<vmem>>
      %dma_start3A_185 = tpu.memref_squeeze %dma_start3A_184 : memref<1x32xi32, #tpu.memory_space<vmem>> -> memref<32xi32, #tpu.memory_space<vmem>>
      %dma_start3A_186 = arith.constant 0 : i32
      %dma_start3A_187 = arith.constant 0 : i32
      %dma_start3A_188 = tpu.memref_slice %arg2[%dma_start3A_186, %dma_start3A_187] : memref<10240x128xf32, #tpu.memory_space<hbm>> -> memref<10240x128xf32, #tpu.memory_space<hbm>>
      tpu.enqueue_indirect_dma source(%dma_start3A_188 : memref<10240x128xf32, #tpu.memory_space<hbm>>) target(%arg8 : memref<32x128xf32, #tpu.memory_space<vmem>>) offsets(%dma_start3A_185 : memref<32xi32, #tpu.memory_space<vmem>>) semaphore(%arg18 : memref<!tpu.dma_semaphore, #tpu.memory_space<semaphore_mem>>)
      %dma_start3A_189 = arith.constant 1 : i32
      %dma_start3A_190 = arith.constant 0 : i32
      %dma_start3A_191 = tpu.memref_slice %arg6[%dma_start3A_189, %dma_start3A_190] : memref<16x32xi32, #tpu.memory_space<vmem>> -> memref<1x32xi32, #tpu.memory_space<vmem>>
      %dma_start3A_192 = tpu.memref_squeeze %dma_start3A_191 : memref<1x32xi32, #tpu.memory_space<vmem>> -> memref<32xi32, #tpu.memory_space<vmem>>
      %dma_start3A_193 = arith.constant 0 : i32
      %dma_start3A_194 = arith.constant 0 : i32
      %dma_start3A_195 = tpu.memref_slice %arg2[%dma_start3A_193, %dma_start3A_194] : memref<10240x128xf32, #tpu.memory_space<hbm>> -> memref<10240x128xf32, #tpu.memory_space<hbm>>
      tpu.enqueue_indirect_dma source(%dma_start3A_195 : memref<10240x128xf32, #tpu.memory_space<hbm>>) target(%arg9 : memref<32x128xf32, #tpu.memory_space<vmem>>) offsets(%dma_start3A_192 : memref<32xi32, #tpu.memory_space<vmem>>) semaphore(%arg19 : memref<!tpu.dma_semaphore, #tpu.memory_space<semaphore_mem>>)
      %dma_start3A_196 = arith.constant 2 : i32
      %dma_start3A_197 = arith.constant 0 : i32
      %dma_start3A_198 = tpu.memref_slice %arg6[%dma_start3A_196, %dma_start3A_197] : memref<16x32xi32, #tpu.memory_space<vmem>> -> memref<1x32xi32, #tpu.memory_space<vmem>>
      %dma_start3A_199 = tpu.memref_squeeze %dma_start3A_198 : memref<1x32xi32, #tpu.memory_space<vmem>> -> memref<32xi32, #tpu.memory_space<vmem>>
      %dma_start3A_200 = arith.constant 0 : i32
      %dma_start3A_201 = arith.constant 0 : i32
      %dma_start3A_202 = tpu.memref_slice %arg2[%dma_start3A_200, %dma_start3A_201] : memref<10240x128xf32, #tpu.memory_space<hbm>> -> memref<10240x128xf32, #tpu.memory_space<hbm>>
      tpu.enqueue_indirect_dma source(%dma_start3A_202 : memref<10240x128xf32, #tpu.memory_space<hbm>>) target(%arg10 : memref<32x128xf32, #tpu.memory_space<vmem>>) offsets(%dma_start3A_199 : memref<32xi32, #tpu.memory_space<vmem>>) semaphore(%arg20 : memref<!tpu.dma_semaphore, #tpu.memory_space<semaphore_mem>>)
      %dma_start3A_203 = arith.constant 3 : i32
      %dma_start3A_204 = arith.constant 0 : i32
      %dma_start3A_205 = tpu.memref_slice %arg6[%dma_start3A_203, %dma_start3A_204] : memref<16x32xi32, #tpu.memory_space<vmem>> -> memref<1x32xi32, #tpu.memory_space<vmem>>
      %dma_start3A_206 = tpu.memref_squeeze %dma_start3A_205 : memref<1x32xi32, #tpu.memory_space<vmem>> -> memref<32xi32, #tpu.memory_space<vmem>>
      %dma_start3A_207 = arith.constant 0 : i32
      %dma_start3A_208 = arith.constant 0 : i32
      %dma_start3A_209 = tpu.memref_slice %arg2[%dma_start3A_207, %dma_start3A_208] : memref<10240x128xf32, #tpu.memory_space<hbm>> -> memref<10240x128xf32, #tpu.memory_space<hbm>>
      tpu.enqueue_indirect_dma source(%dma_start3A_209 : memref<10240x128xf32, #tpu.memory_space<hbm>>) target(%arg11 : memref<32x128xf32, #tpu.memory_space<vmem>>) offsets(%dma_start3A_206 : memref<32xi32, #tpu.memory_space<vmem>>) semaphore(%arg21 : memref<!tpu.dma_semaphore, #tpu.memory_space<semaphore_mem>>)
      %dma_start3A_210 = arith.constant 4 : i32
      %dma_start3A_211 = arith.constant 0 : i32
      %dma_start3A_212 = tpu.memref_slice %arg6[%dma_start3A_210, %dma_start3A_211] : memref<16x32xi32, #tpu.memory_space<vmem>> -> memref<1x32xi32, #tpu.memory_space<vmem>>
      %dma_start3A_213 = tpu.memref_squeeze %dma_start3A_212 : memref<1x32xi32, #tpu.memory_space<vmem>> -> memref<32xi32, #tpu.memory_space<vmem>>
      %dma_start3A_214 = arith.constant 0 : i32
      %dma_start3A_215 = arith.constant 0 : i32
      %dma_start3A_216 = tpu.memref_slice %arg2[%dma_start3A_214, %dma_start3A_215] : memref<10240x128xf32, #tpu.memory_space<hbm>> -> memref<10240x128xf32, #tpu.memory_space<hbm>>
      tpu.enqueue_indirect_dma source(%dma_start3A_216 : memref<10240x128xf32, #tpu.memory_space<hbm>>) target(%arg12 : memref<32x128xf32, #tpu.memory_space<vmem>>) offsets(%dma_start3A_213 : memref<32xi32, #tpu.memory_space<vmem>>) semaphore(%arg22 : memref<!tpu.dma_semaphore, #tpu.memory_space<semaphore_mem>>)
      %dma_start3A_217 = arith.constant 5 : i32
      %dma_start3A_218 = arith.constant 0 : i32
      %dma_start3A_219 = tpu.memref_slice %arg6[%dma_start3A_217, %dma_start3A_218] : memref<16x32xi32, #tpu.memory_space<vmem>> -> memref<1x32xi32, #tpu.memory_space<vmem>>
      %dma_start3A_220 = tpu.memref_squeeze %dma_start3A_219 : memref<1x32xi32, #tpu.memory_space<vmem>> -> memref<32xi32, #tpu.memory_space<vmem>>
      %dma_start3A_221 = arith.constant 0 : i32
      %dma_start3A_222 = arith.constant 0 : i32
      %dma_start3A_223 = tpu.memref_slice %arg2[%dma_start3A_221, %dma_start3A_222] : memref<10240x128xf32, #tpu.memory_space<hbm>> -> memref<10240x128xf32, #tpu.memory_space<hbm>>
      tpu.enqueue_indirect_dma source(%dma_start3A_223 : memref<10240x128xf32, #tpu.memory_space<hbm>>) target(%arg13 : memref<32x128xf32, #tpu.memory_space<vmem>>) offsets(%dma_start3A_220 : memref<32xi32, #tpu.memory_space<vmem>>) semaphore(%arg23 : memref<!tpu.dma_semaphore, #tpu.memory_space<semaphore_mem>>)
      %dma_start3A_224 = arith.constant 6 : i32
      %dma_start3A_225 = arith.constant 0 : i32
      %dma_start3A_226 = tpu.memref_slice %arg6[%dma_start3A_224, %dma_start3A_225] : memref<16x32xi32, #tpu.memory_space<vmem>> -> memref<1x32xi32, #tpu.memory_space<vmem>>
      %dma_start3A_227 = tpu.memref_squeeze %dma_start3A_226 : memref<1x32xi32, #tpu.memory_space<vmem>> -> memref<32xi32, #tpu.memory_space<vmem>>
      %dma_start3A_228 = arith.constant 0 : i32
      %dma_start3A_229 = arith.constant 0 : i32
      %dma_start3A_230 = tpu.memref_slice %arg2[%dma_start3A_228, %dma_start3A_229] : memref<10240x128xf32, #tpu.memory_space<hbm>> -> memref<10240x128xf32, #tpu.memory_space<hbm>>
      tpu.enqueue_indirect_dma source(%dma_start3A_230 : memref<10240x128xf32, #tpu.memory_space<hbm>>) target(%arg14 : memref<32x128xf32, #tpu.memory_space<vmem>>) offsets(%dma_start3A_227 : memref<32xi32, #tpu.memory_space<vmem>>) semaphore(%arg24 : memref<!tpu.dma_semaphore, #tpu.memory_space<semaphore_mem>>)
      %dma_start3A_231 = arith.constant 7 : i32
      %dma_start3A_232 = arith.constant 0 : i32
      %dma_start3A_233 = tpu.memref_slice %arg6[%dma_start3A_231, %dma_start3A_232] : memref<16x32xi32, #tpu.memory_space<vmem>> -> memref<1x32xi32, #tpu.memory_space<vmem>>
      %dma_start3A_234 = tpu.memref_squeeze %dma_start3A_233 : memref<1x32xi32, #tpu.memory_space<vmem>> -> memref<32xi32, #tpu.memory_space<vmem>>
      %dma_start3A_235 = arith.constant 0 : i32
      %dma_start3A_236 = arith.constant 0 : i32
      %dma_start3A_237 = tpu.memref_slice %arg2[%dma_start3A_235, %dma_start3A_236] : memref<10240x128xf32, #tpu.memory_space<hbm>> -> memref<10240x128xf32, #tpu.memory_space<hbm>>
      tpu.enqueue_indirect_dma source(%dma_start3A_237 : memref<10240x128xf32, #tpu.memory_space<hbm>>) target(%arg15 : memref<32x128xf32, #tpu.memory_space<vmem>>) offsets(%dma_start3A_234 : memref<32xi32, #tpu.memory_space<vmem>>) semaphore(%arg25 : memref<!tpu.dma_semaphore, #tpu.memory_space<semaphore_mem>>)
      %dma_wait3A_238 = arith.constant 0 : i32
      %dma_wait3A_239 = arith.constant 0 : i32
      %dma_wait3A_240 = tpu.memref_slice %arg6[%dma_wait3A_238, %dma_wait3A_239] : memref<16x32xi32, #tpu.memory_space<vmem>> -> memref<1x32xi32, #tpu.memory_space<vmem>>
      %dma_wait3A_241 = tpu.memref_squeeze %dma_wait3A_240 : memref<1x32xi32, #tpu.memory_space<vmem>> -> memref<32xi32, #tpu.memory_space<vmem>>
      %dma_wait3A_242 = arith.constant 0 : i32
      %dma_wait3A_243 = arith.constant 0 : i32
      %dma_wait3A_244 = tpu.memref_slice %arg2[%dma_wait3A_242, %dma_wait3A_243] : memref<10240x128xf32, #tpu.memory_space<hbm>> -> memref<10240x128xf32, #tpu.memory_space<hbm>>
      tpu.wait_indirect_dma semaphore(%arg18 : memref<!tpu.dma_semaphore, #tpu.memory_space<semaphore_mem>>) src(%dma_wait3A_244 : memref<10240x128xf32, #tpu.memory_space<hbm>>) dst(%arg8 : memref<32x128xf32, #tpu.memory_space<vmem>>)
      %dma_start3A_245 = arith.constant 0 : i32
      %dma_start3A_246 = arith.constant 0 : i32
      %dma_start3A_247 = tpu.memref_slice %arg7[%dma_start3A_245, %dma_start3A_246] : memref<16x32xi32, #tpu.memory_space<vmem>> -> memref<1x32xi32, #tpu.memory_space<vmem>>
      %dma_start3A_248 = tpu.memref_squeeze %dma_start3A_247 : memref<1x32xi32, #tpu.memory_space<vmem>> -> memref<32xi32, #tpu.memory_space<vmem>>
      %dma_start3A_249 = arith.constant 0 : i32
      %dma_start3A_250 = arith.constant 0 : i32
      %dma_start3A_251 = tpu.memref_slice %arg17[%dma_start3A_249, %dma_start3A_250] : memref<10240x128xf32, #tpu.memory_space<vmem_shared>> -> memref<10240x128xf32, #tpu.memory_space<vmem_shared>>
      tpu.enqueue_indirect_dma source(%arg8 : memref<32x128xf32, #tpu.memory_space<vmem>>) target(%dma_start3A_251 : memref<10240x128xf32, #tpu.memory_space<vmem_shared>>) offsets(%dma_start3A_248 : memref<32xi32, #tpu.memory_space<vmem>>) semaphore(%arg26 : memref<!tpu.dma_semaphore, #tpu.memory_space<semaphore_mem>>) {add = true}
      %dma_wait3A_252 = arith.constant 0 : i32
      %dma_wait3A_253 = arith.constant 0 : i32
      %dma_wait3A_254 = tpu.memref_slice %arg7[%dma_wait3A_252, %dma_wait3A_253] : memref<16x32xi32, #tpu.memory_space<vmem>> -> memref<1x32xi32, #tpu.memory_space<vmem>>
      %dma_wait3A_255 = tpu.memref_squeeze %dma_wait3A_254 : memref<1x32xi32, #tpu.memory_space<vmem>> -> memref<32xi32, #tpu.memory_space<vmem>>
      %dma_wait3A_256 = arith.constant 0 : i32
      %dma_wait3A_257 = arith.constant 0 : i32
      %dma_wait3A_258 = tpu.memref_slice %arg17[%dma_wait3A_256, %dma_wait3A_257] : memref<10240x128xf32, #tpu.memory_space<vmem_shared>> -> memref<10240x128xf32, #tpu.memory_space<vmem_shared>>
      tpu.wait_indirect_dma semaphore(%arg26 : memref<!tpu.dma_semaphore, #tpu.memory_space<semaphore_mem>>) src(%arg8 : memref<32x128xf32, #tpu.memory_space<vmem>>) dst(%dma_wait3A_258 : memref<10240x128xf32, #tpu.memory_space<vmem_shared>>)
      %dma_start3A_259 = arith.constant 8 : i32
      %dma_start3A_260 = arith.constant 0 : i32
      %dma_start3A_261 = tpu.memref_slice %arg6[%dma_start3A_259, %dma_start3A_260] : memref<16x32xi32, #tpu.memory_space<vmem>> -> memref<1x32xi32, #tpu.memory_space<vmem>>
      %dma_start3A_262 = tpu.memref_squeeze %dma_start3A_261 : memref<1x32xi32, #tpu.memory_space<vmem>> -> memref<32xi32, #tpu.memory_space<vmem>>
      %dma_start3A_263 = arith.constant 0 : i32
      %dma_start3A_264 = arith.constant 0 : i32
      %dma_start3A_265 = tpu.memref_slice %arg2[%dma_start3A_263, %dma_start3A_264] : memref<10240x128xf32, #tpu.memory_space<hbm>> -> memref<10240x128xf32, #tpu.memory_space<hbm>>
      tpu.enqueue_indirect_dma source(%dma_start3A_265 : memref<10240x128xf32, #tpu.memory_space<hbm>>) target(%arg8 : memref<32x128xf32, #tpu.memory_space<vmem>>) offsets(%dma_start3A_262 : memref<32xi32, #tpu.memory_space<vmem>>) semaphore(%arg18 : memref<!tpu.dma_semaphore, #tpu.memory_space<semaphore_mem>>)
      %dma_wait3A_266 = arith.constant 1 : i32
      %dma_wait3A_267 = arith.constant 0 : i32
      %dma_wait3A_268 = tpu.memref_slice %arg6[%dma_wait3A_266, %dma_wait3A_267] : memref<16x32xi32, #tpu.memory_space<vmem>> -> memref<1x32xi32, #tpu.memory_space<vmem>>
      %dma_wait3A_269 = tpu.memref_squeeze %dma_wait3A_268 : memref<1x32xi32, #tpu.memory_space<vmem>> -> memref<32xi32, #tpu.memory_space<vmem>>
      %dma_wait3A_270 = arith.constant 0 : i32
      %dma_wait3A_271 = arith.constant 0 : i32
      %dma_wait3A_272 = tpu.memref_slice %arg2[%dma_wait3A_270, %dma_wait3A_271] : memref<10240x128xf32, #tpu.memory_space<hbm>> -> memref<10240x128xf32, #tpu.memory_space<hbm>>
      tpu.wait_indirect_dma semaphore(%arg19 : memref<!tpu.dma_semaphore, #tpu.memory_space<semaphore_mem>>) src(%dma_wait3A_272 : memref<10240x128xf32, #tpu.memory_space<hbm>>) dst(%arg9 : memref<32x128xf32, #tpu.memory_space<vmem>>)
      %dma_start3A_273 = arith.constant 1 : i32
      %dma_start3A_274 = arith.constant 0 : i32
      %dma_start3A_275 = tpu.memref_slice %arg7[%dma_start3A_273, %dma_start3A_274] : memref<16x32xi32, #tpu.memory_space<vmem>> -> memref<1x32xi32, #tpu.memory_space<vmem>>
      %dma_start3A_276 = tpu.memref_squeeze %dma_start3A_275 : memref<1x32xi32, #tpu.memory_space<vmem>> -> memref<32xi32, #tpu.memory_space<vmem>>
      %dma_start3A_277 = arith.constant 0 : i32
      %dma_start3A_278 = arith.constant 0 : i32
      %dma_start3A_279 = tpu.memref_slice %arg17[%dma_start3A_277, %dma_start3A_278] : memref<10240x128xf32, #tpu.memory_space<vmem_shared>> -> memref<10240x128xf32, #tpu.memory_space<vmem_shared>>
      tpu.enqueue_indirect_dma source(%arg9 : memref<32x128xf32, #tpu.memory_space<vmem>>) target(%dma_start3A_279 : memref<10240x128xf32, #tpu.memory_space<vmem_shared>>) offsets(%dma_start3A_276 : memref<32xi32, #tpu.memory_space<vmem>>) semaphore(%arg27 : memref<!tpu.dma_semaphore, #tpu.memory_space<semaphore_mem>>) {add = true}
      %dma_wait3A_280 = arith.constant 1 : i32
      %dma_wait3A_281 = arith.constant 0 : i32
      %dma_wait3A_282 = tpu.memref_slice %arg7[%dma_wait3A_280, %dma_wait3A_281] : memref<16x32xi32, #tpu.memory_space<vmem>> -> memref<1x32xi32, #tpu.memory_space<vmem>>
      %dma_wait3A_283 = tpu.memref_squeeze %dma_wait3A_282 : memref<1x32xi32, #tpu.memory_space<vmem>> -> memref<32xi32, #tpu.memory_space<vmem>>
      %dma_wait3A_284 = arith.constant 0 : i32
      %dma_wait3A_285 = arith.constant 0 : i32
      %dma_wait3A_286 = tpu.memref_slice %arg17[%dma_wait3A_284, %dma_wait3A_285] : memref<10240x128xf32, #tpu.memory_space<vmem_shared>> -> memref<10240x128xf32, #tpu.memory_space<vmem_shared>>
      tpu.wait_indirect_dma semaphore(%arg27 : memref<!tpu.dma_semaphore, #tpu.memory_space<semaphore_mem>>) src(%arg9 : memref<32x128xf32, #tpu.memory_space<vmem>>) dst(%dma_wait3A_286 : memref<10240x128xf32, #tpu.memory_space<vmem_shared>>)
      %dma_start3A_287 = arith.constant 9 : i32
      %dma_start3A_288 = arith.constant 0 : i32
      %dma_start3A_289 = tpu.memref_slice %arg6[%dma_start3A_287, %dma_start3A_288] : memref<16x32xi32, #tpu.memory_space<vmem>> -> memref<1x32xi32, #tpu.memory_space<vmem>>
      %dma_start3A_290 = tpu.memref_squeeze %dma_start3A_289 : memref<1x32xi32, #tpu.memory_space<vmem>> -> memref<32xi32, #tpu.memory_space<vmem>>
      %dma_start3A_291 = arith.constant 0 : i32
      %dma_start3A_292 = arith.constant 0 : i32
      %dma_start3A_293 = tpu.memref_slice %arg2[%dma_start3A_291, %dma_start3A_292] : memref<10240x128xf32, #tpu.memory_space<hbm>> -> memref<10240x128xf32, #tpu.memory_space<hbm>>
      tpu.enqueue_indirect_dma source(%dma_start3A_293 : memref<10240x128xf32, #tpu.memory_space<hbm>>) target(%arg9 : memref<32x128xf32, #tpu.memory_space<vmem>>) offsets(%dma_start3A_290 : memref<32xi32, #tpu.memory_space<vmem>>) semaphore(%arg19 : memref<!tpu.dma_semaphore, #tpu.memory_space<semaphore_mem>>)
      %dma_wait3A_294 = arith.constant 2 : i32
      %dma_wait3A_295 = arith.constant 0 : i32
      %dma_wait3A_296 = tpu.memref_slice %arg6[%dma_wait3A_294, %dma_wait3A_295] : memref<16x32xi32, #tpu.memory_space<vmem>> -> memref<1x32xi32, #tpu.memory_space<vmem>>
      %dma_wait3A_297 = tpu.memref_squeeze %dma_wait3A_296 : memref<1x32xi32, #tpu.memory_space<vmem>> -> memref<32xi32, #tpu.memory_space<vmem>>
      %dma_wait3A_298 = arith.constant 0 : i32
      %dma_wait3A_299 = arith.constant 0 : i32
      %dma_wait3A_300 = tpu.memref_slice %arg2[%dma_wait3A_298, %dma_wait3A_299] : memref<10240x128xf32, #tpu.memory_space<hbm>> -> memref<10240x128xf32, #tpu.memory_space<hbm>>
      tpu.wait_indirect_dma semaphore(%arg20 : memref<!tpu.dma_semaphore, #tpu.memory_space<semaphore_mem>>) src(%dma_wait3A_300 : memref<10240x128xf32, #tpu.memory_space<hbm>>) dst(%arg10 : memref<32x128xf32, #tpu.memory_space<vmem>>)
      %dma_start3A_301 = arith.constant 2 : i32
      %dma_start3A_302 = arith.constant 0 : i32
      %dma_start3A_303 = tpu.memref_slice %arg7[%dma_start3A_301, %dma_start3A_302] : memref<16x32xi32, #tpu.memory_space<vmem>> -> memref<1x32xi32, #tpu.memory_space<vmem>>
      %dma_start3A_304 = tpu.memref_squeeze %dma_start3A_303 : memref<1x32xi32, #tpu.memory_space<vmem>> -> memref<32xi32, #tpu.memory_space<vmem>>
      %dma_start3A_305 = arith.constant 0 : i32
      %dma_start3A_306 = arith.constant 0 : i32
      %dma_start3A_307 = tpu.memref_slice %arg17[%dma_start3A_305, %dma_start3A_306] : memref<10240x128xf32, #tpu.memory_space<vmem_shared>> -> memref<10240x128xf32, #tpu.memory_space<vmem_shared>>
      tpu.enqueue_indirect_dma source(%arg10 : memref<32x128xf32, #tpu.memory_space<vmem>>) target(%dma_start3A_307 : memref<10240x128xf32, #tpu.memory_space<vmem_shared>>) offsets(%dma_start3A_304 : memref<32xi32, #tpu.memory_space<vmem>>) semaphore(%arg28 : memref<!tpu.dma_semaphore, #tpu.memory_space<semaphore_mem>>) {add = true}
      %dma_wait3A_308 = arith.constant 2 : i32
      %dma_wait3A_309 = arith.constant 0 : i32
      %dma_wait3A_310 = tpu.memref_slice %arg7[%dma_wait3A_308, %dma_wait3A_309] : memref<16x32xi32, #tpu.memory_space<vmem>> -> memref<1x32xi32, #tpu.memory_space<vmem>>
      %dma_wait3A_311 = tpu.memref_squeeze %dma_wait3A_310 : memref<1x32xi32, #tpu.memory_space<vmem>> -> memref<32xi32, #tpu.memory_space<vmem>>
      %dma_wait3A_312 = arith.constant 0 : i32
      %dma_wait3A_313 = arith.constant 0 : i32
      %dma_wait3A_314 = tpu.memref_slice %arg17[%dma_wait3A_312, %dma_wait3A_313] : memref<10240x128xf32, #tpu.memory_space<vmem_shared>> -> memref<10240x128xf32, #tpu.memory_space<vmem_shared>>
      tpu.wait_indirect_dma semaphore(%arg28 : memref<!tpu.dma_semaphore, #tpu.memory_space<semaphore_mem>>) src(%arg10 : memref<32x128xf32, #tpu.memory_space<vmem>>) dst(%dma_wait3A_314 : memref<10240x128xf32, #tpu.memory_space<vmem_shared>>)
      %dma_start3A_315 = arith.constant 10 : i32
      %dma_start3A_316 = arith.constant 0 : i32
      %dma_start3A_317 = tpu.memref_slice %arg6[%dma_start3A_315, %dma_start3A_316] : memref<16x32xi32, #tpu.memory_space<vmem>> -> memref<1x32xi32, #tpu.memory_space<vmem>>
      %dma_start3A_318 = tpu.memref_squeeze %dma_start3A_317 : memref<1x32xi32, #tpu.memory_space<vmem>> -> memref<32xi32, #tpu.memory_space<vmem>>
      %dma_start3A_319 = arith.constant 0 : i32
      %dma_start3A_320 = arith.constant 0 : i32
      %dma_start3A_321 = tpu.memref_slice %arg2[%dma_start3A_319, %dma_start3A_320] : memref<10240x128xf32, #tpu.memory_space<hbm>> -> memref<10240x128xf32, #tpu.memory_space<hbm>>
      tpu.enqueue_indirect_dma source(%dma_start3A_321 : memref<10240x128xf32, #tpu.memory_space<hbm>>) target(%arg10 : memref<32x128xf32, #tpu.memory_space<vmem>>) offsets(%dma_start3A_318 : memref<32xi32, #tpu.memory_space<vmem>>) semaphore(%arg20 : memref<!tpu.dma_semaphore, #tpu.memory_space<semaphore_mem>>)
      %dma_wait3A_322 = arith.constant 3 : i32
      %dma_wait3A_323 = arith.constant 0 : i32
      %dma_wait3A_324 = tpu.memref_slice %arg6[%dma_wait3A_322, %dma_wait3A_323] : memref<16x32xi32, #tpu.memory_space<vmem>> -> memref<1x32xi32, #tpu.memory_space<vmem>>
      %dma_wait3A_325 = tpu.memref_squeeze %dma_wait3A_324 : memref<1x32xi32, #tpu.memory_space<vmem>> -> memref<32xi32, #tpu.memory_space<vmem>>
      %dma_wait3A_326 = arith.constant 0 : i32
      %dma_wait3A_327 = arith.constant 0 : i32
      %dma_wait3A_328 = tpu.memref_slice %arg2[%dma_wait3A_326, %dma_wait3A_327] : memref<10240x128xf32, #tpu.memory_space<hbm>> -> memref<10240x128xf32, #tpu.memory_space<hbm>>
      tpu.wait_indirect_dma semaphore(%arg21 : memref<!tpu.dma_semaphore, #tpu.memory_space<semaphore_mem>>) src(%dma_wait3A_328 : memref<10240x128xf32, #tpu.memory_space<hbm>>) dst(%arg11 : memref<32x128xf32, #tpu.memory_space<vmem>>)
      %dma_start3A_329 = arith.constant 3 : i32
      %dma_start3A_330 = arith.constant 0 : i32
      %dma_start3A_331 = tpu.memref_slice %arg7[%dma_start3A_329, %dma_start3A_330] : memref<16x32xi32, #tpu.memory_space<vmem>> -> memref<1x32xi32, #tpu.memory_space<vmem>>
      %dma_start3A_332 = tpu.memref_squeeze %dma_start3A_331 : memref<1x32xi32, #tpu.memory_space<vmem>> -> memref<32xi32, #tpu.memory_space<vmem>>
      %dma_start3A_333 = arith.constant 0 : i32
      %dma_start3A_334 = arith.constant 0 : i32
      %dma_start3A_335 = tpu.memref_slice %arg17[%dma_start3A_333, %dma_start3A_334] : memref<10240x128xf32, #tpu.memory_space<vmem_shared>> -> memref<10240x128xf32, #tpu.memory_space<vmem_shared>>
      tpu.enqueue_indirect_dma source(%arg11 : memref<32x128xf32, #tpu.memory_space<vmem>>) target(%dma_start3A_335 : memref<10240x128xf32, #tpu.memory_space<vmem_shared>>) offsets(%dma_start3A_332 : memref<32xi32, #tpu.memory_space<vmem>>) semaphore(%arg29 : memref<!tpu.dma_semaphore, #tpu.memory_space<semaphore_mem>>) {add = true}
      %dma_wait3A_336 = arith.constant 3 : i32
      %dma_wait3A_337 = arith.constant 0 : i32
      %dma_wait3A_338 = tpu.memref_slice %arg7[%dma_wait3A_336, %dma_wait3A_337] : memref<16x32xi32, #tpu.memory_space<vmem>> -> memref<1x32xi32, #tpu.memory_space<vmem>>
      %dma_wait3A_339 = tpu.memref_squeeze %dma_wait3A_338 : memref<1x32xi32, #tpu.memory_space<vmem>> -> memref<32xi32, #tpu.memory_space<vmem>>
      %dma_wait3A_340 = arith.constant 0 : i32
      %dma_wait3A_341 = arith.constant 0 : i32
      %dma_wait3A_342 = tpu.memref_slice %arg17[%dma_wait3A_340, %dma_wait3A_341] : memref<10240x128xf32, #tpu.memory_space<vmem_shared>> -> memref<10240x128xf32, #tpu.memory_space<vmem_shared>>
      tpu.wait_indirect_dma semaphore(%arg29 : memref<!tpu.dma_semaphore, #tpu.memory_space<semaphore_mem>>) src(%arg11 : memref<32x128xf32, #tpu.memory_space<vmem>>) dst(%dma_wait3A_342 : memref<10240x128xf32, #tpu.memory_space<vmem_shared>>)
      %dma_start3A_343 = arith.constant 11 : i32
      %dma_start3A_344 = arith.constant 0 : i32
      %dma_start3A_345 = tpu.memref_slice %arg6[%dma_start3A_343, %dma_start3A_344] : memref<16x32xi32, #tpu.memory_space<vmem>> -> memref<1x32xi32, #tpu.memory_space<vmem>>
      %dma_start3A_346 = tpu.memref_squeeze %dma_start3A_345 : memref<1x32xi32, #tpu.memory_space<vmem>> -> memref<32xi32, #tpu.memory_space<vmem>>
      %dma_start3A_347 = arith.constant 0 : i32
      %dma_start3A_348 = arith.constant 0 : i32
      %dma_start3A_349 = tpu.memref_slice %arg2[%dma_start3A_347, %dma_start3A_348] : memref<10240x128xf32, #tpu.memory_space<hbm>> -> memref<10240x128xf32, #tpu.memory_space<hbm>>
      tpu.enqueue_indirect_dma source(%dma_start3A_349 : memref<10240x128xf32, #tpu.memory_space<hbm>>) target(%arg11 : memref<32x128xf32, #tpu.memory_space<vmem>>) offsets(%dma_start3A_346 : memref<32xi32, #tpu.memory_space<vmem>>) semaphore(%arg21 : memref<!tpu.dma_semaphore, #tpu.memory_space<semaphore_mem>>)
      %dma_wait3A_350 = arith.constant 4 : i32
      %dma_wait3A_351 = arith.constant 0 : i32
      %dma_wait3A_352 = tpu.memref_slice %arg6[%dma_wait3A_350, %dma_wait3A_351] : memref<16x32xi32, #tpu.memory_space<vmem>> -> memref<1x32xi32, #tpu.memory_space<vmem>>
      %dma_wait3A_353 = tpu.memref_squeeze %dma_wait3A_352 : memref<1x32xi32, #tpu.memory_space<vmem>> -> memref<32xi32, #tpu.memory_space<vmem>>
      %dma_wait3A_354 = arith.constant 0 : i32
      %dma_wait3A_355 = arith.constant 0 : i32
      %dma_wait3A_356 = tpu.memref_slice %arg2[%dma_wait3A_354, %dma_wait3A_355] : memref<10240x128xf32, #tpu.memory_space<hbm>> -> memref<10240x128xf32, #tpu.memory_space<hbm>>
      tpu.wait_indirect_dma semaphore(%arg22 : memref<!tpu.dma_semaphore, #tpu.memory_space<semaphore_mem>>) src(%dma_wait3A_356 : memref<10240x128xf32, #tpu.memory_space<hbm>>) dst(%arg12 : memref<32x128xf32, #tpu.memory_space<vmem>>)
      %dma_start3A_357 = arith.constant 4 : i32
      %dma_start3A_358 = arith.constant 0 : i32
      %dma_start3A_359 = tpu.memref_slice %arg7[%dma_start3A_357, %dma_start3A_358] : memref<16x32xi32, #tpu.memory_space<vmem>> -> memref<1x32xi32, #tpu.memory_space<vmem>>
      %dma_start3A_360 = tpu.memref_squeeze %dma_start3A_359 : memref<1x32xi32, #tpu.memory_space<vmem>> -> memref<32xi32, #tpu.memory_space<vmem>>
      %dma_start3A_361 = arith.constant 0 : i32
      %dma_start3A_362 = arith.constant 0 : i32
      %dma_start3A_363 = tpu.memref_slice %arg17[%dma_start3A_361, %dma_start3A_362] : memref<10240x128xf32, #tpu.memory_space<vmem_shared>> -> memref<10240x128xf32, #tpu.memory_space<vmem_shared>>
      tpu.enqueue_indirect_dma source(%arg12 : memref<32x128xf32, #tpu.memory_space<vmem>>) target(%dma_start3A_363 : memref<10240x128xf32, #tpu.memory_space<vmem_shared>>) offsets(%dma_start3A_360 : memref<32xi32, #tpu.memory_space<vmem>>) semaphore(%arg30 : memref<!tpu.dma_semaphore, #tpu.memory_space<semaphore_mem>>) {add = true}
      %dma_wait3A_364 = arith.constant 4 : i32
      %dma_wait3A_365 = arith.constant 0 : i32
      %dma_wait3A_366 = tpu.memref_slice %arg7[%dma_wait3A_364, %dma_wait3A_365] : memref<16x32xi32, #tpu.memory_space<vmem>> -> memref<1x32xi32, #tpu.memory_space<vmem>>
      %dma_wait3A_367 = tpu.memref_squeeze %dma_wait3A_366 : memref<1x32xi32, #tpu.memory_space<vmem>> -> memref<32xi32, #tpu.memory_space<vmem>>
      %dma_wait3A_368 = arith.constant 0 : i32
      %dma_wait3A_369 = arith.constant 0 : i32
      %dma_wait3A_370 = tpu.memref_slice %arg17[%dma_wait3A_368, %dma_wait3A_369] : memref<10240x128xf32, #tpu.memory_space<vmem_shared>> -> memref<10240x128xf32, #tpu.memory_space<vmem_shared>>
      tpu.wait_indirect_dma semaphore(%arg30 : memref<!tpu.dma_semaphore, #tpu.memory_space<semaphore_mem>>) src(%arg12 : memref<32x128xf32, #tpu.memory_space<vmem>>) dst(%dma_wait3A_370 : memref<10240x128xf32, #tpu.memory_space<vmem_shared>>)
      %dma_start3A_371 = arith.constant 12 : i32
      %dma_start3A_372 = arith.constant 0 : i32
      %dma_start3A_373 = tpu.memref_slice %arg6[%dma_start3A_371, %dma_start3A_372] : memref<16x32xi32, #tpu.memory_space<vmem>> -> memref<1x32xi32, #tpu.memory_space<vmem>>
      %dma_start3A_374 = tpu.memref_squeeze %dma_start3A_373 : memref<1x32xi32, #tpu.memory_space<vmem>> -> memref<32xi32, #tpu.memory_space<vmem>>
      %dma_start3A_375 = arith.constant 0 : i32
      %dma_start3A_376 = arith.constant 0 : i32
      %dma_start3A_377 = tpu.memref_slice %arg2[%dma_start3A_375, %dma_start3A_376] : memref<10240x128xf32, #tpu.memory_space<hbm>> -> memref<10240x128xf32, #tpu.memory_space<hbm>>
      tpu.enqueue_indirect_dma source(%dma_start3A_377 : memref<10240x128xf32, #tpu.memory_space<hbm>>) target(%arg12 : memref<32x128xf32, #tpu.memory_space<vmem>>) offsets(%dma_start3A_374 : memref<32xi32, #tpu.memory_space<vmem>>) semaphore(%arg22 : memref<!tpu.dma_semaphore, #tpu.memory_space<semaphore_mem>>)
      %dma_wait3A_378 = arith.constant 5 : i32
      %dma_wait3A_379 = arith.constant 0 : i32
      %dma_wait3A_380 = tpu.memref_slice %arg6[%dma_wait3A_378, %dma_wait3A_379] : memref<16x32xi32, #tpu.memory_space<vmem>> -> memref<1x32xi32, #tpu.memory_space<vmem>>
      %dma_wait3A_381 = tpu.memref_squeeze %dma_wait3A_380 : memref<1x32xi32, #tpu.memory_space<vmem>> -> memref<32xi32, #tpu.memory_space<vmem>>
      %dma_wait3A_382 = arith.constant 0 : i32
      %dma_wait3A_383 = arith.constant 0 : i32
      %dma_wait3A_384 = tpu.memref_slice %arg2[%dma_wait3A_382, %dma_wait3A_383] : memref<10240x128xf32, #tpu.memory_space<hbm>> -> memref<10240x128xf32, #tpu.memory_space<hbm>>
      tpu.wait_indirect_dma semaphore(%arg23 : memref<!tpu.dma_semaphore, #tpu.memory_space<semaphore_mem>>) src(%dma_wait3A_384 : memref<10240x128xf32, #tpu.memory_space<hbm>>) dst(%arg13 : memref<32x128xf32, #tpu.memory_space<vmem>>)
      %dma_start3A_385 = arith.constant 5 : i32
      %dma_start3A_386 = arith.constant 0 : i32
      %dma_start3A_387 = tpu.memref_slice %arg7[%dma_start3A_385, %dma_start3A_386] : memref<16x32xi32, #tpu.memory_space<vmem>> -> memref<1x32xi32, #tpu.memory_space<vmem>>
      %dma_start3A_388 = tpu.memref_squeeze %dma_start3A_387 : memref<1x32xi32, #tpu.memory_space<vmem>> -> memref<32xi32, #tpu.memory_space<vmem>>
      %dma_start3A_389 = arith.constant 0 : i32
      %dma_start3A_390 = arith.constant 0 : i32
      %dma_start3A_391 = tpu.memref_slice %arg17[%dma_start3A_389, %dma_start3A_390] : memref<10240x128xf32, #tpu.memory_space<vmem_shared>> -> memref<10240x128xf32, #tpu.memory_space<vmem_shared>>
      tpu.enqueue_indirect_dma source(%arg13 : memref<32x128xf32, #tpu.memory_space<vmem>>) target(%dma_start3A_391 : memref<10240x128xf32, #tpu.memory_space<vmem_shared>>) offsets(%dma_start3A_388 : memref<32xi32, #tpu.memory_space<vmem>>) semaphore(%arg31 : memref<!tpu.dma_semaphore, #tpu.memory_space<semaphore_mem>>) {add = true}
      %dma_wait3A_392 = arith.constant 5 : i32
      %dma_wait3A_393 = arith.constant 0 : i32
      %dma_wait3A_394 = tpu.memref_slice %arg7[%dma_wait3A_392, %dma_wait3A_393] : memref<16x32xi32, #tpu.memory_space<vmem>> -> memref<1x32xi32, #tpu.memory_space<vmem>>
      %dma_wait3A_395 = tpu.memref_squeeze %dma_wait3A_394 : memref<1x32xi32, #tpu.memory_space<vmem>> -> memref<32xi32, #tpu.memory_space<vmem>>
      %dma_wait3A_396 = arith.constant 0 : i32
      %dma_wait3A_397 = arith.constant 0 : i32
      %dma_wait3A_398 = tpu.memref_slice %arg17[%dma_wait3A_396, %dma_wait3A_397] : memref<10240x128xf32, #tpu.memory_space<vmem_shared>> -> memref<10240x128xf32, #tpu.memory_space<vmem_shared>>
      tpu.wait_indirect_dma semaphore(%arg31 : memref<!tpu.dma_semaphore, #tpu.memory_space<semaphore_mem>>) src(%arg13 : memref<32x128xf32, #tpu.memory_space<vmem>>) dst(%dma_wait3A_398 : memref<10240x128xf32, #tpu.memory_space<vmem_shared>>)
      %dma_start3A_399 = arith.constant 13 : i32
      %dma_start3A_400 = arith.constant 0 : i32
      %dma_start3A_401 = tpu.memref_slice %arg6[%dma_start3A_399, %dma_start3A_400] : memref<16x32xi32, #tpu.memory_space<vmem>> -> memref<1x32xi32, #tpu.memory_space<vmem>>
      %dma_start3A_402 = tpu.memref_squeeze %dma_start3A_401 : memref<1x32xi32, #tpu.memory_space<vmem>> -> memref<32xi32, #tpu.memory_space<vmem>>
      %dma_start3A_403 = arith.constant 0 : i32
      %dma_start3A_404 = arith.constant 0 : i32
      %dma_start3A_405 = tpu.memref_slice %arg2[%dma_start3A_403, %dma_start3A_404] : memref<10240x128xf32, #tpu.memory_space<hbm>> -> memref<10240x128xf32, #tpu.memory_space<hbm>>
      tpu.enqueue_indirect_dma source(%dma_start3A_405 : memref<10240x128xf32, #tpu.memory_space<hbm>>) target(%arg13 : memref<32x128xf32, #tpu.memory_space<vmem>>) offsets(%dma_start3A_402 : memref<32xi32, #tpu.memory_space<vmem>>) semaphore(%arg23 : memref<!tpu.dma_semaphore, #tpu.memory_space<semaphore_mem>>)
      %dma_wait3A_406 = arith.constant 6 : i32
      %dma_wait3A_407 = arith.constant 0 : i32
      %dma_wait3A_408 = tpu.memref_slice %arg6[%dma_wait3A_406, %dma_wait3A_407] : memref<16x32xi32, #tpu.memory_space<vmem>> -> memref<1x32xi32, #tpu.memory_space<vmem>>
      %dma_wait3A_409 = tpu.memref_squeeze %dma_wait3A_408 : memref<1x32xi32, #tpu.memory_space<vmem>> -> memref<32xi32, #tpu.memory_space<vmem>>
      %dma_wait3A_410 = arith.constant 0 : i32
      %dma_wait3A_411 = arith.constant 0 : i32
      %dma_wait3A_412 = tpu.memref_slice %arg2[%dma_wait3A_410, %dma_wait3A_411] : memref<10240x128xf32, #tpu.memory_space<hbm>> -> memref<10240x128xf32, #tpu.memory_space<hbm>>
      tpu.wait_indirect_dma semaphore(%arg24 : memref<!tpu.dma_semaphore, #tpu.memory_space<semaphore_mem>>) src(%dma_wait3A_412 : memref<10240x128xf32, #tpu.memory_space<hbm>>) dst(%arg14 : memref<32x128xf32, #tpu.memory_space<vmem>>)
      %dma_start3A_413 = arith.constant 6 : i32
      %dma_start3A_414 = arith.constant 0 : i32
      %dma_start3A_415 = tpu.memref_slice %arg7[%dma_start3A_413, %dma_start3A_414] : memref<16x32xi32, #tpu.memory_space<vmem>> -> memref<1x32xi32, #tpu.memory_space<vmem>>
      %dma_start3A_416 = tpu.memref_squeeze %dma_start3A_415 : memref<1x32xi32, #tpu.memory_space<vmem>> -> memref<32xi32, #tpu.memory_space<vmem>>
      %dma_start3A_417 = arith.constant 0 : i32
      %dma_start3A_418 = arith.constant 0 : i32
      %dma_start3A_419 = tpu.memref_slice %arg17[%dma_start3A_417, %dma_start3A_418] : memref<10240x128xf32, #tpu.memory_space<vmem_shared>> -> memref<10240x128xf32, #tpu.memory_space<vmem_shared>>
      tpu.enqueue_indirect_dma source(%arg14 : memref<32x128xf32, #tpu.memory_space<vmem>>) target(%dma_start3A_419 : memref<10240x128xf32, #tpu.memory_space<vmem_shared>>) offsets(%dma_start3A_416 : memref<32xi32, #tpu.memory_space<vmem>>) semaphore(%arg32 : memref<!tpu.dma_semaphore, #tpu.memory_space<semaphore_mem>>) {add = true}
      %dma_wait3A_420 = arith.constant 6 : i32
      %dma_wait3A_421 = arith.constant 0 : i32
      %dma_wait3A_422 = tpu.memref_slice %arg7[%dma_wait3A_420, %dma_wait3A_421] : memref<16x32xi32, #tpu.memory_space<vmem>> -> memref<1x32xi32, #tpu.memory_space<vmem>>
      %dma_wait3A_423 = tpu.memref_squeeze %dma_wait3A_422 : memref<1x32xi32, #tpu.memory_space<vmem>> -> memref<32xi32, #tpu.memory_space<vmem>>
      %dma_wait3A_424 = arith.constant 0 : i32
      %dma_wait3A_425 = arith.constant 0 : i32
      %dma_wait3A_426 = tpu.memref_slice %arg17[%dma_wait3A_424, %dma_wait3A_425] : memref<10240x128xf32, #tpu.memory_space<vmem_shared>> -> memref<10240x128xf32, #tpu.memory_space<vmem_shared>>
      tpu.wait_indirect_dma semaphore(%arg32 : memref<!tpu.dma_semaphore, #tpu.memory_space<semaphore_mem>>) src(%arg14 : memref<32x128xf32, #tpu.memory_space<vmem>>) dst(%dma_wait3A_426 : memref<10240x128xf32, #tpu.memory_space<vmem_shared>>)
      %dma_start3A_427 = arith.constant 14 : i32
      %dma_start3A_428 = arith.constant 0 : i32
      %dma_start3A_429 = tpu.memref_slice %arg6[%dma_start3A_427, %dma_start3A_428] : memref<16x32xi32, #tpu.memory_space<vmem>> -> memref<1x32xi32, #tpu.memory_space<vmem>>
      %dma_start3A_430 = tpu.memref_squeeze %dma_start3A_429 : memref<1x32xi32, #tpu.memory_space<vmem>> -> memref<32xi32, #tpu.memory_space<vmem>>
      %dma_start3A_431 = arith.constant 0 : i32
      %dma_start3A_432 = arith.constant 0 : i32
      %dma_start3A_433 = tpu.memref_slice %arg2[%dma_start3A_431, %dma_start3A_432] : memref<10240x128xf32, #tpu.memory_space<hbm>> -> memref<10240x128xf32, #tpu.memory_space<hbm>>
      tpu.enqueue_indirect_dma source(%dma_start3A_433 : memref<10240x128xf32, #tpu.memory_space<hbm>>) target(%arg14 : memref<32x128xf32, #tpu.memory_space<vmem>>) offsets(%dma_start3A_430 : memref<32xi32, #tpu.memory_space<vmem>>) semaphore(%arg24 : memref<!tpu.dma_semaphore, #tpu.memory_space<semaphore_mem>>)
      %dma_wait3A_434 = arith.constant 7 : i32
      %dma_wait3A_435 = arith.constant 0 : i32
      %dma_wait3A_436 = tpu.memref_slice %arg6[%dma_wait3A_434, %dma_wait3A_435] : memref<16x32xi32, #tpu.memory_space<vmem>> -> memref<1x32xi32, #tpu.memory_space<vmem>>
      %dma_wait3A_437 = tpu.memref_squeeze %dma_wait3A_436 : memref<1x32xi32, #tpu.memory_space<vmem>> -> memref<32xi32, #tpu.memory_space<vmem>>
      %dma_wait3A_438 = arith.constant 0 : i32
      %dma_wait3A_439 = arith.constant 0 : i32
      %dma_wait3A_440 = tpu.memref_slice %arg2[%dma_wait3A_438, %dma_wait3A_439] : memref<10240x128xf32, #tpu.memory_space<hbm>> -> memref<10240x128xf32, #tpu.memory_space<hbm>>
      tpu.wait_indirect_dma semaphore(%arg25 : memref<!tpu.dma_semaphore, #tpu.memory_space<semaphore_mem>>) src(%dma_wait3A_440 : memref<10240x128xf32, #tpu.memory_space<hbm>>) dst(%arg15 : memref<32x128xf32, #tpu.memory_space<vmem>>)
      %dma_start3A_441 = arith.constant 7 : i32
      %dma_start3A_442 = arith.constant 0 : i32
      %dma_start3A_443 = tpu.memref_slice %arg7[%dma_start3A_441, %dma_start3A_442] : memref<16x32xi32, #tpu.memory_space<vmem>> -> memref<1x32xi32, #tpu.memory_space<vmem>>
      %dma_start3A_444 = tpu.memref_squeeze %dma_start3A_443 : memref<1x32xi32, #tpu.memory_space<vmem>> -> memref<32xi32, #tpu.memory_space<vmem>>
      %dma_start3A_445 = arith.constant 0 : i32
      %dma_start3A_446 = arith.constant 0 : i32
      %dma_start3A_447 = tpu.memref_slice %arg17[%dma_start3A_445, %dma_start3A_446] : memref<10240x128xf32, #tpu.memory_space<vmem_shared>> -> memref<10240x128xf32, #tpu.memory_space<vmem_shared>>
      tpu.enqueue_indirect_dma source(%arg15 : memref<32x128xf32, #tpu.memory_space<vmem>>) target(%dma_start3A_447 : memref<10240x128xf32, #tpu.memory_space<vmem_shared>>) offsets(%dma_start3A_444 : memref<32xi32, #tpu.memory_space<vmem>>) semaphore(%arg33 : memref<!tpu.dma_semaphore, #tpu.memory_space<semaphore_mem>>) {add = true}
      %dma_wait3A_448 = arith.constant 7 : i32
      %dma_wait3A_449 = arith.constant 0 : i32
      %dma_wait3A_450 = tpu.memref_slice %arg7[%dma_wait3A_448, %dma_wait3A_449] : memref<16x32xi32, #tpu.memory_space<vmem>> -> memref<1x32xi32, #tpu.memory_space<vmem>>
      %dma_wait3A_451 = tpu.memref_squeeze %dma_wait3A_450 : memref<1x32xi32, #tpu.memory_space<vmem>> -> memref<32xi32, #tpu.memory_space<vmem>>
      %dma_wait3A_452 = arith.constant 0 : i32
      %dma_wait3A_453 = arith.constant 0 : i32
      %dma_wait3A_454 = tpu.memref_slice %arg17[%dma_wait3A_452, %dma_wait3A_453] : memref<10240x128xf32, #tpu.memory_space<vmem_shared>> -> memref<10240x128xf32, #tpu.memory_space<vmem_shared>>
      tpu.wait_indirect_dma semaphore(%arg33 : memref<!tpu.dma_semaphore, #tpu.memory_space<semaphore_mem>>) src(%arg15 : memref<32x128xf32, #tpu.memory_space<vmem>>) dst(%dma_wait3A_454 : memref<10240x128xf32, #tpu.memory_space<vmem_shared>>)
      %dma_start3A_455 = arith.constant 15 : i32
      %dma_start3A_456 = arith.constant 0 : i32
      %dma_start3A_457 = tpu.memref_slice %arg6[%dma_start3A_455, %dma_start3A_456] : memref<16x32xi32, #tpu.memory_space<vmem>> -> memref<1x32xi32, #tpu.memory_space<vmem>>
      %dma_start3A_458 = tpu.memref_squeeze %dma_start3A_457 : memref<1x32xi32, #tpu.memory_space<vmem>> -> memref<32xi32, #tpu.memory_space<vmem>>
      %dma_start3A_459 = arith.constant 0 : i32
      %dma_start3A_460 = arith.constant 0 : i32
      %dma_start3A_461 = tpu.memref_slice %arg2[%dma_start3A_459, %dma_start3A_460] : memref<10240x128xf32, #tpu.memory_space<hbm>> -> memref<10240x128xf32, #tpu.memory_space<hbm>>
      tpu.enqueue_indirect_dma source(%dma_start3A_461 : memref<10240x128xf32, #tpu.memory_space<hbm>>) target(%arg15 : memref<32x128xf32, #tpu.memory_space<vmem>>) offsets(%dma_start3A_458 : memref<32xi32, #tpu.memory_space<vmem>>) semaphore(%arg25 : memref<!tpu.dma_semaphore, #tpu.memory_space<semaphore_mem>>)
      %dma_wait3A_462 = arith.constant 8 : i32
      %dma_wait3A_463 = arith.constant 0 : i32
      %dma_wait3A_464 = tpu.memref_slice %arg6[%dma_wait3A_462, %dma_wait3A_463] : memref<16x32xi32, #tpu.memory_space<vmem>> -> memref<1x32xi32, #tpu.memory_space<vmem>>
      %dma_wait3A_465 = tpu.memref_squeeze %dma_wait3A_464 : memref<1x32xi32, #tpu.memory_space<vmem>> -> memref<32xi32, #tpu.memory_space<vmem>>
      %dma_wait3A_466 = arith.constant 0 : i32
      %dma_wait3A_467 = arith.constant 0 : i32
      %dma_wait3A_468 = tpu.memref_slice %arg2[%dma_wait3A_466, %dma_wait3A_467] : memref<10240x128xf32, #tpu.memory_space<hbm>> -> memref<10240x128xf32, #tpu.memory_space<hbm>>
      tpu.wait_indirect_dma semaphore(%arg18 : memref<!tpu.dma_semaphore, #tpu.memory_space<semaphore_mem>>) src(%dma_wait3A_468 : memref<10240x128xf32, #tpu.memory_space<hbm>>) dst(%arg8 : memref<32x128xf32, #tpu.memory_space<vmem>>)
      %dma_start3A_469 = arith.constant 8 : i32
      %dma_start3A_470 = arith.constant 0 : i32
      %dma_start3A_471 = tpu.memref_slice %arg7[%dma_start3A_469, %dma_start3A_470] : memref<16x32xi32, #tpu.memory_space<vmem>> -> memref<1x32xi32, #tpu.memory_space<vmem>>
      %dma_start3A_472 = tpu.memref_squeeze %dma_start3A_471 : memref<1x32xi32, #tpu.memory_space<vmem>> -> memref<32xi32, #tpu.memory_space<vmem>>
      %dma_start3A_473 = arith.constant 0 : i32
      %dma_start3A_474 = arith.constant 0 : i32
      %dma_start3A_475 = tpu.memref_slice %arg17[%dma_start3A_473, %dma_start3A_474] : memref<10240x128xf32, #tpu.memory_space<vmem_shared>> -> memref<10240x128xf32, #tpu.memory_space<vmem_shared>>
      tpu.enqueue_indirect_dma source(%arg8 : memref<32x128xf32, #tpu.memory_space<vmem>>) target(%dma_start3A_475 : memref<10240x128xf32, #tpu.memory_space<vmem_shared>>) offsets(%dma_start3A_472 : memref<32xi32, #tpu.memory_space<vmem>>) semaphore(%arg26 : memref<!tpu.dma_semaphore, #tpu.memory_space<semaphore_mem>>) {add = true}
      %dma_wait3A_476 = arith.constant 9 : i32
      %dma_wait3A_477 = arith.constant 0 : i32
      %dma_wait3A_478 = tpu.memref_slice %arg6[%dma_wait3A_476, %dma_wait3A_477] : memref<16x32xi32, #tpu.memory_space<vmem>> -> memref<1x32xi32, #tpu.memory_space<vmem>>
      %dma_wait3A_479 = tpu.memref_squeeze %dma_wait3A_478 : memref<1x32xi32, #tpu.memory_space<vmem>> -> memref<32xi32, #tpu.memory_space<vmem>>
      %dma_wait3A_480 = arith.constant 0 : i32
      %dma_wait3A_481 = arith.constant 0 : i32
      %dma_wait3A_482 = tpu.memref_slice %arg2[%dma_wait3A_480, %dma_wait3A_481] : memref<10240x128xf32, #tpu.memory_space<hbm>> -> memref<10240x128xf32, #tpu.memory_space<hbm>>
      tpu.wait_indirect_dma semaphore(%arg19 : memref<!tpu.dma_semaphore, #tpu.memory_space<semaphore_mem>>) src(%dma_wait3A_482 : memref<10240x128xf32, #tpu.memory_space<hbm>>) dst(%arg9 : memref<32x128xf32, #tpu.memory_space<vmem>>)
      %dma_start3A_483 = arith.constant 9 : i32
      %dma_start3A_484 = arith.constant 0 : i32
      %dma_start3A_485 = tpu.memref_slice %arg7[%dma_start3A_483, %dma_start3A_484] : memref<16x32xi32, #tpu.memory_space<vmem>> -> memref<1x32xi32, #tpu.memory_space<vmem>>
      %dma_start3A_486 = tpu.memref_squeeze %dma_start3A_485 : memref<1x32xi32, #tpu.memory_space<vmem>> -> memref<32xi32, #tpu.memory_space<vmem>>
      %dma_start3A_487 = arith.constant 0 : i32
      %dma_start3A_488 = arith.constant 0 : i32
      %dma_start3A_489 = tpu.memref_slice %arg17[%dma_start3A_487, %dma_start3A_488] : memref<10240x128xf32, #tpu.memory_space<vmem_shared>> -> memref<10240x128xf32, #tpu.memory_space<vmem_shared>>
      tpu.enqueue_indirect_dma source(%arg9 : memref<32x128xf32, #tpu.memory_space<vmem>>) target(%dma_start3A_489 : memref<10240x128xf32, #tpu.memory_space<vmem_shared>>) offsets(%dma_start3A_486 : memref<32xi32, #tpu.memory_space<vmem>>) semaphore(%arg27 : memref<!tpu.dma_semaphore, #tpu.memory_space<semaphore_mem>>) {add = true}
      %dma_wait3A_490 = arith.constant 10 : i32
      %dma_wait3A_491 = arith.constant 0 : i32
      %dma_wait3A_492 = tpu.memref_slice %arg6[%dma_wait3A_490, %dma_wait3A_491] : memref<16x32xi32, #tpu.memory_space<vmem>> -> memref<1x32xi32, #tpu.memory_space<vmem>>
      %dma_wait3A_493 = tpu.memref_squeeze %dma_wait3A_492 : memref<1x32xi32, #tpu.memory_space<vmem>> -> memref<32xi32, #tpu.memory_space<vmem>>
      %dma_wait3A_494 = arith.constant 0 : i32
      %dma_wait3A_495 = arith.constant 0 : i32
      %dma_wait3A_496 = tpu.memref_slice %arg2[%dma_wait3A_494, %dma_wait3A_495] : memref<10240x128xf32, #tpu.memory_space<hbm>> -> memref<10240x128xf32, #tpu.memory_space<hbm>>
      tpu.wait_indirect_dma semaphore(%arg20 : memref<!tpu.dma_semaphore, #tpu.memory_space<semaphore_mem>>) src(%dma_wait3A_496 : memref<10240x128xf32, #tpu.memory_space<hbm>>) dst(%arg10 : memref<32x128xf32, #tpu.memory_space<vmem>>)
      %dma_start3A_497 = arith.constant 10 : i32
      %dma_start3A_498 = arith.constant 0 : i32
      %dma_start3A_499 = tpu.memref_slice %arg7[%dma_start3A_497, %dma_start3A_498] : memref<16x32xi32, #tpu.memory_space<vmem>> -> memref<1x32xi32, #tpu.memory_space<vmem>>
      %dma_start3A_500 = tpu.memref_squeeze %dma_start3A_499 : memref<1x32xi32, #tpu.memory_space<vmem>> -> memref<32xi32, #tpu.memory_space<vmem>>
      %dma_start3A_501 = arith.constant 0 : i32
      %dma_start3A_502 = arith.constant 0 : i32
      %dma_start3A_503 = tpu.memref_slice %arg17[%dma_start3A_501, %dma_start3A_502] : memref<10240x128xf32, #tpu.memory_space<vmem_shared>> -> memref<10240x128xf32, #tpu.memory_space<vmem_shared>>
      tpu.enqueue_indirect_dma source(%arg10 : memref<32x128xf32, #tpu.memory_space<vmem>>) target(%dma_start3A_503 : memref<10240x128xf32, #tpu.memory_space<vmem_shared>>) offsets(%dma_start3A_500 : memref<32xi32, #tpu.memory_space<vmem>>) semaphore(%arg28 : memref<!tpu.dma_semaphore, #tpu.memory_space<semaphore_mem>>) {add = true}
      %dma_wait3A_504 = arith.constant 11 : i32
      %dma_wait3A_505 = arith.constant 0 : i32
      %dma_wait3A_506 = tpu.memref_slice %arg6[%dma_wait3A_504, %dma_wait3A_505] : memref<16x32xi32, #tpu.memory_space<vmem>> -> memref<1x32xi32, #tpu.memory_space<vmem>>
      %dma_wait3A_507 = tpu.memref_squeeze %dma_wait3A_506 : memref<1x32xi32, #tpu.memory_space<vmem>> -> memref<32xi32, #tpu.memory_space<vmem>>
      %dma_wait3A_508 = arith.constant 0 : i32
      %dma_wait3A_509 = arith.constant 0 : i32
      %dma_wait3A_510 = tpu.memref_slice %arg2[%dma_wait3A_508, %dma_wait3A_509] : memref<10240x128xf32, #tpu.memory_space<hbm>> -> memref<10240x128xf32, #tpu.memory_space<hbm>>
      tpu.wait_indirect_dma semaphore(%arg21 : memref<!tpu.dma_semaphore, #tpu.memory_space<semaphore_mem>>) src(%dma_wait3A_510 : memref<10240x128xf32, #tpu.memory_space<hbm>>) dst(%arg11 : memref<32x128xf32, #tpu.memory_space<vmem>>)
      %dma_start3A_511 = arith.constant 11 : i32
      %dma_start3A_512 = arith.constant 0 : i32
      %dma_start3A_513 = tpu.memref_slice %arg7[%dma_start3A_511, %dma_start3A_512] : memref<16x32xi32, #tpu.memory_space<vmem>> -> memref<1x32xi32, #tpu.memory_space<vmem>>
      %dma_start3A_514 = tpu.memref_squeeze %dma_start3A_513 : memref<1x32xi32, #tpu.memory_space<vmem>> -> memref<32xi32, #tpu.memory_space<vmem>>
      %dma_start3A_515 = arith.constant 0 : i32
      %dma_start3A_516 = arith.constant 0 : i32
      %dma_start3A_517 = tpu.memref_slice %arg17[%dma_start3A_515, %dma_start3A_516] : memref<10240x128xf32, #tpu.memory_space<vmem_shared>> -> memref<10240x128xf32, #tpu.memory_space<vmem_shared>>
      tpu.enqueue_indirect_dma source(%arg11 : memref<32x128xf32, #tpu.memory_space<vmem>>) target(%dma_start3A_517 : memref<10240x128xf32, #tpu.memory_space<vmem_shared>>) offsets(%dma_start3A_514 : memref<32xi32, #tpu.memory_space<vmem>>) semaphore(%arg29 : memref<!tpu.dma_semaphore, #tpu.memory_space<semaphore_mem>>) {add = true}
      %dma_wait3A_518 = arith.constant 12 : i32
      %dma_wait3A_519 = arith.constant 0 : i32
      %dma_wait3A_520 = tpu.memref_slice %arg6[%dma_wait3A_518, %dma_wait3A_519] : memref<16x32xi32, #tpu.memory_space<vmem>> -> memref<1x32xi32, #tpu.memory_space<vmem>>
      %dma_wait3A_521 = tpu.memref_squeeze %dma_wait3A_520 : memref<1x32xi32, #tpu.memory_space<vmem>> -> memref<32xi32, #tpu.memory_space<vmem>>
      %dma_wait3A_522 = arith.constant 0 : i32
      %dma_wait3A_523 = arith.constant 0 : i32
      %dma_wait3A_524 = tpu.memref_slice %arg2[%dma_wait3A_522, %dma_wait3A_523] : memref<10240x128xf32, #tpu.memory_space<hbm>> -> memref<10240x128xf32, #tpu.memory_space<hbm>>
      tpu.wait_indirect_dma semaphore(%arg22 : memref<!tpu.dma_semaphore, #tpu.memory_space<semaphore_mem>>) src(%dma_wait3A_524 : memref<10240x128xf32, #tpu.memory_space<hbm>>) dst(%arg12 : memref<32x128xf32, #tpu.memory_space<vmem>>)
      %dma_start3A_525 = arith.constant 12 : i32
      %dma_start3A_526 = arith.constant 0 : i32
      %dma_start3A_527 = tpu.memref_slice %arg7[%dma_start3A_525, %dma_start3A_526] : memref<16x32xi32, #tpu.memory_space<vmem>> -> memref<1x32xi32, #tpu.memory_space<vmem>>
      %dma_start3A_528 = tpu.memref_squeeze %dma_start3A_527 : memref<1x32xi32, #tpu.memory_space<vmem>> -> memref<32xi32, #tpu.memory_space<vmem>>
      %dma_start3A_529 = arith.constant 0 : i32
      %dma_start3A_530 = arith.constant 0 : i32
      %dma_start3A_531 = tpu.memref_slice %arg17[%dma_start3A_529, %dma_start3A_530] : memref<10240x128xf32, #tpu.memory_space<vmem_shared>> -> memref<10240x128xf32, #tpu.memory_space<vmem_shared>>
      tpu.enqueue_indirect_dma source(%arg12 : memref<32x128xf32, #tpu.memory_space<vmem>>) target(%dma_start3A_531 : memref<10240x128xf32, #tpu.memory_space<vmem_shared>>) offsets(%dma_start3A_528 : memref<32xi32, #tpu.memory_space<vmem>>) semaphore(%arg30 : memref<!tpu.dma_semaphore, #tpu.memory_space<semaphore_mem>>) {add = true}
      %dma_wait3A_532 = arith.constant 13 : i32
      %dma_wait3A_533 = arith.constant 0 : i32
      %dma_wait3A_534 = tpu.memref_slice %arg6[%dma_wait3A_532, %dma_wait3A_533] : memref<16x32xi32, #tpu.memory_space<vmem>> -> memref<1x32xi32, #tpu.memory_space<vmem>>
      %dma_wait3A_535 = tpu.memref_squeeze %dma_wait3A_534 : memref<1x32xi32, #tpu.memory_space<vmem>> -> memref<32xi32, #tpu.memory_space<vmem>>
      %dma_wait3A_536 = arith.constant 0 : i32
      %dma_wait3A_537 = arith.constant 0 : i32
      %dma_wait3A_538 = tpu.memref_slice %arg2[%dma_wait3A_536, %dma_wait3A_537] : memref<10240x128xf32, #tpu.memory_space<hbm>> -> memref<10240x128xf32, #tpu.memory_space<hbm>>
      tpu.wait_indirect_dma semaphore(%arg23 : memref<!tpu.dma_semaphore, #tpu.memory_space<semaphore_mem>>) src(%dma_wait3A_538 : memref<10240x128xf32, #tpu.memory_space<hbm>>) dst(%arg13 : memref<32x128xf32, #tpu.memory_space<vmem>>)
      %dma_start3A_539 = arith.constant 13 : i32
      %dma_start3A_540 = arith.constant 0 : i32
      %dma_start3A_541 = tpu.memref_slice %arg7[%dma_start3A_539, %dma_start3A_540] : memref<16x32xi32, #tpu.memory_space<vmem>> -> memref<1x32xi32, #tpu.memory_space<vmem>>
      %dma_start3A_542 = tpu.memref_squeeze %dma_start3A_541 : memref<1x32xi32, #tpu.memory_space<vmem>> -> memref<32xi32, #tpu.memory_space<vmem>>
      %dma_start3A_543 = arith.constant 0 : i32
      %dma_start3A_544 = arith.constant 0 : i32
      %dma_start3A_545 = tpu.memref_slice %arg17[%dma_start3A_543, %dma_start3A_544] : memref<10240x128xf32, #tpu.memory_space<vmem_shared>> -> memref<10240x128xf32, #tpu.memory_space<vmem_shared>>
      tpu.enqueue_indirect_dma source(%arg13 : memref<32x128xf32, #tpu.memory_space<vmem>>) target(%dma_start3A_545 : memref<10240x128xf32, #tpu.memory_space<vmem_shared>>) offsets(%dma_start3A_542 : memref<32xi32, #tpu.memory_space<vmem>>) semaphore(%arg31 : memref<!tpu.dma_semaphore, #tpu.memory_space<semaphore_mem>>) {add = true}
      %dma_wait3A_546 = arith.constant 14 : i32
      %dma_wait3A_547 = arith.constant 0 : i32
      %dma_wait3A_548 = tpu.memref_slice %arg6[%dma_wait3A_546, %dma_wait3A_547] : memref<16x32xi32, #tpu.memory_space<vmem>> -> memref<1x32xi32, #tpu.memory_space<vmem>>
      %dma_wait3A_549 = tpu.memref_squeeze %dma_wait3A_548 : memref<1x32xi32, #tpu.memory_space<vmem>> -> memref<32xi32, #tpu.memory_space<vmem>>
      %dma_wait3A_550 = arith.constant 0 : i32
      %dma_wait3A_551 = arith.constant 0 : i32
      %dma_wait3A_552 = tpu.memref_slice %arg2[%dma_wait3A_550, %dma_wait3A_551] : memref<10240x128xf32, #tpu.memory_space<hbm>> -> memref<10240x128xf32, #tpu.memory_space<hbm>>
      tpu.wait_indirect_dma semaphore(%arg24 : memref<!tpu.dma_semaphore, #tpu.memory_space<semaphore_mem>>) src(%dma_wait3A_552 : memref<10240x128xf32, #tpu.memory_space<hbm>>) dst(%arg14 : memref<32x128xf32, #tpu.memory_space<vmem>>)
      %dma_start3A_553 = arith.constant 14 : i32
      %dma_start3A_554 = arith.constant 0 : i32
      %dma_start3A_555 = tpu.memref_slice %arg7[%dma_start3A_553, %dma_start3A_554] : memref<16x32xi32, #tpu.memory_space<vmem>> -> memref<1x32xi32, #tpu.memory_space<vmem>>
      %dma_start3A_556 = tpu.memref_squeeze %dma_start3A_555 : memref<1x32xi32, #tpu.memory_space<vmem>> -> memref<32xi32, #tpu.memory_space<vmem>>
      %dma_start3A_557 = arith.constant 0 : i32
      %dma_start3A_558 = arith.constant 0 : i32
      %dma_start3A_559 = tpu.memref_slice %arg17[%dma_start3A_557, %dma_start3A_558] : memref<10240x128xf32, #tpu.memory_space<vmem_shared>> -> memref<10240x128xf32, #tpu.memory_space<vmem_shared>>
      tpu.enqueue_indirect_dma source(%arg14 : memref<32x128xf32, #tpu.memory_space<vmem>>) target(%dma_start3A_559 : memref<10240x128xf32, #tpu.memory_space<vmem_shared>>) offsets(%dma_start3A_556 : memref<32xi32, #tpu.memory_space<vmem>>) semaphore(%arg32 : memref<!tpu.dma_semaphore, #tpu.memory_space<semaphore_mem>>) {add = true}
      %dma_wait3A_560 = arith.constant 15 : i32
      %dma_wait3A_561 = arith.constant 0 : i32
      %dma_wait3A_562 = tpu.memref_slice %arg6[%dma_wait3A_560, %dma_wait3A_561] : memref<16x32xi32, #tpu.memory_space<vmem>> -> memref<1x32xi32, #tpu.memory_space<vmem>>
      %dma_wait3A_563 = tpu.memref_squeeze %dma_wait3A_562 : memref<1x32xi32, #tpu.memory_space<vmem>> -> memref<32xi32, #tpu.memory_space<vmem>>
      %dma_wait3A_564 = arith.constant 0 : i32
      %dma_wait3A_565 = arith.constant 0 : i32
      %dma_wait3A_566 = tpu.memref_slice %arg2[%dma_wait3A_564, %dma_wait3A_565] : memref<10240x128xf32, #tpu.memory_space<hbm>> -> memref<10240x128xf32, #tpu.memory_space<hbm>>
      tpu.wait_indirect_dma semaphore(%arg25 : memref<!tpu.dma_semaphore, #tpu.memory_space<semaphore_mem>>) src(%dma_wait3A_566 : memref<10240x128xf32, #tpu.memory_space<hbm>>) dst(%arg15 : memref<32x128xf32, #tpu.memory_space<vmem>>)
      %dma_start3A_567 = arith.constant 15 : i32
      %dma_start3A_568 = arith.constant 0 : i32
      %dma_start3A_569 = tpu.memref_slice %arg7[%dma_start3A_567, %dma_start3A_568] : memref<16x32xi32, #tpu.memory_space<vmem>> -> memref<1x32xi32, #tpu.memory_space<vmem>>
      %dma_start3A_570 = tpu.memref_squeeze %dma_start3A_569 : memref<1x32xi32, #tpu.memory_space<vmem>> -> memref<32xi32, #tpu.memory_space<vmem>>
      %dma_start3A_571 = arith.constant 0 : i32
      %dma_start3A_572 = arith.constant 0 : i32
      %dma_start3A_573 = tpu.memref_slice %arg17[%dma_start3A_571, %dma_start3A_572] : memref<10240x128xf32, #tpu.memory_space<vmem_shared>> -> memref<10240x128xf32, #tpu.memory_space<vmem_shared>>
      tpu.enqueue_indirect_dma source(%arg15 : memref<32x128xf32, #tpu.memory_space<vmem>>) target(%dma_start3A_573 : memref<10240x128xf32, #tpu.memory_space<vmem_shared>>) offsets(%dma_start3A_570 : memref<32xi32, #tpu.memory_space<vmem>>) semaphore(%arg33 : memref<!tpu.dma_semaphore, #tpu.memory_space<semaphore_mem>>) {add = true}
      %dma_wait3A_574 = arith.constant 8 : i32
      %dma_wait3A_575 = arith.constant 0 : i32
      %dma_wait3A_576 = tpu.memref_slice %arg7[%dma_wait3A_574, %dma_wait3A_575] : memref<16x32xi32, #tpu.memory_space<vmem>> -> memref<1x32xi32, #tpu.memory_space<vmem>>
      %dma_wait3A_577 = tpu.memref_squeeze %dma_wait3A_576 : memref<1x32xi32, #tpu.memory_space<vmem>> -> memref<32xi32, #tpu.memory_space<vmem>>
      %dma_wait3A_578 = arith.constant 0 : i32
      %dma_wait3A_579 = arith.constant 0 : i32
      %dma_wait3A_580 = tpu.memref_slice %arg17[%dma_wait3A_578, %dma_wait3A_579] : memref<10240x128xf32, #tpu.memory_space<vmem_shared>> -> memref<10240x128xf32, #tpu.memory_space<vmem_shared>>
      tpu.wait_indirect_dma semaphore(%arg26 : memref<!tpu.dma_semaphore, #tpu.memory_space<semaphore_mem>>) src(%arg8 : memref<32x128xf32, #tpu.memory_space<vmem>>) dst(%dma_wait3A_580 : memref<10240x128xf32, #tpu.memory_space<vmem_shared>>)
      %dma_wait3A_581 = arith.constant 9 : i32
      %dma_wait3A_582 = arith.constant 0 : i32
      %dma_wait3A_583 = tpu.memref_slice %arg7[%dma_wait3A_581, %dma_wait3A_582] : memref<16x32xi32, #tpu.memory_space<vmem>> -> memref<1x32xi32, #tpu.memory_space<vmem>>
      %dma_wait3A_584 = tpu.memref_squeeze %dma_wait3A_583 : memref<1x32xi32, #tpu.memory_space<vmem>> -> memref<32xi32, #tpu.memory_space<vmem>>
      %dma_wait3A_585 = arith.constant 0 : i32
      %dma_wait3A_586 = arith.constant 0 : i32
      %dma_wait3A_587 = tpu.memref_slice %arg17[%dma_wait3A_585, %dma_wait3A_586] : memref<10240x128xf32, #tpu.memory_space<vmem_shared>> -> memref<10240x128xf32, #tpu.memory_space<vmem_shared>>
      tpu.wait_indirect_dma semaphore(%arg27 : memref<!tpu.dma_semaphore, #tpu.memory_space<semaphore_mem>>) src(%arg9 : memref<32x128xf32, #tpu.memory_space<vmem>>) dst(%dma_wait3A_587 : memref<10240x128xf32, #tpu.memory_space<vmem_shared>>)
      %dma_wait3A_588 = arith.constant 10 : i32
      %dma_wait3A_589 = arith.constant 0 : i32
      %dma_wait3A_590 = tpu.memref_slice %arg7[%dma_wait3A_588, %dma_wait3A_589] : memref<16x32xi32, #tpu.memory_space<vmem>> -> memref<1x32xi32, #tpu.memory_space<vmem>>
      %dma_wait3A_591 = tpu.memref_squeeze %dma_wait3A_590 : memref<1x32xi32, #tpu.memory_space<vmem>> -> memref<32xi32, #tpu.memory_space<vmem>>
      %dma_wait3A_592 = arith.constant 0 : i32
      %dma_wait3A_593 = arith.constant 0 : i32
      %dma_wait3A_594 = tpu.memref_slice %arg17[%dma_wait3A_592, %dma_wait3A_593] : memref<10240x128xf32, #tpu.memory_space<vmem_shared>> -> memref<10240x128xf32, #tpu.memory_space<vmem_shared>>
      tpu.wait_indirect_dma semaphore(%arg28 : memref<!tpu.dma_semaphore, #tpu.memory_space<semaphore_mem>>) src(%arg10 : memref<32x128xf32, #tpu.memory_space<vmem>>) dst(%dma_wait3A_594 : memref<10240x128xf32, #tpu.memory_space<vmem_shared>>)
      %dma_wait3A_595 = arith.constant 11 : i32
      %dma_wait3A_596 = arith.constant 0 : i32
      %dma_wait3A_597 = tpu.memref_slice %arg7[%dma_wait3A_595, %dma_wait3A_596] : memref<16x32xi32, #tpu.memory_space<vmem>> -> memref<1x32xi32, #tpu.memory_space<vmem>>
      %dma_wait3A_598 = tpu.memref_squeeze %dma_wait3A_597 : memref<1x32xi32, #tpu.memory_space<vmem>> -> memref<32xi32, #tpu.memory_space<vmem>>
      %dma_wait3A_599 = arith.constant 0 : i32
      %dma_wait3A_600 = arith.constant 0 : i32
      %dma_wait3A_601 = tpu.memref_slice %arg17[%dma_wait3A_599, %dma_wait3A_600] : memref<10240x128xf32, #tpu.memory_space<vmem_shared>> -> memref<10240x128xf32, #tpu.memory_space<vmem_shared>>
      tpu.wait_indirect_dma semaphore(%arg29 : memref<!tpu.dma_semaphore, #tpu.memory_space<semaphore_mem>>) src(%arg11 : memref<32x128xf32, #tpu.memory_space<vmem>>) dst(%dma_wait3A_601 : memref<10240x128xf32, #tpu.memory_space<vmem_shared>>)
      %dma_wait3A_602 = arith.constant 12 : i32
      %dma_wait3A_603 = arith.constant 0 : i32
      %dma_wait3A_604 = tpu.memref_slice %arg7[%dma_wait3A_602, %dma_wait3A_603] : memref<16x32xi32, #tpu.memory_space<vmem>> -> memref<1x32xi32, #tpu.memory_space<vmem>>
      %dma_wait3A_605 = tpu.memref_squeeze %dma_wait3A_604 : memref<1x32xi32, #tpu.memory_space<vmem>> -> memref<32xi32, #tpu.memory_space<vmem>>
      %dma_wait3A_606 = arith.constant 0 : i32
      %dma_wait3A_607 = arith.constant 0 : i32
      %dma_wait3A_608 = tpu.memref_slice %arg17[%dma_wait3A_606, %dma_wait3A_607] : memref<10240x128xf32, #tpu.memory_space<vmem_shared>> -> memref<10240x128xf32, #tpu.memory_space<vmem_shared>>
      tpu.wait_indirect_dma semaphore(%arg30 : memref<!tpu.dma_semaphore, #tpu.memory_space<semaphore_mem>>) src(%arg12 : memref<32x128xf32, #tpu.memory_space<vmem>>) dst(%dma_wait3A_608 : memref<10240x128xf32, #tpu.memory_space<vmem_shared>>)
      %dma_wait3A_609 = arith.constant 13 : i32
      %dma_wait3A_610 = arith.constant 0 : i32
      %dma_wait3A_611 = tpu.memref_slice %arg7[%dma_wait3A_609, %dma_wait3A_610] : memref<16x32xi32, #tpu.memory_space<vmem>> -> memref<1x32xi32, #tpu.memory_space<vmem>>
      %dma_wait3A_612 = tpu.memref_squeeze %dma_wait3A_611 : memref<1x32xi32, #tpu.memory_space<vmem>> -> memref<32xi32, #tpu.memory_space<vmem>>
      %dma_wait3A_613 = arith.constant 0 : i32
      %dma_wait3A_614 = arith.constant 0 : i32
      %dma_wait3A_615 = tpu.memref_slice %arg17[%dma_wait3A_613, %dma_wait3A_614] : memref<10240x128xf32, #tpu.memory_space<vmem_shared>> -> memref<10240x128xf32, #tpu.memory_space<vmem_shared>>
      tpu.wait_indirect_dma semaphore(%arg31 : memref<!tpu.dma_semaphore, #tpu.memory_space<semaphore_mem>>) src(%arg13 : memref<32x128xf32, #tpu.memory_space<vmem>>) dst(%dma_wait3A_615 : memref<10240x128xf32, #tpu.memory_space<vmem_shared>>)
      %dma_wait3A_616 = arith.constant 14 : i32
      %dma_wait3A_617 = arith.constant 0 : i32
      %dma_wait3A_618 = tpu.memref_slice %arg7[%dma_wait3A_616, %dma_wait3A_617] : memref<16x32xi32, #tpu.memory_space<vmem>> -> memref<1x32xi32, #tpu.memory_space<vmem>>
      %dma_wait3A_619 = tpu.memref_squeeze %dma_wait3A_618 : memref<1x32xi32, #tpu.memory_space<vmem>> -> memref<32xi32, #tpu.memory_space<vmem>>
      %dma_wait3A_620 = arith.constant 0 : i32
      %dma_wait3A_621 = arith.constant 0 : i32
      %dma_wait3A_622 = tpu.memref_slice %arg17[%dma_wait3A_620, %dma_wait3A_621] : memref<10240x128xf32, #tpu.memory_space<vmem_shared>> -> memref<10240x128xf32, #tpu.memory_space<vmem_shared>>
      tpu.wait_indirect_dma semaphore(%arg32 : memref<!tpu.dma_semaphore, #tpu.memory_space<semaphore_mem>>) src(%arg14 : memref<32x128xf32, #tpu.memory_space<vmem>>) dst(%dma_wait3A_622 : memref<10240x128xf32, #tpu.memory_space<vmem_shared>>)
      %dma_wait3A_623 = arith.constant 15 : i32
      %dma_wait3A_624 = arith.constant 0 : i32
      %dma_wait3A_625 = tpu.memref_slice %arg7[%dma_wait3A_623, %dma_wait3A_624] : memref<16x32xi32, #tpu.memory_space<vmem>> -> memref<1x32xi32, #tpu.memory_space<vmem>>
      %dma_wait3A_626 = tpu.memref_squeeze %dma_wait3A_625 : memref<1x32xi32, #tpu.memory_space<vmem>> -> memref<32xi32, #tpu.memory_space<vmem>>
      %dma_wait3A_627 = arith.constant 0 : i32
      %dma_wait3A_628 = arith.constant 0 : i32
      %dma_wait3A_629 = tpu.memref_slice %arg17[%dma_wait3A_627, %dma_wait3A_628] : memref<10240x128xf32, #tpu.memory_space<vmem_shared>> -> memref<10240x128xf32, #tpu.memory_space<vmem_shared>>
      tpu.wait_indirect_dma semaphore(%arg33 : memref<!tpu.dma_semaphore, #tpu.memory_space<semaphore_mem>>) src(%arg15 : memref<32x128xf32, #tpu.memory_space<vmem>>) dst(%dma_wait3A_629 : memref<10240x128xf32, #tpu.memory_space<vmem_shared>>)
      %scan3A_630 = arith.constant 0 : i32
      scf.yield %scan3A_630 : i32
    }
    %scan3A_116 = arith.constant 20 : i32
    %barrier3A_117 = arith.constant 0 : index
    tpu.barrier barrier_id(%barrier3A_117)
    %mul3A_118 = arith.constant 640 : i32
    %mul3A_119 = arith.muli %arg1, %mul3A_118 : i32
    %add3A_120 = arith.constant 0 : i32
    %add3A_121 = arith.addi %mul3A_119, %add3A_120 : i32
    %add3A_122 = arith.constant 0 : i32
    %add3A_123 = arith.addi %mul3A_119, %add3A_122 : i32
    %dma_start3A_124 = arith.constant 0 : i32
    %dma_start3A_125 = tpu.memref_slice %arg5[%arg0, %add3A_123, %dma_start3A_124] : memref<2x10240x128xf32, #tpu.memory_space<hbm>> -> memref<1x160x128xf32, #tpu.memory_space<hbm>>
    %dma_start3A_126 = tpu.memref_squeeze %dma_start3A_125 : memref<1x160x128xf32, #tpu.memory_space<hbm>> -> memref<160x128xf32, #tpu.memory_space<hbm>>
    %dma_start3A_127 = arith.constant 0 : i32
    %dma_start3A_128 = tpu.memref_slice %arg17[%add3A_121, %dma_start3A_127] : memref<10240x128xf32, #tpu.memory_space<vmem_shared>> -> memref<160x128xf32, #tpu.memory_space<vmem_shared>>
    tpu.enqueue_dma source(%dma_start3A_128 : memref<160x128xf32, #tpu.memory_space<vmem_shared>>) target(%dma_start3A_126 : memref<160x128xf32, #tpu.memory_space<hbm>>) target_semaphore(%arg34 : memref<!tpu.dma_semaphore, #tpu.memory_space<semaphore_mem>>)
    %add3A_129 = arith.constant 160 : i32
    %add3A_130 = arith.addi %mul3A_119, %add3A_129 : i32
    %add3A_131 = arith.constant 160 : i32
    %add3A_132 = arith.addi %mul3A_119, %add3A_131 : i32
    %dma_start3A_133 = arith.constant 0 : i32
    %dma_start3A_134 = tpu.memref_slice %arg5[%arg0, %add3A_132, %dma_start3A_133] : memref<2x10240x128xf32, #tpu.memory_space<hbm>> -> memref<1x160x128xf32, #tpu.memory_space<hbm>>
    %dma_start3A_135 = tpu.memref_squeeze %dma_start3A_134 : memref<1x160x128xf32, #tpu.memory_space<hbm>> -> memref<160x128xf32, #tpu.memory_space<hbm>>
    %dma_start3A_136 = arith.constant 0 : i32
    %dma_start3A_137 = tpu.memref_slice %arg17[%add3A_130, %dma_start3A_136] : memref<10240x128xf32, #tpu.memory_space<vmem_shared>> -> memref<160x128xf32, #tpu.memory_space<vmem_shared>>
    tpu.enqueue_dma source(%dma_start3A_137 : memref<160x128xf32, #tpu.memory_space<vmem_shared>>) target(%dma_start3A_135 : memref<160x128xf32, #tpu.memory_space<hbm>>) target_semaphore(%arg34 : memref<!tpu.dma_semaphore, #tpu.memory_space<semaphore_mem>>)
    %add3A_138 = arith.constant 320 : i32
    %add3A_139 = arith.addi %mul3A_119, %add3A_138 : i32
    %add3A_140 = arith.constant 320 : i32
    %add3A_141 = arith.addi %mul3A_119, %add3A_140 : i32
    %dma_start3A_142 = arith.constant 0 : i32
    %dma_start3A_143 = tpu.memref_slice %arg5[%arg0, %add3A_141, %dma_start3A_142] : memref<2x10240x128xf32, #tpu.memory_space<hbm>> -> memref<1x160x128xf32, #tpu.memory_space<hbm>>
    %dma_start3A_144 = tpu.memref_squeeze %dma_start3A_143 : memref<1x160x128xf32, #tpu.memory_space<hbm>> -> memref<160x128xf32, #tpu.memory_space<hbm>>
    %dma_start3A_145 = arith.constant 0 : i32
    %dma_start3A_146 = tpu.memref_slice %arg17[%add3A_139, %dma_start3A_145] : memref<10240x128xf32, #tpu.memory_space<vmem_shared>> -> memref<160x128xf32, #tpu.memory_space<vmem_shared>>
    tpu.enqueue_dma source(%dma_start3A_146 : memref<160x128xf32, #tpu.memory_space<vmem_shared>>) target(%dma_start3A_144 : memref<160x128xf32, #tpu.memory_space<hbm>>) target_semaphore(%arg34 : memref<!tpu.dma_semaphore, #tpu.memory_space<semaphore_mem>>)
    %add3A_147 = arith.constant 480 : i32
    %add3A_148 = arith.addi %mul3A_119, %add3A_147 : i32
    %add3A_149 = arith.constant 480 : i32
    %add3A_150 = arith.addi %mul3A_119, %add3A_149 : i32
    %dma_start3A_151 = arith.constant 0 : i32
    %dma_start3A_152 = tpu.memref_slice %arg5[%arg0, %add3A_150, %dma_start3A_151] : memref<2x10240x128xf32, #tpu.memory_space<hbm>> -> memref<1x160x128xf32, #tpu.memory_space<hbm>>
    %dma_start3A_153 = tpu.memref_squeeze %dma_start3A_152 : memref<1x160x128xf32, #tpu.memory_space<hbm>> -> memref<160x128xf32, #tpu.memory_space<hbm>>
    %dma_start3A_154 = arith.constant 0 : i32
    %dma_start3A_155 = tpu.memref_slice %arg17[%add3A_148, %dma_start3A_154] : memref<10240x128xf32, #tpu.memory_space<vmem_shared>> -> memref<160x128xf32, #tpu.memory_space<vmem_shared>>
    tpu.enqueue_dma source(%dma_start3A_155 : memref<160x128xf32, #tpu.memory_space<vmem_shared>>) target(%dma_start3A_153 : memref<160x128xf32, #tpu.memory_space<hbm>>) target_semaphore(%arg34 : memref<!tpu.dma_semaphore, #tpu.memory_space<semaphore_mem>>)
    %dma_wait3A_156 = arith.constant 0 : i32
    %dma_wait3A_157 = tpu.memref_slice %arg5[%arg0, %add3A_123, %dma_wait3A_156] : memref<2x10240x128xf32, #tpu.memory_space<hbm>> -> memref<1x160x128xf32, #tpu.memory_space<hbm>>
    %dma_wait3A_158 = tpu.memref_squeeze %dma_wait3A_157 : memref<1x160x128xf32, #tpu.memory_space<hbm>> -> memref<160x128xf32, #tpu.memory_space<hbm>>
    %dma_wait3A_159 = arith.constant 0 : i32
    %dma_wait3A_160 = tpu.memref_slice %arg17[%add3A_121, %dma_wait3A_159] : memref<10240x128xf32, #tpu.memory_space<vmem_shared>> -> memref<160x128xf32, #tpu.memory_space<vmem_shared>>
    tpu.wait_dma2 semaphore(%arg34 : memref<!tpu.dma_semaphore, #tpu.memory_space<semaphore_mem>>) src(%dma_wait3A_160 : memref<160x128xf32, #tpu.memory_space<vmem_shared>>) dst(%dma_wait3A_158 : memref<160x128xf32, #tpu.memory_space<hbm>>)
    %dma_wait3A_161 = arith.constant 0 : i32
    %dma_wait3A_162 = tpu.memref_slice %arg5[%arg0, %add3A_132, %dma_wait3A_161] : memref<2x10240x128xf32, #tpu.memory_space<hbm>> -> memref<1x160x128xf32, #tpu.memory_space<hbm>>
    %dma_wait3A_163 = tpu.memref_squeeze %dma_wait3A_162 : memref<1x160x128xf32, #tpu.memory_space<hbm>> -> memref<160x128xf32, #tpu.memory_space<hbm>>
    %dma_wait3A_164 = arith.constant 0 : i32
    %dma_wait3A_165 = tpu.memref_slice %arg17[%add3A_130, %dma_wait3A_164] : memref<10240x128xf32, #tpu.memory_space<vmem_shared>> -> memref<160x128xf32, #tpu.memory_space<vmem_shared>>
    tpu.wait_dma2 semaphore(%arg34 : memref<!tpu.dma_semaphore, #tpu.memory_space<semaphore_mem>>) src(%dma_wait3A_165 : memref<160x128xf32, #tpu.memory_space<vmem_shared>>) dst(%dma_wait3A_163 : memref<160x128xf32, #tpu.memory_space<hbm>>)
    %dma_wait3A_166 = arith.constant 0 : i32
    %dma_wait3A_167 = tpu.memref_slice %arg5[%arg0, %add3A_141, %dma_wait3A_166] : memref<2x10240x128xf32, #tpu.memory_space<hbm>> -> memref<1x160x128xf32, #tpu.memory_space<hbm>>
    %dma_wait3A_168 = tpu.memref_squeeze %dma_wait3A_167 : memref<1x160x128xf32, #tpu.memory_space<hbm>> -> memref<160x128xf32, #tpu.memory_space<hbm>>
    %dma_wait3A_169 = arith.constant 0 : i32
    %dma_wait3A_170 = tpu.memref_slice %arg17[%add3A_139, %dma_wait3A_169] : memref<10240x128xf32, #tpu.memory_space<vmem_shared>> -> memref<160x128xf32, #tpu.memory_space<vmem_shared>>
    tpu.wait_dma2 semaphore(%arg34 : memref<!tpu.dma_semaphore, #tpu.memory_space<semaphore_mem>>) src(%dma_wait3A_170 : memref<160x128xf32, #tpu.memory_space<vmem_shared>>) dst(%dma_wait3A_168 : memref<160x128xf32, #tpu.memory_space<hbm>>)
    %dma_wait3A_171 = arith.constant 0 : i32
    %dma_wait3A_172 = tpu.memref_slice %arg5[%arg0, %add3A_150, %dma_wait3A_171] : memref<2x10240x128xf32, #tpu.memory_space<hbm>> -> memref<1x160x128xf32, #tpu.memory_space<hbm>>
    %dma_wait3A_173 = tpu.memref_squeeze %dma_wait3A_172 : memref<1x160x128xf32, #tpu.memory_space<hbm>> -> memref<160x128xf32, #tpu.memory_space<hbm>>
    %dma_wait3A_174 = arith.constant 0 : i32
    %dma_wait3A_175 = tpu.memref_slice %arg17[%add3A_148, %dma_wait3A_174] : memref<10240x128xf32, #tpu.memory_space<vmem_shared>> -> memref<160x128xf32, #tpu.memory_space<vmem_shared>>
    tpu.wait_dma2 semaphore(%arg34 : memref<!tpu.dma_semaphore, #tpu.memory_space<semaphore_mem>>) src(%dma_wait3A_175 : memref<160x128xf32, #tpu.memory_space<vmem_shared>>) dst(%dma_wait3A_173 : memref<160x128xf32, #tpu.memory_space<hbm>>)
    return
  }
}

#map = affine_map<(d0, d1) -> (0, 0, 0)>
module attributes {stable_mosaic.version = 14 : i64} {
  func.func @_deg_body(%arg0: i32, %arg1: i32, %arg2: memref<32x320x32xi32, #tpu.memory_space<hbm>>, %arg3: memref<2x10240x16xf32, #tpu.memory_space<hbm>>, %arg4: memref<16x32xi32, #tpu.memory_space<vmem>>, %arg5: memref<32x16xf32, #tpu.memory_space<vmem>>, %arg6: memref<64x16xf32, #tpu.memory_space<vmem>>, %arg7: memref<10240x16xf32, #tpu.memory_space<vmem_shared>>, %arg8: memref<!tpu.dma_semaphore, #tpu.memory_space<semaphore_mem>>, %arg9: memref<!tpu.dma_semaphore, #tpu.memory_space<semaphore_mem>>) attributes {dimension_semantics = [#tpu.dimension_semantics<core_parallel>, #tpu.dimension_semantics<subcore_parallel>], iteration_bounds = array<i64: 2, 16>, scalar_prefetch = 0 : i64, scratch_operands = 6 : i64, tpu.core_type = #tpu.core_type<sc_vector_subcore>, window_params = [{transform_indices = #map}, {transform_indices = #map}]} {
    %mul3A = arith.constant 16 : i32
    %mul3A_0 = arith.muli %arg0, %mul3A : i32
    %add3A = arith.addi %mul3A_0, %arg1 : i32
    %broadcast_in_dim3A = arith.constant 1.000000e+00 : f32
    %broadcast_in_dim3A_1 = vector.broadcast %broadcast_in_dim3A : f32 to vector<16xf32>
    %scan3A = arith.constant 0 : i32
    %scan3A_2 = arith.constant 0 : i32
    %scan3A_3 = arith.constant 32 : i32
    %scan3A_4 = arith.addi %scan3A_2, %scan3A_3 : i32
    %scan3A_5 = arith.constant 1 : i32
    %scan3A_6 = scf.for %scan3A_183 = %scan3A_2 to %scan3A_4 step %scan3A_5 iter_args(%scan3A_184 = %scan3A) -> (i32)  : i32 {
      %swap3A = arith.index_cast %scan3A_183 : i32 to index
      %swap3A_185 = arith.constant 0 : index
      %swap3A_186 = tpu.vector_load %arg5[%swap3A, %swap3A_185] {strides = array<i32>} : memref<32x16xf32, #tpu.memory_space<vmem>>, vector<1x16xf32>,
      %swap3A_187 = vector.shape_cast %swap3A_186 : vector<1x16xf32> to vector<16xf32>
      %swap3A_188 = vector.shape_cast %broadcast_in_dim3A_1 : vector<16xf32> to vector<1x16xf32>
      tpu.vector_store %arg5[%swap3A, %swap3A_185], %swap3A_188 {strides = array<i32>} : memref<32x16xf32, #tpu.memory_space<vmem>>, vector<1x16xf32>,
      %scan3A_189 = arith.constant 0 : i32
      scf.yield %scan3A_189 : i32
    }
    %scan3A_7 = arith.constant 32 : i32
    %broadcast_in_dim3A_8 = arith.constant 0.000000e+00 : f32
    %broadcast_in_dim3A_9 = vector.broadcast %broadcast_in_dim3A_8 : f32 to vector<16xf32>
    %scan3A_10 = arith.constant 0 : i32
    %scan3A_11 = arith.constant 0 : i32
    %scan3A_12 = arith.constant 64 : i32
    %scan3A_13 = arith.addi %scan3A_11, %scan3A_12 : i32
    %scan3A_14 = arith.constant 1 : i32
    %scan3A_15 = scf.for %scan3A_183 = %scan3A_11 to %scan3A_13 step %scan3A_14 iter_args(%scan3A_184 = %scan3A_10) -> (i32)  : i32 {
      %swap3A = arith.index_cast %scan3A_183 : i32 to index
      %swap3A_185 = arith.constant 0 : index
      %swap3A_186 = tpu.vector_load %arg6[%swap3A, %swap3A_185] {strides = array<i32>} : memref<64x16xf32, #tpu.memory_space<vmem>>, vector<1x16xf32>,
      %swap3A_187 = vector.shape_cast %swap3A_186 : vector<1x16xf32> to vector<16xf32>
      %swap3A_188 = vector.shape_cast %broadcast_in_dim3A_9 : vector<16xf32> to vector<1x16xf32>
      tpu.vector_store %arg6[%swap3A, %swap3A_185], %swap3A_188 {strides = array<i32>} : memref<64x16xf32, #tpu.memory_space<vmem>>, vector<1x16xf32>,
      %scan3A_189 = arith.constant 0 : i32
      scf.yield %scan3A_189 : i32
    }
    %scan3A_16 = arith.constant 64 : i32
    %mul3A_17 = arith.constant 640 : i32
    %mul3A_18 = arith.muli %arg1, %mul3A_17 : i32
    %add3A_19 = arith.constant 0 : i32
    %add3A_20 = arith.addi %mul3A_18, %add3A_19 : i32
    %dma_start3A = arith.constant 0 : i32
    %dma_start3A_21 = tpu.memref_slice %arg7[%add3A_20, %dma_start3A] : memref<10240x16xf32, #tpu.memory_space<vmem_shared>> -> memref<64x16xf32, #tpu.memory_space<vmem_shared>>
    %dma_start3A_22 = arith.constant 0 : i32
    %dma_start3A_23 = tpu.memref_slice %arg7[%add3A_20, %dma_start3A_22] : memref<10240x16xf32, #tpu.memory_space<vmem_shared>> -> memref<64x16xf32, #tpu.memory_space<vmem_shared>>
    tpu.enqueue_dma source(%arg6 : memref<64x16xf32, #tpu.memory_space<vmem>>) target(%dma_start3A_23 : memref<64x16xf32, #tpu.memory_space<vmem_shared>>) target_semaphore(%arg8 : memref<!tpu.dma_semaphore, #tpu.memory_space<semaphore_mem>>)
    %add3A_24 = arith.constant 64 : i32
    %add3A_25 = arith.addi %mul3A_18, %add3A_24 : i32
    %dma_start3A_26 = arith.constant 0 : i32
    %dma_start3A_27 = tpu.memref_slice %arg7[%add3A_25, %dma_start3A_26] : memref<10240x16xf32, #tpu.memory_space<vmem_shared>> -> memref<64x16xf32, #tpu.memory_space<vmem_shared>>
    %dma_start3A_28 = arith.constant 0 : i32
    %dma_start3A_29 = tpu.memref_slice %arg7[%add3A_25, %dma_start3A_28] : memref<10240x16xf32, #tpu.memory_space<vmem_shared>> -> memref<64x16xf32, #tpu.memory_space<vmem_shared>>
    tpu.enqueue_dma source(%arg6 : memref<64x16xf32, #tpu.memory_space<vmem>>) target(%dma_start3A_29 : memref<64x16xf32, #tpu.memory_space<vmem_shared>>) target_semaphore(%arg8 : memref<!tpu.dma_semaphore, #tpu.memory_space<semaphore_mem>>)
    %add3A_30 = arith.constant 128 : i32
    %add3A_31 = arith.addi %mul3A_18, %add3A_30 : i32
    %dma_start3A_32 = arith.constant 0 : i32
    %dma_start3A_33 = tpu.memref_slice %arg7[%add3A_31, %dma_start3A_32] : memref<10240x16xf32, #tpu.memory_space<vmem_shared>> -> memref<64x16xf32, #tpu.memory_space<vmem_shared>>
    %dma_start3A_34 = arith.constant 0 : i32
    %dma_start3A_35 = tpu.memref_slice %arg7[%add3A_31, %dma_start3A_34] : memref<10240x16xf32, #tpu.memory_space<vmem_shared>> -> memref<64x16xf32, #tpu.memory_space<vmem_shared>>
    tpu.enqueue_dma source(%arg6 : memref<64x16xf32, #tpu.memory_space<vmem>>) target(%dma_start3A_35 : memref<64x16xf32, #tpu.memory_space<vmem_shared>>) target_semaphore(%arg8 : memref<!tpu.dma_semaphore, #tpu.memory_space<semaphore_mem>>)
    %add3A_36 = arith.constant 192 : i32
    %add3A_37 = arith.addi %mul3A_18, %add3A_36 : i32
    %dma_start3A_38 = arith.constant 0 : i32
    %dma_start3A_39 = tpu.memref_slice %arg7[%add3A_37, %dma_start3A_38] : memref<10240x16xf32, #tpu.memory_space<vmem_shared>> -> memref<64x16xf32, #tpu.memory_space<vmem_shared>>
    %dma_start3A_40 = arith.constant 0 : i32
    %dma_start3A_41 = tpu.memref_slice %arg7[%add3A_37, %dma_start3A_40] : memref<10240x16xf32, #tpu.memory_space<vmem_shared>> -> memref<64x16xf32, #tpu.memory_space<vmem_shared>>
    tpu.enqueue_dma source(%arg6 : memref<64x16xf32, #tpu.memory_space<vmem>>) target(%dma_start3A_41 : memref<64x16xf32, #tpu.memory_space<vmem_shared>>) target_semaphore(%arg8 : memref<!tpu.dma_semaphore, #tpu.memory_space<semaphore_mem>>)
    %add3A_42 = arith.constant 256 : i32
    %add3A_43 = arith.addi %mul3A_18, %add3A_42 : i32
    %dma_start3A_44 = arith.constant 0 : i32
    %dma_start3A_45 = tpu.memref_slice %arg7[%add3A_43, %dma_start3A_44] : memref<10240x16xf32, #tpu.memory_space<vmem_shared>> -> memref<64x16xf32, #tpu.memory_space<vmem_shared>>
    %dma_start3A_46 = arith.constant 0 : i32
    %dma_start3A_47 = tpu.memref_slice %arg7[%add3A_43, %dma_start3A_46] : memref<10240x16xf32, #tpu.memory_space<vmem_shared>> -> memref<64x16xf32, #tpu.memory_space<vmem_shared>>
    tpu.enqueue_dma source(%arg6 : memref<64x16xf32, #tpu.memory_space<vmem>>) target(%dma_start3A_47 : memref<64x16xf32, #tpu.memory_space<vmem_shared>>) target_semaphore(%arg8 : memref<!tpu.dma_semaphore, #tpu.memory_space<semaphore_mem>>)
    %add3A_48 = arith.constant 320 : i32
    %add3A_49 = arith.addi %mul3A_18, %add3A_48 : i32
    %dma_start3A_50 = arith.constant 0 : i32
    %dma_start3A_51 = tpu.memref_slice %arg7[%add3A_49, %dma_start3A_50] : memref<10240x16xf32, #tpu.memory_space<vmem_shared>> -> memref<64x16xf32, #tpu.memory_space<vmem_shared>>
    %dma_start3A_52 = arith.constant 0 : i32
    %dma_start3A_53 = tpu.memref_slice %arg7[%add3A_49, %dma_start3A_52] : memref<10240x16xf32, #tpu.memory_space<vmem_shared>> -> memref<64x16xf32, #tpu.memory_space<vmem_shared>>
    tpu.enqueue_dma source(%arg6 : memref<64x16xf32, #tpu.memory_space<vmem>>) target(%dma_start3A_53 : memref<64x16xf32, #tpu.memory_space<vmem_shared>>) target_semaphore(%arg8 : memref<!tpu.dma_semaphore, #tpu.memory_space<semaphore_mem>>)
    %add3A_54 = arith.constant 384 : i32
    %add3A_55 = arith.addi %mul3A_18, %add3A_54 : i32
    %dma_start3A_56 = arith.constant 0 : i32
    %dma_start3A_57 = tpu.memref_slice %arg7[%add3A_55, %dma_start3A_56] : memref<10240x16xf32, #tpu.memory_space<vmem_shared>> -> memref<64x16xf32, #tpu.memory_space<vmem_shared>>
    %dma_start3A_58 = arith.constant 0 : i32
    %dma_start3A_59 = tpu.memref_slice %arg7[%add3A_55, %dma_start3A_58] : memref<10240x16xf32, #tpu.memory_space<vmem_shared>> -> memref<64x16xf32, #tpu.memory_space<vmem_shared>>
    tpu.enqueue_dma source(%arg6 : memref<64x16xf32, #tpu.memory_space<vmem>>) target(%dma_start3A_59 : memref<64x16xf32, #tpu.memory_space<vmem_shared>>) target_semaphore(%arg8 : memref<!tpu.dma_semaphore, #tpu.memory_space<semaphore_mem>>)
    %add3A_60 = arith.constant 448 : i32
    %add3A_61 = arith.addi %mul3A_18, %add3A_60 : i32
    %dma_start3A_62 = arith.constant 0 : i32
    %dma_start3A_63 = tpu.memref_slice %arg7[%add3A_61, %dma_start3A_62] : memref<10240x16xf32, #tpu.memory_space<vmem_shared>> -> memref<64x16xf32, #tpu.memory_space<vmem_shared>>
    %dma_start3A_64 = arith.constant 0 : i32
    %dma_start3A_65 = tpu.memref_slice %arg7[%add3A_61, %dma_start3A_64] : memref<10240x16xf32, #tpu.memory_space<vmem_shared>> -> memref<64x16xf32, #tpu.memory_space<vmem_shared>>
    tpu.enqueue_dma source(%arg6 : memref<64x16xf32, #tpu.memory_space<vmem>>) target(%dma_start3A_65 : memref<64x16xf32, #tpu.memory_space<vmem_shared>>) target_semaphore(%arg8 : memref<!tpu.dma_semaphore, #tpu.memory_space<semaphore_mem>>)
    %add3A_66 = arith.constant 512 : i32
    %add3A_67 = arith.addi %mul3A_18, %add3A_66 : i32
    %dma_start3A_68 = arith.constant 0 : i32
    %dma_start3A_69 = tpu.memref_slice %arg7[%add3A_67, %dma_start3A_68] : memref<10240x16xf32, #tpu.memory_space<vmem_shared>> -> memref<64x16xf32, #tpu.memory_space<vmem_shared>>
    %dma_start3A_70 = arith.constant 0 : i32
    %dma_start3A_71 = tpu.memref_slice %arg7[%add3A_67, %dma_start3A_70] : memref<10240x16xf32, #tpu.memory_space<vmem_shared>> -> memref<64x16xf32, #tpu.memory_space<vmem_shared>>
    tpu.enqueue_dma source(%arg6 : memref<64x16xf32, #tpu.memory_space<vmem>>) target(%dma_start3A_71 : memref<64x16xf32, #tpu.memory_space<vmem_shared>>) target_semaphore(%arg8 : memref<!tpu.dma_semaphore, #tpu.memory_space<semaphore_mem>>)
    %add3A_72 = arith.constant 576 : i32
    %add3A_73 = arith.addi %mul3A_18, %add3A_72 : i32
    %dma_start3A_74 = arith.constant 0 : i32
    %dma_start3A_75 = tpu.memref_slice %arg7[%add3A_73, %dma_start3A_74] : memref<10240x16xf32, #tpu.memory_space<vmem_shared>> -> memref<64x16xf32, #tpu.memory_space<vmem_shared>>
    %dma_start3A_76 = arith.constant 0 : i32
    %dma_start3A_77 = tpu.memref_slice %arg7[%add3A_73, %dma_start3A_76] : memref<10240x16xf32, #tpu.memory_space<vmem_shared>> -> memref<64x16xf32, #tpu.memory_space<vmem_shared>>
    tpu.enqueue_dma source(%arg6 : memref<64x16xf32, #tpu.memory_space<vmem>>) target(%dma_start3A_77 : memref<64x16xf32, #tpu.memory_space<vmem_shared>>) target_semaphore(%arg8 : memref<!tpu.dma_semaphore, #tpu.memory_space<semaphore_mem>>)
    %dma_wait3A = arith.constant 0 : i32
    %dma_wait3A_78 = tpu.memref_slice %arg7[%add3A_20, %dma_wait3A] : memref<10240x16xf32, #tpu.memory_space<vmem_shared>> -> memref<64x16xf32, #tpu.memory_space<vmem_shared>>
    %dma_wait3A_79 = arith.constant 0 : i32
    %dma_wait3A_80 = tpu.memref_slice %arg7[%add3A_20, %dma_wait3A_79] : memref<10240x16xf32, #tpu.memory_space<vmem_shared>> -> memref<64x16xf32, #tpu.memory_space<vmem_shared>>
    tpu.wait_dma2 semaphore(%arg8 : memref<!tpu.dma_semaphore, #tpu.memory_space<semaphore_mem>>) src(%arg6 : memref<64x16xf32, #tpu.memory_space<vmem>>) dst(%dma_wait3A_80 : memref<64x16xf32, #tpu.memory_space<vmem_shared>>)
    %dma_wait3A_81 = arith.constant 0 : i32
    %dma_wait3A_82 = tpu.memref_slice %arg7[%add3A_25, %dma_wait3A_81] : memref<10240x16xf32, #tpu.memory_space<vmem_shared>> -> memref<64x16xf32, #tpu.memory_space<vmem_shared>>
    %dma_wait3A_83 = arith.constant 0 : i32
    %dma_wait3A_84 = tpu.memref_slice %arg7[%add3A_25, %dma_wait3A_83] : memref<10240x16xf32, #tpu.memory_space<vmem_shared>> -> memref<64x16xf32, #tpu.memory_space<vmem_shared>>
    tpu.wait_dma2 semaphore(%arg8 : memref<!tpu.dma_semaphore, #tpu.memory_space<semaphore_mem>>) src(%arg6 : memref<64x16xf32, #tpu.memory_space<vmem>>) dst(%dma_wait3A_84 : memref<64x16xf32, #tpu.memory_space<vmem_shared>>)
    %dma_wait3A_85 = arith.constant 0 : i32
    %dma_wait3A_86 = tpu.memref_slice %arg7[%add3A_31, %dma_wait3A_85] : memref<10240x16xf32, #tpu.memory_space<vmem_shared>> -> memref<64x16xf32, #tpu.memory_space<vmem_shared>>
    %dma_wait3A_87 = arith.constant 0 : i32
    %dma_wait3A_88 = tpu.memref_slice %arg7[%add3A_31, %dma_wait3A_87] : memref<10240x16xf32, #tpu.memory_space<vmem_shared>> -> memref<64x16xf32, #tpu.memory_space<vmem_shared>>
    tpu.wait_dma2 semaphore(%arg8 : memref<!tpu.dma_semaphore, #tpu.memory_space<semaphore_mem>>) src(%arg6 : memref<64x16xf32, #tpu.memory_space<vmem>>) dst(%dma_wait3A_88 : memref<64x16xf32, #tpu.memory_space<vmem_shared>>)
    %dma_wait3A_89 = arith.constant 0 : i32
    %dma_wait3A_90 = tpu.memref_slice %arg7[%add3A_37, %dma_wait3A_89] : memref<10240x16xf32, #tpu.memory_space<vmem_shared>> -> memref<64x16xf32, #tpu.memory_space<vmem_shared>>
    %dma_wait3A_91 = arith.constant 0 : i32
    %dma_wait3A_92 = tpu.memref_slice %arg7[%add3A_37, %dma_wait3A_91] : memref<10240x16xf32, #tpu.memory_space<vmem_shared>> -> memref<64x16xf32, #tpu.memory_space<vmem_shared>>
    tpu.wait_dma2 semaphore(%arg8 : memref<!tpu.dma_semaphore, #tpu.memory_space<semaphore_mem>>) src(%arg6 : memref<64x16xf32, #tpu.memory_space<vmem>>) dst(%dma_wait3A_92 : memref<64x16xf32, #tpu.memory_space<vmem_shared>>)
    %dma_wait3A_93 = arith.constant 0 : i32
    %dma_wait3A_94 = tpu.memref_slice %arg7[%add3A_43, %dma_wait3A_93] : memref<10240x16xf32, #tpu.memory_space<vmem_shared>> -> memref<64x16xf32, #tpu.memory_space<vmem_shared>>
    %dma_wait3A_95 = arith.constant 0 : i32
    %dma_wait3A_96 = tpu.memref_slice %arg7[%add3A_43, %dma_wait3A_95] : memref<10240x16xf32, #tpu.memory_space<vmem_shared>> -> memref<64x16xf32, #tpu.memory_space<vmem_shared>>
    tpu.wait_dma2 semaphore(%arg8 : memref<!tpu.dma_semaphore, #tpu.memory_space<semaphore_mem>>) src(%arg6 : memref<64x16xf32, #tpu.memory_space<vmem>>) dst(%dma_wait3A_96 : memref<64x16xf32, #tpu.memory_space<vmem_shared>>)
    %dma_wait3A_97 = arith.constant 0 : i32
    %dma_wait3A_98 = tpu.memref_slice %arg7[%add3A_49, %dma_wait3A_97] : memref<10240x16xf32, #tpu.memory_space<vmem_shared>> -> memref<64x16xf32, #tpu.memory_space<vmem_shared>>
    %dma_wait3A_99 = arith.constant 0 : i32
    %dma_wait3A_100 = tpu.memref_slice %arg7[%add3A_49, %dma_wait3A_99] : memref<10240x16xf32, #tpu.memory_space<vmem_shared>> -> memref<64x16xf32, #tpu.memory_space<vmem_shared>>
    tpu.wait_dma2 semaphore(%arg8 : memref<!tpu.dma_semaphore, #tpu.memory_space<semaphore_mem>>) src(%arg6 : memref<64x16xf32, #tpu.memory_space<vmem>>) dst(%dma_wait3A_100 : memref<64x16xf32, #tpu.memory_space<vmem_shared>>)
    %dma_wait3A_101 = arith.constant 0 : i32
    %dma_wait3A_102 = tpu.memref_slice %arg7[%add3A_55, %dma_wait3A_101] : memref<10240x16xf32, #tpu.memory_space<vmem_shared>> -> memref<64x16xf32, #tpu.memory_space<vmem_shared>>
    %dma_wait3A_103 = arith.constant 0 : i32
    %dma_wait3A_104 = tpu.memref_slice %arg7[%add3A_55, %dma_wait3A_103] : memref<10240x16xf32, #tpu.memory_space<vmem_shared>> -> memref<64x16xf32, #tpu.memory_space<vmem_shared>>
    tpu.wait_dma2 semaphore(%arg8 : memref<!tpu.dma_semaphore, #tpu.memory_space<semaphore_mem>>) src(%arg6 : memref<64x16xf32, #tpu.memory_space<vmem>>) dst(%dma_wait3A_104 : memref<64x16xf32, #tpu.memory_space<vmem_shared>>)
    %dma_wait3A_105 = arith.constant 0 : i32
    %dma_wait3A_106 = tpu.memref_slice %arg7[%add3A_61, %dma_wait3A_105] : memref<10240x16xf32, #tpu.memory_space<vmem_shared>> -> memref<64x16xf32, #tpu.memory_space<vmem_shared>>
    %dma_wait3A_107 = arith.constant 0 : i32
    %dma_wait3A_108 = tpu.memref_slice %arg7[%add3A_61, %dma_wait3A_107] : memref<10240x16xf32, #tpu.memory_space<vmem_shared>> -> memref<64x16xf32, #tpu.memory_space<vmem_shared>>
    tpu.wait_dma2 semaphore(%arg8 : memref<!tpu.dma_semaphore, #tpu.memory_space<semaphore_mem>>) src(%arg6 : memref<64x16xf32, #tpu.memory_space<vmem>>) dst(%dma_wait3A_108 : memref<64x16xf32, #tpu.memory_space<vmem_shared>>)
    %dma_wait3A_109 = arith.constant 0 : i32
    %dma_wait3A_110 = tpu.memref_slice %arg7[%add3A_67, %dma_wait3A_109] : memref<10240x16xf32, #tpu.memory_space<vmem_shared>> -> memref<64x16xf32, #tpu.memory_space<vmem_shared>>
    %dma_wait3A_111 = arith.constant 0 : i32
    %dma_wait3A_112 = tpu.memref_slice %arg7[%add3A_67, %dma_wait3A_111] : memref<10240x16xf32, #tpu.memory_space<vmem_shared>> -> memref<64x16xf32, #tpu.memory_space<vmem_shared>>
    tpu.wait_dma2 semaphore(%arg8 : memref<!tpu.dma_semaphore, #tpu.memory_space<semaphore_mem>>) src(%arg6 : memref<64x16xf32, #tpu.memory_space<vmem>>) dst(%dma_wait3A_112 : memref<64x16xf32, #tpu.memory_space<vmem_shared>>)
    %dma_wait3A_113 = arith.constant 0 : i32
    %dma_wait3A_114 = tpu.memref_slice %arg7[%add3A_73, %dma_wait3A_113] : memref<10240x16xf32, #tpu.memory_space<vmem_shared>> -> memref<64x16xf32, #tpu.memory_space<vmem_shared>>
    %dma_wait3A_115 = arith.constant 0 : i32
    %dma_wait3A_116 = tpu.memref_slice %arg7[%add3A_73, %dma_wait3A_115] : memref<10240x16xf32, #tpu.memory_space<vmem_shared>> -> memref<64x16xf32, #tpu.memory_space<vmem_shared>>
    tpu.wait_dma2 semaphore(%arg8 : memref<!tpu.dma_semaphore, #tpu.memory_space<semaphore_mem>>) src(%arg6 : memref<64x16xf32, #tpu.memory_space<vmem>>) dst(%dma_wait3A_116 : memref<64x16xf32, #tpu.memory_space<vmem_shared>>)
    %barrier3A = arith.constant 0 : index
    tpu.barrier barrier_id(%barrier3A)
    %scan3A_117 = arith.constant 0 : i32
    %scan3A_118 = arith.constant 0 : i32
    %scan3A_119 = arith.constant 20 : i32
    %scan3A_120 = arith.addi %scan3A_118, %scan3A_119 : i32
    %scan3A_121 = arith.constant 1 : i32
    %scan3A_122 = scf.for %scan3A_183 = %scan3A_118 to %scan3A_120 step %scan3A_121 iter_args(%scan3A_184 = %scan3A_117) -> (i32)  : i32 {
      %mul3A_185 = arith.constant 16 : i32
      %mul3A_186 = arith.muli %scan3A_183, %mul3A_185 : i32
      "tpu.region"() ({
        %run_scoped3A = tpu.sem_alloc : memref<!tpu.dma_semaphore, #tpu.memory_space<semaphore_mem>>
        %dma_start3A_412 = arith.constant 0 : i32
        %dma_start3A_413 = tpu.memref_slice %arg2[%add3A, %mul3A_186, %dma_start3A_412] : memref<32x320x32xi32, #tpu.memory_space<hbm>> -> memref<1x16x32xi32, #tpu.memory_space<hbm>>
        %dma_start3A_414 = tpu.memref_squeeze %dma_start3A_413 : memref<1x16x32xi32, #tpu.memory_space<hbm>> -> memref<16x32xi32, #tpu.memory_space<hbm>>
        %dma_start3A_415 = arith.constant 0 : i32
        %dma_start3A_416 = tpu.memref_slice %arg2[%add3A, %mul3A_186, %dma_start3A_415] : memref<32x320x32xi32, #tpu.memory_space<hbm>> -> memref<1x16x32xi32, #tpu.memory_space<hbm>>
        %dma_start3A_417 = tpu.memref_squeeze %dma_start3A_416 : memref<1x16x32xi32, #tpu.memory_space<hbm>> -> memref<16x32xi32, #tpu.memory_space<hbm>>
        tpu.enqueue_dma source(%dma_start3A_417 : memref<16x32xi32, #tpu.memory_space<hbm>>) target(%arg4 : memref<16x32xi32, #tpu.memory_space<vmem>>) target_semaphore(%run_scoped3A : memref<!tpu.dma_semaphore, #tpu.memory_space<semaphore_mem>>)
        %dma_wait3A_418 = arith.constant 0 : i32
        %dma_wait3A_419 = tpu.memref_slice %arg2[%add3A, %mul3A_186, %dma_wait3A_418] : memref<32x320x32xi32, #tpu.memory_space<hbm>> -> memref<1x16x32xi32, #tpu.memory_space<hbm>>
        %dma_wait3A_420 = tpu.memref_squeeze %dma_wait3A_419 : memref<1x16x32xi32, #tpu.memory_space<hbm>> -> memref<16x32xi32, #tpu.memory_space<hbm>>
        %dma_wait3A_421 = arith.constant 0 : i32
        %dma_wait3A_422 = tpu.memref_slice %arg2[%add3A, %mul3A_186, %dma_wait3A_421] : memref<32x320x32xi32, #tpu.memory_space<hbm>> -> memref<1x16x32xi32, #tpu.memory_space<hbm>>
        %dma_wait3A_423 = tpu.memref_squeeze %dma_wait3A_422 : memref<1x16x32xi32, #tpu.memory_space<hbm>> -> memref<16x32xi32, #tpu.memory_space<hbm>>
        tpu.wait_dma2 semaphore(%run_scoped3A : memref<!tpu.dma_semaphore, #tpu.memory_space<semaphore_mem>>) src(%dma_wait3A_423 : memref<16x32xi32, #tpu.memory_space<hbm>>) dst(%arg4 : memref<16x32xi32, #tpu.memory_space<vmem>>)
        tpu.yield
      }) : () -> ()
      %dma_start3A_187 = arith.constant 0 : i32
      %dma_start3A_188 = arith.constant 0 : i32
      %dma_start3A_189 = tpu.memref_slice %arg4[%dma_start3A_187, %dma_start3A_188] : memref<16x32xi32, #tpu.memory_space<vmem>> -> memref<1x32xi32, #tpu.memory_space<vmem>>
      %dma_start3A_190 = tpu.memref_squeeze %dma_start3A_189 : memref<1x32xi32, #tpu.memory_space<vmem>> -> memref<32xi32, #tpu.memory_space<vmem>>
      %dma_start3A_191 = arith.constant 0 : i32
      %dma_start3A_192 = arith.constant 0 : i32
      %dma_start3A_193 = tpu.memref_slice %arg7[%dma_start3A_191, %dma_start3A_192] : memref<10240x16xf32, #tpu.memory_space<vmem_shared>> -> memref<10240x16xf32, #tpu.memory_space<vmem_shared>>
      tpu.enqueue_indirect_dma source(%arg5 : memref<32x16xf32, #tpu.memory_space<vmem>>) target(%dma_start3A_193 : memref<10240x16xf32, #tpu.memory_space<vmem_shared>>) offsets(%dma_start3A_190 : memref<32xi32, #tpu.memory_space<vmem>>) semaphore(%arg8 : memref<!tpu.dma_semaphore, #tpu.memory_space<semaphore_mem>>) {add = true}
      %dma_start3A_194 = arith.constant 1 : i32
      %dma_start3A_195 = arith.constant 0 : i32
      %dma_start3A_196 = tpu.memref_slice %arg4[%dma_start3A_194, %dma_start3A_195] : memref<16x32xi32, #tpu.memory_space<vmem>> -> memref<1x32xi32, #tpu.memory_space<vmem>>
      %dma_start3A_197 = tpu.memref_squeeze %dma_start3A_196 : memref<1x32xi32, #tpu.memory_space<vmem>> -> memref<32xi32, #tpu.memory_space<vmem>>
      %dma_start3A_198 = arith.constant 0 : i32
      %dma_start3A_199 = arith.constant 0 : i32
      %dma_start3A_200 = tpu.memref_slice %arg7[%dma_start3A_198, %dma_start3A_199] : memref<10240x16xf32, #tpu.memory_space<vmem_shared>> -> memref<10240x16xf32, #tpu.memory_space<vmem_shared>>
      tpu.enqueue_indirect_dma source(%arg5 : memref<32x16xf32, #tpu.memory_space<vmem>>) target(%dma_start3A_200 : memref<10240x16xf32, #tpu.memory_space<vmem_shared>>) offsets(%dma_start3A_197 : memref<32xi32, #tpu.memory_space<vmem>>) semaphore(%arg8 : memref<!tpu.dma_semaphore, #tpu.memory_space<semaphore_mem>>) {add = true}
      %dma_start3A_201 = arith.constant 2 : i32
      %dma_start3A_202 = arith.constant 0 : i32
      %dma_start3A_203 = tpu.memref_slice %arg4[%dma_start3A_201, %dma_start3A_202] : memref<16x32xi32, #tpu.memory_space<vmem>> -> memref<1x32xi32, #tpu.memory_space<vmem>>
      %dma_start3A_204 = tpu.memref_squeeze %dma_start3A_203 : memref<1x32xi32, #tpu.memory_space<vmem>> -> memref<32xi32, #tpu.memory_space<vmem>>
      %dma_start3A_205 = arith.constant 0 : i32
      %dma_start3A_206 = arith.constant 0 : i32
      %dma_start3A_207 = tpu.memref_slice %arg7[%dma_start3A_205, %dma_start3A_206] : memref<10240x16xf32, #tpu.memory_space<vmem_shared>> -> memref<10240x16xf32, #tpu.memory_space<vmem_shared>>
      tpu.enqueue_indirect_dma source(%arg5 : memref<32x16xf32, #tpu.memory_space<vmem>>) target(%dma_start3A_207 : memref<10240x16xf32, #tpu.memory_space<vmem_shared>>) offsets(%dma_start3A_204 : memref<32xi32, #tpu.memory_space<vmem>>) semaphore(%arg8 : memref<!tpu.dma_semaphore, #tpu.memory_space<semaphore_mem>>) {add = true}
      %dma_start3A_208 = arith.constant 3 : i32
      %dma_start3A_209 = arith.constant 0 : i32
      %dma_start3A_210 = tpu.memref_slice %arg4[%dma_start3A_208, %dma_start3A_209] : memref<16x32xi32, #tpu.memory_space<vmem>> -> memref<1x32xi32, #tpu.memory_space<vmem>>
      %dma_start3A_211 = tpu.memref_squeeze %dma_start3A_210 : memref<1x32xi32, #tpu.memory_space<vmem>> -> memref<32xi32, #tpu.memory_space<vmem>>
      %dma_start3A_212 = arith.constant 0 : i32
      %dma_start3A_213 = arith.constant 0 : i32
      %dma_start3A_214 = tpu.memref_slice %arg7[%dma_start3A_212, %dma_start3A_213] : memref<10240x16xf32, #tpu.memory_space<vmem_shared>> -> memref<10240x16xf32, #tpu.memory_space<vmem_shared>>
      tpu.enqueue_indirect_dma source(%arg5 : memref<32x16xf32, #tpu.memory_space<vmem>>) target(%dma_start3A_214 : memref<10240x16xf32, #tpu.memory_space<vmem_shared>>) offsets(%dma_start3A_211 : memref<32xi32, #tpu.memory_space<vmem>>) semaphore(%arg8 : memref<!tpu.dma_semaphore, #tpu.memory_space<semaphore_mem>>) {add = true}
      %dma_start3A_215 = arith.constant 4 : i32
      %dma_start3A_216 = arith.constant 0 : i32
      %dma_start3A_217 = tpu.memref_slice %arg4[%dma_start3A_215, %dma_start3A_216] : memref<16x32xi32, #tpu.memory_space<vmem>> -> memref<1x32xi32, #tpu.memory_space<vmem>>
      %dma_start3A_218 = tpu.memref_squeeze %dma_start3A_217 : memref<1x32xi32, #tpu.memory_space<vmem>> -> memref<32xi32, #tpu.memory_space<vmem>>
      %dma_start3A_219 = arith.constant 0 : i32
      %dma_start3A_220 = arith.constant 0 : i32
      %dma_start3A_221 = tpu.memref_slice %arg7[%dma_start3A_219, %dma_start3A_220] : memref<10240x16xf32, #tpu.memory_space<vmem_shared>> -> memref<10240x16xf32, #tpu.memory_space<vmem_shared>>
      tpu.enqueue_indirect_dma source(%arg5 : memref<32x16xf32, #tpu.memory_space<vmem>>) target(%dma_start3A_221 : memref<10240x16xf32, #tpu.memory_space<vmem_shared>>) offsets(%dma_start3A_218 : memref<32xi32, #tpu.memory_space<vmem>>) semaphore(%arg8 : memref<!tpu.dma_semaphore, #tpu.memory_space<semaphore_mem>>) {add = true}
      %dma_start3A_222 = arith.constant 5 : i32
      %dma_start3A_223 = arith.constant 0 : i32
      %dma_start3A_224 = tpu.memref_slice %arg4[%dma_start3A_222, %dma_start3A_223] : memref<16x32xi32, #tpu.memory_space<vmem>> -> memref<1x32xi32, #tpu.memory_space<vmem>>
      %dma_start3A_225 = tpu.memref_squeeze %dma_start3A_224 : memref<1x32xi32, #tpu.memory_space<vmem>> -> memref<32xi32, #tpu.memory_space<vmem>>
      %dma_start3A_226 = arith.constant 0 : i32
      %dma_start3A_227 = arith.constant 0 : i32
      %dma_start3A_228 = tpu.memref_slice %arg7[%dma_start3A_226, %dma_start3A_227] : memref<10240x16xf32, #tpu.memory_space<vmem_shared>> -> memref<10240x16xf32, #tpu.memory_space<vmem_shared>>
      tpu.enqueue_indirect_dma source(%arg5 : memref<32x16xf32, #tpu.memory_space<vmem>>) target(%dma_start3A_228 : memref<10240x16xf32, #tpu.memory_space<vmem_shared>>) offsets(%dma_start3A_225 : memref<32xi32, #tpu.memory_space<vmem>>) semaphore(%arg8 : memref<!tpu.dma_semaphore, #tpu.memory_space<semaphore_mem>>) {add = true}
      %dma_start3A_229 = arith.constant 6 : i32
      %dma_start3A_230 = arith.constant 0 : i32
      %dma_start3A_231 = tpu.memref_slice %arg4[%dma_start3A_229, %dma_start3A_230] : memref<16x32xi32, #tpu.memory_space<vmem>> -> memref<1x32xi32, #tpu.memory_space<vmem>>
      %dma_start3A_232 = tpu.memref_squeeze %dma_start3A_231 : memref<1x32xi32, #tpu.memory_space<vmem>> -> memref<32xi32, #tpu.memory_space<vmem>>
      %dma_start3A_233 = arith.constant 0 : i32
      %dma_start3A_234 = arith.constant 0 : i32
      %dma_start3A_235 = tpu.memref_slice %arg7[%dma_start3A_233, %dma_start3A_234] : memref<10240x16xf32, #tpu.memory_space<vmem_shared>> -> memref<10240x16xf32, #tpu.memory_space<vmem_shared>>
      tpu.enqueue_indirect_dma source(%arg5 : memref<32x16xf32, #tpu.memory_space<vmem>>) target(%dma_start3A_235 : memref<10240x16xf32, #tpu.memory_space<vmem_shared>>) offsets(%dma_start3A_232 : memref<32xi32, #tpu.memory_space<vmem>>) semaphore(%arg8 : memref<!tpu.dma_semaphore, #tpu.memory_space<semaphore_mem>>) {add = true}
      %dma_start3A_236 = arith.constant 7 : i32
      %dma_start3A_237 = arith.constant 0 : i32
      %dma_start3A_238 = tpu.memref_slice %arg4[%dma_start3A_236, %dma_start3A_237] : memref<16x32xi32, #tpu.memory_space<vmem>> -> memref<1x32xi32, #tpu.memory_space<vmem>>
      %dma_start3A_239 = tpu.memref_squeeze %dma_start3A_238 : memref<1x32xi32, #tpu.memory_space<vmem>> -> memref<32xi32, #tpu.memory_space<vmem>>
      %dma_start3A_240 = arith.constant 0 : i32
      %dma_start3A_241 = arith.constant 0 : i32
      %dma_start3A_242 = tpu.memref_slice %arg7[%dma_start3A_240, %dma_start3A_241] : memref<10240x16xf32, #tpu.memory_space<vmem_shared>> -> memref<10240x16xf32, #tpu.memory_space<vmem_shared>>
      tpu.enqueue_indirect_dma source(%arg5 : memref<32x16xf32, #tpu.memory_space<vmem>>) target(%dma_start3A_242 : memref<10240x16xf32, #tpu.memory_space<vmem_shared>>) offsets(%dma_start3A_239 : memref<32xi32, #tpu.memory_space<vmem>>) semaphore(%arg8 : memref<!tpu.dma_semaphore, #tpu.memory_space<semaphore_mem>>) {add = true}
      %dma_start3A_243 = arith.constant 8 : i32
      %dma_start3A_244 = arith.constant 0 : i32
      %dma_start3A_245 = tpu.memref_slice %arg4[%dma_start3A_243, %dma_start3A_244] : memref<16x32xi32, #tpu.memory_space<vmem>> -> memref<1x32xi32, #tpu.memory_space<vmem>>
      %dma_start3A_246 = tpu.memref_squeeze %dma_start3A_245 : memref<1x32xi32, #tpu.memory_space<vmem>> -> memref<32xi32, #tpu.memory_space<vmem>>
      %dma_start3A_247 = arith.constant 0 : i32
      %dma_start3A_248 = arith.constant 0 : i32
      %dma_start3A_249 = tpu.memref_slice %arg7[%dma_start3A_247, %dma_start3A_248] : memref<10240x16xf32, #tpu.memory_space<vmem_shared>> -> memref<10240x16xf32, #tpu.memory_space<vmem_shared>>
      tpu.enqueue_indirect_dma source(%arg5 : memref<32x16xf32, #tpu.memory_space<vmem>>) target(%dma_start3A_249 : memref<10240x16xf32, #tpu.memory_space<vmem_shared>>) offsets(%dma_start3A_246 : memref<32xi32, #tpu.memory_space<vmem>>) semaphore(%arg8 : memref<!tpu.dma_semaphore, #tpu.memory_space<semaphore_mem>>) {add = true}
      %dma_start3A_250 = arith.constant 9 : i32
      %dma_start3A_251 = arith.constant 0 : i32
      %dma_start3A_252 = tpu.memref_slice %arg4[%dma_start3A_250, %dma_start3A_251] : memref<16x32xi32, #tpu.memory_space<vmem>> -> memref<1x32xi32, #tpu.memory_space<vmem>>
      %dma_start3A_253 = tpu.memref_squeeze %dma_start3A_252 : memref<1x32xi32, #tpu.memory_space<vmem>> -> memref<32xi32, #tpu.memory_space<vmem>>
      %dma_start3A_254 = arith.constant 0 : i32
      %dma_start3A_255 = arith.constant 0 : i32
      %dma_start3A_256 = tpu.memref_slice %arg7[%dma_start3A_254, %dma_start3A_255] : memref<10240x16xf32, #tpu.memory_space<vmem_shared>> -> memref<10240x16xf32, #tpu.memory_space<vmem_shared>>
      tpu.enqueue_indirect_dma source(%arg5 : memref<32x16xf32, #tpu.memory_space<vmem>>) target(%dma_start3A_256 : memref<10240x16xf32, #tpu.memory_space<vmem_shared>>) offsets(%dma_start3A_253 : memref<32xi32, #tpu.memory_space<vmem>>) semaphore(%arg8 : memref<!tpu.dma_semaphore, #tpu.memory_space<semaphore_mem>>) {add = true}
      %dma_start3A_257 = arith.constant 10 : i32
      %dma_start3A_258 = arith.constant 0 : i32
      %dma_start3A_259 = tpu.memref_slice %arg4[%dma_start3A_257, %dma_start3A_258] : memref<16x32xi32, #tpu.memory_space<vmem>> -> memref<1x32xi32, #tpu.memory_space<vmem>>
      %dma_start3A_260 = tpu.memref_squeeze %dma_start3A_259 : memref<1x32xi32, #tpu.memory_space<vmem>> -> memref<32xi32, #tpu.memory_space<vmem>>
      %dma_start3A_261 = arith.constant 0 : i32
      %dma_start3A_262 = arith.constant 0 : i32
      %dma_start3A_263 = tpu.memref_slice %arg7[%dma_start3A_261, %dma_start3A_262] : memref<10240x16xf32, #tpu.memory_space<vmem_shared>> -> memref<10240x16xf32, #tpu.memory_space<vmem_shared>>
      tpu.enqueue_indirect_dma source(%arg5 : memref<32x16xf32, #tpu.memory_space<vmem>>) target(%dma_start3A_263 : memref<10240x16xf32, #tpu.memory_space<vmem_shared>>) offsets(%dma_start3A_260 : memref<32xi32, #tpu.memory_space<vmem>>) semaphore(%arg8 : memref<!tpu.dma_semaphore, #tpu.memory_space<semaphore_mem>>) {add = true}
      %dma_start3A_264 = arith.constant 11 : i32
      %dma_start3A_265 = arith.constant 0 : i32
      %dma_start3A_266 = tpu.memref_slice %arg4[%dma_start3A_264, %dma_start3A_265] : memref<16x32xi32, #tpu.memory_space<vmem>> -> memref<1x32xi32, #tpu.memory_space<vmem>>
      %dma_start3A_267 = tpu.memref_squeeze %dma_start3A_266 : memref<1x32xi32, #tpu.memory_space<vmem>> -> memref<32xi32, #tpu.memory_space<vmem>>
      %dma_start3A_268 = arith.constant 0 : i32
      %dma_start3A_269 = arith.constant 0 : i32
      %dma_start3A_270 = tpu.memref_slice %arg7[%dma_start3A_268, %dma_start3A_269] : memref<10240x16xf32, #tpu.memory_space<vmem_shared>> -> memref<10240x16xf32, #tpu.memory_space<vmem_shared>>
      tpu.enqueue_indirect_dma source(%arg5 : memref<32x16xf32, #tpu.memory_space<vmem>>) target(%dma_start3A_270 : memref<10240x16xf32, #tpu.memory_space<vmem_shared>>) offsets(%dma_start3A_267 : memref<32xi32, #tpu.memory_space<vmem>>) semaphore(%arg8 : memref<!tpu.dma_semaphore, #tpu.memory_space<semaphore_mem>>) {add = true}
      %dma_start3A_271 = arith.constant 12 : i32
      %dma_start3A_272 = arith.constant 0 : i32
      %dma_start3A_273 = tpu.memref_slice %arg4[%dma_start3A_271, %dma_start3A_272] : memref<16x32xi32, #tpu.memory_space<vmem>> -> memref<1x32xi32, #tpu.memory_space<vmem>>
      %dma_start3A_274 = tpu.memref_squeeze %dma_start3A_273 : memref<1x32xi32, #tpu.memory_space<vmem>> -> memref<32xi32, #tpu.memory_space<vmem>>
      %dma_start3A_275 = arith.constant 0 : i32
      %dma_start3A_276 = arith.constant 0 : i32
      %dma_start3A_277 = tpu.memref_slice %arg7[%dma_start3A_275, %dma_start3A_276] : memref<10240x16xf32, #tpu.memory_space<vmem_shared>> -> memref<10240x16xf32, #tpu.memory_space<vmem_shared>>
      tpu.enqueue_indirect_dma source(%arg5 : memref<32x16xf32, #tpu.memory_space<vmem>>) target(%dma_start3A_277 : memref<10240x16xf32, #tpu.memory_space<vmem_shared>>) offsets(%dma_start3A_274 : memref<32xi32, #tpu.memory_space<vmem>>) semaphore(%arg8 : memref<!tpu.dma_semaphore, #tpu.memory_space<semaphore_mem>>) {add = true}
      %dma_start3A_278 = arith.constant 13 : i32
      %dma_start3A_279 = arith.constant 0 : i32
      %dma_start3A_280 = tpu.memref_slice %arg4[%dma_start3A_278, %dma_start3A_279] : memref<16x32xi32, #tpu.memory_space<vmem>> -> memref<1x32xi32, #tpu.memory_space<vmem>>
      %dma_start3A_281 = tpu.memref_squeeze %dma_start3A_280 : memref<1x32xi32, #tpu.memory_space<vmem>> -> memref<32xi32, #tpu.memory_space<vmem>>
      %dma_start3A_282 = arith.constant 0 : i32
      %dma_start3A_283 = arith.constant 0 : i32
      %dma_start3A_284 = tpu.memref_slice %arg7[%dma_start3A_282, %dma_start3A_283] : memref<10240x16xf32, #tpu.memory_space<vmem_shared>> -> memref<10240x16xf32, #tpu.memory_space<vmem_shared>>
      tpu.enqueue_indirect_dma source(%arg5 : memref<32x16xf32, #tpu.memory_space<vmem>>) target(%dma_start3A_284 : memref<10240x16xf32, #tpu.memory_space<vmem_shared>>) offsets(%dma_start3A_281 : memref<32xi32, #tpu.memory_space<vmem>>) semaphore(%arg8 : memref<!tpu.dma_semaphore, #tpu.memory_space<semaphore_mem>>) {add = true}
      %dma_start3A_285 = arith.constant 14 : i32
      %dma_start3A_286 = arith.constant 0 : i32
      %dma_start3A_287 = tpu.memref_slice %arg4[%dma_start3A_285, %dma_start3A_286] : memref<16x32xi32, #tpu.memory_space<vmem>> -> memref<1x32xi32, #tpu.memory_space<vmem>>
      %dma_start3A_288 = tpu.memref_squeeze %dma_start3A_287 : memref<1x32xi32, #tpu.memory_space<vmem>> -> memref<32xi32, #tpu.memory_space<vmem>>
      %dma_start3A_289 = arith.constant 0 : i32
      %dma_start3A_290 = arith.constant 0 : i32
      %dma_start3A_291 = tpu.memref_slice %arg7[%dma_start3A_289, %dma_start3A_290] : memref<10240x16xf32, #tpu.memory_space<vmem_shared>> -> memref<10240x16xf32, #tpu.memory_space<vmem_shared>>
      tpu.enqueue_indirect_dma source(%arg5 : memref<32x16xf32, #tpu.memory_space<vmem>>) target(%dma_start3A_291 : memref<10240x16xf32, #tpu.memory_space<vmem_shared>>) offsets(%dma_start3A_288 : memref<32xi32, #tpu.memory_space<vmem>>) semaphore(%arg8 : memref<!tpu.dma_semaphore, #tpu.memory_space<semaphore_mem>>) {add = true}
      %dma_start3A_292 = arith.constant 15 : i32
      %dma_start3A_293 = arith.constant 0 : i32
      %dma_start3A_294 = tpu.memref_slice %arg4[%dma_start3A_292, %dma_start3A_293] : memref<16x32xi32, #tpu.memory_space<vmem>> -> memref<1x32xi32, #tpu.memory_space<vmem>>
      %dma_start3A_295 = tpu.memref_squeeze %dma_start3A_294 : memref<1x32xi32, #tpu.memory_space<vmem>> -> memref<32xi32, #tpu.memory_space<vmem>>
      %dma_start3A_296 = arith.constant 0 : i32
      %dma_start3A_297 = arith.constant 0 : i32
      %dma_start3A_298 = tpu.memref_slice %arg7[%dma_start3A_296, %dma_start3A_297] : memref<10240x16xf32, #tpu.memory_space<vmem_shared>> -> memref<10240x16xf32, #tpu.memory_space<vmem_shared>>
      tpu.enqueue_indirect_dma source(%arg5 : memref<32x16xf32, #tpu.memory_space<vmem>>) target(%dma_start3A_298 : memref<10240x16xf32, #tpu.memory_space<vmem_shared>>) offsets(%dma_start3A_295 : memref<32xi32, #tpu.memory_space<vmem>>) semaphore(%arg8 : memref<!tpu.dma_semaphore, #tpu.memory_space<semaphore_mem>>) {add = true}
      %dma_wait3A_299 = arith.constant 0 : i32
      %dma_wait3A_300 = arith.constant 0 : i32
      %dma_wait3A_301 = tpu.memref_slice %arg4[%dma_wait3A_299, %dma_wait3A_300] : memref<16x32xi32, #tpu.memory_space<vmem>> -> memref<1x32xi32, #tpu.memory_space<vmem>>
      %dma_wait3A_302 = tpu.memref_squeeze %dma_wait3A_301 : memref<1x32xi32, #tpu.memory_space<vmem>> -> memref<32xi32, #tpu.memory_space<vmem>>
      %dma_wait3A_303 = arith.constant 0 : i32
      %dma_wait3A_304 = arith.constant 0 : i32
      %dma_wait3A_305 = tpu.memref_slice %arg7[%dma_wait3A_303, %dma_wait3A_304] : memref<10240x16xf32, #tpu.memory_space<vmem_shared>> -> memref<10240x16xf32, #tpu.memory_space<vmem_shared>>
      tpu.wait_indirect_dma semaphore(%arg8 : memref<!tpu.dma_semaphore, #tpu.memory_space<semaphore_mem>>) src(%arg5 : memref<32x16xf32, #tpu.memory_space<vmem>>) dst(%dma_wait3A_305 : memref<10240x16xf32, #tpu.memory_space<vmem_shared>>)
      %dma_wait3A_306 = arith.constant 1 : i32
      %dma_wait3A_307 = arith.constant 0 : i32
      %dma_wait3A_308 = tpu.memref_slice %arg4[%dma_wait3A_306, %dma_wait3A_307] : memref<16x32xi32, #tpu.memory_space<vmem>> -> memref<1x32xi32, #tpu.memory_space<vmem>>
      %dma_wait3A_309 = tpu.memref_squeeze %dma_wait3A_308 : memref<1x32xi32, #tpu.memory_space<vmem>> -> memref<32xi32, #tpu.memory_space<vmem>>
      %dma_wait3A_310 = arith.constant 0 : i32
      %dma_wait3A_311 = arith.constant 0 : i32
      %dma_wait3A_312 = tpu.memref_slice %arg7[%dma_wait3A_310, %dma_wait3A_311] : memref<10240x16xf32, #tpu.memory_space<vmem_shared>> -> memref<10240x16xf32, #tpu.memory_space<vmem_shared>>
      tpu.wait_indirect_dma semaphore(%arg8 : memref<!tpu.dma_semaphore, #tpu.memory_space<semaphore_mem>>) src(%arg5 : memref<32x16xf32, #tpu.memory_space<vmem>>) dst(%dma_wait3A_312 : memref<10240x16xf32, #tpu.memory_space<vmem_shared>>)
      %dma_wait3A_313 = arith.constant 2 : i32
      %dma_wait3A_314 = arith.constant 0 : i32
      %dma_wait3A_315 = tpu.memref_slice %arg4[%dma_wait3A_313, %dma_wait3A_314] : memref<16x32xi32, #tpu.memory_space<vmem>> -> memref<1x32xi32, #tpu.memory_space<vmem>>
      %dma_wait3A_316 = tpu.memref_squeeze %dma_wait3A_315 : memref<1x32xi32, #tpu.memory_space<vmem>> -> memref<32xi32, #tpu.memory_space<vmem>>
      %dma_wait3A_317 = arith.constant 0 : i32
      %dma_wait3A_318 = arith.constant 0 : i32
      %dma_wait3A_319 = tpu.memref_slice %arg7[%dma_wait3A_317, %dma_wait3A_318] : memref<10240x16xf32, #tpu.memory_space<vmem_shared>> -> memref<10240x16xf32, #tpu.memory_space<vmem_shared>>
      tpu.wait_indirect_dma semaphore(%arg8 : memref<!tpu.dma_semaphore, #tpu.memory_space<semaphore_mem>>) src(%arg5 : memref<32x16xf32, #tpu.memory_space<vmem>>) dst(%dma_wait3A_319 : memref<10240x16xf32, #tpu.memory_space<vmem_shared>>)
      %dma_wait3A_320 = arith.constant 3 : i32
      %dma_wait3A_321 = arith.constant 0 : i32
      %dma_wait3A_322 = tpu.memref_slice %arg4[%dma_wait3A_320, %dma_wait3A_321] : memref<16x32xi32, #tpu.memory_space<vmem>> -> memref<1x32xi32, #tpu.memory_space<vmem>>
      %dma_wait3A_323 = tpu.memref_squeeze %dma_wait3A_322 : memref<1x32xi32, #tpu.memory_space<vmem>> -> memref<32xi32, #tpu.memory_space<vmem>>
      %dma_wait3A_324 = arith.constant 0 : i32
      %dma_wait3A_325 = arith.constant 0 : i32
      %dma_wait3A_326 = tpu.memref_slice %arg7[%dma_wait3A_324, %dma_wait3A_325] : memref<10240x16xf32, #tpu.memory_space<vmem_shared>> -> memref<10240x16xf32, #tpu.memory_space<vmem_shared>>
      tpu.wait_indirect_dma semaphore(%arg8 : memref<!tpu.dma_semaphore, #tpu.memory_space<semaphore_mem>>) src(%arg5 : memref<32x16xf32, #tpu.memory_space<vmem>>) dst(%dma_wait3A_326 : memref<10240x16xf32, #tpu.memory_space<vmem_shared>>)
      %dma_wait3A_327 = arith.constant 4 : i32
      %dma_wait3A_328 = arith.constant 0 : i32
      %dma_wait3A_329 = tpu.memref_slice %arg4[%dma_wait3A_327, %dma_wait3A_328] : memref<16x32xi32, #tpu.memory_space<vmem>> -> memref<1x32xi32, #tpu.memory_space<vmem>>
      %dma_wait3A_330 = tpu.memref_squeeze %dma_wait3A_329 : memref<1x32xi32, #tpu.memory_space<vmem>> -> memref<32xi32, #tpu.memory_space<vmem>>
      %dma_wait3A_331 = arith.constant 0 : i32
      %dma_wait3A_332 = arith.constant 0 : i32
      %dma_wait3A_333 = tpu.memref_slice %arg7[%dma_wait3A_331, %dma_wait3A_332] : memref<10240x16xf32, #tpu.memory_space<vmem_shared>> -> memref<10240x16xf32, #tpu.memory_space<vmem_shared>>
      tpu.wait_indirect_dma semaphore(%arg8 : memref<!tpu.dma_semaphore, #tpu.memory_space<semaphore_mem>>) src(%arg5 : memref<32x16xf32, #tpu.memory_space<vmem>>) dst(%dma_wait3A_333 : memref<10240x16xf32, #tpu.memory_space<vmem_shared>>)
      %dma_wait3A_334 = arith.constant 5 : i32
      %dma_wait3A_335 = arith.constant 0 : i32
      %dma_wait3A_336 = tpu.memref_slice %arg4[%dma_wait3A_334, %dma_wait3A_335] : memref<16x32xi32, #tpu.memory_space<vmem>> -> memref<1x32xi32, #tpu.memory_space<vmem>>
      %dma_wait3A_337 = tpu.memref_squeeze %dma_wait3A_336 : memref<1x32xi32, #tpu.memory_space<vmem>> -> memref<32xi32, #tpu.memory_space<vmem>>
      %dma_wait3A_338 = arith.constant 0 : i32
      %dma_wait3A_339 = arith.constant 0 : i32
      %dma_wait3A_340 = tpu.memref_slice %arg7[%dma_wait3A_338, %dma_wait3A_339] : memref<10240x16xf32, #tpu.memory_space<vmem_shared>> -> memref<10240x16xf32, #tpu.memory_space<vmem_shared>>
      tpu.wait_indirect_dma semaphore(%arg8 : memref<!tpu.dma_semaphore, #tpu.memory_space<semaphore_mem>>) src(%arg5 : memref<32x16xf32, #tpu.memory_space<vmem>>) dst(%dma_wait3A_340 : memref<10240x16xf32, #tpu.memory_space<vmem_shared>>)
      %dma_wait3A_341 = arith.constant 6 : i32
      %dma_wait3A_342 = arith.constant 0 : i32
      %dma_wait3A_343 = tpu.memref_slice %arg4[%dma_wait3A_341, %dma_wait3A_342] : memref<16x32xi32, #tpu.memory_space<vmem>> -> memref<1x32xi32, #tpu.memory_space<vmem>>
      %dma_wait3A_344 = tpu.memref_squeeze %dma_wait3A_343 : memref<1x32xi32, #tpu.memory_space<vmem>> -> memref<32xi32, #tpu.memory_space<vmem>>
      %dma_wait3A_345 = arith.constant 0 : i32
      %dma_wait3A_346 = arith.constant 0 : i32
      %dma_wait3A_347 = tpu.memref_slice %arg7[%dma_wait3A_345, %dma_wait3A_346] : memref<10240x16xf32, #tpu.memory_space<vmem_shared>> -> memref<10240x16xf32, #tpu.memory_space<vmem_shared>>
      tpu.wait_indirect_dma semaphore(%arg8 : memref<!tpu.dma_semaphore, #tpu.memory_space<semaphore_mem>>) src(%arg5 : memref<32x16xf32, #tpu.memory_space<vmem>>) dst(%dma_wait3A_347 : memref<10240x16xf32, #tpu.memory_space<vmem_shared>>)
      %dma_wait3A_348 = arith.constant 7 : i32
      %dma_wait3A_349 = arith.constant 0 : i32
      %dma_wait3A_350 = tpu.memref_slice %arg4[%dma_wait3A_348, %dma_wait3A_349] : memref<16x32xi32, #tpu.memory_space<vmem>> -> memref<1x32xi32, #tpu.memory_space<vmem>>
      %dma_wait3A_351 = tpu.memref_squeeze %dma_wait3A_350 : memref<1x32xi32, #tpu.memory_space<vmem>> -> memref<32xi32, #tpu.memory_space<vmem>>
      %dma_wait3A_352 = arith.constant 0 : i32
      %dma_wait3A_353 = arith.constant 0 : i32
      %dma_wait3A_354 = tpu.memref_slice %arg7[%dma_wait3A_352, %dma_wait3A_353] : memref<10240x16xf32, #tpu.memory_space<vmem_shared>> -> memref<10240x16xf32, #tpu.memory_space<vmem_shared>>
      tpu.wait_indirect_dma semaphore(%arg8 : memref<!tpu.dma_semaphore, #tpu.memory_space<semaphore_mem>>) src(%arg5 : memref<32x16xf32, #tpu.memory_space<vmem>>) dst(%dma_wait3A_354 : memref<10240x16xf32, #tpu.memory_space<vmem_shared>>)
      %dma_wait3A_355 = arith.constant 8 : i32
      %dma_wait3A_356 = arith.constant 0 : i32
      %dma_wait3A_357 = tpu.memref_slice %arg4[%dma_wait3A_355, %dma_wait3A_356] : memref<16x32xi32, #tpu.memory_space<vmem>> -> memref<1x32xi32, #tpu.memory_space<vmem>>
      %dma_wait3A_358 = tpu.memref_squeeze %dma_wait3A_357 : memref<1x32xi32, #tpu.memory_space<vmem>> -> memref<32xi32, #tpu.memory_space<vmem>>
      %dma_wait3A_359 = arith.constant 0 : i32
      %dma_wait3A_360 = arith.constant 0 : i32
      %dma_wait3A_361 = tpu.memref_slice %arg7[%dma_wait3A_359, %dma_wait3A_360] : memref<10240x16xf32, #tpu.memory_space<vmem_shared>> -> memref<10240x16xf32, #tpu.memory_space<vmem_shared>>
      tpu.wait_indirect_dma semaphore(%arg8 : memref<!tpu.dma_semaphore, #tpu.memory_space<semaphore_mem>>) src(%arg5 : memref<32x16xf32, #tpu.memory_space<vmem>>) dst(%dma_wait3A_361 : memref<10240x16xf32, #tpu.memory_space<vmem_shared>>)
      %dma_wait3A_362 = arith.constant 9 : i32
      %dma_wait3A_363 = arith.constant 0 : i32
      %dma_wait3A_364 = tpu.memref_slice %arg4[%dma_wait3A_362, %dma_wait3A_363] : memref<16x32xi32, #tpu.memory_space<vmem>> -> memref<1x32xi32, #tpu.memory_space<vmem>>
      %dma_wait3A_365 = tpu.memref_squeeze %dma_wait3A_364 : memref<1x32xi32, #tpu.memory_space<vmem>> -> memref<32xi32, #tpu.memory_space<vmem>>
      %dma_wait3A_366 = arith.constant 0 : i32
      %dma_wait3A_367 = arith.constant 0 : i32
      %dma_wait3A_368 = tpu.memref_slice %arg7[%dma_wait3A_366, %dma_wait3A_367] : memref<10240x16xf32, #tpu.memory_space<vmem_shared>> -> memref<10240x16xf32, #tpu.memory_space<vmem_shared>>
      tpu.wait_indirect_dma semaphore(%arg8 : memref<!tpu.dma_semaphore, #tpu.memory_space<semaphore_mem>>) src(%arg5 : memref<32x16xf32, #tpu.memory_space<vmem>>) dst(%dma_wait3A_368 : memref<10240x16xf32, #tpu.memory_space<vmem_shared>>)
      %dma_wait3A_369 = arith.constant 10 : i32
      %dma_wait3A_370 = arith.constant 0 : i32
      %dma_wait3A_371 = tpu.memref_slice %arg4[%dma_wait3A_369, %dma_wait3A_370] : memref<16x32xi32, #tpu.memory_space<vmem>> -> memref<1x32xi32, #tpu.memory_space<vmem>>
      %dma_wait3A_372 = tpu.memref_squeeze %dma_wait3A_371 : memref<1x32xi32, #tpu.memory_space<vmem>> -> memref<32xi32, #tpu.memory_space<vmem>>
      %dma_wait3A_373 = arith.constant 0 : i32
      %dma_wait3A_374 = arith.constant 0 : i32
      %dma_wait3A_375 = tpu.memref_slice %arg7[%dma_wait3A_373, %dma_wait3A_374] : memref<10240x16xf32, #tpu.memory_space<vmem_shared>> -> memref<10240x16xf32, #tpu.memory_space<vmem_shared>>
      tpu.wait_indirect_dma semaphore(%arg8 : memref<!tpu.dma_semaphore, #tpu.memory_space<semaphore_mem>>) src(%arg5 : memref<32x16xf32, #tpu.memory_space<vmem>>) dst(%dma_wait3A_375 : memref<10240x16xf32, #tpu.memory_space<vmem_shared>>)
      %dma_wait3A_376 = arith.constant 11 : i32
      %dma_wait3A_377 = arith.constant 0 : i32
      %dma_wait3A_378 = tpu.memref_slice %arg4[%dma_wait3A_376, %dma_wait3A_377] : memref<16x32xi32, #tpu.memory_space<vmem>> -> memref<1x32xi32, #tpu.memory_space<vmem>>
      %dma_wait3A_379 = tpu.memref_squeeze %dma_wait3A_378 : memref<1x32xi32, #tpu.memory_space<vmem>> -> memref<32xi32, #tpu.memory_space<vmem>>
      %dma_wait3A_380 = arith.constant 0 : i32
      %dma_wait3A_381 = arith.constant 0 : i32
      %dma_wait3A_382 = tpu.memref_slice %arg7[%dma_wait3A_380, %dma_wait3A_381] : memref<10240x16xf32, #tpu.memory_space<vmem_shared>> -> memref<10240x16xf32, #tpu.memory_space<vmem_shared>>
      tpu.wait_indirect_dma semaphore(%arg8 : memref<!tpu.dma_semaphore, #tpu.memory_space<semaphore_mem>>) src(%arg5 : memref<32x16xf32, #tpu.memory_space<vmem>>) dst(%dma_wait3A_382 : memref<10240x16xf32, #tpu.memory_space<vmem_shared>>)
      %dma_wait3A_383 = arith.constant 12 : i32
      %dma_wait3A_384 = arith.constant 0 : i32
      %dma_wait3A_385 = tpu.memref_slice %arg4[%dma_wait3A_383, %dma_wait3A_384] : memref<16x32xi32, #tpu.memory_space<vmem>> -> memref<1x32xi32, #tpu.memory_space<vmem>>
      %dma_wait3A_386 = tpu.memref_squeeze %dma_wait3A_385 : memref<1x32xi32, #tpu.memory_space<vmem>> -> memref<32xi32, #tpu.memory_space<vmem>>
      %dma_wait3A_387 = arith.constant 0 : i32
      %dma_wait3A_388 = arith.constant 0 : i32
      %dma_wait3A_389 = tpu.memref_slice %arg7[%dma_wait3A_387, %dma_wait3A_388] : memref<10240x16xf32, #tpu.memory_space<vmem_shared>> -> memref<10240x16xf32, #tpu.memory_space<vmem_shared>>
      tpu.wait_indirect_dma semaphore(%arg8 : memref<!tpu.dma_semaphore, #tpu.memory_space<semaphore_mem>>) src(%arg5 : memref<32x16xf32, #tpu.memory_space<vmem>>) dst(%dma_wait3A_389 : memref<10240x16xf32, #tpu.memory_space<vmem_shared>>)
      %dma_wait3A_390 = arith.constant 13 : i32
      %dma_wait3A_391 = arith.constant 0 : i32
      %dma_wait3A_392 = tpu.memref_slice %arg4[%dma_wait3A_390, %dma_wait3A_391] : memref<16x32xi32, #tpu.memory_space<vmem>> -> memref<1x32xi32, #tpu.memory_space<vmem>>
      %dma_wait3A_393 = tpu.memref_squeeze %dma_wait3A_392 : memref<1x32xi32, #tpu.memory_space<vmem>> -> memref<32xi32, #tpu.memory_space<vmem>>
      %dma_wait3A_394 = arith.constant 0 : i32
      %dma_wait3A_395 = arith.constant 0 : i32
      %dma_wait3A_396 = tpu.memref_slice %arg7[%dma_wait3A_394, %dma_wait3A_395] : memref<10240x16xf32, #tpu.memory_space<vmem_shared>> -> memref<10240x16xf32, #tpu.memory_space<vmem_shared>>
      tpu.wait_indirect_dma semaphore(%arg8 : memref<!tpu.dma_semaphore, #tpu.memory_space<semaphore_mem>>) src(%arg5 : memref<32x16xf32, #tpu.memory_space<vmem>>) dst(%dma_wait3A_396 : memref<10240x16xf32, #tpu.memory_space<vmem_shared>>)
      %dma_wait3A_397 = arith.constant 14 : i32
      %dma_wait3A_398 = arith.constant 0 : i32
      %dma_wait3A_399 = tpu.memref_slice %arg4[%dma_wait3A_397, %dma_wait3A_398] : memref<16x32xi32, #tpu.memory_space<vmem>> -> memref<1x32xi32, #tpu.memory_space<vmem>>
      %dma_wait3A_400 = tpu.memref_squeeze %dma_wait3A_399 : memref<1x32xi32, #tpu.memory_space<vmem>> -> memref<32xi32, #tpu.memory_space<vmem>>
      %dma_wait3A_401 = arith.constant 0 : i32
      %dma_wait3A_402 = arith.constant 0 : i32
      %dma_wait3A_403 = tpu.memref_slice %arg7[%dma_wait3A_401, %dma_wait3A_402] : memref<10240x16xf32, #tpu.memory_space<vmem_shared>> -> memref<10240x16xf32, #tpu.memory_space<vmem_shared>>
      tpu.wait_indirect_dma semaphore(%arg8 : memref<!tpu.dma_semaphore, #tpu.memory_space<semaphore_mem>>) src(%arg5 : memref<32x16xf32, #tpu.memory_space<vmem>>) dst(%dma_wait3A_403 : memref<10240x16xf32, #tpu.memory_space<vmem_shared>>)
      %dma_wait3A_404 = arith.constant 15 : i32
      %dma_wait3A_405 = arith.constant 0 : i32
      %dma_wait3A_406 = tpu.memref_slice %arg4[%dma_wait3A_404, %dma_wait3A_405] : memref<16x32xi32, #tpu.memory_space<vmem>> -> memref<1x32xi32, #tpu.memory_space<vmem>>
      %dma_wait3A_407 = tpu.memref_squeeze %dma_wait3A_406 : memref<1x32xi32, #tpu.memory_space<vmem>> -> memref<32xi32, #tpu.memory_space<vmem>>
      %dma_wait3A_408 = arith.constant 0 : i32
      %dma_wait3A_409 = arith.constant 0 : i32
      %dma_wait3A_410 = tpu.memref_slice %arg7[%dma_wait3A_408, %dma_wait3A_409] : memref<10240x16xf32, #tpu.memory_space<vmem_shared>> -> memref<10240x16xf32, #tpu.memory_space<vmem_shared>>
      tpu.wait_indirect_dma semaphore(%arg8 : memref<!tpu.dma_semaphore, #tpu.memory_space<semaphore_mem>>) src(%arg5 : memref<32x16xf32, #tpu.memory_space<vmem>>) dst(%dma_wait3A_410 : memref<10240x16xf32, #tpu.memory_space<vmem_shared>>)
      %scan3A_411 = arith.constant 0 : i32
      scf.yield %scan3A_411 : i32
    }
    %scan3A_123 = arith.constant 20 : i32
    %barrier3A_124 = arith.constant 0 : index
    tpu.barrier barrier_id(%barrier3A_124)
    %mul3A_125 = arith.constant 640 : i32
    %mul3A_126 = arith.muli %arg1, %mul3A_125 : i32
    %add3A_127 = arith.constant 0 : i32
    %add3A_128 = arith.addi %mul3A_126, %add3A_127 : i32
    %add3A_129 = arith.constant 0 : i32
    %add3A_130 = arith.addi %mul3A_126, %add3A_129 : i32
    %dma_start3A_131 = arith.constant 0 : i32
    %dma_start3A_132 = tpu.memref_slice %arg3[%arg0, %add3A_130, %dma_start3A_131] : memref<2x10240x16xf32, #tpu.memory_space<hbm>> -> memref<1x160x16xf32, #tpu.memory_space<hbm>>
    %dma_start3A_133 = tpu.memref_squeeze %dma_start3A_132 : memref<1x160x16xf32, #tpu.memory_space<hbm>> -> memref<160x16xf32, #tpu.memory_space<hbm>>
    %dma_start3A_134 = arith.constant 0 : i32
    %dma_start3A_135 = tpu.memref_slice %arg7[%add3A_128, %dma_start3A_134] : memref<10240x16xf32, #tpu.memory_space<vmem_shared>> -> memref<160x16xf32, #tpu.memory_space<vmem_shared>>
    tpu.enqueue_dma source(%dma_start3A_135 : memref<160x16xf32, #tpu.memory_space<vmem_shared>>) target(%dma_start3A_133 : memref<160x16xf32, #tpu.memory_space<hbm>>) target_semaphore(%arg9 : memref<!tpu.dma_semaphore, #tpu.memory_space<semaphore_mem>>)
    %add3A_136 = arith.constant 160 : i32
    %add3A_137 = arith.addi %mul3A_126, %add3A_136 : i32
    %add3A_138 = arith.constant 160 : i32
    %add3A_139 = arith.addi %mul3A_126, %add3A_138 : i32
    %dma_start3A_140 = arith.constant 0 : i32
    %dma_start3A_141 = tpu.memref_slice %arg3[%arg0, %add3A_139, %dma_start3A_140] : memref<2x10240x16xf32, #tpu.memory_space<hbm>> -> memref<1x160x16xf32, #tpu.memory_space<hbm>>
    %dma_start3A_142 = tpu.memref_squeeze %dma_start3A_141 : memref<1x160x16xf32, #tpu.memory_space<hbm>> -> memref<160x16xf32, #tpu.memory_space<hbm>>
    %dma_start3A_143 = arith.constant 0 : i32
    %dma_start3A_144 = tpu.memref_slice %arg7[%add3A_137, %dma_start3A_143] : memref<10240x16xf32, #tpu.memory_space<vmem_shared>> -> memref<160x16xf32, #tpu.memory_space<vmem_shared>>
    tpu.enqueue_dma source(%dma_start3A_144 : memref<160x16xf32, #tpu.memory_space<vmem_shared>>) target(%dma_start3A_142 : memref<160x16xf32, #tpu.memory_space<hbm>>) target_semaphore(%arg9 : memref<!tpu.dma_semaphore, #tpu.memory_space<semaphore_mem>>)
    %add3A_145 = arith.constant 320 : i32
    %add3A_146 = arith.addi %mul3A_126, %add3A_145 : i32
    %add3A_147 = arith.constant 320 : i32
    %add3A_148 = arith.addi %mul3A_126, %add3A_147 : i32
    %dma_start3A_149 = arith.constant 0 : i32
    %dma_start3A_150 = tpu.memref_slice %arg3[%arg0, %add3A_148, %dma_start3A_149] : memref<2x10240x16xf32, #tpu.memory_space<hbm>> -> memref<1x160x16xf32, #tpu.memory_space<hbm>>
    %dma_start3A_151 = tpu.memref_squeeze %dma_start3A_150 : memref<1x160x16xf32, #tpu.memory_space<hbm>> -> memref<160x16xf32, #tpu.memory_space<hbm>>
    %dma_start3A_152 = arith.constant 0 : i32
    %dma_start3A_153 = tpu.memref_slice %arg7[%add3A_146, %dma_start3A_152] : memref<10240x16xf32, #tpu.memory_space<vmem_shared>> -> memref<160x16xf32, #tpu.memory_space<vmem_shared>>
    tpu.enqueue_dma source(%dma_start3A_153 : memref<160x16xf32, #tpu.memory_space<vmem_shared>>) target(%dma_start3A_151 : memref<160x16xf32, #tpu.memory_space<hbm>>) target_semaphore(%arg9 : memref<!tpu.dma_semaphore, #tpu.memory_space<semaphore_mem>>)
    %add3A_154 = arith.constant 480 : i32
    %add3A_155 = arith.addi %mul3A_126, %add3A_154 : i32
    %add3A_156 = arith.constant 480 : i32
    %add3A_157 = arith.addi %mul3A_126, %add3A_156 : i32
    %dma_start3A_158 = arith.constant 0 : i32
    %dma_start3A_159 = tpu.memref_slice %arg3[%arg0, %add3A_157, %dma_start3A_158] : memref<2x10240x16xf32, #tpu.memory_space<hbm>> -> memref<1x160x16xf32, #tpu.memory_space<hbm>>
    %dma_start3A_160 = tpu.memref_squeeze %dma_start3A_159 : memref<1x160x16xf32, #tpu.memory_space<hbm>> -> memref<160x16xf32, #tpu.memory_space<hbm>>
    %dma_start3A_161 = arith.constant 0 : i32
    %dma_start3A_162 = tpu.memref_slice %arg7[%add3A_155, %dma_start3A_161] : memref<10240x16xf32, #tpu.memory_space<vmem_shared>> -> memref<160x16xf32, #tpu.memory_space<vmem_shared>>
    tpu.enqueue_dma source(%dma_start3A_162 : memref<160x16xf32, #tpu.memory_space<vmem_shared>>) target(%dma_start3A_160 : memref<160x16xf32, #tpu.memory_space<hbm>>) target_semaphore(%arg9 : memref<!tpu.dma_semaphore, #tpu.memory_space<semaphore_mem>>)
    %dma_wait3A_163 = arith.constant 0 : i32
    %dma_wait3A_164 = tpu.memref_slice %arg3[%arg0, %add3A_130, %dma_wait3A_163] : memref<2x10240x16xf32, #tpu.memory_space<hbm>> -> memref<1x160x16xf32, #tpu.memory_space<hbm>>
    %dma_wait3A_165 = tpu.memref_squeeze %dma_wait3A_164 : memref<1x160x16xf32, #tpu.memory_space<hbm>> -> memref<160x16xf32, #tpu.memory_space<hbm>>
    %dma_wait3A_166 = arith.constant 0 : i32
    %dma_wait3A_167 = tpu.memref_slice %arg7[%add3A_128, %dma_wait3A_166] : memref<10240x16xf32, #tpu.memory_space<vmem_shared>> -> memref<160x16xf32, #tpu.memory_space<vmem_shared>>
    tpu.wait_dma2 semaphore(%arg9 : memref<!tpu.dma_semaphore, #tpu.memory_space<semaphore_mem>>) src(%dma_wait3A_167 : memref<160x16xf32, #tpu.memory_space<vmem_shared>>) dst(%dma_wait3A_165 : memref<160x16xf32, #tpu.memory_space<hbm>>)
    %dma_wait3A_168 = arith.constant 0 : i32
    %dma_wait3A_169 = tpu.memref_slice %arg3[%arg0, %add3A_139, %dma_wait3A_168] : memref<2x10240x16xf32, #tpu.memory_space<hbm>> -> memref<1x160x16xf32, #tpu.memory_space<hbm>>
    %dma_wait3A_170 = tpu.memref_squeeze %dma_wait3A_169 : memref<1x160x16xf32, #tpu.memory_space<hbm>> -> memref<160x16xf32, #tpu.memory_space<hbm>>
    %dma_wait3A_171 = arith.constant 0 : i32
    %dma_wait3A_172 = tpu.memref_slice %arg7[%add3A_137, %dma_wait3A_171] : memref<10240x16xf32, #tpu.memory_space<vmem_shared>> -> memref<160x16xf32, #tpu.memory_space<vmem_shared>>
    tpu.wait_dma2 semaphore(%arg9 : memref<!tpu.dma_semaphore, #tpu.memory_space<semaphore_mem>>) src(%dma_wait3A_172 : memref<160x16xf32, #tpu.memory_space<vmem_shared>>) dst(%dma_wait3A_170 : memref<160x16xf32, #tpu.memory_space<hbm>>)
    %dma_wait3A_173 = arith.constant 0 : i32
    %dma_wait3A_174 = tpu.memref_slice %arg3[%arg0, %add3A_148, %dma_wait3A_173] : memref<2x10240x16xf32, #tpu.memory_space<hbm>> -> memref<1x160x16xf32, #tpu.memory_space<hbm>>
    %dma_wait3A_175 = tpu.memref_squeeze %dma_wait3A_174 : memref<1x160x16xf32, #tpu.memory_space<hbm>> -> memref<160x16xf32, #tpu.memory_space<hbm>>
    %dma_wait3A_176 = arith.constant 0 : i32
    %dma_wait3A_177 = tpu.memref_slice %arg7[%add3A_146, %dma_wait3A_176] : memref<10240x16xf32, #tpu.memory_space<vmem_shared>> -> memref<160x16xf32, #tpu.memory_space<vmem_shared>>
    tpu.wait_dma2 semaphore(%arg9 : memref<!tpu.dma_semaphore, #tpu.memory_space<semaphore_mem>>) src(%dma_wait3A_177 : memref<160x16xf32, #tpu.memory_space<vmem_shared>>) dst(%dma_wait3A_175 : memref<160x16xf32, #tpu.memory_space<hbm>>)
    %dma_wait3A_178 = arith.constant 0 : i32
    %dma_wait3A_179 = tpu.memref_slice %arg3[%arg0, %add3A_157, %dma_wait3A_178] : memref<2x10240x16xf32, #tpu.memory_space<hbm>> -> memref<1x160x16xf32, #tpu.memory_space<hbm>>
    %dma_wait3A_180 = tpu.memref_squeeze %dma_wait3A_179 : memref<1x160x16xf32, #tpu.memory_space<hbm>> -> memref<160x16xf32, #tpu.memory_space<hbm>>
    %dma_wait3A_181 = arith.constant 0 : i32
    %dma_wait3A_182 = tpu.memref_slice %arg7[%add3A_155, %dma_wait3A_181] : memref<10240x16xf32, #tpu.memory_space<vmem_shared>> -> memref<160x16xf32, #tpu.memory_space<vmem_shared>>
    tpu.wait_dma2 semaphore(%arg9 : memref<!tpu.dma_semaphore, #tpu.memory_space<semaphore_mem>>) src(%dma_wait3A_182 : memref<160x16xf32, #tpu.memory_space<vmem_shared>>) dst(%dma_wait3A_180 : memref<160x16xf32, #tpu.memory_space<hbm>>)
    return
  }
}

#map = affine_map<(d0, d1) -> (0, 0)>
#map1 = affine_map<(d0, d1) -> (0, 0, 0)>
module attributes {stable_mosaic.version = 14 : i64} {
  func.func @_edge_body(%arg0: i32, %arg1: i32, %arg2: memref<10240x128xf32, #tpu.memory_space<hbm>>, %arg3: memref<32x320x32xi32, #tpu.memory_space<hbm>>, %arg4: memref<32x320x32xi32, #tpu.memory_space<hbm>>, %arg5: memref<2x10240x128xf32, #tpu.memory_space<hbm>>, %arg6: memref<16x32xi32, #tpu.memory_space<vmem>>, %arg7: memref<16x32xi32, #tpu.memory_space<vmem>>, %arg8: memref<32x128xf32, #tpu.memory_space<vmem>>, %arg9: memref<32x128xf32, #tpu.memory_space<vmem>>, %arg10: memref<32x128xf32, #tpu.memory_space<vmem>>, %arg11: memref<32x128xf32, #tpu.memory_space<vmem>>, %arg12: memref<32x128xf32, #tpu.memory_space<vmem>>, %arg13: memref<32x128xf32, #tpu.memory_space<vmem>>, %arg14: memref<32x128xf32, #tpu.memory_space<vmem>>, %arg15: memref<32x128xf32, #tpu.memory_space<vmem>>, %arg16: memref<64x128xf32, #tpu.memory_space<vmem>>, %arg17: memref<10240x128xf32, #tpu.memory_space<vmem_shared>>, %arg18: memref<!tpu.dma_semaphore, #tpu.memory_space<semaphore_mem>>, %arg19: memref<!tpu.dma_semaphore, #tpu.memory_space<semaphore_mem>>, %arg20: memref<!tpu.dma_semaphore, #tpu.memory_space<semaphore_mem>>, %arg21: memref<!tpu.dma_semaphore, #tpu.memory_space<semaphore_mem>>, %arg22: memref<!tpu.dma_semaphore, #tpu.memory_space<semaphore_mem>>, %arg23: memref<!tpu.dma_semaphore, #tpu.memory_space<semaphore_mem>>, %arg24: memref<!tpu.dma_semaphore, #tpu.memory_space<semaphore_mem>>, %arg25: memref<!tpu.dma_semaphore, #tpu.memory_space<semaphore_mem>>, %arg26: memref<!tpu.dma_semaphore, #tpu.memory_space<semaphore_mem>>, %arg27: memref<!tpu.dma_semaphore, #tpu.memory_space<semaphore_mem>>, %arg28: memref<!tpu.dma_semaphore, #tpu.memory_space<semaphore_mem>>, %arg29: memref<!tpu.dma_semaphore, #tpu.memory_space<semaphore_mem>>, %arg30: memref<!tpu.dma_semaphore, #tpu.memory_space<semaphore_mem>>, %arg31: memref<!tpu.dma_semaphore, #tpu.memory_space<semaphore_mem>>, %arg32: memref<!tpu.dma_semaphore, #tpu.memory_space<semaphore_mem>>, %arg33: memref<!tpu.dma_semaphore, #tpu.memory_space<semaphore_mem>>, %arg34: memref<!tpu.dma_semaphore, #tpu.memory_space<semaphore_mem>>) attributes {dimension_semantics = [#tpu.dimension_semantics<core_parallel>, #tpu.dimension_semantics<subcore_parallel>], iteration_bounds = array<i64: 2, 16>, scalar_prefetch = 0 : i64, scratch_operands = 29 : i64, tpu.core_type = #tpu.core_type<sc_vector_subcore>, window_params = [{transform_indices = #map}, {transform_indices = #map1}, {transform_indices = #map1}, {transform_indices = #map1}]} {
    %mul3A = arith.constant 16 : i32
    %mul3A_0 = arith.muli %arg0, %mul3A : i32
    %add3A = arith.addi %mul3A_0, %arg1 : i32
    %mul3A_1 = arith.constant 640 : i32
    %mul3A_2 = arith.muli %arg1, %mul3A_1 : i32
    %broadcast_in_dim3A = arith.constant 0.000000e+00 : f32
    %broadcast_in_dim3A_3 = vector.broadcast %broadcast_in_dim3A : f32 to vector<16xf32>
    %scan3A = arith.constant 0 : i32
    %scan3A_4 = arith.constant 0 : i32
    %scan3A_5 = arith.constant 64 : i32
    %scan3A_6 = arith.addi %scan3A_4, %scan3A_5 : i32
    %scan3A_7 = arith.constant 1 : i32
    %scan3A_8 = scf.for %scan3A_176 = %scan3A_4 to %scan3A_6 step %scan3A_7 iter_args(%scan3A_177 = %scan3A) -> (i32)  : i32 {
      %swap3A = arith.index_cast %scan3A_176 : i32 to index
      %swap3A_178 = arith.constant 0 : index
      %swap3A_179 = tpu.vector_load %arg16[%swap3A, %swap3A_178] {strides = array<i32>} : memref<64x128xf32, #tpu.memory_space<vmem>>, vector<1x16xf32>,
      %swap3A_180 = vector.shape_cast %swap3A_179 : vector<1x16xf32> to vector<16xf32>
      %swap3A_181 = vector.shape_cast %broadcast_in_dim3A_3 : vector<16xf32> to vector<1x16xf32>
      tpu.vector_store %arg16[%swap3A, %swap3A_178], %swap3A_181 {strides = array<i32>} : memref<64x128xf32, #tpu.memory_space<vmem>>, vector<1x16xf32>,
      %swap3A_182 = arith.index_cast %scan3A_176 : i32 to index
      %swap3A_183 = arith.constant 16 : index
      %swap3A_184 = tpu.vector_load %arg16[%swap3A_182, %swap3A_183] {strides = array<i32>} : memref<64x128xf32, #tpu.memory_space<vmem>>, vector<1x16xf32>,
      %swap3A_185 = vector.shape_cast %swap3A_184 : vector<1x16xf32> to vector<16xf32>
      %swap3A_186 = vector.shape_cast %broadcast_in_dim3A_3 : vector<16xf32> to vector<1x16xf32>
      tpu.vector_store %arg16[%swap3A_182, %swap3A_183], %swap3A_186 {strides = array<i32>} : memref<64x128xf32, #tpu.memory_space<vmem>>, vector<1x16xf32>,
      %swap3A_187 = arith.index_cast %scan3A_176 : i32 to index
      %swap3A_188 = arith.constant 32 : index
      %swap3A_189 = tpu.vector_load %arg16[%swap3A_187, %swap3A_188] {strides = array<i32>} : memref<64x128xf32, #tpu.memory_space<vmem>>, vector<1x16xf32>,
      %swap3A_190 = vector.shape_cast %swap3A_189 : vector<1x16xf32> to vector<16xf32>
      %swap3A_191 = vector.shape_cast %broadcast_in_dim3A_3 : vector<16xf32> to vector<1x16xf32>
      tpu.vector_store %arg16[%swap3A_187, %swap3A_188], %swap3A_191 {strides = array<i32>} : memref<64x128xf32, #tpu.memory_space<vmem>>, vector<1x16xf32>,
      %swap3A_192 = arith.index_cast %scan3A_176 : i32 to index
      %swap3A_193 = arith.constant 48 : index
      %swap3A_194 = tpu.vector_load %arg16[%swap3A_192, %swap3A_193] {strides = array<i32>} : memref<64x128xf32, #tpu.memory_space<vmem>>, vector<1x16xf32>,
      %swap3A_195 = vector.shape_cast %swap3A_194 : vector<1x16xf32> to vector<16xf32>
      %swap3A_196 = vector.shape_cast %broadcast_in_dim3A_3 : vector<16xf32> to vector<1x16xf32>
      tpu.vector_store %arg16[%swap3A_192, %swap3A_193], %swap3A_196 {strides = array<i32>} : memref<64x128xf32, #tpu.memory_space<vmem>>, vector<1x16xf32>,
      %swap3A_197 = arith.index_cast %scan3A_176 : i32 to index
      %swap3A_198 = arith.constant 64 : index
      %swap3A_199 = tpu.vector_load %arg16[%swap3A_197, %swap3A_198] {strides = array<i32>} : memref<64x128xf32, #tpu.memory_space<vmem>>, vector<1x16xf32>,
      %swap3A_200 = vector.shape_cast %swap3A_199 : vector<1x16xf32> to vector<16xf32>
      %swap3A_201 = vector.shape_cast %broadcast_in_dim3A_3 : vector<16xf32> to vector<1x16xf32>
      tpu.vector_store %arg16[%swap3A_197, %swap3A_198], %swap3A_201 {strides = array<i32>} : memref<64x128xf32, #tpu.memory_space<vmem>>, vector<1x16xf32>,
      %swap3A_202 = arith.index_cast %scan3A_176 : i32 to index
      %swap3A_203 = arith.constant 80 : index
      %swap3A_204 = tpu.vector_load %arg16[%swap3A_202, %swap3A_203] {strides = array<i32>} : memref<64x128xf32, #tpu.memory_space<vmem>>, vector<1x16xf32>,
      %swap3A_205 = vector.shape_cast %swap3A_204 : vector<1x16xf32> to vector<16xf32>
      %swap3A_206 = vector.shape_cast %broadcast_in_dim3A_3 : vector<16xf32> to vector<1x16xf32>
      tpu.vector_store %arg16[%swap3A_202, %swap3A_203], %swap3A_206 {strides = array<i32>} : memref<64x128xf32, #tpu.memory_space<vmem>>, vector<1x16xf32>,
      %swap3A_207 = arith.index_cast %scan3A_176 : i32 to index
      %swap3A_208 = arith.constant 96 : index
      %swap3A_209 = tpu.vector_load %arg16[%swap3A_207, %swap3A_208] {strides = array<i32>} : memref<64x128xf32, #tpu.memory_space<vmem>>, vector<1x16xf32>,
      %swap3A_210 = vector.shape_cast %swap3A_209 : vector<1x16xf32> to vector<16xf32>
      %swap3A_211 = vector.shape_cast %broadcast_in_dim3A_3 : vector<16xf32> to vector<1x16xf32>
      tpu.vector_store %arg16[%swap3A_207, %swap3A_208], %swap3A_211 {strides = array<i32>} : memref<64x128xf32, #tpu.memory_space<vmem>>, vector<1x16xf32>,
      %swap3A_212 = arith.index_cast %scan3A_176 : i32 to index
      %swap3A_213 = arith.constant 112 : index
      %swap3A_214 = tpu.vector_load %arg16[%swap3A_212, %swap3A_213] {strides = array<i32>} : memref<64x128xf32, #tpu.memory_space<vmem>>, vector<1x16xf32>,
      %swap3A_215 = vector.shape_cast %swap3A_214 : vector<1x16xf32> to vector<16xf32>
      %swap3A_216 = vector.shape_cast %broadcast_in_dim3A_3 : vector<16xf32> to vector<1x16xf32>
      tpu.vector_store %arg16[%swap3A_212, %swap3A_213], %swap3A_216 {strides = array<i32>} : memref<64x128xf32, #tpu.memory_space<vmem>>, vector<1x16xf32>,
      %scan3A_217 = arith.constant 0 : i32
      scf.yield %scan3A_217 : i32
    }
    %scan3A_9 = arith.constant 64 : i32
    %mul3A_10 = arith.constant 640 : i32
    %mul3A_11 = arith.muli %arg1, %mul3A_10 : i32
    %add3A_12 = arith.constant 0 : i32
    %add3A_13 = arith.addi %mul3A_11, %add3A_12 : i32
    %dma_start3A = arith.constant 0 : i32
    %dma_start3A_14 = tpu.memref_slice %arg17[%add3A_13, %dma_start3A] : memref<10240x128xf32, #tpu.memory_space<vmem_shared>> -> memref<64x128xf32, #tpu.memory_space<vmem_shared>>
    %dma_start3A_15 = arith.constant 0 : i32
    %dma_start3A_16 = tpu.memref_slice %arg17[%add3A_13, %dma_start3A_15] : memref<10240x128xf32, #tpu.memory_space<vmem_shared>> -> memref<64x128xf32, #tpu.memory_space<vmem_shared>>
    tpu.enqueue_dma source(%arg16 : memref<64x128xf32, #tpu.memory_space<vmem>>) target(%dma_start3A_16 : memref<64x128xf32, #tpu.memory_space<vmem_shared>>) target_semaphore(%arg34 : memref<!tpu.dma_semaphore, #tpu.memory_space<semaphore_mem>>)
    %add3A_17 = arith.constant 64 : i32
    %add3A_18 = arith.addi %mul3A_11, %add3A_17 : i32
    %dma_start3A_19 = arith.constant 0 : i32
    %dma_start3A_20 = tpu.memref_slice %arg17[%add3A_18, %dma_start3A_19] : memref<10240x128xf32, #tpu.memory_space<vmem_shared>> -> memref<64x128xf32, #tpu.memory_space<vmem_shared>>
    %dma_start3A_21 = arith.constant 0 : i32
    %dma_start3A_22 = tpu.memref_slice %arg17[%add3A_18, %dma_start3A_21] : memref<10240x128xf32, #tpu.memory_space<vmem_shared>> -> memref<64x128xf32, #tpu.memory_space<vmem_shared>>
    tpu.enqueue_dma source(%arg16 : memref<64x128xf32, #tpu.memory_space<vmem>>) target(%dma_start3A_22 : memref<64x128xf32, #tpu.memory_space<vmem_shared>>) target_semaphore(%arg34 : memref<!tpu.dma_semaphore, #tpu.memory_space<semaphore_mem>>)
    %add3A_23 = arith.constant 128 : i32
    %add3A_24 = arith.addi %mul3A_11, %add3A_23 : i32
    %dma_start3A_25 = arith.constant 0 : i32
    %dma_start3A_26 = tpu.memref_slice %arg17[%add3A_24, %dma_start3A_25] : memref<10240x128xf32, #tpu.memory_space<vmem_shared>> -> memref<64x128xf32, #tpu.memory_space<vmem_shared>>
    %dma_start3A_27 = arith.constant 0 : i32
    %dma_start3A_28 = tpu.memref_slice %arg17[%add3A_24, %dma_start3A_27] : memref<10240x128xf32, #tpu.memory_space<vmem_shared>> -> memref<64x128xf32, #tpu.memory_space<vmem_shared>>
    tpu.enqueue_dma source(%arg16 : memref<64x128xf32, #tpu.memory_space<vmem>>) target(%dma_start3A_28 : memref<64x128xf32, #tpu.memory_space<vmem_shared>>) target_semaphore(%arg34 : memref<!tpu.dma_semaphore, #tpu.memory_space<semaphore_mem>>)
    %add3A_29 = arith.constant 192 : i32
    %add3A_30 = arith.addi %mul3A_11, %add3A_29 : i32
    %dma_start3A_31 = arith.constant 0 : i32
    %dma_start3A_32 = tpu.memref_slice %arg17[%add3A_30, %dma_start3A_31] : memref<10240x128xf32, #tpu.memory_space<vmem_shared>> -> memref<64x128xf32, #tpu.memory_space<vmem_shared>>
    %dma_start3A_33 = arith.constant 0 : i32
    %dma_start3A_34 = tpu.memref_slice %arg17[%add3A_30, %dma_start3A_33] : memref<10240x128xf32, #tpu.memory_space<vmem_shared>> -> memref<64x128xf32, #tpu.memory_space<vmem_shared>>
    tpu.enqueue_dma source(%arg16 : memref<64x128xf32, #tpu.memory_space<vmem>>) target(%dma_start3A_34 : memref<64x128xf32, #tpu.memory_space<vmem_shared>>) target_semaphore(%arg34 : memref<!tpu.dma_semaphore, #tpu.memory_space<semaphore_mem>>)
    %add3A_35 = arith.constant 256 : i32
    %add3A_36 = arith.addi %mul3A_11, %add3A_35 : i32
    %dma_start3A_37 = arith.constant 0 : i32
    %dma_start3A_38 = tpu.memref_slice %arg17[%add3A_36, %dma_start3A_37] : memref<10240x128xf32, #tpu.memory_space<vmem_shared>> -> memref<64x128xf32, #tpu.memory_space<vmem_shared>>
    %dma_start3A_39 = arith.constant 0 : i32
    %dma_start3A_40 = tpu.memref_slice %arg17[%add3A_36, %dma_start3A_39] : memref<10240x128xf32, #tpu.memory_space<vmem_shared>> -> memref<64x128xf32, #tpu.memory_space<vmem_shared>>
    tpu.enqueue_dma source(%arg16 : memref<64x128xf32, #tpu.memory_space<vmem>>) target(%dma_start3A_40 : memref<64x128xf32, #tpu.memory_space<vmem_shared>>) target_semaphore(%arg34 : memref<!tpu.dma_semaphore, #tpu.memory_space<semaphore_mem>>)
    %add3A_41 = arith.constant 320 : i32
    %add3A_42 = arith.addi %mul3A_11, %add3A_41 : i32
    %dma_start3A_43 = arith.constant 0 : i32
    %dma_start3A_44 = tpu.memref_slice %arg17[%add3A_42, %dma_start3A_43] : memref<10240x128xf32, #tpu.memory_space<vmem_shared>> -> memref<64x128xf32, #tpu.memory_space<vmem_shared>>
    %dma_start3A_45 = arith.constant 0 : i32
    %dma_start3A_46 = tpu.memref_slice %arg17[%add3A_42, %dma_start3A_45] : memref<10240x128xf32, #tpu.memory_space<vmem_shared>> -> memref<64x128xf32, #tpu.memory_space<vmem_shared>>
    tpu.enqueue_dma source(%arg16 : memref<64x128xf32, #tpu.memory_space<vmem>>) target(%dma_start3A_46 : memref<64x128xf32, #tpu.memory_space<vmem_shared>>) target_semaphore(%arg34 : memref<!tpu.dma_semaphore, #tpu.memory_space<semaphore_mem>>)
    %add3A_47 = arith.constant 384 : i32
    %add3A_48 = arith.addi %mul3A_11, %add3A_47 : i32
    %dma_start3A_49 = arith.constant 0 : i32
    %dma_start3A_50 = tpu.memref_slice %arg17[%add3A_48, %dma_start3A_49] : memref<10240x128xf32, #tpu.memory_space<vmem_shared>> -> memref<64x128xf32, #tpu.memory_space<vmem_shared>>
    %dma_start3A_51 = arith.constant 0 : i32
    %dma_start3A_52 = tpu.memref_slice %arg17[%add3A_48, %dma_start3A_51] : memref<10240x128xf32, #tpu.memory_space<vmem_shared>> -> memref<64x128xf32, #tpu.memory_space<vmem_shared>>
    tpu.enqueue_dma source(%arg16 : memref<64x128xf32, #tpu.memory_space<vmem>>) target(%dma_start3A_52 : memref<64x128xf32, #tpu.memory_space<vmem_shared>>) target_semaphore(%arg34 : memref<!tpu.dma_semaphore, #tpu.memory_space<semaphore_mem>>)
    %add3A_53 = arith.constant 448 : i32
    %add3A_54 = arith.addi %mul3A_11, %add3A_53 : i32
    %dma_start3A_55 = arith.constant 0 : i32
    %dma_start3A_56 = tpu.memref_slice %arg17[%add3A_54, %dma_start3A_55] : memref<10240x128xf32, #tpu.memory_space<vmem_shared>> -> memref<64x128xf32, #tpu.memory_space<vmem_shared>>
    %dma_start3A_57 = arith.constant 0 : i32
    %dma_start3A_58 = tpu.memref_slice %arg17[%add3A_54, %dma_start3A_57] : memref<10240x128xf32, #tpu.memory_space<vmem_shared>> -> memref<64x128xf32, #tpu.memory_space<vmem_shared>>
    tpu.enqueue_dma source(%arg16 : memref<64x128xf32, #tpu.memory_space<vmem>>) target(%dma_start3A_58 : memref<64x128xf32, #tpu.memory_space<vmem_shared>>) target_semaphore(%arg34 : memref<!tpu.dma_semaphore, #tpu.memory_space<semaphore_mem>>)
    %add3A_59 = arith.constant 512 : i32
    %add3A_60 = arith.addi %mul3A_11, %add3A_59 : i32
    %dma_start3A_61 = arith.constant 0 : i32
    %dma_start3A_62 = tpu.memref_slice %arg17[%add3A_60, %dma_start3A_61] : memref<10240x128xf32, #tpu.memory_space<vmem_shared>> -> memref<64x128xf32, #tpu.memory_space<vmem_shared>>
    %dma_start3A_63 = arith.constant 0 : i32
    %dma_start3A_64 = tpu.memref_slice %arg17[%add3A_60, %dma_start3A_63] : memref<10240x128xf32, #tpu.memory_space<vmem_shared>> -> memref<64x128xf32, #tpu.memory_space<vmem_shared>>
    tpu.enqueue_dma source(%arg16 : memref<64x128xf32, #tpu.memory_space<vmem>>) target(%dma_start3A_64 : memref<64x128xf32, #tpu.memory_space<vmem_shared>>) target_semaphore(%arg34 : memref<!tpu.dma_semaphore, #tpu.memory_space<semaphore_mem>>)
    %add3A_65 = arith.constant 576 : i32
    %add3A_66 = arith.addi %mul3A_11, %add3A_65 : i32
    %dma_start3A_67 = arith.constant 0 : i32
    %dma_start3A_68 = tpu.memref_slice %arg17[%add3A_66, %dma_start3A_67] : memref<10240x128xf32, #tpu.memory_space<vmem_shared>> -> memref<64x128xf32, #tpu.memory_space<vmem_shared>>
    %dma_start3A_69 = arith.constant 0 : i32
    %dma_start3A_70 = tpu.memref_slice %arg17[%add3A_66, %dma_start3A_69] : memref<10240x128xf32, #tpu.memory_space<vmem_shared>> -> memref<64x128xf32, #tpu.memory_space<vmem_shared>>
    tpu.enqueue_dma source(%arg16 : memref<64x128xf32, #tpu.memory_space<vmem>>) target(%dma_start3A_70 : memref<64x128xf32, #tpu.memory_space<vmem_shared>>) target_semaphore(%arg34 : memref<!tpu.dma_semaphore, #tpu.memory_space<semaphore_mem>>)
    %dma_wait3A = arith.constant 0 : i32
    %dma_wait3A_71 = tpu.memref_slice %arg17[%add3A_13, %dma_wait3A] : memref<10240x128xf32, #tpu.memory_space<vmem_shared>> -> memref<64x128xf32, #tpu.memory_space<vmem_shared>>
    %dma_wait3A_72 = arith.constant 0 : i32
    %dma_wait3A_73 = tpu.memref_slice %arg17[%add3A_13, %dma_wait3A_72] : memref<10240x128xf32, #tpu.memory_space<vmem_shared>> -> memref<64x128xf32, #tpu.memory_space<vmem_shared>>
    tpu.wait_dma2 semaphore(%arg34 : memref<!tpu.dma_semaphore, #tpu.memory_space<semaphore_mem>>) src(%arg16 : memref<64x128xf32, #tpu.memory_space<vmem>>) dst(%dma_wait3A_73 : memref<64x128xf32, #tpu.memory_space<vmem_shared>>)
    %dma_wait3A_74 = arith.constant 0 : i32
    %dma_wait3A_75 = tpu.memref_slice %arg17[%add3A_18, %dma_wait3A_74] : memref<10240x128xf32, #tpu.memory_space<vmem_shared>> -> memref<64x128xf32, #tpu.memory_space<vmem_shared>>
    %dma_wait3A_76 = arith.constant 0 : i32
    %dma_wait3A_77 = tpu.memref_slice %arg17[%add3A_18, %dma_wait3A_76] : memref<10240x128xf32, #tpu.memory_space<vmem_shared>> -> memref<64x128xf32, #tpu.memory_space<vmem_shared>>
    tpu.wait_dma2 semaphore(%arg34 : memref<!tpu.dma_semaphore, #tpu.memory_space<semaphore_mem>>) src(%arg16 : memref<64x128xf32, #tpu.memory_space<vmem>>) dst(%dma_wait3A_77 : memref<64x128xf32, #tpu.memory_space<vmem_shared>>)
    %dma_wait3A_78 = arith.constant 0 : i32
    %dma_wait3A_79 = tpu.memref_slice %arg17[%add3A_24, %dma_wait3A_78] : memref<10240x128xf32, #tpu.memory_space<vmem_shared>> -> memref<64x128xf32, #tpu.memory_space<vmem_shared>>
    %dma_wait3A_80 = arith.constant 0 : i32
    %dma_wait3A_81 = tpu.memref_slice %arg17[%add3A_24, %dma_wait3A_80] : memref<10240x128xf32, #tpu.memory_space<vmem_shared>> -> memref<64x128xf32, #tpu.memory_space<vmem_shared>>
    tpu.wait_dma2 semaphore(%arg34 : memref<!tpu.dma_semaphore, #tpu.memory_space<semaphore_mem>>) src(%arg16 : memref<64x128xf32, #tpu.memory_space<vmem>>) dst(%dma_wait3A_81 : memref<64x128xf32, #tpu.memory_space<vmem_shared>>)
    %dma_wait3A_82 = arith.constant 0 : i32
    %dma_wait3A_83 = tpu.memref_slice %arg17[%add3A_30, %dma_wait3A_82] : memref<10240x128xf32, #tpu.memory_space<vmem_shared>> -> memref<64x128xf32, #tpu.memory_space<vmem_shared>>
    %dma_wait3A_84 = arith.constant 0 : i32
    %dma_wait3A_85 = tpu.memref_slice %arg17[%add3A_30, %dma_wait3A_84] : memref<10240x128xf32, #tpu.memory_space<vmem_shared>> -> memref<64x128xf32, #tpu.memory_space<vmem_shared>>
    tpu.wait_dma2 semaphore(%arg34 : memref<!tpu.dma_semaphore, #tpu.memory_space<semaphore_mem>>) src(%arg16 : memref<64x128xf32, #tpu.memory_space<vmem>>) dst(%dma_wait3A_85 : memref<64x128xf32, #tpu.memory_space<vmem_shared>>)
    %dma_wait3A_86 = arith.constant 0 : i32
    %dma_wait3A_87 = tpu.memref_slice %arg17[%add3A_36, %dma_wait3A_86] : memref<10240x128xf32, #tpu.memory_space<vmem_shared>> -> memref<64x128xf32, #tpu.memory_space<vmem_shared>>
    %dma_wait3A_88 = arith.constant 0 : i32
    %dma_wait3A_89 = tpu.memref_slice %arg17[%add3A_36, %dma_wait3A_88] : memref<10240x128xf32, #tpu.memory_space<vmem_shared>> -> memref<64x128xf32, #tpu.memory_space<vmem_shared>>
    tpu.wait_dma2 semaphore(%arg34 : memref<!tpu.dma_semaphore, #tpu.memory_space<semaphore_mem>>) src(%arg16 : memref<64x128xf32, #tpu.memory_space<vmem>>) dst(%dma_wait3A_89 : memref<64x128xf32, #tpu.memory_space<vmem_shared>>)
    %dma_wait3A_90 = arith.constant 0 : i32
    %dma_wait3A_91 = tpu.memref_slice %arg17[%add3A_42, %dma_wait3A_90] : memref<10240x128xf32, #tpu.memory_space<vmem_shared>> -> memref<64x128xf32, #tpu.memory_space<vmem_shared>>
    %dma_wait3A_92 = arith.constant 0 : i32
    %dma_wait3A_93 = tpu.memref_slice %arg17[%add3A_42, %dma_wait3A_92] : memref<10240x128xf32, #tpu.memory_space<vmem_shared>> -> memref<64x128xf32, #tpu.memory_space<vmem_shared>>
    tpu.wait_dma2 semaphore(%arg34 : memref<!tpu.dma_semaphore, #tpu.memory_space<semaphore_mem>>) src(%arg16 : memref<64x128xf32, #tpu.memory_space<vmem>>) dst(%dma_wait3A_93 : memref<64x128xf32, #tpu.memory_space<vmem_shared>>)
    %dma_wait3A_94 = arith.constant 0 : i32
    %dma_wait3A_95 = tpu.memref_slice %arg17[%add3A_48, %dma_wait3A_94] : memref<10240x128xf32, #tpu.memory_space<vmem_shared>> -> memref<64x128xf32, #tpu.memory_space<vmem_shared>>
    %dma_wait3A_96 = arith.constant 0 : i32
    %dma_wait3A_97 = tpu.memref_slice %arg17[%add3A_48, %dma_wait3A_96] : memref<10240x128xf32, #tpu.memory_space<vmem_shared>> -> memref<64x128xf32, #tpu.memory_space<vmem_shared>>
    tpu.wait_dma2 semaphore(%arg34 : memref<!tpu.dma_semaphore, #tpu.memory_space<semaphore_mem>>) src(%arg16 : memref<64x128xf32, #tpu.memory_space<vmem>>) dst(%dma_wait3A_97 : memref<64x128xf32, #tpu.memory_space<vmem_shared>>)
    %dma_wait3A_98 = arith.constant 0 : i32
    %dma_wait3A_99 = tpu.memref_slice %arg17[%add3A_54, %dma_wait3A_98] : memref<10240x128xf32, #tpu.memory_space<vmem_shared>> -> memref<64x128xf32, #tpu.memory_space<vmem_shared>>
    %dma_wait3A_100 = arith.constant 0 : i32
    %dma_wait3A_101 = tpu.memref_slice %arg17[%add3A_54, %dma_wait3A_100] : memref<10240x128xf32, #tpu.memory_space<vmem_shared>> -> memref<64x128xf32, #tpu.memory_space<vmem_shared>>
    tpu.wait_dma2 semaphore(%arg34 : memref<!tpu.dma_semaphore, #tpu.memory_space<semaphore_mem>>) src(%arg16 : memref<64x128xf32, #tpu.memory_space<vmem>>) dst(%dma_wait3A_101 : memref<64x128xf32, #tpu.memory_space<vmem_shared>>)
    %dma_wait3A_102 = arith.constant 0 : i32
    %dma_wait3A_103 = tpu.memref_slice %arg17[%add3A_60, %dma_wait3A_102] : memref<10240x128xf32, #tpu.memory_space<vmem_shared>> -> memref<64x128xf32, #tpu.memory_space<vmem_shared>>
    %dma_wait3A_104 = arith.constant 0 : i32
    %dma_wait3A_105 = tpu.memref_slice %arg17[%add3A_60, %dma_wait3A_104] : memref<10240x128xf32, #tpu.memory_space<vmem_shared>> -> memref<64x128xf32, #tpu.memory_space<vmem_shared>>
    tpu.wait_dma2 semaphore(%arg34 : memref<!tpu.dma_semaphore, #tpu.memory_space<semaphore_mem>>) src(%arg16 : memref<64x128xf32, #tpu.memory_space<vmem>>) dst(%dma_wait3A_105 : memref<64x128xf32, #tpu.memory_space<vmem_shared>>)
    %dma_wait3A_106 = arith.constant 0 : i32
    %dma_wait3A_107 = tpu.memref_slice %arg17[%add3A_66, %dma_wait3A_106] : memref<10240x128xf32, #tpu.memory_space<vmem_shared>> -> memref<64x128xf32, #tpu.memory_space<vmem_shared>>
    %dma_wait3A_108 = arith.constant 0 : i32
    %dma_wait3A_109 = tpu.memref_slice %arg17[%add3A_66, %dma_wait3A_108] : memref<10240x128xf32, #tpu.memory_space<vmem_shared>> -> memref<64x128xf32, #tpu.memory_space<vmem_shared>>
    tpu.wait_dma2 semaphore(%arg34 : memref<!tpu.dma_semaphore, #tpu.memory_space<semaphore_mem>>) src(%arg16 : memref<64x128xf32, #tpu.memory_space<vmem>>) dst(%dma_wait3A_109 : memref<64x128xf32, #tpu.memory_space<vmem_shared>>)
    %barrier3A = arith.constant 0 : index
    tpu.barrier barrier_id(%barrier3A)
    %scan3A_110 = arith.constant 0 : i32
    %scan3A_111 = arith.constant 0 : i32
    %scan3A_112 = arith.constant 20 : i32
    %scan3A_113 = arith.addi %scan3A_111, %scan3A_112 : i32
    %scan3A_114 = arith.constant 1 : i32
    %scan3A_115 = scf.for %scan3A_176 = %scan3A_111 to %scan3A_113 step %scan3A_114 iter_args(%scan3A_177 = %scan3A_110) -> (i32)  : i32 {
      %mul3A_178 = arith.constant 16 : i32
      %mul3A_179 = arith.muli %scan3A_176, %mul3A_178 : i32
      "tpu.region"() ({
        %run_scoped3A = tpu.sem_alloc : memref<!tpu.dma_semaphore, #tpu.memory_space<semaphore_mem>>
        %dma_start3A_631 = arith.constant 0 : i32
        %dma_start3A_632 = tpu.memref_slice %arg3[%add3A, %mul3A_179, %dma_start3A_631] : memref<32x320x32xi32, #tpu.memory_space<hbm>> -> memref<1x16x32xi32, #tpu.memory_space<hbm>>
        %dma_start3A_633 = tpu.memref_squeeze %dma_start3A_632 : memref<1x16x32xi32, #tpu.memory_space<hbm>> -> memref<16x32xi32, #tpu.memory_space<hbm>>
        %dma_start3A_634 = arith.constant 0 : i32
        %dma_start3A_635 = tpu.memref_slice %arg3[%add3A, %mul3A_179, %dma_start3A_634] : memref<32x320x32xi32, #tpu.memory_space<hbm>> -> memref<1x16x32xi32, #tpu.memory_space<hbm>>
        %dma_start3A_636 = tpu.memref_squeeze %dma_start3A_635 : memref<1x16x32xi32, #tpu.memory_space<hbm>> -> memref<16x32xi32, #tpu.memory_space<hbm>>
        tpu.enqueue_dma source(%dma_start3A_636 : memref<16x32xi32, #tpu.memory_space<hbm>>) target(%arg6 : memref<16x32xi32, #tpu.memory_space<vmem>>) target_semaphore(%run_scoped3A : memref<!tpu.dma_semaphore, #tpu.memory_space<semaphore_mem>>)
        %dma_wait3A_637 = arith.constant 0 : i32
        %dma_wait3A_638 = tpu.memref_slice %arg3[%add3A, %mul3A_179, %dma_wait3A_637] : memref<32x320x32xi32, #tpu.memory_space<hbm>> -> memref<1x16x32xi32, #tpu.memory_space<hbm>>
        %dma_wait3A_639 = tpu.memref_squeeze %dma_wait3A_638 : memref<1x16x32xi32, #tpu.memory_space<hbm>> -> memref<16x32xi32, #tpu.memory_space<hbm>>
        %dma_wait3A_640 = arith.constant 0 : i32
        %dma_wait3A_641 = tpu.memref_slice %arg3[%add3A, %mul3A_179, %dma_wait3A_640] : memref<32x320x32xi32, #tpu.memory_space<hbm>> -> memref<1x16x32xi32, #tpu.memory_space<hbm>>
        %dma_wait3A_642 = tpu.memref_squeeze %dma_wait3A_641 : memref<1x16x32xi32, #tpu.memory_space<hbm>> -> memref<16x32xi32, #tpu.memory_space<hbm>>
        tpu.wait_dma2 semaphore(%run_scoped3A : memref<!tpu.dma_semaphore, #tpu.memory_space<semaphore_mem>>) src(%dma_wait3A_642 : memref<16x32xi32, #tpu.memory_space<hbm>>) dst(%arg6 : memref<16x32xi32, #tpu.memory_space<vmem>>)
        tpu.yield
      }) : () -> ()
      %mul3A_180 = arith.constant 16 : i32
      %mul3A_181 = arith.muli %scan3A_176, %mul3A_180 : i32
      "tpu.region"() ({
        %run_scoped3A = tpu.sem_alloc : memref<!tpu.dma_semaphore, #tpu.memory_space<semaphore_mem>>
        %dma_start3A_631 = arith.constant 0 : i32
        %dma_start3A_632 = tpu.memref_slice %arg4[%add3A, %mul3A_181, %dma_start3A_631] : memref<32x320x32xi32, #tpu.memory_space<hbm>> -> memref<1x16x32xi32, #tpu.memory_space<hbm>>
        %dma_start3A_633 = tpu.memref_squeeze %dma_start3A_632 : memref<1x16x32xi32, #tpu.memory_space<hbm>> -> memref<16x32xi32, #tpu.memory_space<hbm>>
        %dma_start3A_634 = arith.constant 0 : i32
        %dma_start3A_635 = tpu.memref_slice %arg4[%add3A, %mul3A_181, %dma_start3A_634] : memref<32x320x32xi32, #tpu.memory_space<hbm>> -> memref<1x16x32xi32, #tpu.memory_space<hbm>>
        %dma_start3A_636 = tpu.memref_squeeze %dma_start3A_635 : memref<1x16x32xi32, #tpu.memory_space<hbm>> -> memref<16x32xi32, #tpu.memory_space<hbm>>
        tpu.enqueue_dma source(%dma_start3A_636 : memref<16x32xi32, #tpu.memory_space<hbm>>) target(%arg7 : memref<16x32xi32, #tpu.memory_space<vmem>>) target_semaphore(%run_scoped3A : memref<!tpu.dma_semaphore, #tpu.memory_space<semaphore_mem>>)
        %dma_wait3A_637 = arith.constant 0 : i32
        %dma_wait3A_638 = tpu.memref_slice %arg4[%add3A, %mul3A_181, %dma_wait3A_637] : memref<32x320x32xi32, #tpu.memory_space<hbm>> -> memref<1x16x32xi32, #tpu.memory_space<hbm>>
        %dma_wait3A_639 = tpu.memref_squeeze %dma_wait3A_638 : memref<1x16x32xi32, #tpu.memory_space<hbm>> -> memref<16x32xi32, #tpu.memory_space<hbm>>
        %dma_wait3A_640 = arith.constant 0 : i32
        %dma_wait3A_641 = tpu.memref_slice %arg4[%add3A, %mul3A_181, %dma_wait3A_640] : memref<32x320x32xi32, #tpu.memory_space<hbm>> -> memref<1x16x32xi32, #tpu.memory_space<hbm>>
        %dma_wait3A_642 = tpu.memref_squeeze %dma_wait3A_641 : memref<1x16x32xi32, #tpu.memory_space<hbm>> -> memref<16x32xi32, #tpu.memory_space<hbm>>
        tpu.wait_dma2 semaphore(%run_scoped3A : memref<!tpu.dma_semaphore, #tpu.memory_space<semaphore_mem>>) src(%dma_wait3A_642 : memref<16x32xi32, #tpu.memory_space<hbm>>) dst(%arg7 : memref<16x32xi32, #tpu.memory_space<vmem>>)
        tpu.yield
      }) : () -> ()
      %dma_start3A_182 = arith.constant 0 : i32
      %dma_start3A_183 = arith.constant 0 : i32
      %dma_start3A_184 = tpu.memref_slice %arg6[%dma_start3A_182, %dma_start3A_183] : memref<16x32xi32, #tpu.memory_space<vmem>> -> memref<1x32xi32, #tpu.memory_space<vmem>>
      %dma_start3A_185 = tpu.memref_squeeze %dma_start3A_184 : memref<1x32xi32, #tpu.memory_space<vmem>> -> memref<32xi32, #tpu.memory_space<vmem>>
      %dma_start3A_186 = arith.constant 0 : i32
      %dma_start3A_187 = arith.constant 0 : i32
      %dma_start3A_188 = tpu.memref_slice %arg2[%dma_start3A_186, %dma_start3A_187] : memref<10240x128xf32, #tpu.memory_space<hbm>> -> memref<10240x128xf32, #tpu.memory_space<hbm>>
      tpu.enqueue_indirect_dma source(%dma_start3A_188 : memref<10240x128xf32, #tpu.memory_space<hbm>>) target(%arg8 : memref<32x128xf32, #tpu.memory_space<vmem>>) offsets(%dma_start3A_185 : memref<32xi32, #tpu.memory_space<vmem>>) semaphore(%arg18 : memref<!tpu.dma_semaphore, #tpu.memory_space<semaphore_mem>>)
      %dma_start3A_189 = arith.constant 1 : i32
      %dma_start3A_190 = arith.constant 0 : i32
      %dma_start3A_191 = tpu.memref_slice %arg6[%dma_start3A_189, %dma_start3A_190] : memref<16x32xi32, #tpu.memory_space<vmem>> -> memref<1x32xi32, #tpu.memory_space<vmem>>
      %dma_start3A_192 = tpu.memref_squeeze %dma_start3A_191 : memref<1x32xi32, #tpu.memory_space<vmem>> -> memref<32xi32, #tpu.memory_space<vmem>>
      %dma_start3A_193 = arith.constant 0 : i32
      %dma_start3A_194 = arith.constant 0 : i32
      %dma_start3A_195 = tpu.memref_slice %arg2[%dma_start3A_193, %dma_start3A_194] : memref<10240x128xf32, #tpu.memory_space<hbm>> -> memref<10240x128xf32, #tpu.memory_space<hbm>>
      tpu.enqueue_indirect_dma source(%dma_start3A_195 : memref<10240x128xf32, #tpu.memory_space<hbm>>) target(%arg9 : memref<32x128xf32, #tpu.memory_space<vmem>>) offsets(%dma_start3A_192 : memref<32xi32, #tpu.memory_space<vmem>>) semaphore(%arg19 : memref<!tpu.dma_semaphore, #tpu.memory_space<semaphore_mem>>)
      %dma_start3A_196 = arith.constant 2 : i32
      %dma_start3A_197 = arith.constant 0 : i32
      %dma_start3A_198 = tpu.memref_slice %arg6[%dma_start3A_196, %dma_start3A_197] : memref<16x32xi32, #tpu.memory_space<vmem>> -> memref<1x32xi32, #tpu.memory_space<vmem>>
      %dma_start3A_199 = tpu.memref_squeeze %dma_start3A_198 : memref<1x32xi32, #tpu.memory_space<vmem>> -> memref<32xi32, #tpu.memory_space<vmem>>
      %dma_start3A_200 = arith.constant 0 : i32
      %dma_start3A_201 = arith.constant 0 : i32
      %dma_start3A_202 = tpu.memref_slice %arg2[%dma_start3A_200, %dma_start3A_201] : memref<10240x128xf32, #tpu.memory_space<hbm>> -> memref<10240x128xf32, #tpu.memory_space<hbm>>
      tpu.enqueue_indirect_dma source(%dma_start3A_202 : memref<10240x128xf32, #tpu.memory_space<hbm>>) target(%arg10 : memref<32x128xf32, #tpu.memory_space<vmem>>) offsets(%dma_start3A_199 : memref<32xi32, #tpu.memory_space<vmem>>) semaphore(%arg20 : memref<!tpu.dma_semaphore, #tpu.memory_space<semaphore_mem>>)
      %dma_start3A_203 = arith.constant 3 : i32
      %dma_start3A_204 = arith.constant 0 : i32
      %dma_start3A_205 = tpu.memref_slice %arg6[%dma_start3A_203, %dma_start3A_204] : memref<16x32xi32, #tpu.memory_space<vmem>> -> memref<1x32xi32, #tpu.memory_space<vmem>>
      %dma_start3A_206 = tpu.memref_squeeze %dma_start3A_205 : memref<1x32xi32, #tpu.memory_space<vmem>> -> memref<32xi32, #tpu.memory_space<vmem>>
      %dma_start3A_207 = arith.constant 0 : i32
      %dma_start3A_208 = arith.constant 0 : i32
      %dma_start3A_209 = tpu.memref_slice %arg2[%dma_start3A_207, %dma_start3A_208] : memref<10240x128xf32, #tpu.memory_space<hbm>> -> memref<10240x128xf32, #tpu.memory_space<hbm>>
      tpu.enqueue_indirect_dma source(%dma_start3A_209 : memref<10240x128xf32, #tpu.memory_space<hbm>>) target(%arg11 : memref<32x128xf32, #tpu.memory_space<vmem>>) offsets(%dma_start3A_206 : memref<32xi32, #tpu.memory_space<vmem>>) semaphore(%arg21 : memref<!tpu.dma_semaphore, #tpu.memory_space<semaphore_mem>>)
      %dma_start3A_210 = arith.constant 4 : i32
      %dma_start3A_211 = arith.constant 0 : i32
      %dma_start3A_212 = tpu.memref_slice %arg6[%dma_start3A_210, %dma_start3A_211] : memref<16x32xi32, #tpu.memory_space<vmem>> -> memref<1x32xi32, #tpu.memory_space<vmem>>
      %dma_start3A_213 = tpu.memref_squeeze %dma_start3A_212 : memref<1x32xi32, #tpu.memory_space<vmem>> -> memref<32xi32, #tpu.memory_space<vmem>>
      %dma_start3A_214 = arith.constant 0 : i32
      %dma_start3A_215 = arith.constant 0 : i32
      %dma_start3A_216 = tpu.memref_slice %arg2[%dma_start3A_214, %dma_start3A_215] : memref<10240x128xf32, #tpu.memory_space<hbm>> -> memref<10240x128xf32, #tpu.memory_space<hbm>>
      tpu.enqueue_indirect_dma source(%dma_start3A_216 : memref<10240x128xf32, #tpu.memory_space<hbm>>) target(%arg12 : memref<32x128xf32, #tpu.memory_space<vmem>>) offsets(%dma_start3A_213 : memref<32xi32, #tpu.memory_space<vmem>>) semaphore(%arg22 : memref<!tpu.dma_semaphore, #tpu.memory_space<semaphore_mem>>)
      %dma_start3A_217 = arith.constant 5 : i32
      %dma_start3A_218 = arith.constant 0 : i32
      %dma_start3A_219 = tpu.memref_slice %arg6[%dma_start3A_217, %dma_start3A_218] : memref<16x32xi32, #tpu.memory_space<vmem>> -> memref<1x32xi32, #tpu.memory_space<vmem>>
      %dma_start3A_220 = tpu.memref_squeeze %dma_start3A_219 : memref<1x32xi32, #tpu.memory_space<vmem>> -> memref<32xi32, #tpu.memory_space<vmem>>
      %dma_start3A_221 = arith.constant 0 : i32
      %dma_start3A_222 = arith.constant 0 : i32
      %dma_start3A_223 = tpu.memref_slice %arg2[%dma_start3A_221, %dma_start3A_222] : memref<10240x128xf32, #tpu.memory_space<hbm>> -> memref<10240x128xf32, #tpu.memory_space<hbm>>
      tpu.enqueue_indirect_dma source(%dma_start3A_223 : memref<10240x128xf32, #tpu.memory_space<hbm>>) target(%arg13 : memref<32x128xf32, #tpu.memory_space<vmem>>) offsets(%dma_start3A_220 : memref<32xi32, #tpu.memory_space<vmem>>) semaphore(%arg23 : memref<!tpu.dma_semaphore, #tpu.memory_space<semaphore_mem>>)
      %dma_start3A_224 = arith.constant 6 : i32
      %dma_start3A_225 = arith.constant 0 : i32
      %dma_start3A_226 = tpu.memref_slice %arg6[%dma_start3A_224, %dma_start3A_225] : memref<16x32xi32, #tpu.memory_space<vmem>> -> memref<1x32xi32, #tpu.memory_space<vmem>>
      %dma_start3A_227 = tpu.memref_squeeze %dma_start3A_226 : memref<1x32xi32, #tpu.memory_space<vmem>> -> memref<32xi32, #tpu.memory_space<vmem>>
      %dma_start3A_228 = arith.constant 0 : i32
      %dma_start3A_229 = arith.constant 0 : i32
      %dma_start3A_230 = tpu.memref_slice %arg2[%dma_start3A_228, %dma_start3A_229] : memref<10240x128xf32, #tpu.memory_space<hbm>> -> memref<10240x128xf32, #tpu.memory_space<hbm>>
      tpu.enqueue_indirect_dma source(%dma_start3A_230 : memref<10240x128xf32, #tpu.memory_space<hbm>>) target(%arg14 : memref<32x128xf32, #tpu.memory_space<vmem>>) offsets(%dma_start3A_227 : memref<32xi32, #tpu.memory_space<vmem>>) semaphore(%arg24 : memref<!tpu.dma_semaphore, #tpu.memory_space<semaphore_mem>>)
      %dma_start3A_231 = arith.constant 7 : i32
      %dma_start3A_232 = arith.constant 0 : i32
      %dma_start3A_233 = tpu.memref_slice %arg6[%dma_start3A_231, %dma_start3A_232] : memref<16x32xi32, #tpu.memory_space<vmem>> -> memref<1x32xi32, #tpu.memory_space<vmem>>
      %dma_start3A_234 = tpu.memref_squeeze %dma_start3A_233 : memref<1x32xi32, #tpu.memory_space<vmem>> -> memref<32xi32, #tpu.memory_space<vmem>>
      %dma_start3A_235 = arith.constant 0 : i32
      %dma_start3A_236 = arith.constant 0 : i32
      %dma_start3A_237 = tpu.memref_slice %arg2[%dma_start3A_235, %dma_start3A_236] : memref<10240x128xf32, #tpu.memory_space<hbm>> -> memref<10240x128xf32, #tpu.memory_space<hbm>>
      tpu.enqueue_indirect_dma source(%dma_start3A_237 : memref<10240x128xf32, #tpu.memory_space<hbm>>) target(%arg15 : memref<32x128xf32, #tpu.memory_space<vmem>>) offsets(%dma_start3A_234 : memref<32xi32, #tpu.memory_space<vmem>>) semaphore(%arg25 : memref<!tpu.dma_semaphore, #tpu.memory_space<semaphore_mem>>)
      %dma_wait3A_238 = arith.constant 0 : i32
      %dma_wait3A_239 = arith.constant 0 : i32
      %dma_wait3A_240 = tpu.memref_slice %arg6[%dma_wait3A_238, %dma_wait3A_239] : memref<16x32xi32, #tpu.memory_space<vmem>> -> memref<1x32xi32, #tpu.memory_space<vmem>>
      %dma_wait3A_241 = tpu.memref_squeeze %dma_wait3A_240 : memref<1x32xi32, #tpu.memory_space<vmem>> -> memref<32xi32, #tpu.memory_space<vmem>>
      %dma_wait3A_242 = arith.constant 0 : i32
      %dma_wait3A_243 = arith.constant 0 : i32
      %dma_wait3A_244 = tpu.memref_slice %arg2[%dma_wait3A_242, %dma_wait3A_243] : memref<10240x128xf32, #tpu.memory_space<hbm>> -> memref<10240x128xf32, #tpu.memory_space<hbm>>
      tpu.wait_indirect_dma semaphore(%arg18 : memref<!tpu.dma_semaphore, #tpu.memory_space<semaphore_mem>>) src(%dma_wait3A_244 : memref<10240x128xf32, #tpu.memory_space<hbm>>) dst(%arg8 : memref<32x128xf32, #tpu.memory_space<vmem>>)
      %dma_start3A_245 = arith.constant 0 : i32
      %dma_start3A_246 = arith.constant 0 : i32
      %dma_start3A_247 = tpu.memref_slice %arg7[%dma_start3A_245, %dma_start3A_246] : memref<16x32xi32, #tpu.memory_space<vmem>> -> memref<1x32xi32, #tpu.memory_space<vmem>>
      %dma_start3A_248 = tpu.memref_squeeze %dma_start3A_247 : memref<1x32xi32, #tpu.memory_space<vmem>> -> memref<32xi32, #tpu.memory_space<vmem>>
      %dma_start3A_249 = arith.constant 0 : i32
      %dma_start3A_250 = arith.constant 0 : i32
      %dma_start3A_251 = tpu.memref_slice %arg17[%dma_start3A_249, %dma_start3A_250] : memref<10240x128xf32, #tpu.memory_space<vmem_shared>> -> memref<10240x128xf32, #tpu.memory_space<vmem_shared>>
      tpu.enqueue_indirect_dma source(%arg8 : memref<32x128xf32, #tpu.memory_space<vmem>>) target(%dma_start3A_251 : memref<10240x128xf32, #tpu.memory_space<vmem_shared>>) offsets(%dma_start3A_248 : memref<32xi32, #tpu.memory_space<vmem>>) semaphore(%arg26 : memref<!tpu.dma_semaphore, #tpu.memory_space<semaphore_mem>>) {add = true}
      %dma_wait3A_252 = arith.constant 0 : i32
      %dma_wait3A_253 = arith.constant 0 : i32
      %dma_wait3A_254 = tpu.memref_slice %arg7[%dma_wait3A_252, %dma_wait3A_253] : memref<16x32xi32, #tpu.memory_space<vmem>> -> memref<1x32xi32, #tpu.memory_space<vmem>>
      %dma_wait3A_255 = tpu.memref_squeeze %dma_wait3A_254 : memref<1x32xi32, #tpu.memory_space<vmem>> -> memref<32xi32, #tpu.memory_space<vmem>>
      %dma_wait3A_256 = arith.constant 0 : i32
      %dma_wait3A_257 = arith.constant 0 : i32
      %dma_wait3A_258 = tpu.memref_slice %arg17[%dma_wait3A_256, %dma_wait3A_257] : memref<10240x128xf32, #tpu.memory_space<vmem_shared>> -> memref<10240x128xf32, #tpu.memory_space<vmem_shared>>
      tpu.wait_indirect_dma semaphore(%arg26 : memref<!tpu.dma_semaphore, #tpu.memory_space<semaphore_mem>>) src(%arg8 : memref<32x128xf32, #tpu.memory_space<vmem>>) dst(%dma_wait3A_258 : memref<10240x128xf32, #tpu.memory_space<vmem_shared>>)
      %dma_start3A_259 = arith.constant 8 : i32
      %dma_start3A_260 = arith.constant 0 : i32
      %dma_start3A_261 = tpu.memref_slice %arg6[%dma_start3A_259, %dma_start3A_260] : memref<16x32xi32, #tpu.memory_space<vmem>> -> memref<1x32xi32, #tpu.memory_space<vmem>>
      %dma_start3A_262 = tpu.memref_squeeze %dma_start3A_261 : memref<1x32xi32, #tpu.memory_space<vmem>> -> memref<32xi32, #tpu.memory_space<vmem>>
      %dma_start3A_263 = arith.constant 0 : i32
      %dma_start3A_264 = arith.constant 0 : i32
      %dma_start3A_265 = tpu.memref_slice %arg2[%dma_start3A_263, %dma_start3A_264] : memref<10240x128xf32, #tpu.memory_space<hbm>> -> memref<10240x128xf32, #tpu.memory_space<hbm>>
      tpu.enqueue_indirect_dma source(%dma_start3A_265 : memref<10240x128xf32, #tpu.memory_space<hbm>>) target(%arg8 : memref<32x128xf32, #tpu.memory_space<vmem>>) offsets(%dma_start3A_262 : memref<32xi32, #tpu.memory_space<vmem>>) semaphore(%arg18 : memref<!tpu.dma_semaphore, #tpu.memory_space<semaphore_mem>>)
      %dma_wait3A_266 = arith.constant 1 : i32
      %dma_wait3A_267 = arith.constant 0 : i32
      %dma_wait3A_268 = tpu.memref_slice %arg6[%dma_wait3A_266, %dma_wait3A_267] : memref<16x32xi32, #tpu.memory_space<vmem>> -> memref<1x32xi32, #tpu.memory_space<vmem>>
      %dma_wait3A_269 = tpu.memref_squeeze %dma_wait3A_268 : memref<1x32xi32, #tpu.memory_space<vmem>> -> memref<32xi32, #tpu.memory_space<vmem>>
      %dma_wait3A_270 = arith.constant 0 : i32
      %dma_wait3A_271 = arith.constant 0 : i32
      %dma_wait3A_272 = tpu.memref_slice %arg2[%dma_wait3A_270, %dma_wait3A_271] : memref<10240x128xf32, #tpu.memory_space<hbm>> -> memref<10240x128xf32, #tpu.memory_space<hbm>>
      tpu.wait_indirect_dma semaphore(%arg19 : memref<!tpu.dma_semaphore, #tpu.memory_space<semaphore_mem>>) src(%dma_wait3A_272 : memref<10240x128xf32, #tpu.memory_space<hbm>>) dst(%arg9 : memref<32x128xf32, #tpu.memory_space<vmem>>)
      %dma_start3A_273 = arith.constant 1 : i32
      %dma_start3A_274 = arith.constant 0 : i32
      %dma_start3A_275 = tpu.memref_slice %arg7[%dma_start3A_273, %dma_start3A_274] : memref<16x32xi32, #tpu.memory_space<vmem>> -> memref<1x32xi32, #tpu.memory_space<vmem>>
      %dma_start3A_276 = tpu.memref_squeeze %dma_start3A_275 : memref<1x32xi32, #tpu.memory_space<vmem>> -> memref<32xi32, #tpu.memory_space<vmem>>
      %dma_start3A_277 = arith.constant 0 : i32
      %dma_start3A_278 = arith.constant 0 : i32
      %dma_start3A_279 = tpu.memref_slice %arg17[%dma_start3A_277, %dma_start3A_278] : memref<10240x128xf32, #tpu.memory_space<vmem_shared>> -> memref<10240x128xf32, #tpu.memory_space<vmem_shared>>
      tpu.enqueue_indirect_dma source(%arg9 : memref<32x128xf32, #tpu.memory_space<vmem>>) target(%dma_start3A_279 : memref<10240x128xf32, #tpu.memory_space<vmem_shared>>) offsets(%dma_start3A_276 : memref<32xi32, #tpu.memory_space<vmem>>) semaphore(%arg27 : memref<!tpu.dma_semaphore, #tpu.memory_space<semaphore_mem>>) {add = true}
      %dma_wait3A_280 = arith.constant 1 : i32
      %dma_wait3A_281 = arith.constant 0 : i32
      %dma_wait3A_282 = tpu.memref_slice %arg7[%dma_wait3A_280, %dma_wait3A_281] : memref<16x32xi32, #tpu.memory_space<vmem>> -> memref<1x32xi32, #tpu.memory_space<vmem>>
      %dma_wait3A_283 = tpu.memref_squeeze %dma_wait3A_282 : memref<1x32xi32, #tpu.memory_space<vmem>> -> memref<32xi32, #tpu.memory_space<vmem>>
      %dma_wait3A_284 = arith.constant 0 : i32
      %dma_wait3A_285 = arith.constant 0 : i32
      %dma_wait3A_286 = tpu.memref_slice %arg17[%dma_wait3A_284, %dma_wait3A_285] : memref<10240x128xf32, #tpu.memory_space<vmem_shared>> -> memref<10240x128xf32, #tpu.memory_space<vmem_shared>>
      tpu.wait_indirect_dma semaphore(%arg27 : memref<!tpu.dma_semaphore, #tpu.memory_space<semaphore_mem>>) src(%arg9 : memref<32x128xf32, #tpu.memory_space<vmem>>) dst(%dma_wait3A_286 : memref<10240x128xf32, #tpu.memory_space<vmem_shared>>)
      %dma_start3A_287 = arith.constant 9 : i32
      %dma_start3A_288 = arith.constant 0 : i32
      %dma_start3A_289 = tpu.memref_slice %arg6[%dma_start3A_287, %dma_start3A_288] : memref<16x32xi32, #tpu.memory_space<vmem>> -> memref<1x32xi32, #tpu.memory_space<vmem>>
      %dma_start3A_290 = tpu.memref_squeeze %dma_start3A_289 : memref<1x32xi32, #tpu.memory_space<vmem>> -> memref<32xi32, #tpu.memory_space<vmem>>
      %dma_start3A_291 = arith.constant 0 : i32
      %dma_start3A_292 = arith.constant 0 : i32
      %dma_start3A_293 = tpu.memref_slice %arg2[%dma_start3A_291, %dma_start3A_292] : memref<10240x128xf32, #tpu.memory_space<hbm>> -> memref<10240x128xf32, #tpu.memory_space<hbm>>
      tpu.enqueue_indirect_dma source(%dma_start3A_293 : memref<10240x128xf32, #tpu.memory_space<hbm>>) target(%arg9 : memref<32x128xf32, #tpu.memory_space<vmem>>) offsets(%dma_start3A_290 : memref<32xi32, #tpu.memory_space<vmem>>) semaphore(%arg19 : memref<!tpu.dma_semaphore, #tpu.memory_space<semaphore_mem>>)
      %dma_wait3A_294 = arith.constant 2 : i32
      %dma_wait3A_295 = arith.constant 0 : i32
      %dma_wait3A_296 = tpu.memref_slice %arg6[%dma_wait3A_294, %dma_wait3A_295] : memref<16x32xi32, #tpu.memory_space<vmem>> -> memref<1x32xi32, #tpu.memory_space<vmem>>
      %dma_wait3A_297 = tpu.memref_squeeze %dma_wait3A_296 : memref<1x32xi32, #tpu.memory_space<vmem>> -> memref<32xi32, #tpu.memory_space<vmem>>
      %dma_wait3A_298 = arith.constant 0 : i32
      %dma_wait3A_299 = arith.constant 0 : i32
      %dma_wait3A_300 = tpu.memref_slice %arg2[%dma_wait3A_298, %dma_wait3A_299] : memref<10240x128xf32, #tpu.memory_space<hbm>> -> memref<10240x128xf32, #tpu.memory_space<hbm>>
      tpu.wait_indirect_dma semaphore(%arg20 : memref<!tpu.dma_semaphore, #tpu.memory_space<semaphore_mem>>) src(%dma_wait3A_300 : memref<10240x128xf32, #tpu.memory_space<hbm>>) dst(%arg10 : memref<32x128xf32, #tpu.memory_space<vmem>>)
      %dma_start3A_301 = arith.constant 2 : i32
      %dma_start3A_302 = arith.constant 0 : i32
      %dma_start3A_303 = tpu.memref_slice %arg7[%dma_start3A_301, %dma_start3A_302] : memref<16x32xi32, #tpu.memory_space<vmem>> -> memref<1x32xi32, #tpu.memory_space<vmem>>
      %dma_start3A_304 = tpu.memref_squeeze %dma_start3A_303 : memref<1x32xi32, #tpu.memory_space<vmem>> -> memref<32xi32, #tpu.memory_space<vmem>>
      %dma_start3A_305 = arith.constant 0 : i32
      %dma_start3A_306 = arith.constant 0 : i32
      %dma_start3A_307 = tpu.memref_slice %arg17[%dma_start3A_305, %dma_start3A_306] : memref<10240x128xf32, #tpu.memory_space<vmem_shared>> -> memref<10240x128xf32, #tpu.memory_space<vmem_shared>>
      tpu.enqueue_indirect_dma source(%arg10 : memref<32x128xf32, #tpu.memory_space<vmem>>) target(%dma_start3A_307 : memref<10240x128xf32, #tpu.memory_space<vmem_shared>>) offsets(%dma_start3A_304 : memref<32xi32, #tpu.memory_space<vmem>>) semaphore(%arg28 : memref<!tpu.dma_semaphore, #tpu.memory_space<semaphore_mem>>) {add = true}
      %dma_wait3A_308 = arith.constant 2 : i32
      %dma_wait3A_309 = arith.constant 0 : i32
      %dma_wait3A_310 = tpu.memref_slice %arg7[%dma_wait3A_308, %dma_wait3A_309] : memref<16x32xi32, #tpu.memory_space<vmem>> -> memref<1x32xi32, #tpu.memory_space<vmem>>
      %dma_wait3A_311 = tpu.memref_squeeze %dma_wait3A_310 : memref<1x32xi32, #tpu.memory_space<vmem>> -> memref<32xi32, #tpu.memory_space<vmem>>
      %dma_wait3A_312 = arith.constant 0 : i32
      %dma_wait3A_313 = arith.constant 0 : i32
      %dma_wait3A_314 = tpu.memref_slice %arg17[%dma_wait3A_312, %dma_wait3A_313] : memref<10240x128xf32, #tpu.memory_space<vmem_shared>> -> memref<10240x128xf32, #tpu.memory_space<vmem_shared>>
      tpu.wait_indirect_dma semaphore(%arg28 : memref<!tpu.dma_semaphore, #tpu.memory_space<semaphore_mem>>) src(%arg10 : memref<32x128xf32, #tpu.memory_space<vmem>>) dst(%dma_wait3A_314 : memref<10240x128xf32, #tpu.memory_space<vmem_shared>>)
      %dma_start3A_315 = arith.constant 10 : i32
      %dma_start3A_316 = arith.constant 0 : i32
      %dma_start3A_317 = tpu.memref_slice %arg6[%dma_start3A_315, %dma_start3A_316] : memref<16x32xi32, #tpu.memory_space<vmem>> -> memref<1x32xi32, #tpu.memory_space<vmem>>
      %dma_start3A_318 = tpu.memref_squeeze %dma_start3A_317 : memref<1x32xi32, #tpu.memory_space<vmem>> -> memref<32xi32, #tpu.memory_space<vmem>>
      %dma_start3A_319 = arith.constant 0 : i32
      %dma_start3A_320 = arith.constant 0 : i32
      %dma_start3A_321 = tpu.memref_slice %arg2[%dma_start3A_319, %dma_start3A_320] : memref<10240x128xf32, #tpu.memory_space<hbm>> -> memref<10240x128xf32, #tpu.memory_space<hbm>>
      tpu.enqueue_indirect_dma source(%dma_start3A_321 : memref<10240x128xf32, #tpu.memory_space<hbm>>) target(%arg10 : memref<32x128xf32, #tpu.memory_space<vmem>>) offsets(%dma_start3A_318 : memref<32xi32, #tpu.memory_space<vmem>>) semaphore(%arg20 : memref<!tpu.dma_semaphore, #tpu.memory_space<semaphore_mem>>)
      %dma_wait3A_322 = arith.constant 3 : i32
      %dma_wait3A_323 = arith.constant 0 : i32
      %dma_wait3A_324 = tpu.memref_slice %arg6[%dma_wait3A_322, %dma_wait3A_323] : memref<16x32xi32, #tpu.memory_space<vmem>> -> memref<1x32xi32, #tpu.memory_space<vmem>>
      %dma_wait3A_325 = tpu.memref_squeeze %dma_wait3A_324 : memref<1x32xi32, #tpu.memory_space<vmem>> -> memref<32xi32, #tpu.memory_space<vmem>>
      %dma_wait3A_326 = arith.constant 0 : i32
      %dma_wait3A_327 = arith.constant 0 : i32
      %dma_wait3A_328 = tpu.memref_slice %arg2[%dma_wait3A_326, %dma_wait3A_327] : memref<10240x128xf32, #tpu.memory_space<hbm>> -> memref<10240x128xf32, #tpu.memory_space<hbm>>
      tpu.wait_indirect_dma semaphore(%arg21 : memref<!tpu.dma_semaphore, #tpu.memory_space<semaphore_mem>>) src(%dma_wait3A_328 : memref<10240x128xf32, #tpu.memory_space<hbm>>) dst(%arg11 : memref<32x128xf32, #tpu.memory_space<vmem>>)
      %dma_start3A_329 = arith.constant 3 : i32
      %dma_start3A_330 = arith.constant 0 : i32
      %dma_start3A_331 = tpu.memref_slice %arg7[%dma_start3A_329, %dma_start3A_330] : memref<16x32xi32, #tpu.memory_space<vmem>> -> memref<1x32xi32, #tpu.memory_space<vmem>>
      %dma_start3A_332 = tpu.memref_squeeze %dma_start3A_331 : memref<1x32xi32, #tpu.memory_space<vmem>> -> memref<32xi32, #tpu.memory_space<vmem>>
      %dma_start3A_333 = arith.constant 0 : i32
      %dma_start3A_334 = arith.constant 0 : i32
      %dma_start3A_335 = tpu.memref_slice %arg17[%dma_start3A_333, %dma_start3A_334] : memref<10240x128xf32, #tpu.memory_space<vmem_shared>> -> memref<10240x128xf32, #tpu.memory_space<vmem_shared>>
      tpu.enqueue_indirect_dma source(%arg11 : memref<32x128xf32, #tpu.memory_space<vmem>>) target(%dma_start3A_335 : memref<10240x128xf32, #tpu.memory_space<vmem_shared>>) offsets(%dma_start3A_332 : memref<32xi32, #tpu.memory_space<vmem>>) semaphore(%arg29 : memref<!tpu.dma_semaphore, #tpu.memory_space<semaphore_mem>>) {add = true}
      %dma_wait3A_336 = arith.constant 3 : i32
      %dma_wait3A_337 = arith.constant 0 : i32
      %dma_wait3A_338 = tpu.memref_slice %arg7[%dma_wait3A_336, %dma_wait3A_337] : memref<16x32xi32, #tpu.memory_space<vmem>> -> memref<1x32xi32, #tpu.memory_space<vmem>>
      %dma_wait3A_339 = tpu.memref_squeeze %dma_wait3A_338 : memref<1x32xi32, #tpu.memory_space<vmem>> -> memref<32xi32, #tpu.memory_space<vmem>>
      %dma_wait3A_340 = arith.constant 0 : i32
      %dma_wait3A_341 = arith.constant 0 : i32
      %dma_wait3A_342 = tpu.memref_slice %arg17[%dma_wait3A_340, %dma_wait3A_341] : memref<10240x128xf32, #tpu.memory_space<vmem_shared>> -> memref<10240x128xf32, #tpu.memory_space<vmem_shared>>
      tpu.wait_indirect_dma semaphore(%arg29 : memref<!tpu.dma_semaphore, #tpu.memory_space<semaphore_mem>>) src(%arg11 : memref<32x128xf32, #tpu.memory_space<vmem>>) dst(%dma_wait3A_342 : memref<10240x128xf32, #tpu.memory_space<vmem_shared>>)
      %dma_start3A_343 = arith.constant 11 : i32
      %dma_start3A_344 = arith.constant 0 : i32
      %dma_start3A_345 = tpu.memref_slice %arg6[%dma_start3A_343, %dma_start3A_344] : memref<16x32xi32, #tpu.memory_space<vmem>> -> memref<1x32xi32, #tpu.memory_space<vmem>>
      %dma_start3A_346 = tpu.memref_squeeze %dma_start3A_345 : memref<1x32xi32, #tpu.memory_space<vmem>> -> memref<32xi32, #tpu.memory_space<vmem>>
      %dma_start3A_347 = arith.constant 0 : i32
      %dma_start3A_348 = arith.constant 0 : i32
      %dma_start3A_349 = tpu.memref_slice %arg2[%dma_start3A_347, %dma_start3A_348] : memref<10240x128xf32, #tpu.memory_space<hbm>> -> memref<10240x128xf32, #tpu.memory_space<hbm>>
      tpu.enqueue_indirect_dma source(%dma_start3A_349 : memref<10240x128xf32, #tpu.memory_space<hbm>>) target(%arg11 : memref<32x128xf32, #tpu.memory_space<vmem>>) offsets(%dma_start3A_346 : memref<32xi32, #tpu.memory_space<vmem>>) semaphore(%arg21 : memref<!tpu.dma_semaphore, #tpu.memory_space<semaphore_mem>>)
      %dma_wait3A_350 = arith.constant 4 : i32
      %dma_wait3A_351 = arith.constant 0 : i32
      %dma_wait3A_352 = tpu.memref_slice %arg6[%dma_wait3A_350, %dma_wait3A_351] : memref<16x32xi32, #tpu.memory_space<vmem>> -> memref<1x32xi32, #tpu.memory_space<vmem>>
      %dma_wait3A_353 = tpu.memref_squeeze %dma_wait3A_352 : memref<1x32xi32, #tpu.memory_space<vmem>> -> memref<32xi32, #tpu.memory_space<vmem>>
      %dma_wait3A_354 = arith.constant 0 : i32
      %dma_wait3A_355 = arith.constant 0 : i32
      %dma_wait3A_356 = tpu.memref_slice %arg2[%dma_wait3A_354, %dma_wait3A_355] : memref<10240x128xf32, #tpu.memory_space<hbm>> -> memref<10240x128xf32, #tpu.memory_space<hbm>>
      tpu.wait_indirect_dma semaphore(%arg22 : memref<!tpu.dma_semaphore, #tpu.memory_space<semaphore_mem>>) src(%dma_wait3A_356 : memref<10240x128xf32, #tpu.memory_space<hbm>>) dst(%arg12 : memref<32x128xf32, #tpu.memory_space<vmem>>)
      %dma_start3A_357 = arith.constant 4 : i32
      %dma_start3A_358 = arith.constant 0 : i32
      %dma_start3A_359 = tpu.memref_slice %arg7[%dma_start3A_357, %dma_start3A_358] : memref<16x32xi32, #tpu.memory_space<vmem>> -> memref<1x32xi32, #tpu.memory_space<vmem>>
      %dma_start3A_360 = tpu.memref_squeeze %dma_start3A_359 : memref<1x32xi32, #tpu.memory_space<vmem>> -> memref<32xi32, #tpu.memory_space<vmem>>
      %dma_start3A_361 = arith.constant 0 : i32
      %dma_start3A_362 = arith.constant 0 : i32
      %dma_start3A_363 = tpu.memref_slice %arg17[%dma_start3A_361, %dma_start3A_362] : memref<10240x128xf32, #tpu.memory_space<vmem_shared>> -> memref<10240x128xf32, #tpu.memory_space<vmem_shared>>
      tpu.enqueue_indirect_dma source(%arg12 : memref<32x128xf32, #tpu.memory_space<vmem>>) target(%dma_start3A_363 : memref<10240x128xf32, #tpu.memory_space<vmem_shared>>) offsets(%dma_start3A_360 : memref<32xi32, #tpu.memory_space<vmem>>) semaphore(%arg30 : memref<!tpu.dma_semaphore, #tpu.memory_space<semaphore_mem>>) {add = true}
      %dma_wait3A_364 = arith.constant 4 : i32
      %dma_wait3A_365 = arith.constant 0 : i32
      %dma_wait3A_366 = tpu.memref_slice %arg7[%dma_wait3A_364, %dma_wait3A_365] : memref<16x32xi32, #tpu.memory_space<vmem>> -> memref<1x32xi32, #tpu.memory_space<vmem>>
      %dma_wait3A_367 = tpu.memref_squeeze %dma_wait3A_366 : memref<1x32xi32, #tpu.memory_space<vmem>> -> memref<32xi32, #tpu.memory_space<vmem>>
      %dma_wait3A_368 = arith.constant 0 : i32
      %dma_wait3A_369 = arith.constant 0 : i32
      %dma_wait3A_370 = tpu.memref_slice %arg17[%dma_wait3A_368, %dma_wait3A_369] : memref<10240x128xf32, #tpu.memory_space<vmem_shared>> -> memref<10240x128xf32, #tpu.memory_space<vmem_shared>>
      tpu.wait_indirect_dma semaphore(%arg30 : memref<!tpu.dma_semaphore, #tpu.memory_space<semaphore_mem>>) src(%arg12 : memref<32x128xf32, #tpu.memory_space<vmem>>) dst(%dma_wait3A_370 : memref<10240x128xf32, #tpu.memory_space<vmem_shared>>)
      %dma_start3A_371 = arith.constant 12 : i32
      %dma_start3A_372 = arith.constant 0 : i32
      %dma_start3A_373 = tpu.memref_slice %arg6[%dma_start3A_371, %dma_start3A_372] : memref<16x32xi32, #tpu.memory_space<vmem>> -> memref<1x32xi32, #tpu.memory_space<vmem>>
      %dma_start3A_374 = tpu.memref_squeeze %dma_start3A_373 : memref<1x32xi32, #tpu.memory_space<vmem>> -> memref<32xi32, #tpu.memory_space<vmem>>
      %dma_start3A_375 = arith.constant 0 : i32
      %dma_start3A_376 = arith.constant 0 : i32
      %dma_start3A_377 = tpu.memref_slice %arg2[%dma_start3A_375, %dma_start3A_376] : memref<10240x128xf32, #tpu.memory_space<hbm>> -> memref<10240x128xf32, #tpu.memory_space<hbm>>
      tpu.enqueue_indirect_dma source(%dma_start3A_377 : memref<10240x128xf32, #tpu.memory_space<hbm>>) target(%arg12 : memref<32x128xf32, #tpu.memory_space<vmem>>) offsets(%dma_start3A_374 : memref<32xi32, #tpu.memory_space<vmem>>) semaphore(%arg22 : memref<!tpu.dma_semaphore, #tpu.memory_space<semaphore_mem>>)
      %dma_wait3A_378 = arith.constant 5 : i32
      %dma_wait3A_379 = arith.constant 0 : i32
      %dma_wait3A_380 = tpu.memref_slice %arg6[%dma_wait3A_378, %dma_wait3A_379] : memref<16x32xi32, #tpu.memory_space<vmem>> -> memref<1x32xi32, #tpu.memory_space<vmem>>
      %dma_wait3A_381 = tpu.memref_squeeze %dma_wait3A_380 : memref<1x32xi32, #tpu.memory_space<vmem>> -> memref<32xi32, #tpu.memory_space<vmem>>
      %dma_wait3A_382 = arith.constant 0 : i32
      %dma_wait3A_383 = arith.constant 0 : i32
      %dma_wait3A_384 = tpu.memref_slice %arg2[%dma_wait3A_382, %dma_wait3A_383] : memref<10240x128xf32, #tpu.memory_space<hbm>> -> memref<10240x128xf32, #tpu.memory_space<hbm>>
      tpu.wait_indirect_dma semaphore(%arg23 : memref<!tpu.dma_semaphore, #tpu.memory_space<semaphore_mem>>) src(%dma_wait3A_384 : memref<10240x128xf32, #tpu.memory_space<hbm>>) dst(%arg13 : memref<32x128xf32, #tpu.memory_space<vmem>>)
      %dma_start3A_385 = arith.constant 5 : i32
      %dma_start3A_386 = arith.constant 0 : i32
      %dma_start3A_387 = tpu.memref_slice %arg7[%dma_start3A_385, %dma_start3A_386] : memref<16x32xi32, #tpu.memory_space<vmem>> -> memref<1x32xi32, #tpu.memory_space<vmem>>
      %dma_start3A_388 = tpu.memref_squeeze %dma_start3A_387 : memref<1x32xi32, #tpu.memory_space<vmem>> -> memref<32xi32, #tpu.memory_space<vmem>>
      %dma_start3A_389 = arith.constant 0 : i32
      %dma_start3A_390 = arith.constant 0 : i32
      %dma_start3A_391 = tpu.memref_slice %arg17[%dma_start3A_389, %dma_start3A_390] : memref<10240x128xf32, #tpu.memory_space<vmem_shared>> -> memref<10240x128xf32, #tpu.memory_space<vmem_shared>>
      tpu.enqueue_indirect_dma source(%arg13 : memref<32x128xf32, #tpu.memory_space<vmem>>) target(%dma_start3A_391 : memref<10240x128xf32, #tpu.memory_space<vmem_shared>>) offsets(%dma_start3A_388 : memref<32xi32, #tpu.memory_space<vmem>>) semaphore(%arg31 : memref<!tpu.dma_semaphore, #tpu.memory_space<semaphore_mem>>) {add = true}
      %dma_wait3A_392 = arith.constant 5 : i32
      %dma_wait3A_393 = arith.constant 0 : i32
      %dma_wait3A_394 = tpu.memref_slice %arg7[%dma_wait3A_392, %dma_wait3A_393] : memref<16x32xi32, #tpu.memory_space<vmem>> -> memref<1x32xi32, #tpu.memory_space<vmem>>
      %dma_wait3A_395 = tpu.memref_squeeze %dma_wait3A_394 : memref<1x32xi32, #tpu.memory_space<vmem>> -> memref<32xi32, #tpu.memory_space<vmem>>
      %dma_wait3A_396 = arith.constant 0 : i32
      %dma_wait3A_397 = arith.constant 0 : i32
      %dma_wait3A_398 = tpu.memref_slice %arg17[%dma_wait3A_396, %dma_wait3A_397] : memref<10240x128xf32, #tpu.memory_space<vmem_shared>> -> memref<10240x128xf32, #tpu.memory_space<vmem_shared>>
      tpu.wait_indirect_dma semaphore(%arg31 : memref<!tpu.dma_semaphore, #tpu.memory_space<semaphore_mem>>) src(%arg13 : memref<32x128xf32, #tpu.memory_space<vmem>>) dst(%dma_wait3A_398 : memref<10240x128xf32, #tpu.memory_space<vmem_shared>>)
      %dma_start3A_399 = arith.constant 13 : i32
      %dma_start3A_400 = arith.constant 0 : i32
      %dma_start3A_401 = tpu.memref_slice %arg6[%dma_start3A_399, %dma_start3A_400] : memref<16x32xi32, #tpu.memory_space<vmem>> -> memref<1x32xi32, #tpu.memory_space<vmem>>
      %dma_start3A_402 = tpu.memref_squeeze %dma_start3A_401 : memref<1x32xi32, #tpu.memory_space<vmem>> -> memref<32xi32, #tpu.memory_space<vmem>>
      %dma_start3A_403 = arith.constant 0 : i32
      %dma_start3A_404 = arith.constant 0 : i32
      %dma_start3A_405 = tpu.memref_slice %arg2[%dma_start3A_403, %dma_start3A_404] : memref<10240x128xf32, #tpu.memory_space<hbm>> -> memref<10240x128xf32, #tpu.memory_space<hbm>>
      tpu.enqueue_indirect_dma source(%dma_start3A_405 : memref<10240x128xf32, #tpu.memory_space<hbm>>) target(%arg13 : memref<32x128xf32, #tpu.memory_space<vmem>>) offsets(%dma_start3A_402 : memref<32xi32, #tpu.memory_space<vmem>>) semaphore(%arg23 : memref<!tpu.dma_semaphore, #tpu.memory_space<semaphore_mem>>)
      %dma_wait3A_406 = arith.constant 6 : i32
      %dma_wait3A_407 = arith.constant 0 : i32
      %dma_wait3A_408 = tpu.memref_slice %arg6[%dma_wait3A_406, %dma_wait3A_407] : memref<16x32xi32, #tpu.memory_space<vmem>> -> memref<1x32xi32, #tpu.memory_space<vmem>>
      %dma_wait3A_409 = tpu.memref_squeeze %dma_wait3A_408 : memref<1x32xi32, #tpu.memory_space<vmem>> -> memref<32xi32, #tpu.memory_space<vmem>>
      %dma_wait3A_410 = arith.constant 0 : i32
      %dma_wait3A_411 = arith.constant 0 : i32
      %dma_wait3A_412 = tpu.memref_slice %arg2[%dma_wait3A_410, %dma_wait3A_411] : memref<10240x128xf32, #tpu.memory_space<hbm>> -> memref<10240x128xf32, #tpu.memory_space<hbm>>
      tpu.wait_indirect_dma semaphore(%arg24 : memref<!tpu.dma_semaphore, #tpu.memory_space<semaphore_mem>>) src(%dma_wait3A_412 : memref<10240x128xf32, #tpu.memory_space<hbm>>) dst(%arg14 : memref<32x128xf32, #tpu.memory_space<vmem>>)
      %dma_start3A_413 = arith.constant 6 : i32
      %dma_start3A_414 = arith.constant 0 : i32
      %dma_start3A_415 = tpu.memref_slice %arg7[%dma_start3A_413, %dma_start3A_414] : memref<16x32xi32, #tpu.memory_space<vmem>> -> memref<1x32xi32, #tpu.memory_space<vmem>>
      %dma_start3A_416 = tpu.memref_squeeze %dma_start3A_415 : memref<1x32xi32, #tpu.memory_space<vmem>> -> memref<32xi32, #tpu.memory_space<vmem>>
      %dma_start3A_417 = arith.constant 0 : i32
      %dma_start3A_418 = arith.constant 0 : i32
      %dma_start3A_419 = tpu.memref_slice %arg17[%dma_start3A_417, %dma_start3A_418] : memref<10240x128xf32, #tpu.memory_space<vmem_shared>> -> memref<10240x128xf32, #tpu.memory_space<vmem_shared>>
      tpu.enqueue_indirect_dma source(%arg14 : memref<32x128xf32, #tpu.memory_space<vmem>>) target(%dma_start3A_419 : memref<10240x128xf32, #tpu.memory_space<vmem_shared>>) offsets(%dma_start3A_416 : memref<32xi32, #tpu.memory_space<vmem>>) semaphore(%arg32 : memref<!tpu.dma_semaphore, #tpu.memory_space<semaphore_mem>>) {add = true}
      %dma_wait3A_420 = arith.constant 6 : i32
      %dma_wait3A_421 = arith.constant 0 : i32
      %dma_wait3A_422 = tpu.memref_slice %arg7[%dma_wait3A_420, %dma_wait3A_421] : memref<16x32xi32, #tpu.memory_space<vmem>> -> memref<1x32xi32, #tpu.memory_space<vmem>>
      %dma_wait3A_423 = tpu.memref_squeeze %dma_wait3A_422 : memref<1x32xi32, #tpu.memory_space<vmem>> -> memref<32xi32, #tpu.memory_space<vmem>>
      %dma_wait3A_424 = arith.constant 0 : i32
      %dma_wait3A_425 = arith.constant 0 : i32
      %dma_wait3A_426 = tpu.memref_slice %arg17[%dma_wait3A_424, %dma_wait3A_425] : memref<10240x128xf32, #tpu.memory_space<vmem_shared>> -> memref<10240x128xf32, #tpu.memory_space<vmem_shared>>
      tpu.wait_indirect_dma semaphore(%arg32 : memref<!tpu.dma_semaphore, #tpu.memory_space<semaphore_mem>>) src(%arg14 : memref<32x128xf32, #tpu.memory_space<vmem>>) dst(%dma_wait3A_426 : memref<10240x128xf32, #tpu.memory_space<vmem_shared>>)
      %dma_start3A_427 = arith.constant 14 : i32
      %dma_start3A_428 = arith.constant 0 : i32
      %dma_start3A_429 = tpu.memref_slice %arg6[%dma_start3A_427, %dma_start3A_428] : memref<16x32xi32, #tpu.memory_space<vmem>> -> memref<1x32xi32, #tpu.memory_space<vmem>>
      %dma_start3A_430 = tpu.memref_squeeze %dma_start3A_429 : memref<1x32xi32, #tpu.memory_space<vmem>> -> memref<32xi32, #tpu.memory_space<vmem>>
      %dma_start3A_431 = arith.constant 0 : i32
      %dma_start3A_432 = arith.constant 0 : i32
      %dma_start3A_433 = tpu.memref_slice %arg2[%dma_start3A_431, %dma_start3A_432] : memref<10240x128xf32, #tpu.memory_space<hbm>> -> memref<10240x128xf32, #tpu.memory_space<hbm>>
      tpu.enqueue_indirect_dma source(%dma_start3A_433 : memref<10240x128xf32, #tpu.memory_space<hbm>>) target(%arg14 : memref<32x128xf32, #tpu.memory_space<vmem>>) offsets(%dma_start3A_430 : memref<32xi32, #tpu.memory_space<vmem>>) semaphore(%arg24 : memref<!tpu.dma_semaphore, #tpu.memory_space<semaphore_mem>>)
      %dma_wait3A_434 = arith.constant 7 : i32
      %dma_wait3A_435 = arith.constant 0 : i32
      %dma_wait3A_436 = tpu.memref_slice %arg6[%dma_wait3A_434, %dma_wait3A_435] : memref<16x32xi32, #tpu.memory_space<vmem>> -> memref<1x32xi32, #tpu.memory_space<vmem>>
      %dma_wait3A_437 = tpu.memref_squeeze %dma_wait3A_436 : memref<1x32xi32, #tpu.memory_space<vmem>> -> memref<32xi32, #tpu.memory_space<vmem>>
      %dma_wait3A_438 = arith.constant 0 : i32
      %dma_wait3A_439 = arith.constant 0 : i32
      %dma_wait3A_440 = tpu.memref_slice %arg2[%dma_wait3A_438, %dma_wait3A_439] : memref<10240x128xf32, #tpu.memory_space<hbm>> -> memref<10240x128xf32, #tpu.memory_space<hbm>>
      tpu.wait_indirect_dma semaphore(%arg25 : memref<!tpu.dma_semaphore, #tpu.memory_space<semaphore_mem>>) src(%dma_wait3A_440 : memref<10240x128xf32, #tpu.memory_space<hbm>>) dst(%arg15 : memref<32x128xf32, #tpu.memory_space<vmem>>)
      %dma_start3A_441 = arith.constant 7 : i32
      %dma_start3A_442 = arith.constant 0 : i32
      %dma_start3A_443 = tpu.memref_slice %arg7[%dma_start3A_441, %dma_start3A_442] : memref<16x32xi32, #tpu.memory_space<vmem>> -> memref<1x32xi32, #tpu.memory_space<vmem>>
      %dma_start3A_444 = tpu.memref_squeeze %dma_start3A_443 : memref<1x32xi32, #tpu.memory_space<vmem>> -> memref<32xi32, #tpu.memory_space<vmem>>
      %dma_start3A_445 = arith.constant 0 : i32
      %dma_start3A_446 = arith.constant 0 : i32
      %dma_start3A_447 = tpu.memref_slice %arg17[%dma_start3A_445, %dma_start3A_446] : memref<10240x128xf32, #tpu.memory_space<vmem_shared>> -> memref<10240x128xf32, #tpu.memory_space<vmem_shared>>
      tpu.enqueue_indirect_dma source(%arg15 : memref<32x128xf32, #tpu.memory_space<vmem>>) target(%dma_start3A_447 : memref<10240x128xf32, #tpu.memory_space<vmem_shared>>) offsets(%dma_start3A_444 : memref<32xi32, #tpu.memory_space<vmem>>) semaphore(%arg33 : memref<!tpu.dma_semaphore, #tpu.memory_space<semaphore_mem>>) {add = true}
      %dma_wait3A_448 = arith.constant 7 : i32
      %dma_wait3A_449 = arith.constant 0 : i32
      %dma_wait3A_450 = tpu.memref_slice %arg7[%dma_wait3A_448, %dma_wait3A_449] : memref<16x32xi32, #tpu.memory_space<vmem>> -> memref<1x32xi32, #tpu.memory_space<vmem>>
      %dma_wait3A_451 = tpu.memref_squeeze %dma_wait3A_450 : memref<1x32xi32, #tpu.memory_space<vmem>> -> memref<32xi32, #tpu.memory_space<vmem>>
      %dma_wait3A_452 = arith.constant 0 : i32
      %dma_wait3A_453 = arith.constant 0 : i32
      %dma_wait3A_454 = tpu.memref_slice %arg17[%dma_wait3A_452, %dma_wait3A_453] : memref<10240x128xf32, #tpu.memory_space<vmem_shared>> -> memref<10240x128xf32, #tpu.memory_space<vmem_shared>>
      tpu.wait_indirect_dma semaphore(%arg33 : memref<!tpu.dma_semaphore, #tpu.memory_space<semaphore_mem>>) src(%arg15 : memref<32x128xf32, #tpu.memory_space<vmem>>) dst(%dma_wait3A_454 : memref<10240x128xf32, #tpu.memory_space<vmem_shared>>)
      %dma_start3A_455 = arith.constant 15 : i32
      %dma_start3A_456 = arith.constant 0 : i32
      %dma_start3A_457 = tpu.memref_slice %arg6[%dma_start3A_455, %dma_start3A_456] : memref<16x32xi32, #tpu.memory_space<vmem>> -> memref<1x32xi32, #tpu.memory_space<vmem>>
      %dma_start3A_458 = tpu.memref_squeeze %dma_start3A_457 : memref<1x32xi32, #tpu.memory_space<vmem>> -> memref<32xi32, #tpu.memory_space<vmem>>
      %dma_start3A_459 = arith.constant 0 : i32
      %dma_start3A_460 = arith.constant 0 : i32
      %dma_start3A_461 = tpu.memref_slice %arg2[%dma_start3A_459, %dma_start3A_460] : memref<10240x128xf32, #tpu.memory_space<hbm>> -> memref<10240x128xf32, #tpu.memory_space<hbm>>
      tpu.enqueue_indirect_dma source(%dma_start3A_461 : memref<10240x128xf32, #tpu.memory_space<hbm>>) target(%arg15 : memref<32x128xf32, #tpu.memory_space<vmem>>) offsets(%dma_start3A_458 : memref<32xi32, #tpu.memory_space<vmem>>) semaphore(%arg25 : memref<!tpu.dma_semaphore, #tpu.memory_space<semaphore_mem>>)
      %dma_wait3A_462 = arith.constant 8 : i32
      %dma_wait3A_463 = arith.constant 0 : i32
      %dma_wait3A_464 = tpu.memref_slice %arg6[%dma_wait3A_462, %dma_wait3A_463] : memref<16x32xi32, #tpu.memory_space<vmem>> -> memref<1x32xi32, #tpu.memory_space<vmem>>
      %dma_wait3A_465 = tpu.memref_squeeze %dma_wait3A_464 : memref<1x32xi32, #tpu.memory_space<vmem>> -> memref<32xi32, #tpu.memory_space<vmem>>
      %dma_wait3A_466 = arith.constant 0 : i32
      %dma_wait3A_467 = arith.constant 0 : i32
      %dma_wait3A_468 = tpu.memref_slice %arg2[%dma_wait3A_466, %dma_wait3A_467] : memref<10240x128xf32, #tpu.memory_space<hbm>> -> memref<10240x128xf32, #tpu.memory_space<hbm>>
      tpu.wait_indirect_dma semaphore(%arg18 : memref<!tpu.dma_semaphore, #tpu.memory_space<semaphore_mem>>) src(%dma_wait3A_468 : memref<10240x128xf32, #tpu.memory_space<hbm>>) dst(%arg8 : memref<32x128xf32, #tpu.memory_space<vmem>>)
      %dma_start3A_469 = arith.constant 8 : i32
      %dma_start3A_470 = arith.constant 0 : i32
      %dma_start3A_471 = tpu.memref_slice %arg7[%dma_start3A_469, %dma_start3A_470] : memref<16x32xi32, #tpu.memory_space<vmem>> -> memref<1x32xi32, #tpu.memory_space<vmem>>
      %dma_start3A_472 = tpu.memref_squeeze %dma_start3A_471 : memref<1x32xi32, #tpu.memory_space<vmem>> -> memref<32xi32, #tpu.memory_space<vmem>>
      %dma_start3A_473 = arith.constant 0 : i32
      %dma_start3A_474 = arith.constant 0 : i32
      %dma_start3A_475 = tpu.memref_slice %arg17[%dma_start3A_473, %dma_start3A_474] : memref<10240x128xf32, #tpu.memory_space<vmem_shared>> -> memref<10240x128xf32, #tpu.memory_space<vmem_shared>>
      tpu.enqueue_indirect_dma source(%arg8 : memref<32x128xf32, #tpu.memory_space<vmem>>) target(%dma_start3A_475 : memref<10240x128xf32, #tpu.memory_space<vmem_shared>>) offsets(%dma_start3A_472 : memref<32xi32, #tpu.memory_space<vmem>>) semaphore(%arg26 : memref<!tpu.dma_semaphore, #tpu.memory_space<semaphore_mem>>) {add = true}
      %dma_wait3A_476 = arith.constant 9 : i32
      %dma_wait3A_477 = arith.constant 0 : i32
      %dma_wait3A_478 = tpu.memref_slice %arg6[%dma_wait3A_476, %dma_wait3A_477] : memref<16x32xi32, #tpu.memory_space<vmem>> -> memref<1x32xi32, #tpu.memory_space<vmem>>
      %dma_wait3A_479 = tpu.memref_squeeze %dma_wait3A_478 : memref<1x32xi32, #tpu.memory_space<vmem>> -> memref<32xi32, #tpu.memory_space<vmem>>
      %dma_wait3A_480 = arith.constant 0 : i32
      %dma_wait3A_481 = arith.constant 0 : i32
      %dma_wait3A_482 = tpu.memref_slice %arg2[%dma_wait3A_480, %dma_wait3A_481] : memref<10240x128xf32, #tpu.memory_space<hbm>> -> memref<10240x128xf32, #tpu.memory_space<hbm>>
      tpu.wait_indirect_dma semaphore(%arg19 : memref<!tpu.dma_semaphore, #tpu.memory_space<semaphore_mem>>) src(%dma_wait3A_482 : memref<10240x128xf32, #tpu.memory_space<hbm>>) dst(%arg9 : memref<32x128xf32, #tpu.memory_space<vmem>>)
      %dma_start3A_483 = arith.constant 9 : i32
      %dma_start3A_484 = arith.constant 0 : i32
      %dma_start3A_485 = tpu.memref_slice %arg7[%dma_start3A_483, %dma_start3A_484] : memref<16x32xi32, #tpu.memory_space<vmem>> -> memref<1x32xi32, #tpu.memory_space<vmem>>
      %dma_start3A_486 = tpu.memref_squeeze %dma_start3A_485 : memref<1x32xi32, #tpu.memory_space<vmem>> -> memref<32xi32, #tpu.memory_space<vmem>>
      %dma_start3A_487 = arith.constant 0 : i32
      %dma_start3A_488 = arith.constant 0 : i32
      %dma_start3A_489 = tpu.memref_slice %arg17[%dma_start3A_487, %dma_start3A_488] : memref<10240x128xf32, #tpu.memory_space<vmem_shared>> -> memref<10240x128xf32, #tpu.memory_space<vmem_shared>>
      tpu.enqueue_indirect_dma source(%arg9 : memref<32x128xf32, #tpu.memory_space<vmem>>) target(%dma_start3A_489 : memref<10240x128xf32, #tpu.memory_space<vmem_shared>>) offsets(%dma_start3A_486 : memref<32xi32, #tpu.memory_space<vmem>>) semaphore(%arg27 : memref<!tpu.dma_semaphore, #tpu.memory_space<semaphore_mem>>) {add = true}
      %dma_wait3A_490 = arith.constant 10 : i32
      %dma_wait3A_491 = arith.constant 0 : i32
      %dma_wait3A_492 = tpu.memref_slice %arg6[%dma_wait3A_490, %dma_wait3A_491] : memref<16x32xi32, #tpu.memory_space<vmem>> -> memref<1x32xi32, #tpu.memory_space<vmem>>
      %dma_wait3A_493 = tpu.memref_squeeze %dma_wait3A_492 : memref<1x32xi32, #tpu.memory_space<vmem>> -> memref<32xi32, #tpu.memory_space<vmem>>
      %dma_wait3A_494 = arith.constant 0 : i32
      %dma_wait3A_495 = arith.constant 0 : i32
      %dma_wait3A_496 = tpu.memref_slice %arg2[%dma_wait3A_494, %dma_wait3A_495] : memref<10240x128xf32, #tpu.memory_space<hbm>> -> memref<10240x128xf32, #tpu.memory_space<hbm>>
      tpu.wait_indirect_dma semaphore(%arg20 : memref<!tpu.dma_semaphore, #tpu.memory_space<semaphore_mem>>) src(%dma_wait3A_496 : memref<10240x128xf32, #tpu.memory_space<hbm>>) dst(%arg10 : memref<32x128xf32, #tpu.memory_space<vmem>>)
      %dma_start3A_497 = arith.constant 10 : i32
      %dma_start3A_498 = arith.constant 0 : i32
      %dma_start3A_499 = tpu.memref_slice %arg7[%dma_start3A_497, %dma_start3A_498] : memref<16x32xi32, #tpu.memory_space<vmem>> -> memref<1x32xi32, #tpu.memory_space<vmem>>
      %dma_start3A_500 = tpu.memref_squeeze %dma_start3A_499 : memref<1x32xi32, #tpu.memory_space<vmem>> -> memref<32xi32, #tpu.memory_space<vmem>>
      %dma_start3A_501 = arith.constant 0 : i32
      %dma_start3A_502 = arith.constant 0 : i32
      %dma_start3A_503 = tpu.memref_slice %arg17[%dma_start3A_501, %dma_start3A_502] : memref<10240x128xf32, #tpu.memory_space<vmem_shared>> -> memref<10240x128xf32, #tpu.memory_space<vmem_shared>>
      tpu.enqueue_indirect_dma source(%arg10 : memref<32x128xf32, #tpu.memory_space<vmem>>) target(%dma_start3A_503 : memref<10240x128xf32, #tpu.memory_space<vmem_shared>>) offsets(%dma_start3A_500 : memref<32xi32, #tpu.memory_space<vmem>>) semaphore(%arg28 : memref<!tpu.dma_semaphore, #tpu.memory_space<semaphore_mem>>) {add = true}
      %dma_wait3A_504 = arith.constant 11 : i32
      %dma_wait3A_505 = arith.constant 0 : i32
      %dma_wait3A_506 = tpu.memref_slice %arg6[%dma_wait3A_504, %dma_wait3A_505] : memref<16x32xi32, #tpu.memory_space<vmem>> -> memref<1x32xi32, #tpu.memory_space<vmem>>
      %dma_wait3A_507 = tpu.memref_squeeze %dma_wait3A_506 : memref<1x32xi32, #tpu.memory_space<vmem>> -> memref<32xi32, #tpu.memory_space<vmem>>
      %dma_wait3A_508 = arith.constant 0 : i32
      %dma_wait3A_509 = arith.constant 0 : i32
      %dma_wait3A_510 = tpu.memref_slice %arg2[%dma_wait3A_508, %dma_wait3A_509] : memref<10240x128xf32, #tpu.memory_space<hbm>> -> memref<10240x128xf32, #tpu.memory_space<hbm>>
      tpu.wait_indirect_dma semaphore(%arg21 : memref<!tpu.dma_semaphore, #tpu.memory_space<semaphore_mem>>) src(%dma_wait3A_510 : memref<10240x128xf32, #tpu.memory_space<hbm>>) dst(%arg11 : memref<32x128xf32, #tpu.memory_space<vmem>>)
      %dma_start3A_511 = arith.constant 11 : i32
      %dma_start3A_512 = arith.constant 0 : i32
      %dma_start3A_513 = tpu.memref_slice %arg7[%dma_start3A_511, %dma_start3A_512] : memref<16x32xi32, #tpu.memory_space<vmem>> -> memref<1x32xi32, #tpu.memory_space<vmem>>
      %dma_start3A_514 = tpu.memref_squeeze %dma_start3A_513 : memref<1x32xi32, #tpu.memory_space<vmem>> -> memref<32xi32, #tpu.memory_space<vmem>>
      %dma_start3A_515 = arith.constant 0 : i32
      %dma_start3A_516 = arith.constant 0 : i32
      %dma_start3A_517 = tpu.memref_slice %arg17[%dma_start3A_515, %dma_start3A_516] : memref<10240x128xf32, #tpu.memory_space<vmem_shared>> -> memref<10240x128xf32, #tpu.memory_space<vmem_shared>>
      tpu.enqueue_indirect_dma source(%arg11 : memref<32x128xf32, #tpu.memory_space<vmem>>) target(%dma_start3A_517 : memref<10240x128xf32, #tpu.memory_space<vmem_shared>>) offsets(%dma_start3A_514 : memref<32xi32, #tpu.memory_space<vmem>>) semaphore(%arg29 : memref<!tpu.dma_semaphore, #tpu.memory_space<semaphore_mem>>) {add = true}
      %dma_wait3A_518 = arith.constant 12 : i32
      %dma_wait3A_519 = arith.constant 0 : i32
      %dma_wait3A_520 = tpu.memref_slice %arg6[%dma_wait3A_518, %dma_wait3A_519] : memref<16x32xi32, #tpu.memory_space<vmem>> -> memref<1x32xi32, #tpu.memory_space<vmem>>
      %dma_wait3A_521 = tpu.memref_squeeze %dma_wait3A_520 : memref<1x32xi32, #tpu.memory_space<vmem>> -> memref<32xi32, #tpu.memory_space<vmem>>
      %dma_wait3A_522 = arith.constant 0 : i32
      %dma_wait3A_523 = arith.constant 0 : i32
      %dma_wait3A_524 = tpu.memref_slice %arg2[%dma_wait3A_522, %dma_wait3A_523] : memref<10240x128xf32, #tpu.memory_space<hbm>> -> memref<10240x128xf32, #tpu.memory_space<hbm>>
      tpu.wait_indirect_dma semaphore(%arg22 : memref<!tpu.dma_semaphore, #tpu.memory_space<semaphore_mem>>) src(%dma_wait3A_524 : memref<10240x128xf32, #tpu.memory_space<hbm>>) dst(%arg12 : memref<32x128xf32, #tpu.memory_space<vmem>>)
      %dma_start3A_525 = arith.constant 12 : i32
      %dma_start3A_526 = arith.constant 0 : i32
      %dma_start3A_527 = tpu.memref_slice %arg7[%dma_start3A_525, %dma_start3A_526] : memref<16x32xi32, #tpu.memory_space<vmem>> -> memref<1x32xi32, #tpu.memory_space<vmem>>
      %dma_start3A_528 = tpu.memref_squeeze %dma_start3A_527 : memref<1x32xi32, #tpu.memory_space<vmem>> -> memref<32xi32, #tpu.memory_space<vmem>>
      %dma_start3A_529 = arith.constant 0 : i32
      %dma_start3A_530 = arith.constant 0 : i32
      %dma_start3A_531 = tpu.memref_slice %arg17[%dma_start3A_529, %dma_start3A_530] : memref<10240x128xf32, #tpu.memory_space<vmem_shared>> -> memref<10240x128xf32, #tpu.memory_space<vmem_shared>>
      tpu.enqueue_indirect_dma source(%arg12 : memref<32x128xf32, #tpu.memory_space<vmem>>) target(%dma_start3A_531 : memref<10240x128xf32, #tpu.memory_space<vmem_shared>>) offsets(%dma_start3A_528 : memref<32xi32, #tpu.memory_space<vmem>>) semaphore(%arg30 : memref<!tpu.dma_semaphore, #tpu.memory_space<semaphore_mem>>) {add = true}
      %dma_wait3A_532 = arith.constant 13 : i32
      %dma_wait3A_533 = arith.constant 0 : i32
      %dma_wait3A_534 = tpu.memref_slice %arg6[%dma_wait3A_532, %dma_wait3A_533] : memref<16x32xi32, #tpu.memory_space<vmem>> -> memref<1x32xi32, #tpu.memory_space<vmem>>
      %dma_wait3A_535 = tpu.memref_squeeze %dma_wait3A_534 : memref<1x32xi32, #tpu.memory_space<vmem>> -> memref<32xi32, #tpu.memory_space<vmem>>
      %dma_wait3A_536 = arith.constant 0 : i32
      %dma_wait3A_537 = arith.constant 0 : i32
      %dma_wait3A_538 = tpu.memref_slice %arg2[%dma_wait3A_536, %dma_wait3A_537] : memref<10240x128xf32, #tpu.memory_space<hbm>> -> memref<10240x128xf32, #tpu.memory_space<hbm>>
      tpu.wait_indirect_dma semaphore(%arg23 : memref<!tpu.dma_semaphore, #tpu.memory_space<semaphore_mem>>) src(%dma_wait3A_538 : memref<10240x128xf32, #tpu.memory_space<hbm>>) dst(%arg13 : memref<32x128xf32, #tpu.memory_space<vmem>>)
      %dma_start3A_539 = arith.constant 13 : i32
      %dma_start3A_540 = arith.constant 0 : i32
      %dma_start3A_541 = tpu.memref_slice %arg7[%dma_start3A_539, %dma_start3A_540] : memref<16x32xi32, #tpu.memory_space<vmem>> -> memref<1x32xi32, #tpu.memory_space<vmem>>
      %dma_start3A_542 = tpu.memref_squeeze %dma_start3A_541 : memref<1x32xi32, #tpu.memory_space<vmem>> -> memref<32xi32, #tpu.memory_space<vmem>>
      %dma_start3A_543 = arith.constant 0 : i32
      %dma_start3A_544 = arith.constant 0 : i32
      %dma_start3A_545 = tpu.memref_slice %arg17[%dma_start3A_543, %dma_start3A_544] : memref<10240x128xf32, #tpu.memory_space<vmem_shared>> -> memref<10240x128xf32, #tpu.memory_space<vmem_shared>>
      tpu.enqueue_indirect_dma source(%arg13 : memref<32x128xf32, #tpu.memory_space<vmem>>) target(%dma_start3A_545 : memref<10240x128xf32, #tpu.memory_space<vmem_shared>>) offsets(%dma_start3A_542 : memref<32xi32, #tpu.memory_space<vmem>>) semaphore(%arg31 : memref<!tpu.dma_semaphore, #tpu.memory_space<semaphore_mem>>) {add = true}
      %dma_wait3A_546 = arith.constant 14 : i32
      %dma_wait3A_547 = arith.constant 0 : i32
      %dma_wait3A_548 = tpu.memref_slice %arg6[%dma_wait3A_546, %dma_wait3A_547] : memref<16x32xi32, #tpu.memory_space<vmem>> -> memref<1x32xi32, #tpu.memory_space<vmem>>
      %dma_wait3A_549 = tpu.memref_squeeze %dma_wait3A_548 : memref<1x32xi32, #tpu.memory_space<vmem>> -> memref<32xi32, #tpu.memory_space<vmem>>
      %dma_wait3A_550 = arith.constant 0 : i32
      %dma_wait3A_551 = arith.constant 0 : i32
      %dma_wait3A_552 = tpu.memref_slice %arg2[%dma_wait3A_550, %dma_wait3A_551] : memref<10240x128xf32, #tpu.memory_space<hbm>> -> memref<10240x128xf32, #tpu.memory_space<hbm>>
      tpu.wait_indirect_dma semaphore(%arg24 : memref<!tpu.dma_semaphore, #tpu.memory_space<semaphore_mem>>) src(%dma_wait3A_552 : memref<10240x128xf32, #tpu.memory_space<hbm>>) dst(%arg14 : memref<32x128xf32, #tpu.memory_space<vmem>>)
      %dma_start3A_553 = arith.constant 14 : i32
      %dma_start3A_554 = arith.constant 0 : i32
      %dma_start3A_555 = tpu.memref_slice %arg7[%dma_start3A_553, %dma_start3A_554] : memref<16x32xi32, #tpu.memory_space<vmem>> -> memref<1x32xi32, #tpu.memory_space<vmem>>
      %dma_start3A_556 = tpu.memref_squeeze %dma_start3A_555 : memref<1x32xi32, #tpu.memory_space<vmem>> -> memref<32xi32, #tpu.memory_space<vmem>>
      %dma_start3A_557 = arith.constant 0 : i32
      %dma_start3A_558 = arith.constant 0 : i32
      %dma_start3A_559 = tpu.memref_slice %arg17[%dma_start3A_557, %dma_start3A_558] : memref<10240x128xf32, #tpu.memory_space<vmem_shared>> -> memref<10240x128xf32, #tpu.memory_space<vmem_shared>>
      tpu.enqueue_indirect_dma source(%arg14 : memref<32x128xf32, #tpu.memory_space<vmem>>) target(%dma_start3A_559 : memref<10240x128xf32, #tpu.memory_space<vmem_shared>>) offsets(%dma_start3A_556 : memref<32xi32, #tpu.memory_space<vmem>>) semaphore(%arg32 : memref<!tpu.dma_semaphore, #tpu.memory_space<semaphore_mem>>) {add = true}
      %dma_wait3A_560 = arith.constant 15 : i32
      %dma_wait3A_561 = arith.constant 0 : i32
      %dma_wait3A_562 = tpu.memref_slice %arg6[%dma_wait3A_560, %dma_wait3A_561] : memref<16x32xi32, #tpu.memory_space<vmem>> -> memref<1x32xi32, #tpu.memory_space<vmem>>
      %dma_wait3A_563 = tpu.memref_squeeze %dma_wait3A_562 : memref<1x32xi32, #tpu.memory_space<vmem>> -> memref<32xi32, #tpu.memory_space<vmem>>
      %dma_wait3A_564 = arith.constant 0 : i32
      %dma_wait3A_565 = arith.constant 0 : i32
      %dma_wait3A_566 = tpu.memref_slice %arg2[%dma_wait3A_564, %dma_wait3A_565] : memref<10240x128xf32, #tpu.memory_space<hbm>> -> memref<10240x128xf32, #tpu.memory_space<hbm>>
      tpu.wait_indirect_dma semaphore(%arg25 : memref<!tpu.dma_semaphore, #tpu.memory_space<semaphore_mem>>) src(%dma_wait3A_566 : memref<10240x128xf32, #tpu.memory_space<hbm>>) dst(%arg15 : memref<32x128xf32, #tpu.memory_space<vmem>>)
      %dma_start3A_567 = arith.constant 15 : i32
      %dma_start3A_568 = arith.constant 0 : i32
      %dma_start3A_569 = tpu.memref_slice %arg7[%dma_start3A_567, %dma_start3A_568] : memref<16x32xi32, #tpu.memory_space<vmem>> -> memref<1x32xi32, #tpu.memory_space<vmem>>
      %dma_start3A_570 = tpu.memref_squeeze %dma_start3A_569 : memref<1x32xi32, #tpu.memory_space<vmem>> -> memref<32xi32, #tpu.memory_space<vmem>>
      %dma_start3A_571 = arith.constant 0 : i32
      %dma_start3A_572 = arith.constant 0 : i32
      %dma_start3A_573 = tpu.memref_slice %arg17[%dma_start3A_571, %dma_start3A_572] : memref<10240x128xf32, #tpu.memory_space<vmem_shared>> -> memref<10240x128xf32, #tpu.memory_space<vmem_shared>>
      tpu.enqueue_indirect_dma source(%arg15 : memref<32x128xf32, #tpu.memory_space<vmem>>) target(%dma_start3A_573 : memref<10240x128xf32, #tpu.memory_space<vmem_shared>>) offsets(%dma_start3A_570 : memref<32xi32, #tpu.memory_space<vmem>>) semaphore(%arg33 : memref<!tpu.dma_semaphore, #tpu.memory_space<semaphore_mem>>) {add = true}
      %dma_wait3A_574 = arith.constant 8 : i32
      %dma_wait3A_575 = arith.constant 0 : i32
      %dma_wait3A_576 = tpu.memref_slice %arg7[%dma_wait3A_574, %dma_wait3A_575] : memref<16x32xi32, #tpu.memory_space<vmem>> -> memref<1x32xi32, #tpu.memory_space<vmem>>
      %dma_wait3A_577 = tpu.memref_squeeze %dma_wait3A_576 : memref<1x32xi32, #tpu.memory_space<vmem>> -> memref<32xi32, #tpu.memory_space<vmem>>
      %dma_wait3A_578 = arith.constant 0 : i32
      %dma_wait3A_579 = arith.constant 0 : i32
      %dma_wait3A_580 = tpu.memref_slice %arg17[%dma_wait3A_578, %dma_wait3A_579] : memref<10240x128xf32, #tpu.memory_space<vmem_shared>> -> memref<10240x128xf32, #tpu.memory_space<vmem_shared>>
      tpu.wait_indirect_dma semaphore(%arg26 : memref<!tpu.dma_semaphore, #tpu.memory_space<semaphore_mem>>) src(%arg8 : memref<32x128xf32, #tpu.memory_space<vmem>>) dst(%dma_wait3A_580 : memref<10240x128xf32, #tpu.memory_space<vmem_shared>>)
      %dma_wait3A_581 = arith.constant 9 : i32
      %dma_wait3A_582 = arith.constant 0 : i32
      %dma_wait3A_583 = tpu.memref_slice %arg7[%dma_wait3A_581, %dma_wait3A_582] : memref<16x32xi32, #tpu.memory_space<vmem>> -> memref<1x32xi32, #tpu.memory_space<vmem>>
      %dma_wait3A_584 = tpu.memref_squeeze %dma_wait3A_583 : memref<1x32xi32, #tpu.memory_space<vmem>> -> memref<32xi32, #tpu.memory_space<vmem>>
      %dma_wait3A_585 = arith.constant 0 : i32
      %dma_wait3A_586 = arith.constant 0 : i32
      %dma_wait3A_587 = tpu.memref_slice %arg17[%dma_wait3A_585, %dma_wait3A_586] : memref<10240x128xf32, #tpu.memory_space<vmem_shared>> -> memref<10240x128xf32, #tpu.memory_space<vmem_shared>>
      tpu.wait_indirect_dma semaphore(%arg27 : memref<!tpu.dma_semaphore, #tpu.memory_space<semaphore_mem>>) src(%arg9 : memref<32x128xf32, #tpu.memory_space<vmem>>) dst(%dma_wait3A_587 : memref<10240x128xf32, #tpu.memory_space<vmem_shared>>)
      %dma_wait3A_588 = arith.constant 10 : i32
      %dma_wait3A_589 = arith.constant 0 : i32
      %dma_wait3A_590 = tpu.memref_slice %arg7[%dma_wait3A_588, %dma_wait3A_589] : memref<16x32xi32, #tpu.memory_space<vmem>> -> memref<1x32xi32, #tpu.memory_space<vmem>>
      %dma_wait3A_591 = tpu.memref_squeeze %dma_wait3A_590 : memref<1x32xi32, #tpu.memory_space<vmem>> -> memref<32xi32, #tpu.memory_space<vmem>>
      %dma_wait3A_592 = arith.constant 0 : i32
      %dma_wait3A_593 = arith.constant 0 : i32
      %dma_wait3A_594 = tpu.memref_slice %arg17[%dma_wait3A_592, %dma_wait3A_593] : memref<10240x128xf32, #tpu.memory_space<vmem_shared>> -> memref<10240x128xf32, #tpu.memory_space<vmem_shared>>
      tpu.wait_indirect_dma semaphore(%arg28 : memref<!tpu.dma_semaphore, #tpu.memory_space<semaphore_mem>>) src(%arg10 : memref<32x128xf32, #tpu.memory_space<vmem>>) dst(%dma_wait3A_594 : memref<10240x128xf32, #tpu.memory_space<vmem_shared>>)
      %dma_wait3A_595 = arith.constant 11 : i32
      %dma_wait3A_596 = arith.constant 0 : i32
      %dma_wait3A_597 = tpu.memref_slice %arg7[%dma_wait3A_595, %dma_wait3A_596] : memref<16x32xi32, #tpu.memory_space<vmem>> -> memref<1x32xi32, #tpu.memory_space<vmem>>
      %dma_wait3A_598 = tpu.memref_squeeze %dma_wait3A_597 : memref<1x32xi32, #tpu.memory_space<vmem>> -> memref<32xi32, #tpu.memory_space<vmem>>
      %dma_wait3A_599 = arith.constant 0 : i32
      %dma_wait3A_600 = arith.constant 0 : i32
      %dma_wait3A_601 = tpu.memref_slice %arg17[%dma_wait3A_599, %dma_wait3A_600] : memref<10240x128xf32, #tpu.memory_space<vmem_shared>> -> memref<10240x128xf32, #tpu.memory_space<vmem_shared>>
      tpu.wait_indirect_dma semaphore(%arg29 : memref<!tpu.dma_semaphore, #tpu.memory_space<semaphore_mem>>) src(%arg11 : memref<32x128xf32, #tpu.memory_space<vmem>>) dst(%dma_wait3A_601 : memref<10240x128xf32, #tpu.memory_space<vmem_shared>>)
      %dma_wait3A_602 = arith.constant 12 : i32
      %dma_wait3A_603 = arith.constant 0 : i32
      %dma_wait3A_604 = tpu.memref_slice %arg7[%dma_wait3A_602, %dma_wait3A_603] : memref<16x32xi32, #tpu.memory_space<vmem>> -> memref<1x32xi32, #tpu.memory_space<vmem>>
      %dma_wait3A_605 = tpu.memref_squeeze %dma_wait3A_604 : memref<1x32xi32, #tpu.memory_space<vmem>> -> memref<32xi32, #tpu.memory_space<vmem>>
      %dma_wait3A_606 = arith.constant 0 : i32
      %dma_wait3A_607 = arith.constant 0 : i32
      %dma_wait3A_608 = tpu.memref_slice %arg17[%dma_wait3A_606, %dma_wait3A_607] : memref<10240x128xf32, #tpu.memory_space<vmem_shared>> -> memref<10240x128xf32, #tpu.memory_space<vmem_shared>>
      tpu.wait_indirect_dma semaphore(%arg30 : memref<!tpu.dma_semaphore, #tpu.memory_space<semaphore_mem>>) src(%arg12 : memref<32x128xf32, #tpu.memory_space<vmem>>) dst(%dma_wait3A_608 : memref<10240x128xf32, #tpu.memory_space<vmem_shared>>)
      %dma_wait3A_609 = arith.constant 13 : i32
      %dma_wait3A_610 = arith.constant 0 : i32
      %dma_wait3A_611 = tpu.memref_slice %arg7[%dma_wait3A_609, %dma_wait3A_610] : memref<16x32xi32, #tpu.memory_space<vmem>> -> memref<1x32xi32, #tpu.memory_space<vmem>>
      %dma_wait3A_612 = tpu.memref_squeeze %dma_wait3A_611 : memref<1x32xi32, #tpu.memory_space<vmem>> -> memref<32xi32, #tpu.memory_space<vmem>>
      %dma_wait3A_613 = arith.constant 0 : i32
      %dma_wait3A_614 = arith.constant 0 : i32
      %dma_wait3A_615 = tpu.memref_slice %arg17[%dma_wait3A_613, %dma_wait3A_614] : memref<10240x128xf32, #tpu.memory_space<vmem_shared>> -> memref<10240x128xf32, #tpu.memory_space<vmem_shared>>
      tpu.wait_indirect_dma semaphore(%arg31 : memref<!tpu.dma_semaphore, #tpu.memory_space<semaphore_mem>>) src(%arg13 : memref<32x128xf32, #tpu.memory_space<vmem>>) dst(%dma_wait3A_615 : memref<10240x128xf32, #tpu.memory_space<vmem_shared>>)
      %dma_wait3A_616 = arith.constant 14 : i32
      %dma_wait3A_617 = arith.constant 0 : i32
      %dma_wait3A_618 = tpu.memref_slice %arg7[%dma_wait3A_616, %dma_wait3A_617] : memref<16x32xi32, #tpu.memory_space<vmem>> -> memref<1x32xi32, #tpu.memory_space<vmem>>
      %dma_wait3A_619 = tpu.memref_squeeze %dma_wait3A_618 : memref<1x32xi32, #tpu.memory_space<vmem>> -> memref<32xi32, #tpu.memory_space<vmem>>
      %dma_wait3A_620 = arith.constant 0 : i32
      %dma_wait3A_621 = arith.constant 0 : i32
      %dma_wait3A_622 = tpu.memref_slice %arg17[%dma_wait3A_620, %dma_wait3A_621] : memref<10240x128xf32, #tpu.memory_space<vmem_shared>> -> memref<10240x128xf32, #tpu.memory_space<vmem_shared>>
      tpu.wait_indirect_dma semaphore(%arg32 : memref<!tpu.dma_semaphore, #tpu.memory_space<semaphore_mem>>) src(%arg14 : memref<32x128xf32, #tpu.memory_space<vmem>>) dst(%dma_wait3A_622 : memref<10240x128xf32, #tpu.memory_space<vmem_shared>>)
      %dma_wait3A_623 = arith.constant 15 : i32
      %dma_wait3A_624 = arith.constant 0 : i32
      %dma_wait3A_625 = tpu.memref_slice %arg7[%dma_wait3A_623, %dma_wait3A_624] : memref<16x32xi32, #tpu.memory_space<vmem>> -> memref<1x32xi32, #tpu.memory_space<vmem>>
      %dma_wait3A_626 = tpu.memref_squeeze %dma_wait3A_625 : memref<1x32xi32, #tpu.memory_space<vmem>> -> memref<32xi32, #tpu.memory_space<vmem>>
      %dma_wait3A_627 = arith.constant 0 : i32
      %dma_wait3A_628 = arith.constant 0 : i32
      %dma_wait3A_629 = tpu.memref_slice %arg17[%dma_wait3A_627, %dma_wait3A_628] : memref<10240x128xf32, #tpu.memory_space<vmem_shared>> -> memref<10240x128xf32, #tpu.memory_space<vmem_shared>>
      tpu.wait_indirect_dma semaphore(%arg33 : memref<!tpu.dma_semaphore, #tpu.memory_space<semaphore_mem>>) src(%arg15 : memref<32x128xf32, #tpu.memory_space<vmem>>) dst(%dma_wait3A_629 : memref<10240x128xf32, #tpu.memory_space<vmem_shared>>)
      %scan3A_630 = arith.constant 0 : i32
      scf.yield %scan3A_630 : i32
    }
    %scan3A_116 = arith.constant 20 : i32
    %barrier3A_117 = arith.constant 0 : index
    tpu.barrier barrier_id(%barrier3A_117)
    %mul3A_118 = arith.constant 640 : i32
    %mul3A_119 = arith.muli %arg1, %mul3A_118 : i32
    %add3A_120 = arith.constant 0 : i32
    %add3A_121 = arith.addi %mul3A_119, %add3A_120 : i32
    %add3A_122 = arith.constant 0 : i32
    %add3A_123 = arith.addi %mul3A_119, %add3A_122 : i32
    %dma_start3A_124 = arith.constant 0 : i32
    %dma_start3A_125 = tpu.memref_slice %arg5[%arg0, %add3A_123, %dma_start3A_124] : memref<2x10240x128xf32, #tpu.memory_space<hbm>> -> memref<1x160x128xf32, #tpu.memory_space<hbm>>
    %dma_start3A_126 = tpu.memref_squeeze %dma_start3A_125 : memref<1x160x128xf32, #tpu.memory_space<hbm>> -> memref<160x128xf32, #tpu.memory_space<hbm>>
    %dma_start3A_127 = arith.constant 0 : i32
    %dma_start3A_128 = tpu.memref_slice %arg17[%add3A_121, %dma_start3A_127] : memref<10240x128xf32, #tpu.memory_space<vmem_shared>> -> memref<160x128xf32, #tpu.memory_space<vmem_shared>>
    tpu.enqueue_dma source(%dma_start3A_128 : memref<160x128xf32, #tpu.memory_space<vmem_shared>>) target(%dma_start3A_126 : memref<160x128xf32, #tpu.memory_space<hbm>>) target_semaphore(%arg34 : memref<!tpu.dma_semaphore, #tpu.memory_space<semaphore_mem>>)
    %add3A_129 = arith.constant 160 : i32
    %add3A_130 = arith.addi %mul3A_119, %add3A_129 : i32
    %add3A_131 = arith.constant 160 : i32
    %add3A_132 = arith.addi %mul3A_119, %add3A_131 : i32
    %dma_start3A_133 = arith.constant 0 : i32
    %dma_start3A_134 = tpu.memref_slice %arg5[%arg0, %add3A_132, %dma_start3A_133] : memref<2x10240x128xf32, #tpu.memory_space<hbm>> -> memref<1x160x128xf32, #tpu.memory_space<hbm>>
    %dma_start3A_135 = tpu.memref_squeeze %dma_start3A_134 : memref<1x160x128xf32, #tpu.memory_space<hbm>> -> memref<160x128xf32, #tpu.memory_space<hbm>>
    %dma_start3A_136 = arith.constant 0 : i32
    %dma_start3A_137 = tpu.memref_slice %arg17[%add3A_130, %dma_start3A_136] : memref<10240x128xf32, #tpu.memory_space<vmem_shared>> -> memref<160x128xf32, #tpu.memory_space<vmem_shared>>
    tpu.enqueue_dma source(%dma_start3A_137 : memref<160x128xf32, #tpu.memory_space<vmem_shared>>) target(%dma_start3A_135 : memref<160x128xf32, #tpu.memory_space<hbm>>) target_semaphore(%arg34 : memref<!tpu.dma_semaphore, #tpu.memory_space<semaphore_mem>>)
    %add3A_138 = arith.constant 320 : i32
    %add3A_139 = arith.addi %mul3A_119, %add3A_138 : i32
    %add3A_140 = arith.constant 320 : i32
    %add3A_141 = arith.addi %mul3A_119, %add3A_140 : i32
    %dma_start3A_142 = arith.constant 0 : i32
    %dma_start3A_143 = tpu.memref_slice %arg5[%arg0, %add3A_141, %dma_start3A_142] : memref<2x10240x128xf32, #tpu.memory_space<hbm>> -> memref<1x160x128xf32, #tpu.memory_space<hbm>>
    %dma_start3A_144 = tpu.memref_squeeze %dma_start3A_143 : memref<1x160x128xf32, #tpu.memory_space<hbm>> -> memref<160x128xf32, #tpu.memory_space<hbm>>
    %dma_start3A_145 = arith.constant 0 : i32
    %dma_start3A_146 = tpu.memref_slice %arg17[%add3A_139, %dma_start3A_145] : memref<10240x128xf32, #tpu.memory_space<vmem_shared>> -> memref<160x128xf32, #tpu.memory_space<vmem_shared>>
    tpu.enqueue_dma source(%dma_start3A_146 : memref<160x128xf32, #tpu.memory_space<vmem_shared>>) target(%dma_start3A_144 : memref<160x128xf32, #tpu.memory_space<hbm>>) target_semaphore(%arg34 : memref<!tpu.dma_semaphore, #tpu.memory_space<semaphore_mem>>)
    %add3A_147 = arith.constant 480 : i32
    %add3A_148 = arith.addi %mul3A_119, %add3A_147 : i32
    %add3A_149 = arith.constant 480 : i32
    %add3A_150 = arith.addi %mul3A_119, %add3A_149 : i32
    %dma_start3A_151 = arith.constant 0 : i32
    %dma_start3A_152 = tpu.memref_slice %arg5[%arg0, %add3A_150, %dma_start3A_151] : memref<2x10240x128xf32, #tpu.memory_space<hbm>> -> memref<1x160x128xf32, #tpu.memory_space<hbm>>
    %dma_start3A_153 = tpu.memref_squeeze %dma_start3A_152 : memref<1x160x128xf32, #tpu.memory_space<hbm>> -> memref<160x128xf32, #tpu.memory_space<hbm>>
    %dma_start3A_154 = arith.constant 0 : i32
    %dma_start3A_155 = tpu.memref_slice %arg17[%add3A_148, %dma_start3A_154] : memref<10240x128xf32, #tpu.memory_space<vmem_shared>> -> memref<160x128xf32, #tpu.memory_space<vmem_shared>>
    tpu.enqueue_dma source(%dma_start3A_155 : memref<160x128xf32, #tpu.memory_space<vmem_shared>>) target(%dma_start3A_153 : memref<160x128xf32, #tpu.memory_space<hbm>>) target_semaphore(%arg34 : memref<!tpu.dma_semaphore, #tpu.memory_space<semaphore_mem>>)
    %dma_wait3A_156 = arith.constant 0 : i32
    %dma_wait3A_157 = tpu.memref_slice %arg5[%arg0, %add3A_123, %dma_wait3A_156] : memref<2x10240x128xf32, #tpu.memory_space<hbm>> -> memref<1x160x128xf32, #tpu.memory_space<hbm>>
    %dma_wait3A_158 = tpu.memref_squeeze %dma_wait3A_157 : memref<1x160x128xf32, #tpu.memory_space<hbm>> -> memref<160x128xf32, #tpu.memory_space<hbm>>
    %dma_wait3A_159 = arith.constant 0 : i32
    %dma_wait3A_160 = tpu.memref_slice %arg17[%add3A_121, %dma_wait3A_159] : memref<10240x128xf32, #tpu.memory_space<vmem_shared>> -> memref<160x128xf32, #tpu.memory_space<vmem_shared>>
    tpu.wait_dma2 semaphore(%arg34 : memref<!tpu.dma_semaphore, #tpu.memory_space<semaphore_mem>>) src(%dma_wait3A_160 : memref<160x128xf32, #tpu.memory_space<vmem_shared>>) dst(%dma_wait3A_158 : memref<160x128xf32, #tpu.memory_space<hbm>>)
    %dma_wait3A_161 = arith.constant 0 : i32
    %dma_wait3A_162 = tpu.memref_slice %arg5[%arg0, %add3A_132, %dma_wait3A_161] : memref<2x10240x128xf32, #tpu.memory_space<hbm>> -> memref<1x160x128xf32, #tpu.memory_space<hbm>>
    %dma_wait3A_163 = tpu.memref_squeeze %dma_wait3A_162 : memref<1x160x128xf32, #tpu.memory_space<hbm>> -> memref<160x128xf32, #tpu.memory_space<hbm>>
    %dma_wait3A_164 = arith.constant 0 : i32
    %dma_wait3A_165 = tpu.memref_slice %arg17[%add3A_130, %dma_wait3A_164] : memref<10240x128xf32, #tpu.memory_space<vmem_shared>> -> memref<160x128xf32, #tpu.memory_space<vmem_shared>>
    tpu.wait_dma2 semaphore(%arg34 : memref<!tpu.dma_semaphore, #tpu.memory_space<semaphore_mem>>) src(%dma_wait3A_165 : memref<160x128xf32, #tpu.memory_space<vmem_shared>>) dst(%dma_wait3A_163 : memref<160x128xf32, #tpu.memory_space<hbm>>)
    %dma_wait3A_166 = arith.constant 0 : i32
    %dma_wait3A_167 = tpu.memref_slice %arg5[%arg0, %add3A_141, %dma_wait3A_166] : memref<2x10240x128xf32, #tpu.memory_space<hbm>> -> memref<1x160x128xf32, #tpu.memory_space<hbm>>
    %dma_wait3A_168 = tpu.memref_squeeze %dma_wait3A_167 : memref<1x160x128xf32, #tpu.memory_space<hbm>> -> memref<160x128xf32, #tpu.memory_space<hbm>>
    %dma_wait3A_169 = arith.constant 0 : i32
    %dma_wait3A_170 = tpu.memref_slice %arg17[%add3A_139, %dma_wait3A_169] : memref<10240x128xf32, #tpu.memory_space<vmem_shared>> -> memref<160x128xf32, #tpu.memory_space<vmem_shared>>
    tpu.wait_dma2 semaphore(%arg34 : memref<!tpu.dma_semaphore, #tpu.memory_space<semaphore_mem>>) src(%dma_wait3A_170 : memref<160x128xf32, #tpu.memory_space<vmem_shared>>) dst(%dma_wait3A_168 : memref<160x128xf32, #tpu.memory_space<hbm>>)
    %dma_wait3A_171 = arith.constant 0 : i32
    %dma_wait3A_172 = tpu.memref_slice %arg5[%arg0, %add3A_150, %dma_wait3A_171] : memref<2x10240x128xf32, #tpu.memory_space<hbm>> -> memref<1x160x128xf32, #tpu.memory_space<hbm>>
    %dma_wait3A_173 = tpu.memref_squeeze %dma_wait3A_172 : memref<1x160x128xf32, #tpu.memory_space<hbm>> -> memref<160x128xf32, #tpu.memory_space<hbm>>
    %dma_wait3A_174 = arith.constant 0 : i32
    %dma_wait3A_175 = tpu.memref_slice %arg17[%add3A_148, %dma_wait3A_174] : memref<10240x128xf32, #tpu.memory_space<vmem_shared>> -> memref<160x128xf32, #tpu.memory_space<vmem_shared>>
    tpu.wait_dma2 semaphore(%arg34 : memref<!tpu.dma_semaphore, #tpu.memory_space<semaphore_mem>>) src(%dma_wait3A_175 : memref<160x128xf32, #tpu.memory_space<vmem_shared>>) dst(%dma_wait3A_173 : memref<160x128xf32, #tpu.memory_space<hbm>>)
    return
  }
}

module attributes {stable_mosaic.version = 14 : i64} {
  func.func @_tc_mid(%arg0: i32, %arg1: memref<2x1024x128xf32, #tpu.memory_space<vmem>>, %arg2: memref<1024x128xf32, #tpu.memory_space<vmem>>, %arg3: memref<2x1024x16xf32, #tpu.memory_space<vmem>>, %arg4: memref<1x128xf32, #tpu.memory_space<vmem>>, %arg5: memref<128x128xf32, #tpu.memory_space<vmem>>, %arg6: memref<1024x128xf32, #tpu.memory_space<vmem>>, %arg7: memref<1024x128xf32, #tpu.memory_space<vmem>>) attributes {dimension_semantics = [#tpu.dimension_semantics<arbitrary>], iteration_bounds = array<i64: 10>, scalar_prefetch = 0 : i64, scratch_operands = 0 : i64, tpu.core_type = #tpu.core_type<tc>, window_params = [{transform_indices = @transform_0, window_bounds = array<i64: 2, 1024, 128>}, {transform_indices = @transform_1, window_bounds = array<i64: 1024, 128>}, {transform_indices = @transform_2, window_bounds = array<i64: 2, 1024, 16>}, {pipeline_mode = #tpu.pipeline_mode<synchronous>, transform_indices = @transform_3, window_bounds = array<i64: 1, 128>}, {pipeline_mode = #tpu.pipeline_mode<synchronous>, transform_indices = @transform_4, window_bounds = array<i64: 128, 128>}, {transform_indices = @transform_5, window_bounds = array<i64: 1024, 128>}, {transform_indices = @transform_6, window_bounds = array<i64: 1024, 128>}]} {
    %get3A = arith.constant 0 : index
    %get3A_0 = arith.constant 0 : index
    %get3A_1 = arith.constant 0 : index
    %get3A_2 = vector.load %arg3[%get3A, %get3A_0, %get3A_1] : memref<2x1024x16xf32, #tpu.memory_space<vmem>>, vector<2x1024x16xf32>
    %slice3A = vector.extract_strided_slice %get3A_2 {offsets = [0, 0, 0], sizes = [1, 1024, 1], strides = [1, 1, 1]} : vector<2x1024x16xf32> to vector<1x1024x1xf32>
    %squeeze3A = vector.shape_cast %slice3A : vector<1x1024x1xf32> to vector<1024xf32>
    %slice3A_3 = vector.extract_strided_slice %get3A_2 {offsets = [1, 0, 0], sizes = [1, 1024, 1], strides = [1, 1, 1]} : vector<2x1024x16xf32> to vector<1x1024x1xf32>
    %squeeze3A_4 = vector.shape_cast %slice3A_3 : vector<1x1024x1xf32> to vector<1024xf32>
    %add3A = arith.addf %squeeze3A, %squeeze3A_4 : vector<1024xf32>
    %add3A_5 = arith.constant 1.000000e+00 : f32
    %add3A_6 = vector.broadcast %add3A_5 : f32 to vector<1024xf32>
    %add3A_7 = arith.addf %add3A, %add3A_6 : vector<1024xf32>
    %rsqrt3A = math.rsqrt %add3A_7 : vector<1024xf32>
    %get3A_8 = arith.constant 0 : index
    %get3A_9 = arith.constant 0 : index
    %get3A_10 = arith.constant 0 : index
    %get3A_11 = vector.load %arg1[%get3A_8, %get3A_9, %get3A_10] : memref<2x1024x128xf32, #tpu.memory_space<vmem>>, vector<1x1024x128xf32>
    %get3A_12 = vector.shape_cast %get3A_11 : vector<1x1024x128xf32> to vector<1024x128xf32>
    %get3A_13 = arith.constant 1 : index
    %get3A_14 = arith.constant 0 : index
    %get3A_15 = arith.constant 0 : index
    %get3A_16 = vector.load %arg1[%get3A_13, %get3A_14, %get3A_15] : memref<2x1024x128xf32, #tpu.memory_space<vmem>>, vector<1x1024x128xf32>
    %get3A_17 = vector.shape_cast %get3A_16 : vector<1x1024x128xf32> to vector<1024x128xf32>
    %add3A_18 = arith.addf %get3A_12, %get3A_17 : vector<1024x128xf32>
    %broadcast_in_dim3A = vector.shape_cast %rsqrt3A : vector<1024xf32> to vector<1024x1xf32>
    %mul3A = vector.broadcast %broadcast_in_dim3A : vector<1024x1xf32> to vector<1024x128xf32>
    %mul3A_19 = arith.mulf %mul3A, %add3A_18 : vector<1024x128xf32>
    %mul3A_20 = arith.mulf %rsqrt3A, %rsqrt3A : vector<1024xf32>
    %broadcast_in_dim3A_21 = vector.shape_cast %mul3A_20 : vector<1024xf32> to vector<1024x1xf32>
    %get3A_22 = arith.constant 0 : index
    %get3A_23 = arith.constant 0 : index
    %get3A_24 = vector.load %arg2[%get3A_22, %get3A_23] : memref<1024x128xf32, #tpu.memory_space<vmem>>, vector<1024x128xf32>
    %mul3A_25 = vector.broadcast %broadcast_in_dim3A_21 : vector<1024x1xf32> to vector<1024x128xf32>
    %mul3A_26 = arith.mulf %mul3A_25, %get3A_24 : vector<1024x128xf32>
    %add3A_27 = arith.addf %mul3A_19, %mul3A_26 : vector<1024x128xf32>
    %get3A_28 = arith.constant 0 : index
    %get3A_29 = arith.constant 0 : index
    %get3A_30 = vector.load %arg4[%get3A_28, %get3A_29] : memref<1x128xf32, #tpu.memory_space<vmem>>, vector<1x128xf32>
    %add3A_31 = vector.broadcast %get3A_30 : vector<1x128xf32> to vector<1024x128xf32>
    %add3A_32 = arith.addf %add3A_27, %add3A_31 : vector<1024x128xf32>
    %max3A = arith.constant 0.000000e+00 : f32
    %max3A_33 = vector.broadcast %max3A : f32 to vector<1024x128xf32>
    %max3A_34 = arith.maximumf %add3A_32, %max3A_33 : vector<1024x128xf32>
    %get3A_35 = arith.constant 0 : index
    %get3A_36 = arith.constant 0 : index
    %get3A_37 = vector.load %arg5[%get3A_35, %get3A_36] : memref<128x128xf32, #tpu.memory_space<vmem>>, vector<128x128xf32>
    %dot_general3A = arith.constant dense<0.000000e+00> : vector<1024x128xf32>
    %dot_general3A_38 = tpu.matmul %max3A_34, %get3A_37, %dot_general3A {dimension_numbers = #tpu.dot_dimension_numbers<[1], [0], [0], [1], [0, 0, 1, 1], [], []>, transpose_lhs_hint = false} : vector<1024x128xf32>, vector<128x128xf32>, vector<1024x128xf32> -> vector<1024x128xf32>
    %swap3A = arith.constant 0 : index
    %swap3A_39 = arith.constant 0 : index
    %swap3A_40 = vector.load %arg6[%swap3A, %swap3A_39] : memref<1024x128xf32, #tpu.memory_space<vmem>>, vector<1024x128xf32>
    tpu.vector_store %arg6[%swap3A, %swap3A_39], %dot_general3A_38 {strides = array<i32>} : memref<1024x128xf32, #tpu.memory_space<vmem>>, vector<1024x128xf32>,
    %broadcast_in_dim3A_41 = vector.shape_cast %rsqrt3A : vector<1024xf32> to vector<1024x1xf32>
    %mul3A_42 = vector.broadcast %broadcast_in_dim3A_41 : vector<1024x1xf32> to vector<1024x128xf32>
    %mul3A_43 = arith.mulf %dot_general3A_38, %mul3A_42 : vector<1024x128xf32>
    %mul3A_44 = arith.constant 1024 : i32
    %mul3A_45 = arith.muli %arg0, %mul3A_44 : i32
    %iota3A = tpu.iota {dimensions = array<i32: 0>} : vector<1024x1xi32>
    %add3A_46 = vector.broadcast %mul3A_45 : i32 to vector<1024x1xi32>
    %add3A_47 = arith.addi %add3A_46, %iota3A : vector<1024x1xi32>
    %lt3A = arith.constant 10000 : i32
    %lt3A_48 = vector.broadcast %lt3A : i32 to vector<1024x1xi32>
    %lt3A_49 = arith.cmpi slt, %add3A_47, %lt3A_48 : vector<1024x1xi32>
    %convert_element_type3A = arith.extui %lt3A_49 : vector<1024x1xi1> to vector<1024x1xi32>
    %convert_element_type3A_50 = arith.sitofp %convert_element_type3A : vector<1024x1xi32> to vector<1024x1xf32>
    %mul3A_51 = vector.broadcast %convert_element_type3A_50 : vector<1024x1xf32> to vector<1024x128xf32>
    %mul3A_52 = arith.mulf %mul3A_43, %mul3A_51 : vector<1024x128xf32>
    %swap3A_53 = arith.constant 0 : index
    %swap3A_54 = arith.constant 0 : index
    %swap3A_55 = vector.load %arg7[%swap3A_53, %swap3A_54] : memref<1024x128xf32, #tpu.memory_space<vmem>>, vector<1024x128xf32>
    tpu.vector_store %arg7[%swap3A_53, %swap3A_54], %mul3A_52 {strides = array<i32>} : memref<1024x128xf32, #tpu.memory_space<vmem>>, vector<1024x128xf32>,
    return
  }
  func.func @transform_0(%arg0: i32) -> (i32, i32, i32) {
    %c0_i32 = arith.constant 0 : i32
    %c0_i32_0 = arith.constant 0 : i32
    %c0_i32_1 = arith.constant 0 : i32
    return %c0_i32, %arg0, %c0_i32_0 : i32, i32, i32
  }
  func.func @transform_1(%arg0: i32) -> (i32, i32) {
    %c0_i32 = arith.constant 0 : i32
    %c0_i32_0 = arith.constant 0 : i32
    return %arg0, %c0_i32 : i32, i32
  }
  func.func @transform_2(%arg0: i32) -> (i32, i32, i32) {
    %c0_i32 = arith.constant 0 : i32
    %c0_i32_0 = arith.constant 0 : i32
    %c0_i32_1 = arith.constant 0 : i32
    return %c0_i32, %arg0, %c0_i32_0 : i32, i32, i32
  }
  func.func @transform_3(%arg0: i32) -> (i32, i32) {
    %c0_i32 = arith.constant 0 : i32
    %c0_i32_0 = arith.constant 0 : i32
    %c0_i32_1 = arith.constant 0 : i32
    return %c0_i32, %c0_i32_0 : i32, i32
  }
  func.func @transform_4(%arg0: i32) -> (i32, i32) {
    %c0_i32 = arith.constant 0 : i32
    %c0_i32_0 = arith.constant 0 : i32
    %c0_i32_1 = arith.constant 0 : i32
    return %c0_i32, %c0_i32_0 : i32, i32
  }
  func.func @transform_5(%arg0: i32) -> (i32, i32) {
    %c0_i32 = arith.constant 0 : i32
    %c0_i32_0 = arith.constant 0 : i32
    return %arg0, %c0_i32 : i32, i32
  }
  func.func @transform_6(%arg0: i32) -> (i32, i32) {
    %c0_i32 = arith.constant 0 : i32
    %c0_i32_0 = arith.constant 0 : i32
    return %arg0, %c0_i32 : i32, i32
  }
}

module attributes {stable_mosaic.version = 14 : i64} {
  func.func @_tc_first(%arg0: i32, %arg1: memref<1024x128xf32, #tpu.memory_space<vmem>>, %arg2: memref<128x128xf32, #tpu.memory_space<vmem>>, %arg3: memref<2x1024x16xf32, #tpu.memory_space<vmem>>, %arg4: memref<1024x128xf32, #tpu.memory_space<vmem>>, %arg5: memref<1024x128xf32, #tpu.memory_space<vmem>>) attributes {dimension_semantics = [#tpu.dimension_semantics<arbitrary>], iteration_bounds = array<i64: 10>, scalar_prefetch = 0 : i64, scratch_operands = 0 : i64, tpu.core_type = #tpu.core_type<tc>, window_params = [{transform_indices = @transform_0, window_bounds = array<i64: 1024, 128>}, {pipeline_mode = #tpu.pipeline_mode<synchronous>, transform_indices = @transform_1, window_bounds = array<i64: 128, 128>}, {transform_indices = @transform_2, window_bounds = array<i64: 2, 1024, 16>}, {transform_indices = @transform_3, window_bounds = array<i64: 1024, 128>}, {transform_indices = @transform_4, window_bounds = array<i64: 1024, 128>}]} {
    %get3A = arith.constant 0 : index
    %get3A_0 = arith.constant 0 : index
    %get3A_1 = vector.load %arg1[%get3A, %get3A_0] : memref<1024x128xf32, #tpu.memory_space<vmem>>, vector<1024x128xf32>
    %get3A_2 = arith.constant 0 : index
    %get3A_3 = arith.constant 0 : index
    %get3A_4 = vector.load %arg2[%get3A_2, %get3A_3] : memref<128x128xf32, #tpu.memory_space<vmem>>, vector<128x128xf32>
    %dot_general3A = arith.constant dense<0.000000e+00> : vector<1024x128xf32>
    %dot_general3A_5 = tpu.matmul %get3A_1, %get3A_4, %dot_general3A {dimension_numbers = #tpu.dot_dimension_numbers<[1], [0], [0], [1], [0, 0, 1, 1], [], []>, transpose_lhs_hint = false} : vector<1024x128xf32>, vector<128x128xf32>, vector<1024x128xf32> -> vector<1024x128xf32>
    %get3A_6 = arith.constant 0 : index
    %get3A_7 = arith.constant 0 : index
    %get3A_8 = arith.constant 0 : index
    %get3A_9 = vector.load %arg3[%get3A_6, %get3A_7, %get3A_8] : memref<2x1024x16xf32, #tpu.memory_space<vmem>>, vector<2x1024x16xf32>
    %slice3A = vector.extract_strided_slice %get3A_9 {offsets = [0, 0, 0], sizes = [1, 1024, 1], strides = [1, 1, 1]} : vector<2x1024x16xf32> to vector<1x1024x1xf32>
    %squeeze3A = vector.shape_cast %slice3A : vector<1x1024x1xf32> to vector<1024xf32>
    %slice3A_10 = vector.extract_strided_slice %get3A_9 {offsets = [1, 0, 0], sizes = [1, 1024, 1], strides = [1, 1, 1]} : vector<2x1024x16xf32> to vector<1x1024x1xf32>
    %squeeze3A_11 = vector.shape_cast %slice3A_10 : vector<1x1024x1xf32> to vector<1024xf32>
    %add3A = arith.addf %squeeze3A, %squeeze3A_11 : vector<1024xf32>
    %add3A_12 = arith.constant 1.000000e+00 : f32
    %add3A_13 = vector.broadcast %add3A_12 : f32 to vector<1024xf32>
    %add3A_14 = arith.addf %add3A, %add3A_13 : vector<1024xf32>
    %rsqrt3A = math.rsqrt %add3A_14 : vector<1024xf32>
    %swap3A = arith.constant 0 : index
    %swap3A_15 = arith.constant 0 : index
    %swap3A_16 = vector.load %arg4[%swap3A, %swap3A_15] : memref<1024x128xf32, #tpu.memory_space<vmem>>, vector<1024x128xf32>
    tpu.vector_store %arg4[%swap3A, %swap3A_15], %dot_general3A_5 {strides = array<i32>} : memref<1024x128xf32, #tpu.memory_space<vmem>>, vector<1024x128xf32>,
    %broadcast_in_dim3A = vector.shape_cast %rsqrt3A : vector<1024xf32> to vector<1024x1xf32>
    %mul3A = vector.broadcast %broadcast_in_dim3A : vector<1024x1xf32> to vector<1024x128xf32>
    %mul3A_17 = arith.mulf %dot_general3A_5, %mul3A : vector<1024x128xf32>
    %mul3A_18 = arith.constant 1024 : i32
    %mul3A_19 = arith.muli %arg0, %mul3A_18 : i32
    %iota3A = tpu.iota {dimensions = array<i32: 0>} : vector<1024x1xi32>
    %add3A_20 = vector.broadcast %mul3A_19 : i32 to vector<1024x1xi32>
    %add3A_21 = arith.addi %add3A_20, %iota3A : vector<1024x1xi32>
    %lt3A = arith.constant 10000 : i32
    %lt3A_22 = vector.broadcast %lt3A : i32 to vector<1024x1xi32>
    %lt3A_23 = arith.cmpi slt, %add3A_21, %lt3A_22 : vector<1024x1xi32>
    %convert_element_type3A = arith.extui %lt3A_23 : vector<1024x1xi1> to vector<1024x1xi32>
    %convert_element_type3A_24 = arith.sitofp %convert_element_type3A : vector<1024x1xi32> to vector<1024x1xf32>
    %mul3A_25 = vector.broadcast %convert_element_type3A_24 : vector<1024x1xf32> to vector<1024x128xf32>
    %mul3A_26 = arith.mulf %mul3A_17, %mul3A_25 : vector<1024x128xf32>
    %swap3A_27 = arith.constant 0 : index
    %swap3A_28 = arith.constant 0 : index
    %swap3A_29 = vector.load %arg5[%swap3A_27, %swap3A_28] : memref<1024x128xf32, #tpu.memory_space<vmem>>, vector<1024x128xf32>
    tpu.vector_store %arg5[%swap3A_27, %swap3A_28], %mul3A_26 {strides = array<i32>} : memref<1024x128xf32, #tpu.memory_space<vmem>>, vector<1024x128xf32>,
    return
  }
  func.func @transform_0(%arg0: i32) -> (i32, i32) {
    %c0_i32 = arith.constant 0 : i32
    %c0_i32_0 = arith.constant 0 : i32
    return %arg0, %c0_i32 : i32, i32
  }
  func.func @transform_1(%arg0: i32) -> (i32, i32) {
    %c0_i32 = arith.constant 0 : i32
    %c0_i32_0 = arith.constant 0 : i32
    %c0_i32_1 = arith.constant 0 : i32
    return %c0_i32, %c0_i32_0 : i32, i32
  }
  func.func @transform_2(%arg0: i32) -> (i32, i32, i32) {
    %c0_i32 = arith.constant 0 : i32
    %c0_i32_0 = arith.constant 0 : i32
    %c0_i32_1 = arith.constant 0 : i32
    return %c0_i32, %arg0, %c0_i32_0 : i32, i32, i32
  }
  func.func @transform_3(%arg0: i32) -> (i32, i32) {
    %c0_i32 = arith.constant 0 : i32
    %c0_i32_0 = arith.constant 0 : i32
    return %arg0, %c0_i32 : i32, i32
  }
  func.func @transform_4(%arg0: i32) -> (i32, i32) {
    %c0_i32 = arith.constant 0 : i32
    %c0_i32_0 = arith.constant 0 : i32
    return %arg0, %c0_i32 : i32, i32
  }
}

module attributes {stable_mosaic.version = 14 : i64} {
  func.func @_tc_last(%arg0: i32, %arg1: memref<2x1024x128xf32, #tpu.memory_space<vmem>>, %arg2: memref<1024x128xf32, #tpu.memory_space<vmem>>, %arg3: memref<2x1024x16xf32, #tpu.memory_space<vmem>>, %arg4: memref<1x128xf32, #tpu.memory_space<vmem>>, %arg5: memref<1x1x1024xi32, #tpu.memory_space<vmem>>, %arg6: memref<256x64xf32, #tpu.memory_space<vmem>>, %arg7: memref<64x128xf32, #tpu.memory_space<vmem>>, %arg8: memref<1x128xf32, #tpu.memory_space<vmem>>, %arg9: memref<256x12xf32, #tpu.memory_space<vmem>>, %arg10: memref<1x12xf32, #tpu.memory_space<vmem>>, %arg11: memref<256x12xf32, #tpu.memory_space<vmem>>, %arg12: memref<256x128xf32, #tpu.memory_space<vmem>>, %arg13: memref<256x128xf32, #tpu.memory_space<vmem>>) attributes {dimension_semantics = [#tpu.dimension_semantics<arbitrary>], iteration_bounds = array<i64: 10>, scalar_prefetch = 0 : i64, scratch_operands = 2 : i64, tpu.core_type = #tpu.core_type<tc>, window_params = [{transform_indices = @transform_0, window_bounds = array<i64: 2, 1024, 128>}, {transform_indices = @transform_1, window_bounds = array<i64: 1024, 128>}, {transform_indices = @transform_2, window_bounds = array<i64: 2, 1024, 16>}, {pipeline_mode = #tpu.pipeline_mode<synchronous>, transform_indices = @transform_3, window_bounds = array<i64: 1, 128>}, {transform_indices = @transform_4, window_bounds = array<i64: 1, 1, 1024>}, {pipeline_mode = #tpu.pipeline_mode<synchronous>, transform_indices = @transform_5, window_bounds = array<i64: 256, 64>}, {pipeline_mode = #tpu.pipeline_mode<synchronous>, transform_indices = @transform_6, window_bounds = array<i64: 64, 128>}, {pipeline_mode = #tpu.pipeline_mode<synchronous>, transform_indices = @transform_7, window_bounds = array<i64: 1, 128>}, {pipeline_mode = #tpu.pipeline_mode<synchronous>, transform_indices = @transform_8, window_bounds = array<i64: 256, 12>}, {pipeline_mode = #tpu.pipeline_mode<synchronous>, transform_indices = @transform_9, window_bounds = array<i64: 1, 12>}, {pipeline_mode = #tpu.pipeline_mode<synchronous>, transform_indices = @transform_10, window_bounds = array<i64: 256, 12>}]} {
    %eq3A = arith.constant 0 : i32
    %eq3A_0 = arith.cmpi eq, %arg0, %eq3A : i32
    %convert_element_type3A = arith.extui %eq3A_0 : i1 to i32
    %cond3A = arith.constant 0 : i32
    %cond3A_1 = arith.cmpi ne, %convert_element_type3A, %cond3A : i32
    scf.if %cond3A_1 {
      %broadcast_in_dim3A_70 = arith.constant 0.000000e+00 : f32
      %broadcast_in_dim3A_71 = vector.broadcast %broadcast_in_dim3A_70 : f32 to vector<256x128xf32>
      %swap3A_72 = arith.constant 0 : index
      %swap3A_73 = arith.constant 0 : index
      %swap3A_74 = vector.load %arg12[%swap3A_72, %swap3A_73] : memref<256x128xf32, #tpu.memory_space<vmem>>, vector<256x128xf32>
      tpu.vector_store %arg12[%swap3A_72, %swap3A_73], %broadcast_in_dim3A_71 {strides = array<i32>} : memref<256x128xf32, #tpu.memory_space<vmem>>, vector<256x128xf32>,
      %broadcast_in_dim3A_75 = arith.constant 0.000000e+00 : f32
      %broadcast_in_dim3A_76 = vector.broadcast %broadcast_in_dim3A_75 : f32 to vector<256x128xf32>
      %swap3A_77 = arith.constant 0 : index
      %swap3A_78 = arith.constant 0 : index
      %swap3A_79 = vector.load %arg13[%swap3A_77, %swap3A_78] : memref<256x128xf32, #tpu.memory_space<vmem>>, vector<256x128xf32>
      tpu.vector_store %arg13[%swap3A_77, %swap3A_78], %broadcast_in_dim3A_76 {strides = array<i32>} : memref<256x128xf32, #tpu.memory_space<vmem>>, vector<256x128xf32>,
    } else {
    }
    %get3A = arith.constant 0 : index
    %get3A_2 = arith.constant 0 : index
    %get3A_3 = arith.constant 0 : index
    %get3A_4 = vector.load %arg3[%get3A, %get3A_2, %get3A_3] : memref<2x1024x16xf32, #tpu.memory_space<vmem>>, vector<2x1024x16xf32>
    %slice3A = vector.extract_strided_slice %get3A_4 {offsets = [0, 0, 0], sizes = [1, 1024, 1], strides = [1, 1, 1]} : vector<2x1024x16xf32> to vector<1x1024x1xf32>
    %squeeze3A = vector.shape_cast %slice3A : vector<1x1024x1xf32> to vector<1024xf32>
    %slice3A_5 = vector.extract_strided_slice %get3A_4 {offsets = [1, 0, 0], sizes = [1, 1024, 1], strides = [1, 1, 1]} : vector<2x1024x16xf32> to vector<1x1024x1xf32>
    %squeeze3A_6 = vector.shape_cast %slice3A_5 : vector<1x1024x1xf32> to vector<1024xf32>
    %add3A = arith.addf %squeeze3A, %squeeze3A_6 : vector<1024xf32>
    %add3A_7 = arith.constant 1.000000e+00 : f32
    %add3A_8 = vector.broadcast %add3A_7 : f32 to vector<1024xf32>
    %add3A_9 = arith.addf %add3A, %add3A_8 : vector<1024xf32>
    %rsqrt3A = math.rsqrt %add3A_9 : vector<1024xf32>
    %get3A_10 = arith.constant 0 : index
    %get3A_11 = arith.constant 0 : index
    %get3A_12 = arith.constant 0 : index
    %get3A_13 = vector.load %arg1[%get3A_10, %get3A_11, %get3A_12] : memref<2x1024x128xf32, #tpu.memory_space<vmem>>, vector<1x1024x128xf32>
    %get3A_14 = vector.shape_cast %get3A_13 : vector<1x1024x128xf32> to vector<1024x128xf32>
    %get3A_15 = arith.constant 1 : index
    %get3A_16 = arith.constant 0 : index
    %get3A_17 = arith.constant 0 : index
    %get3A_18 = vector.load %arg1[%get3A_15, %get3A_16, %get3A_17] : memref<2x1024x128xf32, #tpu.memory_space<vmem>>, vector<1x1024x128xf32>
    %get3A_19 = vector.shape_cast %get3A_18 : vector<1x1024x128xf32> to vector<1024x128xf32>
    %add3A_20 = arith.addf %get3A_14, %get3A_19 : vector<1024x128xf32>
    %broadcast_in_dim3A = vector.shape_cast %rsqrt3A : vector<1024xf32> to vector<1024x1xf32>
    %mul3A = vector.broadcast %broadcast_in_dim3A : vector<1024x1xf32> to vector<1024x128xf32>
    %mul3A_21 = arith.mulf %mul3A, %add3A_20 : vector<1024x128xf32>
    %mul3A_22 = arith.mulf %rsqrt3A, %rsqrt3A : vector<1024xf32>
    %broadcast_in_dim3A_23 = vector.shape_cast %mul3A_22 : vector<1024xf32> to vector<1024x1xf32>
    %get3A_24 = arith.constant 0 : index
    %get3A_25 = arith.constant 0 : index
    %get3A_26 = vector.load %arg2[%get3A_24, %get3A_25] : memref<1024x128xf32, #tpu.memory_space<vmem>>, vector<1024x128xf32>
    %mul3A_27 = vector.broadcast %broadcast_in_dim3A_23 : vector<1024x1xf32> to vector<1024x128xf32>
    %mul3A_28 = arith.mulf %mul3A_27, %get3A_26 : vector<1024x128xf32>
    %add3A_29 = arith.addf %mul3A_21, %mul3A_28 : vector<1024x128xf32>
    %get3A_30 = arith.constant 0 : index
    %get3A_31 = arith.constant 0 : index
    %get3A_32 = vector.load %arg4[%get3A_30, %get3A_31] : memref<1x128xf32, #tpu.memory_space<vmem>>, vector<1x128xf32>
    %add3A_33 = vector.broadcast %get3A_32 : vector<1x128xf32> to vector<1024x128xf32>
    %add3A_34 = arith.addf %add3A_29, %add3A_33 : vector<1024x128xf32>
    %max3A = arith.constant 0.000000e+00 : f32
    %max3A_35 = vector.broadcast %max3A : f32 to vector<1024x128xf32>
    %max3A_36 = arith.maximumf %add3A_34, %max3A_35 : vector<1024x128xf32>
    %get3A_37 = arith.constant 0 : index
    %get3A_38 = arith.constant 0 : index
    %get3A_39 = arith.constant 0 : index
    %get3A_40 = vector.load %arg5[%get3A_37, %get3A_38, %get3A_39] : memref<1x1x1024xi32, #tpu.memory_space<vmem>>, vector<1x1x1024xi32>
    %get3A_41 = vector.shape_cast %get3A_40 : vector<1x1x1024xi32> to vector<1024xi32>
    %broadcast_in_dim3A_42 = vector.shape_cast %get3A_41 : vector<1024xi32> to vector<1x1024xi32>
    %iota3A = tpu.iota {dimensions = array<i32: 0>} : vector<256x1024xi32>
    %eq3A_43 = vector.broadcast %broadcast_in_dim3A_42 : vector<1x1024xi32> to vector<256x1024xi32>
    %eq3A_44 = arith.cmpi eq, %eq3A_43, %iota3A : vector<256x1024xi32>
    %convert_element_type3A_45 = arith.extui %eq3A_44 : vector<256x1024xi1> to vector<256x1024xi32>
    %convert_element_type3A_46 = arith.sitofp %convert_element_type3A_45 : vector<256x1024xi32> to vector<256x1024xf32>
    %get3A_47 = arith.constant 0 : index
    %get3A_48 = arith.constant 0 : index
    %get3A_49 = vector.load %arg12[%get3A_47, %get3A_48] : memref<256x128xf32, #tpu.memory_space<vmem>>, vector<256x128xf32>
    %dot_general3A = arith.constant dense<0.000000e+00> : vector<256x128xf32>
    %dot_general3A_50 = tpu.matmul %convert_element_type3A_46, %max3A_36, %dot_general3A {dimension_numbers = #tpu.dot_dimension_numbers<[1], [0], [0], [1], [0, 0, 1, 1], [], []>, transpose_lhs_hint = false} : vector<256x1024xf32>, vector<1024x128xf32>, vector<256x128xf32> -> vector<256x128xf32>
    %add3A_51 = arith.addf %get3A_49, %dot_general3A_50 : vector<256x128xf32>
    %swap3A = arith.constant 0 : index
    %swap3A_52 = arith.constant 0 : index
    %swap3A_53 = vector.load %arg12[%swap3A, %swap3A_52] : memref<256x128xf32, #tpu.memory_space<vmem>>, vector<256x128xf32>
    tpu.vector_store %arg12[%swap3A, %swap3A_52], %add3A_51 {strides = array<i32>} : memref<256x128xf32, #tpu.memory_space<vmem>>, vector<256x128xf32>,
    %get3A_54 = arith.constant 0 : index
    %get3A_55 = arith.constant 0 : index
    %get3A_56 = vector.load %arg13[%get3A_54, %get3A_55] : memref<256x128xf32, #tpu.memory_space<vmem>>, vector<256x128xf32>
    %reduce_sum3A = arith.constant dense<0.000000e+00> : vector<256xf32>
    %reduce_sum3A_57 = vector.multi_reduction <add>, %convert_element_type3A_46, %reduce_sum3A [1] : vector<256x1024xf32> to vector<256xf32>
    %broadcast_in_dim3A_58 = vector.shape_cast %reduce_sum3A_57 : vector<256xf32> to vector<256x1xf32>
    %broadcast_in_dim3A_59 = vector.shape_cast %broadcast_in_dim3A_58 : vector<256x1xf32> to vector<256x1xf32>
    %broadcast_in_dim3A_60 = vector.broadcast %broadcast_in_dim3A_59 : vector<256x1xf32> to vector<256x128xf32>
    %add3A_61 = arith.addf %get3A_56, %broadcast_in_dim3A_60 : vector<256x128xf32>
    %swap3A_62 = arith.constant 0 : index
    %swap3A_63 = arith.constant 0 : index
    %swap3A_64 = vector.load %arg13[%swap3A_62, %swap3A_63] : memref<256x128xf32, #tpu.memory_space<vmem>>, vector<256x128xf32>
    tpu.vector_store %arg13[%swap3A_62, %swap3A_63], %add3A_61 {strides = array<i32>} : memref<256x128xf32, #tpu.memory_space<vmem>>, vector<256x128xf32>,
    %eq3A_65 = arith.constant 9 : i32
    %eq3A_66 = arith.cmpi eq, %arg0, %eq3A_65 : i32
    %convert_element_type3A_67 = arith.extui %eq3A_66 : i1 to i32
    %cond3A_68 = arith.constant 0 : i32
    %cond3A_69 = arith.cmpi ne, %convert_element_type3A_67, %cond3A_68 : i32
    scf.if %cond3A_69 {
      %get3A_70 = arith.constant 0 : index
      %get3A_71 = arith.constant 0 : index
      %get3A_72 = vector.load %arg12[%get3A_70, %get3A_71] : memref<256x128xf32, #tpu.memory_space<vmem>>, vector<256x128xf32>
      %get3A_73 = arith.constant 0 : index
      %get3A_74 = arith.constant 0 : index
      %get3A_75 = vector.load %arg13[%get3A_73, %get3A_74] : memref<256x128xf32, #tpu.memory_space<vmem>>, vector<256x128xf32>
      %max3A_76 = arith.constant 1.000000e+00 : f32
      %max3A_77 = vector.broadcast %max3A_76 : f32 to vector<256x128xf32>
      %max3A_78 = arith.maximumf %get3A_75, %max3A_77 : vector<256x128xf32>
      %div3A = arith.divf %get3A_72, %max3A_78 : vector<256x128xf32>
      %get3A_79 = arith.constant 0 : index
      %get3A_80 = arith.constant 0 : index
      %get3A_81 = vector.load %arg6[%get3A_79, %get3A_80] : memref<256x64xf32, #tpu.memory_space<vmem>>, vector<256x64xf32>
      %get3A_82 = arith.constant 0 : index
      %get3A_83 = arith.constant 0 : index
      %get3A_84 = vector.load %arg7[%get3A_82, %get3A_83] : memref<64x128xf32, #tpu.memory_space<vmem>>, vector<64x128xf32>
      %dot_general3A_85 = arith.constant dense<0.000000e+00> : vector<256x128xf32>
      %dot_general3A_86 = tpu.matmul %get3A_81, %get3A_84, %dot_general3A_85 {dimension_numbers = #tpu.dot_dimension_numbers<[1], [0], [0], [1], [0, 0, 1, 1], [], []>, transpose_lhs_hint = false} : vector<256x64xf32>, vector<64x128xf32>, vector<256x128xf32> -> vector<256x128xf32>
      %get3A_87 = arith.constant 0 : index
      %get3A_88 = arith.constant 0 : index
      %get3A_89 = vector.load %arg8[%get3A_87, %get3A_88] : memref<1x128xf32, #tpu.memory_space<vmem>>, vector<1x128xf32>
      %add3A_90 = vector.broadcast %get3A_89 : vector<1x128xf32> to vector<256x128xf32>
      %add3A_91 = arith.addf %dot_general3A_86, %add3A_90 : vector<256x128xf32>
      %max3A_92 = arith.constant 0.000000e+00 : f32
      %max3A_93 = vector.broadcast %max3A_92 : f32 to vector<256x128xf32>
      %max3A_94 = arith.maximumf %add3A_91, %max3A_93 : vector<256x128xf32>
      %concatenate3A = tpu.concatenate %div3A, %max3A_94 in 1 : vector<256x128xf32>, vector<256x128xf32> -> vector<256x256xf32>
      %get3A_95 = arith.constant 0 : index
      %get3A_96 = arith.constant 0 : index
      %get3A_97 = vector.load %arg9[%get3A_95, %get3A_96] : memref<256x12xf32, #tpu.memory_space<vmem>>, vector<256x12xf32>
      %dot_general3A_98 = arith.constant dense<0.000000e+00> : vector<256x12xf32>
      %dot_general3A_99 = tpu.matmul %concatenate3A, %get3A_97, %dot_general3A_98 {dimension_numbers = #tpu.dot_dimension_numbers<[1], [0], [0], [1], [0, 0, 1, 1], [], []>, transpose_lhs_hint = false} : vector<256x256xf32>, vector<256x12xf32>, vector<256x12xf32> -> vector<256x12xf32>
      %get3A_100 = arith.constant 0 : index
      %get3A_101 = arith.constant 0 : index
      %get3A_102 = vector.load %arg10[%get3A_100, %get3A_101] : memref<1x12xf32, #tpu.memory_space<vmem>>, vector<1x12xf32>
      %add3A_103 = vector.broadcast %get3A_102 : vector<1x12xf32> to vector<256x12xf32>
      %add3A_104 = arith.addf %dot_general3A_99, %add3A_103 : vector<256x12xf32>
      %swap3A_105 = arith.constant 0 : index
      %swap3A_106 = arith.constant 0 : index
      %swap3A_107 = vector.load %arg11[%swap3A_105, %swap3A_106] : memref<256x12xf32, #tpu.memory_space<vmem>>, vector<256x12xf32>
      tpu.vector_store %arg11[%swap3A_105, %swap3A_106], %add3A_104 {strides = array<i32>} : memref<256x12xf32, #tpu.memory_space<vmem>>, vector<256x12xf32>,
    } else {
    }
    return
  }
  func.func @transform_0(%arg0: i32) -> (i32, i32, i32) {
    %c0_i32 = arith.constant 0 : i32
    %c0_i32_0 = arith.constant 0 : i32
    %c0_i32_1 = arith.constant 0 : i32
    return %c0_i32, %arg0, %c0_i32_0 : i32, i32, i32
  }
  func.func @transform_1(%arg0: i32) -> (i32, i32) {
    %c0_i32 = arith.constant 0 : i32
    %c0_i32_0 = arith.constant 0 : i32
    return %arg0, %c0_i32 : i32, i32
  }
  func.func @transform_2(%arg0: i32) -> (i32, i32, i32) {
    %c0_i32 = arith.constant 0 : i32
    %c0_i32_0 = arith.constant 0 : i32
    %c0_i32_1 = arith.constant 0 : i32
    return %c0_i32, %arg0, %c0_i32_0 : i32, i32, i32
  }
  func.func @transform_3(%arg0: i32) -> (i32, i32) {
    %c0_i32 = arith.constant 0 : i32
    %c0_i32_0 = arith.constant 0 : i32
    %c0_i32_1 = arith.constant 0 : i32
    return %c0_i32, %c0_i32_0 : i32, i32
  }
  func.func @transform_4(%arg0: i32) -> (i32, i32, i32) {
    %c0_i32 = arith.constant 0 : i32
    %c0_i32_0 = arith.constant 0 : i32
    %c0_i32_1 = arith.constant 0 : i32
    return %arg0, %c0_i32, %c0_i32_0 : i32, i32, i32
  }
  func.func @transform_5(%arg0: i32) -> (i32, i32) {
    %c0_i32 = arith.constant 0 : i32
    %c0_i32_0 = arith.constant 0 : i32
    %c0_i32_1 = arith.constant 0 : i32
    return %c0_i32, %c0_i32_0 : i32, i32
  }
  func.func @transform_6(%arg0: i32) -> (i32, i32) {
    %c0_i32 = arith.constant 0 : i32
    %c0_i32_0 = arith.constant 0 : i32
    %c0_i32_1 = arith.constant 0 : i32
    return %c0_i32, %c0_i32_0 : i32, i32
  }
  func.func @transform_7(%arg0: i32) -> (i32, i32) {
    %c0_i32 = arith.constant 0 : i32
    %c0_i32_0 = arith.constant 0 : i32
    %c0_i32_1 = arith.constant 0 : i32
    return %c0_i32, %c0_i32_0 : i32, i32
  }
  func.func @transform_8(%arg0: i32) -> (i32, i32) {
    %c0_i32 = arith.constant 0 : i32
    %c0_i32_0 = arith.constant 0 : i32
    %c0_i32_1 = arith.constant 0 : i32
    return %c0_i32, %c0_i32_0 : i32, i32
  }
  func.func @transform_9(%arg0: i32) -> (i32, i32) {
    %c0_i32 = arith.constant 0 : i32
    %c0_i32_0 = arith.constant 0 : i32
    %c0_i32_1 = arith.constant 0 : i32
    return %c0_i32, %c0_i32_0 : i32, i32
  }
  func.func @transform_10(%arg0: i32) -> (i32, i32) {
    %c0_i32 = arith.constant 0 : i32
    %c0_i32_0 = arith.constant 0 : i32
    %c0_i32_1 = arith.constant 0 : i32
    return %c0_i32, %c0_i32_0 : i32, i32
  }
}

</mosaic_0001>

<sc_bundles>
// kernel: kernel.11.cloned.1.call-start
scs
__scs_entry_jumppad:
0x0: {  	(pc) =	sbr.rel $0x88, $3  }
0x1: {  	(tag) =	ssettag $0x0;
	lr =	simm.s32 $0x1  }
0x2: {  	[smem:$0x3F95] =	sst lr;
	_ =	strace $0xD0000000  }
0x3: {  	_ = 	snop  }
0x4: {  	_ = 	snop  }
0x5: {  	_ = 	snop  }
0x6: {  	_ = 	snop  }
0x7: {  	_ = 	snop  }
__scs_overlays_trampoline_lowered:
0x8: {  	[smem:$0x3FA4] =	sst s0  }
0x9: {  	[smem:$0x3FA5] =	sst s1  }
0xa: {  	[smem:$0x3FA6] =	sst s2  }
0xb: {  	[smem:$0x3FA7] =	sst s3  }
0xc: {  	[smem:$0x3FA8] =	sst s4  }
0xd: {  	[smem:$0x3FA9] =	sst s5  }
0xe: {  	[smem:$0x3FAA] =	sst s6  }
0xf: {  	[smem:$0x3FAB] =	sst s7  }
0x10: {  	[smem:$0x3FAC] =	sst s8  }
0x11: {  	[smem:$0x3FAD] =	sst s9;
	s0 =	simm.s32 @!p0 $0x0  }
0x12: {  	s1 =	sld [smem:$0x3F93];
	s0 =	simm.s32 @p0 $0x1  }
0x13: {  	[smem:$0x3FAE] =	sst s0;
	s0 =	simm.s32 @!p1 $0x0  }
0x14: {  	s2 =	sld [smem:$0x3F92];
	s0 =	simm.s32 @p1 $0x1  }
0x15: {  	[smem:$0x3FAF] =	sst s0;
	s0 =	simm.s32 @!p2 $0x0  }
0x16: {  	s3 =	sld [smem:$0x3FDB];
	s0 =	simm.s32 @p2 $0x1  }
0x17: {  	s4 =	simm.s32 $0x1BF5;
	[smem:$0x3FB1] =	sst s0  }
0x18: {  	s0 =	sld [smem:$0x3F94];
	_ =	swait.ge [sflag:s4], $0x0  }
0x19: {  	s7 =	sld [smem:$0x3F95]  }
0x1a: {  	s8 =	sadd.s32 $0xFFFFE003, lr  }
0x1b: {  	s9 =	sadd.s32 $0xFFFFFEF7, lr;
	s5 =	simm.s32 $0xFFFFFFFF;
	p2 =	slt.u32 s8, $0xFFFFF086  }
0x1c: {  	p1 =	slt.u32 s9, $0xF7A;
	s5 =	simm.s32 @!p2 $0x0  }
0x1d: {  	s5 =	simm.s32 @p1 $0x1;
	p0 =	seq.s32 s7, s2  }
0x1e: {  	s7 =	smul.u32 @!p0 $0xF7A, s2;
	p2 =	seq.s32 @!p0 s5, $0x0  }
0x1f: {  	s9 =	smul.u32 $0xF7A, s1;
	s8 =	simm.s32 @!p0 $0x1BF5;
	p2 =	por !p2, p0  }
0x20: {  	[sflag:s8] =	ssyncset.s32 @!p0 $0xFFFFF086;
	s6 =	sadd.s32 @!p0 s3, s7;
	s7 =	simm.s32 @!p0 $0x108  }
0x21: {  	s3 =	sadd.s32 s3, s9;
	s6 =	sadd.s32 @!p0 $0x88, s6;
	s7 =	simm.s32 @p2 $0x1082  }
0x22: {  	[simem:s7], [sflag:s8] =	dma.local @!p0 [hbm:s6], $0xF7A  }
0x23: {  	s9 =	sor.u32 $0xD0000000, s2;
	s6 =	simm.s32 $0x108;
	_ =	swait.ge @!p0 [sflag:s8], $0x0  }
0x24: {  	s3 =	sadd.s32 $0x88, s3;
	s6 =	simm.s32 @!p1 $0x1082;
	[sflag:s4] =	ssyncset.s32 $0xFFFFF086  }
0x25: {  	[simem:s6], [sflag:s4] =	dma.local [hbm:s3], $0xF7A  }
0x26: {  	[smem:$0x3F95] =	sst s1;
	(tag) =	ssettag s2;
	_ =	strace s9  }
0x27: {  	s1 =	sld [smem:$0x3FA5]  }
0x28: {  	s2 =	sld [smem:$0x3FA6]  }
0x29: {  	s4 =	sld [smem:$0x3FA8]  }
0x2a: {  	p0 =	seq.s32 s5, $0x0;
	s5 =	sld [smem:$0x3FA9]  }
0x2b: {  	s6 =	sld [smem:$0x3FAA]  }
0x2c: {  	s7 =	sld [smem:$0x3FAB]  }
0x2d: {  	s3 =	simm.s32 $0x108;
	s8 =	sld [smem:$0x3FAC]  }
0x2e: {  	s3 =	simm.s32 @!p0 $0x1082;
	s9 =	sld [smem:$0x3FAD]  }
0x2f: {  	lr =	sadd.s32 s0, s3;
	s0 =	sld [smem:$0x3FA4]  }
0x30: {  	s3 =	sld [smem:$0x3FA7]  }
0x31: {  	[smem:$0x3FB0] =	sst s10  }
0x32: {  	s10 =	sld [smem:$0x3FAE];
	_ =	sdelay $0x3  }
0x33: {  	p0 =	seq.s32 s10, $0x1;
	s10 =	sld [smem:$0x3FB0];
	_ =	sdelay $0x3  }
0x34: {  	[smem:$0x3FB0] =	sst s10  }
0x35: {  	s10 =	sld [smem:$0x3FAF];
	_ =	sdelay $0x3  }
0x36: {  	p1 =	seq.s32 s10, $0x1;
	s10 =	sld [smem:$0x3FB0];
	_ =	sdelay $0x3  }
0x37: {  	[smem:$0x3FB0] =	sst s10  }
0x38: {  	s10 =	sld [smem:$0x3FB1]  }
0x39: {  	_ = 	snop;
	(pc) =	sbr.ind lr, $3  }
0x3a: {  	_ = 	snop  }
0x3b: {  	_ = 	snop  }
0x3c: {  	p2 =	seq.s32 s10, $0x1;
	s10 =	sld [smem:$0x3FB0]  }
0x3d: {  	_ =	shalt  }
0x3e: {  	_ =	shalt  }
0x3f: {  	_ =	shalt  }
0x40: {  	_ =	shalt  }
0x41: {  	_ =	shalt  }
0x42: {  	_ =	shalt  }
0x43: {  	_ =	shalt  }
0x44: {  	_ =	shalt  }
0x45: {  	_ =	shalt  }
0x46: {  	_ =	shalt  }
0x47: {  	_ =	shalt  }
0x48: {  	_ =	shalt  }
0x49: {  	_ =	shalt  }
0x4a: {  	_ =	shalt  }
0x4b: {  	_ =	shalt  }
0x4c: {  	_ =	shalt  }
0x4d: {  	_ =	shalt  }
0x4e: {  	_ =	shalt  }
0x4f: {  	_ =	shalt  }
0x50: {  	_ =	shalt  }
0x51: {  	_ =	shalt  }
0x52: {  	_ =	shalt  }
0x53: {  	_ =	shalt  }
0x54: {  	_ =	shalt  }
0x55: {  	_ =	shalt  }
0x56: {  	_ =	shalt  }
0x57: {  	_ =	shalt  }
0x58: {  	_ =	shalt  }
0x59: {  	_ =	shalt  }
0x5a: {  	_ =	shalt  }
0x5b: {  	_ =	shalt  }
0x5c: {  	_ =	shalt  }
0x5d: {  	_ =	shalt  }
0x5e: {  	_ =	shalt  }
0x5f: {  	_ =	shalt  }
0x60: {  	_ =	shalt  }
0x61: {  	_ =	shalt  }
0x62: {  	_ =	shalt  }
0x63: {  	_ =	shalt  }
0x64: {  	_ =	shalt  }
0x65: {  	_ =	shalt  }
0x66: {  	_ =	shalt  }
0x67: {  	_ =	shalt  }
0x68: {  	_ =	shalt  }
0x69: {  	_ =	shalt  }
0x6a: {  	_ =	shalt  }
0x6b: {  	_ =	shalt  }
0x6c: {  	_ =	shalt  }
0x6d: {  	_ =	shalt  }
0x6e: {  	_ =	shalt  }
0x6f: {  	_ =	shalt  }
0x70: {  	_ =	shalt  }
0x71: {  	_ =	shalt  }
0x72: {  	_ =	shalt  }
0x73: {  	_ =	shalt  }
0x74: {  	_ =	shalt  }
0x75: {  	_ =	shalt  }
0x76: {  	_ =	shalt  }
0x77: {  	_ =	shalt  }
0x78: {  	_ =	shalt  }
0x79: {  	_ =	shalt  }
0x7a: {  	_ =	shalt  }
0x7b: {  	_ =	shalt  }
0x7c: {  	_ =	shalt  }
0x7d: {  	_ =	shalt  }
0x7e: {  	_ =	shalt  }
0x7f: {  	_ =	shalt  }
0x80: {  	_ =	shalt  }
0x81: {  	_ =	shalt  }
0x82: {  	_ =	shalt  }
0x83: {  	_ =	shalt  }
0x84: {  	_ =	shalt  }
0x85: {  	_ =	shalt  }
0x86: {  	_ =	shalt  }
0x87: {  	_ =	shalt  }
.Lfunc_end0:
.L_simem_size_0:
called_computation.1_lowered:
.L_overlay_start_0:
0x88: {  	s2 =	sld [smem:$0x3FD9]  }
0x89: {  	s3 =	sld [smem:$0x3FFE];
	_ =	sdelay $0x1  }
0x8a: {  	s1 =	srdreg.scid  }
0x8b: {  	s0 =	sand.u32 $0x1, s1  }
0x8c: {  	s16 =	sshll.u32 s0, $0xA;
	s2 =	sadd.s32 s3, s2  }
0x8d: {  	s2 =	sadd.s32 s2, s16  }
0x8e: {  	[smem:$0x3FBC] =	sst s2  }
0x8f: {  	_ = 	snop  }
0x90: {  	(tm) =	ssettm $0x1  }
0x91: {  	s17 =	sld [smem:$0x3FFB];
	_ =	sdelay $0x3  }
0x92: {  	_ =	strace s17  }
0x93: {  	s2 =	sld [smem:$0x3FFC];
	_ =	sdelay $0x3  }
0x94: {  	_ =	strace s2  }
0x95: {  	s2 =	sld [smem:$0x3FFD];
	_ =	sdelay $0x3  }
0x96: {  	_ =	strace s2  }
0x97: {  	_ =	strace $0x8FFFFFFF  }
0x98: {  	s18 =	sld [smem:$0x3FDB];
	_ =	sdelay $0x1  }
0x99: {  	s19 =	simm.s32 $_scs_section_size  }
0x9a: {  	s4 =	simm.s32 $_size__tile_overlayer_lowered;
	s5 =	simm.s32 $_tile_overlayer_lowered  }
0x9b: {  	s22 =	simm.s32 $0x1BFF;
	s21 =	sshll.u32 s5, $0x1;
	s2 =	sadd.s32 s19, s18  }
0x9c: {  	s6 =	simm.s32 $0x0;
	s20 =	sshll.u32 s4, $0x1;
	s4 =	sadd.s32 s21, s2  }
0x9d: {  	[timem:s6], [sflag:s22] =	dma.local [hbm:s4], s20  }
0x9e: {  	_ =	swait.ge [sflag:s22], s20  }
0x9f: {  	s3 =	ssub.s32 $0x0, s20;
	[sflag:s22] =	ssyncset.done $0x0  }
0xa0: {  	[sflag:s22] =	ssyncadd.s32 s3;
	_ =	sdelay $0x1  }
0xa1: {  	s23 =	simm.s32 $0x1B8B  }
0xa2: {  	_ =	swait.ge [sflag:s23], $0x1  }
0xa3: {  	[sflag:s23] =	ssyncset.done $0x0  }
0xa4: {  	s25 =	simm.s32 $0x1B8E;
	s24 =	sld [smem:$0x3FFE];
	[sflag:s23] =	ssyncadd.s32 $0xFFFFFFFF  }
0xa5: {  	s26 =	simm.s32 $execute0_lowered;
	[smem:$0x3FD2] =	sst s25  }
0xa6: {  	s4 =	sshll.u32 s26, $0x1;
	_ =	strace $0x80000049;
	[dreg:$0x1] =	wrdreg $0xFFFFFFFF  }
0xa7: {  	s28 =	simm.s32 $_size_execute0_lowered;
	s2 =	sadd.s32 s2, s4;
	[dreg:$0x0] =	wrdreg $0x0  }
0xa8: {  	s4 =	sshll.u32 s28, $0x1;
	[dreg:$0x2] =	wrdreg s2  }
0xa9: {  	[dreg:$0x3] =	wrdreg s4  }
0xaa: {  	[dreg:$0x4] =	wrdreg $0xC0  }
0xab: {  	_ =	task [dreg:s6], $0x5FFFF  }
0xac: {  	[dreg:$0x1] =	wrdreg $0xFFFFFFFF  }
0xad: {  	[dreg:$0x0] =	wrdreg $0x60  }
0xae: {  	[dreg:$0x2] =	wrdreg s24  }
0xaf: {  	[dreg:$0x3] =	wrdreg $0xB0000  }
0xb0: {  	[dreg:$0x4] =	wrdreg $0x9  }
0xb1: {  	_ =	task.clear_ibuf [dreg:s6], $0x5FFFF;
	_ =	strace $0x90000049  }
0xb2: {  	s29 =	simm.s32 $0x9;
	_ =	strace $0x8000004B  }
0xb3: {  	_ =	swait.ge [sflag:s29], $0x1  }
0xb4: {  	[sflag:s29] =	ssyncadd.s32 $0xFFFFFFFF  }
0xb5: {  	_ =	strace $0x9000004B  }
0xb6: {  	_ =	sfence  }
0xb7: {  	s30 =	sld [smem:$0x0];
	_ =	sdelay $0x2  }
0xb8: {  	s31 =	sshll.u32 s1, $0xD;
	s1 =	sshrl.u32 s1, $0x2  }
0xb9: {  	s3 =	sand.u32 $0x4000, s31;
	s1 =	sadd.s32 s1, s30  }
0xba: {  	s0 =	sor.u32 s3, s0;
	s1 =	sshll.u32 s1, $0x11  }
0xbb: {  	s0 =	sor.u32 s1, s0  }
0xbc: {  	s0 =	sadd.s32 $0x8F2B, s0  }
0xbd: {  	[sflag:s0] =	ssyncadd.remote.s32 $0x1  }
0xbe: {  	_ =	sfence.sel $0xFFFF  }
0xbf: {  	[dreg:$0x0] =	wrdreg $0xFFFFFFFF;
	(pc) =	sbr.abs _section_cstart, $3  }
0xc0: {  	[dreg:$0x1] =	wrdreg $0xFFFFFFFF  }
0xc1: {  	_ =	task.clear_ibuf [dreg:s6], $0x2FFFF;
	_ =	strace $0x9FFFFFFF  }
0xc2: {  	(tm) =	ssettm $0x7FFFFFFF  }
0xc3: {  	_ =	shalt  }
tec
execute0_lowered:
.L_overlay_start_1:
0x0: {  	(tag) =	ssettag $0x1  }
0x1: {  	s1 =	rddreg [dreg:$0x0]  }
0x2: {  	s2 =	rddreg [dreg:$0x1];
	s28 =	simm.s32 $0x0  }
0x3: {  	s21 =	simm.s32 $0x80;
	[smem:$0x7FF] =	sst s28  }
0x4: {  	s22 =	simm.s32 $0x100;
	_ =	strace $0x8000004A;
	[dreg:$0x5] =	wrdreg s21  }
0x5: {  	s24 =	simm.s32 $0x180;
	[dreg:$0x6] =	wrdreg s22  }
0x6: {  	s25 =	simm.s32 $0x200;
	[dreg:$0x7] =	wrdreg s24  }
0x7: {  	s9 =	simm.s32 $0x280;
	[dreg:$0x8] =	wrdreg s25  }
0x8: {  	s11 =	simm.s32 $0x300;
	[dreg:$0x9] =	wrdreg s9  }
0x9: {  	s13 =	simm.s32 $0x380;
	[dreg:$0xa] =	wrdreg s11  }
0xa: {  	s15 =	simm.s32 $0x400;
	[dreg:$0xb] =	wrdreg s13  }
0xb: {  	[dreg:$0xc] =	wrdreg s15;
	s21 =	simm.s32 $0x500  }
0xc: {  	s22 =	simm.s32 $0x980;
	[dreg:$0x10] =	wrdreg s21  }
0xd: {  	s24 =	simm.s32 $0x580;
	[dreg:$0x11] =	wrdreg s22  }
0xe: {  	s0 =	srdreg.scid;
	s25 =	simm.s32 $0xA00;
	[dreg:$0x12] =	wrdreg s24  }
0xf: {  	s8 =	stileid.u32;
	s11 =	simm.s32 $0x680;
	[dreg:$0x13] =	wrdreg s25  }
0x10: {  	s31 =	simm.s32 $0x12;
	s13 =	simm.s32 $0x700;
	[dreg:$0x16] =	wrdreg s11  }
0x11: {  	s30 =	simm.s32 $0x1000;
	s15 =	simm.s32 $0x780;
	[dreg:$0x18] =	wrdreg s13  }
0x12: {  	s5 =	smul.u32 $0x50000, s8;
	[dreg:$0x1a] =	wrdreg s15;
	s21 =	simm.s32 $0xE00  }
0x13: {  	s3 =	sand.u32 $0x1, s0;
	s22 =	simm.s32 $0xE80;
	[dreg:$0x1f] =	wrdreg s21  }
0x14: {  	s5 =	sshrl.u32 s5, $0x2;
	s24 =	simm.s32 $0xF80;
	[smem:$0x7F8] =	sst s22  }
0x15: {  	s4 =	smul.u32 $0xA000, s8;
	s29 =	sadd.s32 s5, s2;
	[smem:$0x7FA] =	sst s24  }
0x16: {  	s0 =	smul.u32 $0xA0000, s3;
	s5 =	sadd.s32 $0x2000, s29;
	[smem:$0x7FD] =	sst s29  }
0x17: {  	s16 =	ssub.s32 $0x2, s3;
	s18 =	sadd.s32 $0x4000, s29;
	[smem:$0x7EA] =	sst s5  }
0x18: {  	s3 =	smul.u32 $0x140000, s3;
	s20 =	sadd.s32 $0x6000, s29;
	[smem:$0x7EB] =	sst s18  }
0x19: {  	s7 =	sshrl.u32 s16, $0x1;
	s23 =	sadd.s32 $0x8000, s29;
	[smem:$0x7EC] =	sst s20  }
0x1a: {  	s0 =	sadd.s32 s4, s0;
	s10 =	sadd.s32 $0xC000, s29;
	[smem:$0x7ED] =	sst s23  }
0x1b: {  	s0 =	sshrl.u32 s0, $0x3;
	s12 =	sadd.s32 $0xE000, s29;
	[smem:$0x7EF] =	sst s10  }
0x1c: {  	s14 =	sadd.s32 $0x10000, s29;
	s6 =	sadd.s32 s0, s1;
	[smem:$0x7F0] =	sst s12  }
0x1d: {  	s0 =	ssub.s32 s16, s7;
	[smem:$0x7F1] =	sst s14;
	s16 =	simm.s32 $0x880  }
0x1e: {  	s11 =	simm.s32 $0x9;
	s18 =	simm.s32 $0x480;
	[dreg:$0xd] =	wrdreg s16  }
0x1f: {  	s13 =	simm.s32 $0xA;
	s20 =	simm.s32 $0x900;
	[dreg:$0xe] =	wrdreg s18  }
0x20: {  	s15 =	simm.s32 $0xB;
	s10 =	simm.s32 $0xA80;
	[dreg:$0xf] =	wrdreg s20  }
0x21: {  	s4 =	sadd.s32 $0xA2C00, s1;
	s12 =	simm.s32 $0xB00;
	[dreg:$0x15] =	wrdreg s10  }
0x22: {  	s24 =	simm.s32 $0x6;
	s14 =	simm.s32 $0xB80;
	[dreg:$0x17] =	wrdreg s12  }
0x23: {  	s1 =	sadd.s32 $0xCAC00, s1;
	s17 =	sadd.s32 $0x2C00, s6;
	[dreg:$0x19] =	wrdreg s14  }
0x24: {  	s5 =	simm.s32 $0xF;
	s19 =	sadd.s32 $0x7AC00, s6;
	[dreg:$0x3] =	wrdreg s17  }
0x25: {  	s6 =	smul.u32 $0x14000, s8;
	s16 =	simm.s32 $0xC00;
	[dreg:$0x4] =	wrdreg s19  }
0x26: {  	s18 =	simm.s32 $0xD00;
	s20 =	simm.s32 $0xD80;
	[dreg:$0x1b] =	wrdreg s16  }
0x27: {  	s0 =	smax.u32 s0, $0x1;
	s12 =	simm.s32 $0x2;
	[dreg:$0x1d] =	wrdreg s18  }
0x28: {  	s14 =	simm.s32 $0x3;
	s10 =	simm.s32 $0x7;
	[smem:$0x7F7] =	sst s0  }
0x29: {  	s17 =	sadd.s32 $0x12000, s29;
	[dreg:$0x1e] =	wrdreg s20;
	s0 =	simm.s32 $0x0  }
0x2a: {  	s16 =	simm.s32 $0x4;
	s18 =	simm.s32 $0x5;
	s20 =	simm.s32 $0x8  }
0x2b: {  	s7 =	sadd.s32 $0xA000, s6;
	[smem:$0x7F2] =	sst s17;
	s19 =	sadd.s32 s6, s3  }
0x2c: {  	s23 =	sadd.s32 $0x5000, s6;
	s6 =	sadd.s32 $0xF000, s6;
	s17 =	simm.s32 $0xC80  }
0x2d: {  	s26 =	sadd.s32 s7, s2;
	s8 =	sshrl.u32 s19, $0x3;
	s9 =	sadd.s32 s3, s23  }
0x2e: {  	s7 =	sadd.s32 s3, s7;
	s3 =	sadd.s32 s3, s6;
	[dreg:$0x1c] =	wrdreg s17  }
0x2f: {  	s19 =	sadd.s32 s6, s2;
	[smem:$0x7EE] =	sst s26;
	s8 =	sadd.s32 s1, s8  }
0x30: {  	s9 =	sshrl.u32 s9, $0x3;
	s26 =	simm.s32 $0x600;
	[smem:$0x7F3] =	sst s8  }
0x31: {  	s7 =	sshrl.u32 s7, $0x3;
	s9 =	sadd.s32 s1, s9;
	[dreg:$0x14] =	wrdreg s26  }
0x32: {  	s3 =	sshrl.u32 s3, $0x3;
	s7 =	sadd.s32 s1, s7;
	[smem:$0x7F4] =	sst s9  }
0x33: {  	s17 =	simm.s32 $0xC;
	s1 =	sadd.s32 s1, s3;
	[smem:$0x7F5] =	sst s7  }
0x34: {  	s8 =	sadd.s32 s23, s2;
	s23 =	simm.s32 $0xF00;
	[smem:$0x7F6] =	sst s1  }
0x35: {  	s26 =	sshrl.u32 s19, $0x3;
	s19 =	simm.s32 $0xD;
	[smem:$0x7F9] =	sst s23  }
0x36: {  	s25 =	sshrl.u32 s8, $0x3;
	[smem:$0x7FC] =	sst s26;
	s26 =	simm.s32 $0x20  }
0x37: {  	v0 =	vimm.f32 $0.0e+00;
	s9 =	simm.s32 $0x1;
	[smem:$0x7FB] =	sst s25;
	s25 =	simm.s32 $0xE  }
.LBB2_1:
0x38: {  	[smem:$0x7E9] =	sst s0;
	s21 =	simm.s32 $0x0;
	s23 =	simm.s32 $0x200  }
.LBB2_2:
0x39: {  	p0 =	sne.s32 s23, $0x7E00;
	[tilespmem:s21+$0x9070] =	vst v0  }
0x3a: {  	[tilespmem:s21+$0x9000] =	vst v0  }
0x3b: {  	[tilespmem:s21+$0x9010] =	vst v0  }
.Ltmp0:
0x3c: {  	[tilespmem:s21+$0x9020] =	vst v0;
	(pc) =	sbr.rel @p0 .LBB2_2-.Ltmp0, $4  }
0x3d: {  	[tilespmem:s21+$0x9030] =	vst v0  }
0x3e: {  	[tilespmem:s21+$0x9040] =	vst v0  }
0x3f: {  	[tilespmem:s21+$0x9050] =	vst v0  }
0x40: {  	[tilespmem:s21+$0x9060] =	vst v0;
	s21 =	sshra.s32 s23, $0x2;
	s23 =	sadd.s32 $0x200, s23  }
0x41: {  	[tilespmem:s21+$0x9070] =	vst v0  }
0x42: {  	[tilespmem:s21+$0x9000] =	vst v0  }
0x43: {  	[tilespmem:s21+$0x9010] =	vst v0  }
0x44: {  	[tilespmem:s21+$0x9020] =	vst v0  }
0x45: {  	[tilespmem:s21+$0x9030] =	vst v0  }
0x46: {  	[tilespmem:s21+$0x9040] =	vst v0  }
0x47: {  	[tilespmem:s21+$0x9050] =	vst v0  }
0x48: {  	[tilespmem:s21+$0x9060] =	vst v0;
	s21 =	simm.s32 $0x9000;
	s3 =	sld [smem:$0x7EA]  }
0x49: {  	[spmem:s29] =	stream.linear.scatter [tilespmem:s21], [sflag:$0x11], $0x2000, $0x38;
	[tilespmem:$0x1F000] =	vst v63  }
0x4a: {  	s1 =	sld [smem:$0x7EB]  }
0x4b: {  	[spmem:s3] =	stream.linear.scatter [tilespmem:s21], [sflag:$0x11], $0x2000, $0x38;
	[tilespmem:$0x1F000] =	vst v63  }
0x4c: {  	s6 =	sld [smem:$0x7EC]  }
0x4d: {  	[spmem:s1] =	stream.linear.scatter [tilespmem:s21], [sflag:$0x11], $0x2000, $0x38;
	[tilespmem:$0x1F000] =	vst v63  }
0x4e: {  	s7 =	sld [smem:$0x7ED]  }
0x4f: {  	[spmem:s6] =	stream.linear.scatter [tilespmem:s21], [sflag:$0x11], $0x2000, $0x38;
	[tilespmem:$0x1F000] =	vst v63  }
0x50: {  	s8 =	sld [smem:$0x7EE]  }
0x51: {  	[spmem:s7] =	stream.linear.scatter [tilespmem:s21], [sflag:$0x11], $0x2000, $0x38;
	[tilespmem:$0x1F000] =	vst v63  }
0x52: {  	s22 =	sld [smem:$0x7EF]  }
0x53: {  	[spmem:s8] =	stream.linear.scatter [tilespmem:s21], [sflag:$0x11], $0x2000, $0x38;
	[tilespmem:$0x1F000] =	vst v63  }
0x54: {  	s23 =	sld [smem:$0x7F0]  }
0x55: {  	[spmem:s22] =	stream.linear.scatter [tilespmem:s21], [sflag:$0x11], $0x2000, $0x38;
	[tilespmem:$0x1F000] =	vst v63  }
0x56: {  	s29 =	sld [smem:$0x7F1]  }
0x57: {  	[spmem:s23] =	stream.linear.scatter [tilespmem:s21], [sflag:$0x11], $0x2000, $0x38;
	[tilespmem:$0x1F000] =	vst v63  }
0x58: {  	s0 =	sld [smem:$0x7F2]  }
0x59: {  	[spmem:s29] =	stream.linear.scatter [tilespmem:s21], [sflag:$0x11], $0x2000, $0x38;
	[tilespmem:$0x1F000] =	vst v63  }
0x5a: {  	s1 =	simm.s32 $0x11  }
0x5b: {  	[spmem:s0] =	stream.linear.scatter [tilespmem:s21], [sflag:$0x11], $0x2000, $0x38;
	[tilespmem:$0x1F000] =	vst v63  }
0x5c: {  	_ =	swait.ge [sflag:s1], $0x2000  }
0x5d: {  	[sflag:s1] =	ssyncset.done $0x0  }
0x5e: {  	[sflag:s1] =	ssyncadd.s32 $0xFFFFE000  }
0x5f: {  	_ =	swait.ge [sflag:s1], $0x2000  }
0x60: {  	[sflag:s1] =	ssyncset.done $0x0  }
0x61: {  	[sflag:s1] =	ssyncadd.s32 $0xFFFFE000  }
0x62: {  	_ =	swait.ge [sflag:s1], $0x2000  }
0x63: {  	[sflag:s1] =	ssyncset.done $0x0  }
0x64: {  	[sflag:s1] =	ssyncadd.s32 $0xFFFFE000  }
0x65: {  	_ =	swait.ge [sflag:s1], $0x2000  }
0x66: {  	[sflag:s1] =	ssyncset.done $0x0  }
0x67: {  	[sflag:s1] =	ssyncadd.s32 $0xFFFFE000  }
0x68: {  	_ =	swait.ge [sflag:s1], $0x2000  }
0x69: {  	[sflag:s1] =	ssyncset.done $0x0  }
0x6a: {  	[sflag:s1] =	ssyncadd.s32 $0xFFFFE000  }
0x6b: {  	_ =	swait.ge [sflag:s1], $0x2000  }
0x6c: {  	[sflag:s1] =	ssyncset.done $0x0  }
0x6d: {  	[sflag:s1] =	ssyncadd.s32 $0xFFFFE000  }
0x6e: {  	_ =	swait.ge [sflag:s1], $0x2000  }
0x6f: {  	[sflag:s1] =	ssyncset.done $0x0  }
0x70: {  	[sflag:s1] =	ssyncadd.s32 $0xFFFFE000  }
0x71: {  	_ =	swait.ge [sflag:s1], $0x2000  }
0x72: {  	[sflag:s1] =	ssyncset.done $0x0  }
0x73: {  	[sflag:s1] =	ssyncadd.s32 $0xFFFFE000  }
0x74: {  	_ =	swait.ge [sflag:s1], $0x2000  }
0x75: {  	[sflag:s1] =	ssyncset.done $0x0  }
0x76: {  	[sflag:s1] =	ssyncadd.s32 $0xFFFFE000  }
0x77: {  	_ =	swait.ge [sflag:s1], $0x2000  }
0x78: {  	[sflag:s1] =	ssyncset.done $0x0  }
0x79: {  	[sflag:s1] =	ssyncadd.s32 $0xFFFFE000  }
0x7a: {  	[bflag:$0x0] =	sbarrier.arrive $0xFFFF  }
0x7b: {  	s6 =	rddreg [dreg:$0x4]  }
0x7c: {  	s3 =	sadd.s32 $0x0, s6  }
0x7d: {  	[tilespmem:s28], [sflag:$0x12] =	stream.linear.gather [hbm4b:s3+s28], $0x800, $0x38;
	[tilespmem:$0x1F000] =	vst v63  }
0x7e: {  	_ =	swait.ge [sflag:s31], $0x800  }
0x7f: {  	s7 =	rddreg [dreg:$0x3];
	[sflag:s31] =	ssyncset.done $0x0  }
0x80: {  	s8 =	simm.s32 $0x800;
	[sflag:s31] =	ssyncadd.s32 $0xFFFFF800;
	s3 =	sadd.s32 $0x0, s7  }
0x81: {  	[tilespmem:s8], [sflag:$0x12] =	stream.linear.gather [hbm4b:s3+s28], $0x800, $0x38;
	[tilespmem:$0x1F000] =	vst v63  }
0x82: {  	_ =	swait.ge [sflag:s31], $0x800  }
0x83: {  	[sflag:s31] =	ssyncset.done $0x0  }
0x84: {  	[sflag:s31] =	ssyncadd.s32 $0xFFFFF800  }
0x85: {  	[tilespmem:s30], [sflag:$0x1] =	stream.indirect.gather [hbm4b:s4+s26], $0x80, s28, s26, $0xb8;
	[tilespmem:$0x1F000] =	vst v63  }
0x86: {  	s8 =	simm.s32 $0x2000;
	s22 =	rddreg [dreg:$0x5]  }
0x87: {  	[tilespmem:s8], [sflag:$0x2] =	stream.indirect.gather [hbm4b:s4+s26], $0x80, s22, s26, $0xb8;
	[tilespmem:$0x1F000] =	vst v63  }
0x88: {  	s28 =	rddreg [dreg:$0x6];
	s22 =	simm.s32 $0x3000  }
0x89: {  	[tilespmem:s22], [sflag:$0x3] =	stream.indirect.gather [hbm4b:s4+s26], $0x80, s28, s26, $0xb8;
	[tilespmem:$0x1F000] =	vst v63  }
0x8a: {  	s29 =	rddreg [dreg:$0x7];
	s28 =	simm.s32 $0x4000  }
0x8b: {  	[tilespmem:s28], [sflag:$0x4] =	stream.indirect.gather [hbm4b:s4+s26], $0x80, s29, s26, $0xb8;
	[tilespmem:$0x1F000] =	vst v63  }
0x8c: {  	s1 =	simm.s32 $0x5000;
	s0 =	rddreg [dreg:$0x8]  }
0x8d: {  	[tilespmem:s1], [sflag:$0x5] =	stream.indirect.gather [hbm4b:s4+s26], $0x80, s0, s26, $0xb8;
	[tilespmem:$0x1F000] =	vst v63  }
0x8e: {  	s6 =	rddreg [dreg:$0x9];
	s0 =	simm.s32 $0x6000  }
0x8f: {  	[tilespmem:s0], [sflag:$0x6] =	stream.indirect.gather [hbm4b:s4+s26], $0x80, s6, s26, $0xb8;
	[tilespmem:$0x1F000] =	vst v63  }
0x90: {  	s7 =	rddreg [dreg:$0xa];
	s6 =	simm.s32 $0x7000  }
0x91: {  	[tilespmem:s6], [sflag:$0x7] =	stream.indirect.gather [hbm4b:s4+s26], $0x80, s7, s26, $0xb8;
	[tilespmem:$0x1F000] =	vst v63  }
0x92: {  	s29 =	rddreg [dreg:$0xb];
	s7 =	simm.s32 $0x8000  }
0x93: {  	[tilespmem:s7], [sflag:$0x8] =	stream.indirect.gather [hbm4b:s4+s26], $0x80, s29, s26, $0xb8;
	[tilespmem:$0x1F000] =	vst v63  }
0x94: {  	_ =	swait.ge [sflag:s9], $0x1000  }
0x95: {  	[sflag:s9] =	ssyncset.done $0x0  }
0x96: {  	s23 =	simm.s32 $0x800;
	[sflag:s9] =	ssyncadd.s32 $0xFFFFF000  }
0x97: {  	[spmem:s2] =	stream.indirect.scatter.add.f32 [tilespmem:s30], [sflag:$0x9], $0x80, s23, s26, $0xb8;
	[tilespmem:$0x1F000] =	vst v63  }
0x98: {  	_ =	swait.ge [sflag:s11], $0x1000  }
0x99: {  	[sflag:s11] =	ssyncset.done $0x0  }
0x9a: {  	s23 =	rddreg [dreg:$0xc];
	[sflag:s11] =	ssyncadd.s32 $0xFFFFF000  }
0x9b: {  	[tilespmem:s30], [sflag:$0x1] =	stream.indirect.gather [hbm4b:s4+s26], $0x80, s23, s26, $0xb8;
	[tilespmem:$0x1F000] =	vst v63  }
0x9c: {  	_ =	swait.ge [sflag:s12], $0x1000  }
0x9d: {  	[sflag:s12] =	ssyncset.done $0x0  }
0x9e: {  	s29 =	rddreg [dreg:$0xd];
	[sflag:s12] =	ssyncadd.s32 $0xFFFFF000  }
0x9f: {  	[spmem:s2] =	stream.indirect.scatter.add.f32 [tilespmem:s8], [sflag:$0xA], $0x80, s29, s26, $0xb8;
	[tilespmem:$0x1F000] =	vst v63  }
0xa0: {  	_ =	swait.ge [sflag:s13], $0x1000  }
0xa1: {  	[sflag:s13] =	ssyncset.done $0x0  }
0xa2: {  	s21 =	rddreg [dreg:$0xe];
	[sflag:s13] =	ssyncadd.s32 $0xFFFFF000  }
0xa3: {  	[tilespmem:s8], [sflag:$0x2] =	stream.indirect.gather [hbm4b:s4+s26], $0x80, s21, s26, $0xb8;
	[tilespmem:$0x1F000] =	vst v63  }
0xa4: {  	_ =	swait.ge [sflag:s14], $0x1000  }
0xa5: {  	[sflag:s14] =	ssyncset.done $0x0  }
0xa6: {  	s23 =	rddreg [dreg:$0xf];
	[sflag:s14] =	ssyncadd.s32 $0xFFFFF000  }
0xa7: {  	[spmem:s2] =	stream.indirect.scatter.add.f32 [tilespmem:s22], [sflag:$0xB], $0x80, s23, s26, $0xb8;
	[tilespmem:$0x1F000] =	vst v63  }
0xa8: {  	_ =	swait.ge [sflag:s15], $0x1000  }
0xa9: {  	[sflag:s15] =	ssyncset.done $0x0  }
0xaa: {  	s29 =	rddreg [dreg:$0x10];
	[sflag:s15] =	ssyncadd.s32 $0xFFFFF000  }
0xab: {  	[tilespmem:s22], [sflag:$0x3] =	stream.indirect.gather [hbm4b:s4+s26], $0x80, s29, s26, $0xb8;
	[tilespmem:$0x1F000] =	vst v63  }
0xac: {  	_ =	swait.ge [sflag:s16], $0x1000  }
0xad: {  	[sflag:s16] =	ssyncset.done $0x0  }
0xae: {  	s21 =	rddreg [dreg:$0x11];
	[sflag:s16] =	ssyncadd.s32 $0xFFFFF000  }
0xaf: {  	[spmem:s2] =	stream.indirect.scatter.add.f32 [tilespmem:s28], [sflag:$0xC], $0x80, s21, s26, $0xb8;
	[tilespmem:$0x1F000] =	vst v63  }
0xb0: {  	_ =	swait.ge [sflag:s17], $0x1000  }
0xb1: {  	[sflag:s17] =	ssyncset.done $0x0  }
0xb2: {  	s23 =	rddreg [dreg:$0x12];
	[sflag:s17] =	ssyncadd.s32 $0xFFFFF000  }
0xb3: {  	[tilespmem:s28], [sflag:$0x4] =	stream.indirect.gather [hbm4b:s4+s26], $0x80, s23, s26, $0xb8;
	[tilespmem:$0x1F000] =	vst v63  }
0xb4: {  	_ =	swait.ge [sflag:s18], $0x1000  }
0xb5: {  	[sflag:s18] =	ssyncset.done $0x0  }
0xb6: {  	s29 =	rddreg [dreg:$0x13];
	[sflag:s18] =	ssyncadd.s32 $0xFFFFF000  }
0xb7: {  	[spmem:s2] =	stream.indirect.scatter.add.f32 [tilespmem:s1], [sflag:$0xD], $0x80, s29, s26, $0xb8;
	[tilespmem:$0x1F000] =	vst v63  }
0xb8: {  	_ =	swait.ge [sflag:s19], $0x1000  }
0xb9: {  	[sflag:s19] =	ssyncset.done $0x0  }
0xba: {  	s21 =	rddreg [dreg:$0x14];
	[sflag:s19] =	ssyncadd.s32 $0xFFFFF000  }
0xbb: {  	[tilespmem:s1], [sflag:$0x5] =	stream.indirect.gather [hbm4b:s4+s26], $0x80, s21, s26, $0xb8;
	[tilespmem:$0x1F000] =	vst v63  }
0xbc: {  	_ =	swait.ge [sflag:s24], $0x1000  }
0xbd: {  	[sflag:s24] =	ssyncset.done $0x0  }
0xbe: {  	s23 =	rddreg [dreg:$0x15];
	[sflag:s24] =	ssyncadd.s32 $0xFFFFF000  }
0xbf: {  	[spmem:s2] =	stream.indirect.scatter.add.f32 [tilespmem:s0], [sflag:$0xE], $0x80, s23, s26, $0xb8;
	[tilespmem:$0x1F000] =	vst v63  }
0xc0: {  	_ =	swait.ge [sflag:s25], $0x1000  }
0xc1: {  	[sflag:s25] =	ssyncset.done $0x0  }
0xc2: {  	s29 =	rddreg [dreg:$0x16];
	[sflag:s25] =	ssyncadd.s32 $0xFFFFF000  }
0xc3: {  	[tilespmem:s0], [sflag:$0x6] =	stream.indirect.gather [hbm4b:s4+s26], $0x80, s29, s26, $0xb8;
	[tilespmem:$0x1F000] =	vst v63  }
0xc4: {  	_ =	swait.ge [sflag:s10], $0x1000  }
0xc5: {  	[sflag:s10] =	ssyncset.done $0x0  }
0xc6: {  	s21 =	rddreg [dreg:$0x17];
	[sflag:s10] =	ssyncadd.s32 $0xFFFFF000  }
0xc7: {  	[spmem:s2] =	stream.indirect.scatter.add.f32 [tilespmem:s6], [sflag:$0xF], $0x80, s21, s26, $0xb8;
	[tilespmem:$0x1F000] =	vst v63  }
0xc8: {  	_ =	swait.ge [sflag:s5], $0x1000  }
0xc9: {  	[sflag:s5] =	ssyncset.done $0x0  }
0xca: {  	s23 =	rddreg [dreg:$0x18];
	[sflag:s5] =	ssyncadd.s32 $0xFFFFF000  }
0xcb: {  	[tilespmem:s6], [sflag:$0x7] =	stream.indirect.gather [hbm4b:s4+s26], $0x80, s23, s26, $0xb8;
	[tilespmem:$0x1F000] =	vst v63  }
0xcc: {  	_ =	swait.ge [sflag:s20], $0x1000  }
0xcd: {  	[sflag:s20] =	ssyncset.done $0x0  }
0xce: {  	s3 =	simm.s32 $0x10;
	s29 =	rddreg [dreg:$0x19];
	[sflag:s20] =	ssyncadd.s32 $0xFFFFF000  }
0xcf: {  	[spmem:s2] =	stream.indirect.scatter.add.f32 [tilespmem:s7], [sflag:$0x10], $0x80, s29, s26, $0xb8;
	[tilespmem:$0x1F000] =	vst v63  }
0xd0: {  	_ =	swait.ge [sflag:s3], $0x1000  }
0xd1: {  	[sflag:s3] =	ssyncset.done $0x0  }
0xd2: {  	s23 =	rddreg [dreg:$0x1a];
	[sflag:s3] =	ssyncadd.s32 $0xFFFFF000  }
0xd3: {  	[tilespmem:s7], [sflag:$0x8] =	stream.indirect.gather [hbm4b:s4+s26], $0x80, s23, s26, $0xb8;
	[tilespmem:$0x1F000] =	vst v63  }
0xd4: {  	_ =	swait.ge [sflag:s9], $0x1000  }
0xd5: {  	[sflag:s9] =	ssyncset.done $0x0  }
0xd6: {  	s29 =	rddreg [dreg:$0x1b];
	[sflag:s9] =	ssyncadd.s32 $0xFFFFF000  }
0xd7: {  	[spmem:s2] =	stream.indirect.scatter.add.f32 [tilespmem:s30], [sflag:$0x9], $0x80, s29, s26, $0xb8;
	[tilespmem:$0x1F000] =	vst v63  }
0xd8: {  	_ =	swait.ge [sflag:s12], $0x1000  }
0xd9: {  	[sflag:s12] =	ssyncset.done $0x0  }
0xda: {  	s30 =	rddreg [dreg:$0x1c];
	[sflag:s12] =	ssyncadd.s32 $0xFFFFF000  }
0xdb: {  	[spmem:s2] =	stream.indirect.scatter.add.f32 [tilespmem:s8], [sflag:$0xA], $0x80, s30, s26, $0xb8;
	[tilespmem:$0x1F000] =	vst v63  }
0xdc: {  	_ =	swait.ge [sflag:s14], $0x1000  }
0xdd: {  	[sflag:s14] =	ssyncset.done $0x0  }
0xde: {  	s21 =	rddreg [dreg:$0x1d];
	[sflag:s14] =	ssyncadd.s32 $0xFFFFF000  }
0xdf: {  	[spmem:s2] =	stream.indirect.scatter.add.f32 [tilespmem:s22], [sflag:$0xB], $0x80, s21, s26, $0xb8;
	[tilespmem:$0x1F000] =	vst v63  }
0xe0: {  	_ =	swait.ge [sflag:s16], $0x1000  }
0xe1: {  	[sflag:s16] =	ssyncset.done $0x0  }
0xe2: {  	s22 =	rddreg [dreg:$0x1e];
	[sflag:s16] =	ssyncadd.s32 $0xFFFFF000  }
0xe3: {  	[spmem:s2] =	stream.indirect.scatter.add.f32 [tilespmem:s28], [sflag:$0xC], $0x80, s22, s26, $0xb8;
	[tilespmem:$0x1F000] =	vst v63  }
0xe4: {  	_ =	swait.ge [sflag:s18], $0x1000  }
0xe5: {  	[sflag:s18] =	ssyncset.done $0x0  }
0xe6: {  	s23 =	rddreg [dreg:$0x1f];
	[sflag:s18] =	ssyncadd.s32 $0xFFFFF000  }
0xe7: {  	[spmem:s2] =	stream.indirect.scatter.add.f32 [tilespmem:s1], [sflag:$0xD], $0x80, s23, s26, $0xb8;
	[tilespmem:$0x1F000] =	vst v63  }
0xe8: {  	_ =	swait.ge [sflag:s24], $0x1000  }
0xe9: {  	s28 =	sld [smem:$0x7F8]  }
0xea: {  	[sflag:s24] =	ssyncset.done $0x0  }
0xeb: {  	[sflag:s24] =	ssyncadd.s32 $0xFFFFF000  }
0xec: {  	[spmem:s2] =	stream.indirect.scatter.add.f32 [tilespmem:s0], [sflag:$0xE], $0x80, s28, s26, $0xb8;
	[tilespmem:$0x1F000] =	vst v63  }
0xed: {  	_ =	swait.ge [sflag:s10], $0x1000  }
0xee: {  	s29 =	sld [smem:$0x7F9]  }
0xef: {  	[sflag:s10] =	ssyncset.done $0x0  }
0xf0: {  	[sflag:s10] =	ssyncadd.s32 $0xFFFFF000  }
0xf1: {  	[spmem:s2] =	stream.indirect.scatter.add.f32 [tilespmem:s6], [sflag:$0xF], $0x80, s29, s26, $0xb8;
	[tilespmem:$0x1F000] =	vst v63  }
0xf2: {  	_ =	swait.ge [sflag:s20], $0x1000  }
0xf3: {  	s30 =	sld [smem:$0x7FA]  }
0xf4: {  	[sflag:s20] =	ssyncset.done $0x0  }
0xf5: {  	[sflag:s20] =	ssyncadd.s32 $0xFFFFF000  }
0xf6: {  	[spmem:s2] =	stream.indirect.scatter.add.f32 [tilespmem:s7], [sflag:$0x10], $0x80, s30, s26, $0xb8;
	[tilespmem:$0x1F000] =	vst v63  }
0xf7: {  	_ =	swait.ge [sflag:s11], $0x1000  }
0xf8: {  	[sflag:s11] =	ssyncset.done $0x0  }
0xf9: {  	[sflag:s11] =	ssyncadd.s32 $0xFFFFF000  }
0xfa: {  	_ =	swait.ge [sflag:s13], $0x1000  }
0xfb: {  	[sflag:s13] =	ssyncset.done $0x0  }
0xfc: {  	[sflag:s13] =	ssyncadd.s32 $0xFFFFF000  }
0xfd: {  	_ =	swait.ge [sflag:s15], $0x1000  }
0xfe: {  	[sflag:s15] =	ssyncset.done $0x0  }
0xff: {  	[sflag:s15] =	ssyncadd.s32 $0xFFFFF000  }
0x100: {  	_ =	swait.ge [sflag:s17], $0x1000  }
0x101: {  	[sflag:s17] =	ssyncset.done $0x0  }
0x102: {  	[sflag:s17] =	ssyncadd.s32 $0xFFFFF000  }
0x103: {  	_ =	swait.ge [sflag:s19], $0x1000  }
0x104: {  	[sflag:s19] =	ssyncset.done $0x0  }
0x105: {  	[sflag:s19] =	ssyncadd.s32 $0xFFFFF000  }
0x106: {  	_ =	swait.ge [sflag:s25], $0x1000  }
0x107: {  	[sflag:s25] =	ssyncset.done $0x0  }
0x108: {  	[sflag:s25] =	ssyncadd.s32 $0xFFFFF000  }
0x109: {  	_ =	swait.ge [sflag:s5], $0x1000  }
0x10a: {  	[sflag:s5] =	ssyncset.done $0x0  }
0x10b: {  	s0 =	simm.s32 $0x10;
	[sflag:s5] =	ssyncadd.s32 $0xFFFFF000  }
0x10c: {  	s21 =	simm.s32 $0x100;
	_ =	swait.ge [sflag:s0], $0x1000  }
0x10d: {  	s23 =	simm.s32 $0x200;
	s3 =	rddreg [dreg:$0x4];
	[sflag:s0] =	ssyncset.done $0x0  }
.LBB2_4:
0x10e: {  	[sflag:s0] =	ssyncadd.s32 $0xFFFFF000;
	s3 =	sadd.s32 s21, s3;
	s22 =	simm.s32 $0x0  }
0x10f: {  	[tilespmem:s22], [sflag:$0x12] =	stream.linear.gather [hbm4b:s3+s22], $0x800, $0x38;
	[tilespmem:$0x1F000] =	vst v63  }
0x110: {  	_ =	swait.ge [sflag:s31], $0x800  }
0x111: {  	s29 =	rddreg [dreg:$0x3];
	[sflag:s31] =	ssyncset.done $0x0  }
0x112: {  	s30 =	simm.s32 $0x800;
	[sflag:s31] =	ssyncadd.s32 $0xFFFFF800;
	s3 =	sadd.s32 s21, s29  }
0x113: {  	[tilespmem:s30], [sflag:$0x12] =	stream.linear.gather [hbm4b:s3+s22], $0x800, $0x38;
	[tilespmem:$0x1F000] =	vst v63  }
0x114: {  	_ =	swait.ge [sflag:s31], $0x800  }
0x115: {  	[sflag:s31] =	ssyncset.done $0x0  }
0x116: {  	s30 =	simm.s32 $0x1000;
	[sflag:s31] =	ssyncadd.s32 $0xFFFFF800  }
0x117: {  	[tilespmem:s30], [sflag:$0x1] =	stream.indirect.gather [hbm4b:s4+s26], $0x80, s22, s26, $0xb8;
	[tilespmem:$0x1F000] =	vst v63  }
0x118: {  	s28 =	smov.u32 s23;
	s8 =	simm.s32 $0x2000;
	s1 =	rddreg [dreg:$0x5]  }
0x119: {  	[tilespmem:s8], [sflag:$0x2] =	stream.indirect.gather [hbm4b:s4+s26], $0x80, s1, s26, $0xb8;
	[tilespmem:$0x1F000] =	vst v63  }
0x11a: {  	s21 =	smov.u32 s28;
	s28 =	rddreg [dreg:$0x6];
	s22 =	simm.s32 $0x3000  }
0x11b: {  	[tilespmem:s22], [sflag:$0x3] =	stream.indirect.gather [hbm4b:s4+s26], $0x80, s28, s26, $0xb8;
	[tilespmem:$0x1F000] =	vst v63  }
0x11c: {  	s6 =	rddreg [dreg:$0x7];
	s31 =	simm.s32 $0x4000  }
0x11d: {  	[tilespmem:s31], [sflag:$0x4] =	stream.indirect.gather [hbm4b:s4+s26], $0x80, s6, s26, $0xb8;
	[tilespmem:$0x1F000] =	vst v63  }
0x11e: {  	s1 =	simm.s32 $0x5000;
	s28 =	rddreg [dreg:$0x8]  }
0x11f: {  	[tilespmem:s1], [sflag:$0x5] =	stream.indirect.gather [hbm4b:s4+s26], $0x80, s28, s26, $0xb8;
	[tilespmem:$0x1F000] =	vst v63  }
0x120: {  	s0 =	simm.s32 $0x6000;
	s7 =	rddreg [dreg:$0x9]  }
0x121: {  	[tilespmem:s0], [sflag:$0x6] =	stream.indirect.gather [hbm4b:s4+s26], $0x80, s7, s26, $0xb8;
	[tilespmem:$0x1F000] =	vst v63  }
0x122: {  	s6 =	simm.s32 $0x7000;
	s28 =	rddreg [dreg:$0xa]  }
0x123: {  	[tilespmem:s6], [sflag:$0x7] =	stream.indirect.gather [hbm4b:s4+s26], $0x80, s28, s26, $0xb8;
	[tilespmem:$0x1F000] =	vst v63  }
0x124: {  	s3 =	rddreg [dreg:$0xb];
	s7 =	simm.s32 $0x8000  }
0x125: {  	[tilespmem:s7], [sflag:$0x8] =	stream.indirect.gather [hbm4b:s4+s26], $0x80, s3, s26, $0xb8;
	[tilespmem:$0x1F000] =	vst v63  }
0x126: {  	_ =	swait.ge [sflag:s9], $0x1000  }
0x127: {  	[sflag:s9] =	ssyncset.done $0x0  }
0x128: {  	s28 =	simm.s32 $0x800;
	[sflag:s9] =	ssyncadd.s32 $0xFFFFF000  }
0x129: {  	[spmem:s2] =	stream.indirect.scatter.add.f32 [tilespmem:s30], [sflag:$0x9], $0x80, s28, s26, $0xb8;
	[tilespmem:$0x1F000] =	vst v63  }
0x12a: {  	_ =	swait.ge [sflag:s11], $0x1000  }
0x12b: {  	[sflag:s11] =	ssyncset.done $0x0  }
0x12c: {  	s3 =	rddreg [dreg:$0xc];
	[sflag:s11] =	ssyncadd.s32 $0xFFFFF000  }
0x12d: {  	[tilespmem:s30], [sflag:$0x1] =	stream.indirect.gather [hbm4b:s4+s26], $0x80, s3, s26, $0xb8;
	[tilespmem:$0x1F000] =	vst v63  }
0x12e: {  	_ =	swait.ge [sflag:s12], $0x1000  }
0x12f: {  	[sflag:s12] =	ssyncset.done $0x0  }
0x130: {  	s3 =	rddreg [dreg:$0xd];
	[sflag:s12] =	ssyncadd.s32 $0xFFFFF000  }
0x131: {  	[spmem:s2] =	stream.indirect.scatter.add.f32 [tilespmem:s8], [sflag:$0xA], $0x80, s3, s26, $0xb8;
	[tilespmem:$0x1F000] =	vst v63  }
0x132: {  	_ =	swait.ge [sflag:s13], $0x1000  }
0x133: {  	[sflag:s13] =	ssyncset.done $0x0  }
0x134: {  	s3 =	rddreg [dreg:$0xe];
	[sflag:s13] =	ssyncadd.s32 $0xFFFFF000  }
0x135: {  	[tilespmem:s8], [sflag:$0x2] =	stream.indirect.gather [hbm4b:s4+s26], $0x80, s3, s26, $0xb8;
	[tilespmem:$0x1F000] =	vst v63  }
0x136: {  	_ =	swait.ge [sflag:s14], $0x1000  }
0x137: {  	[sflag:s14] =	ssyncset.done $0x0  }
0x138: {  	s3 =	rddreg [dreg:$0xf];
	[sflag:s14] =	ssyncadd.s32 $0xFFFFF000  }
0x139: {  	[spmem:s2] =	stream.indirect.scatter.add.f32 [tilespmem:s22], [sflag:$0xB], $0x80, s3, s26, $0xb8;
	[tilespmem:$0x1F000] =	vst v63  }
0x13a: {  	_ =	swait.ge [sflag:s15], $0x1000  }
0x13b: {  	[sflag:s15] =	ssyncset.done $0x0  }
0x13c: {  	s3 =	rddreg [dreg:$0x10];
	[sflag:s15] =	ssyncadd.s32 $0xFFFFF000  }
0x13d: {  	[tilespmem:s22], [sflag:$0x3] =	stream.indirect.gather [hbm4b:s4+s26], $0x80, s3, s26, $0xb8;
	[tilespmem:$0x1F000] =	vst v63  }
0x13e: {  	_ =	swait.ge [sflag:s16], $0x1000  }
0x13f: {  	[sflag:s16] =	ssyncset.done $0x0  }
0x140: {  	s3 =	rddreg [dreg:$0x11];
	[sflag:s16] =	ssyncadd.s32 $0xFFFFF000  }
0x141: {  	[spmem:s2] =	stream.indirect.scatter.add.f32 [tilespmem:s31], [sflag:$0xC], $0x80, s3, s26, $0xb8;
	[tilespmem:$0x1F000] =	vst v63  }
0x142: {  	_ =	swait.ge [sflag:s17], $0x1000  }
0x143: {  	[sflag:s17] =	ssyncset.done $0x0  }
0x144: {  	s3 =	rddreg [dreg:$0x12];
	[sflag:s17] =	ssyncadd.s32 $0xFFFFF000  }
0x145: {  	[tilespmem:s31], [sflag:$0x4] =	stream.indirect.gather [hbm4b:s4+s26], $0x80, s3, s26, $0xb8;
	[tilespmem:$0x1F000] =	vst v63  }
0x146: {  	_ =	swait.ge [sflag:s18], $0x1000  }
0x147: {  	[sflag:s18] =	ssyncset.done $0x0  }
0x148: {  	s3 =	rddreg [dreg:$0x13];
	[sflag:s18] =	ssyncadd.s32 $0xFFFFF000  }
0x149: {  	[spmem:s2] =	stream.indirect.scatter.add.f32 [tilespmem:s1], [sflag:$0xD], $0x80, s3, s26, $0xb8;
	[tilespmem:$0x1F000] =	vst v63  }
0x14a: {  	_ =	swait.ge [sflag:s19], $0x1000  }
0x14b: {  	[sflag:s19] =	ssyncset.done $0x0  }
0x14c: {  	s3 =	rddreg [dreg:$0x14];
	[sflag:s19] =	ssyncadd.s32 $0xFFFFF000  }
0x14d: {  	[tilespmem:s1], [sflag:$0x5] =	stream.indirect.gather [hbm4b:s4+s26], $0x80, s3, s26, $0xb8;
	[tilespmem:$0x1F000] =	vst v63  }
0x14e: {  	_ =	swait.ge [sflag:s24], $0x1000  }
0x14f: {  	[sflag:s24] =	ssyncset.done $0x0  }
0x150: {  	s3 =	rddreg [dreg:$0x15];
	[sflag:s24] =	ssyncadd.s32 $0xFFFFF000  }
0x151: {  	[spmem:s2] =	stream.indirect.scatter.add.f32 [tilespmem:s0], [sflag:$0xE], $0x80, s3, s26, $0xb8;
	[tilespmem:$0x1F000] =	vst v63  }
0x152: {  	_ =	swait.ge [sflag:s25], $0x1000  }
0x153: {  	[sflag:s25] =	ssyncset.done $0x0  }
0x154: {  	s3 =	rddreg [dreg:$0x16];
	[sflag:s25] =	ssyncadd.s32 $0xFFFFF000  }
0x155: {  	[tilespmem:s0], [sflag:$0x6] =	stream.indirect.gather [hbm4b:s4+s26], $0x80, s3, s26, $0xb8;
	[tilespmem:$0x1F000] =	vst v63  }
0x156: {  	_ =	swait.ge [sflag:s10], $0x1000  }
0x157: {  	[sflag:s10] =	ssyncset.done $0x0  }
0x158: {  	s3 =	rddreg [dreg:$0x17];
	[sflag:s10] =	ssyncadd.s32 $0xFFFFF000  }
0x159: {  	[spmem:s2] =	stream.indirect.scatter.add.f32 [tilespmem:s6], [sflag:$0xF], $0x80, s3, s26, $0xb8;
	[tilespmem:$0x1F000] =	vst v63  }
0x15a: {  	_ =	swait.ge [sflag:s5], $0x1000  }
0x15b: {  	[sflag:s5] =	ssyncset.done $0x0  }
0x15c: {  	s3 =	rddreg [dreg:$0x18];
	[sflag:s5] =	ssyncadd.s32 $0xFFFFF000  }
0x15d: {  	[tilespmem:s6], [sflag:$0x7] =	stream.indirect.gather [hbm4b:s4+s26], $0x80, s3, s26, $0xb8;
	[tilespmem:$0x1F000] =	vst v63  }
0x15e: {  	_ =	swait.ge [sflag:s20], $0x1000  }
0x15f: {  	[sflag:s20] =	ssyncset.done $0x0  }
0x160: {  	s29 =	simm.s32 $0x10;
	s3 =	rddreg [dreg:$0x19];
	[sflag:s20] =	ssyncadd.s32 $0xFFFFF000  }
0x161: {  	[spmem:s2] =	stream.indirect.scatter.add.f32 [tilespmem:s7], [sflag:$0x10], $0x80, s3, s26, $0xb8;
	[tilespmem:$0x1F000] =	vst v63  }
0x162: {  	_ =	swait.ge [sflag:s29], $0x1000  }
0x163: {  	[sflag:s29] =	ssyncset.done $0x0  }
0x164: {  	s3 =	rddreg [dreg:$0x1a];
	[sflag:s29] =	ssyncadd.s32 $0xFFFFF000  }
0x165: {  	[tilespmem:s7], [sflag:$0x8] =	stream.indirect.gather [hbm4b:s4+s26], $0x80, s3, s26, $0xb8;
	[tilespmem:$0x1F000] =	vst v63  }
0x166: {  	_ =	swait.ge [sflag:s9], $0x1000  }
0x167: {  	[sflag:s9] =	ssyncset.done $0x0  }
0x168: {  	s29 =	rddreg [dreg:$0x1b];
	[sflag:s9] =	ssyncadd.s32 $0xFFFFF000  }
0x169: {  	[spmem:s2] =	stream.indirect.scatter.add.f32 [tilespmem:s30], [sflag:$0x9], $0x80, s29, s26, $0xb8;
	[tilespmem:$0x1F000] =	vst v63  }
0x16a: {  	_ =	swait.ge [sflag:s12], $0x1000  }
0x16b: {  	[sflag:s12] =	ssyncset.done $0x0  }
0x16c: {  	s29 =	rddreg [dreg:$0x1c];
	[sflag:s12] =	ssyncadd.s32 $0xFFFFF000  }
0x16d: {  	[spmem:s2] =	stream.indirect.scatter.add.f32 [tilespmem:s8], [sflag:$0xA], $0x80, s29, s26, $0xb8;
	[tilespmem:$0x1F000] =	vst v63  }
0x16e: {  	_ =	swait.ge [sflag:s14], $0x1000  }
0x16f: {  	[sflag:s14] =	ssyncset.done $0x0  }
0x170: {  	s8 =	rddreg [dreg:$0x1d];
	[sflag:s14] =	ssyncadd.s32 $0xFFFFF000  }
0x171: {  	[spmem:s2] =	stream.indirect.scatter.add.f32 [tilespmem:s22], [sflag:$0xB], $0x80, s8, s26, $0xb8;
	[tilespmem:$0x1F000] =	vst v63  }
0x172: {  	_ =	swait.ge [sflag:s16], $0x1000  }
0x173: {  	[sflag:s16] =	ssyncset.done $0x0  }
0x174: {  	s22 =	rddreg [dreg:$0x1e];
	[sflag:s16] =	ssyncadd.s32 $0xFFFFF000  }
0x175: {  	[spmem:s2] =	stream.indirect.scatter.add.f32 [tilespmem:s31], [sflag:$0xC], $0x80, s22, s26, $0xb8;
	[tilespmem:$0x1F000] =	vst v63  }
0x176: {  	_ =	swait.ge [sflag:s18], $0x1000  }
0x177: {  	[sflag:s18] =	ssyncset.done $0x0  }
0x178: {  	s29 =	rddreg [dreg:$0x1f];
	[sflag:s18] =	ssyncadd.s32 $0xFFFFF000  }
0x179: {  	[spmem:s2] =	stream.indirect.scatter.add.f32 [tilespmem:s1], [sflag:$0xD], $0x80, s29, s26, $0xb8;
	[tilespmem:$0x1F000] =	vst v63  }
0x17a: {  	_ =	swait.ge [sflag:s24], $0x1000  }
0x17b: {  	s8 =	sld [smem:$0x7F8]  }
0x17c: {  	[sflag:s24] =	ssyncset.done $0x0  }
0x17d: {  	[sflag:s24] =	ssyncadd.s32 $0xFFFFF000  }
0x17e: {  	[spmem:s2] =	stream.indirect.scatter.add.f32 [tilespmem:s0], [sflag:$0xE], $0x80, s8, s26, $0xb8;
	[tilespmem:$0x1F000] =	vst v63  }
0x17f: {  	_ =	swait.ge [sflag:s10], $0x1000  }
0x180: {  	s22 =	sld [smem:$0x7F9]  }
0x181: {  	[sflag:s10] =	ssyncset.done $0x0  }
0x182: {  	[sflag:s10] =	ssyncadd.s32 $0xFFFFF000  }
0x183: {  	[spmem:s2] =	stream.indirect.scatter.add.f32 [tilespmem:s6], [sflag:$0xF], $0x80, s22, s26, $0xb8;
	[tilespmem:$0x1F000] =	vst v63  }
0x184: {  	_ =	swait.ge [sflag:s20], $0x1000  }
0x185: {  	s29 =	sld [smem:$0x7FA]  }
0x186: {  	[sflag:s20] =	ssyncset.done $0x0  }
0x187: {  	[sflag:s20] =	ssyncadd.s32 $0xFFFFF000  }
0x188: {  	[spmem:s2] =	stream.indirect.scatter.add.f32 [tilespmem:s7], [sflag:$0x10], $0x80, s29, s26, $0xb8;
	[tilespmem:$0x1F000] =	vst v63  }
0x189: {  	_ =	swait.ge [sflag:s11], $0x1000  }
0x18a: {  	[sflag:s11] =	ssyncset.done $0x0  }
0x18b: {  	[sflag:s11] =	ssyncadd.s32 $0xFFFFF000  }
0x18c: {  	_ =	swait.ge [sflag:s13], $0x1000  }
0x18d: {  	[sflag:s13] =	ssyncset.done $0x0  }
0x18e: {  	[sflag:s13] =	ssyncadd.s32 $0xFFFFF000  }
0x18f: {  	_ =	swait.ge [sflag:s15], $0x1000  }
0x190: {  	[sflag:s15] =	ssyncset.done $0x0  }
0x191: {  	[sflag:s15] =	ssyncadd.s32 $0xFFFFF000  }
0x192: {  	_ =	swait.ge [sflag:s17], $0x1000  }
0x193: {  	[sflag:s17] =	ssyncset.done $0x0  }
0x194: {  	[sflag:s17] =	ssyncadd.s32 $0xFFFFF000  }
0x195: {  	_ =	swait.ge [sflag:s19], $0x1000  }
0x196: {  	[sflag:s19] =	ssyncset.done $0x0  }
0x197: {  	[sflag:s19] =	ssyncadd.s32 $0xFFFFF000  }
0x198: {  	_ =	swait.ge [sflag:s25], $0x1000  }
0x199: {  	[sflag:s25] =	ssyncset.done $0x0  }
0x19a: {  	p0 =	sne.s32 s23, $0x1300;
	[sflag:s25] =	ssyncadd.s32 $0xFFFFF000  }
.Ltmp1:
0x19b: {  	_ =	swait.ge [sflag:s5], $0x1000;
	(pc) =	sbr.rel @p0 .LBB2_4-.Ltmp1, $4  }
0x19c: {  	[sflag:s5] =	ssyncset.done $0x0  }
0x19d: {  	s0 =	simm.s32 $0x10;
	[sflag:s5] =	ssyncadd.s32 $0xFFFFF000  }
0x19e: {  	s23 =	sadd.s32 $0x100, s23;
	_ =	swait.ge [sflag:s0], $0x1000  }
0x19f: {  	s31 =	simm.s32 $0x12;
	s3 =	rddreg [dreg:$0x4];
	[sflag:s0] =	ssyncset.done $0x0  }
0x1a0: {  	[sflag:s0] =	ssyncadd.s32 $0xFFFFF000;
	s3 =	sadd.s32 s21, s3;
	s22 =	simm.s32 $0x0  }
0x1a1: {  	[tilespmem:s22], [sflag:$0x12] =	stream.linear.gather [hbm4b:s3+s22], $0x800, $0x38;
	[tilespmem:$0x1F000] =	vst v63  }
0x1a2: {  	_ =	swait.ge [sflag:s31], $0x800  }
0x1a3: {  	s23 =	rddreg [dreg:$0x3];
	[sflag:s31] =	ssyncset.done $0x0  }
0x1a4: {  	[sflag:s31] =	ssyncadd.s32 $0xFFFFF800;
	s3 =	sadd.s32 s21, s23  }
0x1a5: {  	[tilespmem:s28], [sflag:$0x12] =	stream.linear.gather [hbm4b:s3+s22], $0x800, $0x38;
	[tilespmem:$0x1F000] =	vst v63  }
0x1a6: {  	_ =	swait.ge [sflag:s31], $0x800  }
0x1a7: {  	[sflag:s31] =	ssyncset.done $0x0  }
0x1a8: {  	[sflag:s31] =	ssyncadd.s32 $0xFFFFF800  }
0x1a9: {  	[tilespmem:s30], [sflag:$0x1] =	stream.indirect.gather [hbm4b:s4+s26], $0x80, s22, s26, $0xb8;
	[tilespmem:$0x1F000] =	vst v63  }
0x1aa: {  	s8 =	simm.s32 $0x2000;
	s1 =	rddreg [dreg:$0x5]  }
0x1ab: {  	[tilespmem:s8], [sflag:$0x2] =	stream.indirect.gather [hbm4b:s4+s26], $0x80, s1, s26, $0xb8;
	[tilespmem:$0x1F000] =	vst v63  }
0x1ac: {  	s6 =	rddreg [dreg:$0x6];
	s22 =	simm.s32 $0x3000  }
0x1ad: {  	[tilespmem:s22], [sflag:$0x3] =	stream.indirect.gather [hbm4b:s4+s26], $0x80, s6, s26, $0xb8;
	[tilespmem:$0x1F000] =	vst v63  }
0x1ae: {  	s23 =	simm.s32 $0x4000;
	s7 =	rddreg [dreg:$0x7]  }
0x1af: {  	[tilespmem:s23], [sflag:$0x4] =	stream.indirect.gather [hbm4b:s4+s26], $0x80, s7, s26, $0xb8;
	[tilespmem:$0x1F000] =	vst v63  }
0x1b0: {  	s0 =	rddreg [dreg:$0x8];
	s1 =	simm.s32 $0x5000  }
0x1b1: {  	[tilespmem:s1], [sflag:$0x5] =	stream.indirect.gather [hbm4b:s4+s26], $0x80, s0, s26, $0xb8;
	[tilespmem:$0x1F000] =	vst v63  }
0x1b2: {  	s6 =	rddreg [dreg:$0x9];
	s0 =	simm.s32 $0x6000  }
0x1b3: {  	[tilespmem:s0], [sflag:$0x6] =	stream.indirect.gather [hbm4b:s4+s26], $0x80, s6, s26, $0xb8;
	[tilespmem:$0x1F000] =	vst v63  }
0x1b4: {  	s7 =	rddreg [dreg:$0xa];
	s6 =	simm.s32 $0x7000  }
0x1b5: {  	[tilespmem:s6], [sflag:$0x7] =	stream.indirect.gather [hbm4b:s4+s26], $0x80, s7, s26, $0xb8;
	[tilespmem:$0x1F000] =	vst v63  }
0x1b6: {  	s3 =	rddreg [dreg:$0xb];
	s7 =	simm.s32 $0x8000  }
0x1b7: {  	[tilespmem:s7], [sflag:$0x8] =	stream.indirect.gather [hbm4b:s4+s26], $0x80, s3, s26, $0xb8;
	[tilespmem:$0x1F000] =	vst v63  }
0x1b8: {  	_ =	swait.ge [sflag:s9], $0x1000  }
0x1b9: {  	[sflag:s9] =	ssyncset.done $0x0  }
0x1ba: {  	[sflag:s9] =	ssyncadd.s32 $0xFFFFF000  }
0x1bb: {  	[spmem:s2] =	stream.indirect.scatter.add.f32 [tilespmem:s30], [sflag:$0x9], $0x80, s28, s26, $0xb8;
	[tilespmem:$0x1F000] =	vst v63  }
0x1bc: {  	_ =	swait.ge [sflag:s11], $0x1000  }
0x1bd: {  	[sflag:s11] =	ssyncset.done $0x0  }
0x1be: {  	s21 =	rddreg [dreg:$0xc];
	[sflag:s11] =	ssyncadd.s32 $0xFFFFF000  }
0x1bf: {  	[tilespmem:s30], [sflag:$0x1] =	stream.indirect.gather [hbm4b:s4+s26], $0x80, s21, s26, $0xb8;
	[tilespmem:$0x1F000] =	vst v63  }
0x1c0: {  	_ =	swait.ge [sflag:s12], $0x1000  }
0x1c1: {  	[sflag:s12] =	ssyncset.done $0x0  }
0x1c2: {  	s21 =	rddreg [dreg:$0xd];
	[sflag:s12] =	ssyncadd.s32 $0xFFFFF000  }
0x1c3: {  	[spmem:s2] =	stream.indirect.scatter.add.f32 [tilespmem:s8], [sflag:$0xA], $0x80, s21, s26, $0xb8;
	[tilespmem:$0x1F000] =	vst v63  }
0x1c4: {  	_ =	swait.ge [sflag:s13], $0x1000  }
0x1c5: {  	[sflag:s13] =	ssyncset.done $0x0  }
0x1c6: {  	s21 =	rddreg [dreg:$0xe];
	[sflag:s13] =	ssyncadd.s32 $0xFFFFF000  }
0x1c7: {  	[tilespmem:s8], [sflag:$0x2] =	stream.indirect.gather [hbm4b:s4+s26], $0x80, s21, s26, $0xb8;
	[tilespmem:$0x1F000] =	vst v63  }
0x1c8: {  	_ =	swait.ge [sflag:s14], $0x1000  }
0x1c9: {  	[sflag:s14] =	ssyncset.done $0x0  }
0x1ca: {  	s21 =	rddreg [dreg:$0xf];
	[sflag:s14] =	ssyncadd.s32 $0xFFFFF000  }
0x1cb: {  	[spmem:s2] =	stream.indirect.scatter.add.f32 [tilespmem:s22], [sflag:$0xB], $0x80, s21, s26, $0xb8;
	[tilespmem:$0x1F000] =	vst v63  }
0x1cc: {  	_ =	swait.ge [sflag:s15], $0x1000  }
0x1cd: {  	[sflag:s15] =	ssyncset.done $0x0  }
0x1ce: {  	s21 =	rddreg [dreg:$0x10];
	[sflag:s15] =	ssyncadd.s32 $0xFFFFF000  }
0x1cf: {  	[tilespmem:s22], [sflag:$0x3] =	stream.indirect.gather [hbm4b:s4+s26], $0x80, s21, s26, $0xb8;
	[tilespmem:$0x1F000] =	vst v63  }
0x1d0: {  	_ =	swait.ge [sflag:s16], $0x1000  }
0x1d1: {  	[sflag:s16] =	ssyncset.done $0x0  }
0x1d2: {  	s21 =	rddreg [dreg:$0x11];
	[sflag:s16] =	ssyncadd.s32 $0xFFFFF000  }
0x1d3: {  	[spmem:s2] =	stream.indirect.scatter.add.f32 [tilespmem:s23], [sflag:$0xC], $0x80, s21, s26, $0xb8;
	[tilespmem:$0x1F000] =	vst v63  }
0x1d4: {  	_ =	swait.ge [sflag:s17], $0x1000  }
0x1d5: {  	[sflag:s17] =	ssyncset.done $0x0  }
0x1d6: {  	s21 =	rddreg [dreg:$0x12];
	[sflag:s17] =	ssyncadd.s32 $0xFFFFF000  }
0x1d7: {  	[tilespmem:s23], [sflag:$0x4] =	stream.indirect.gather [hbm4b:s4+s26], $0x80, s21, s26, $0xb8;
	[tilespmem:$0x1F000] =	vst v63  }
0x1d8: {  	_ =	swait.ge [sflag:s18], $0x1000  }
0x1d9: {  	[sflag:s18] =	ssyncset.done $0x0  }
0x1da: {  	s21 =	rddreg [dreg:$0x13];
	[sflag:s18] =	ssyncadd.s32 $0xFFFFF000  }
0x1db: {  	[spmem:s2] =	stream.indirect.scatter.add.f32 [tilespmem:s1], [sflag:$0xD], $0x80, s21, s26, $0xb8;
	[tilespmem:$0x1F000] =	vst v63  }
0x1dc: {  	_ =	swait.ge [sflag:s19], $0x1000  }
0x1dd: {  	[sflag:s19] =	ssyncset.done $0x0  }
0x1de: {  	s21 =	rddreg [dreg:$0x14];
	[sflag:s19] =	ssyncadd.s32 $0xFFFFF000  }
0x1df: {  	[tilespmem:s1], [sflag:$0x5] =	stream.indirect.gather [hbm4b:s4+s26], $0x80, s21, s26, $0xb8;
	[tilespmem:$0x1F000] =	vst v63  }
0x1e0: {  	_ =	swait.ge [sflag:s24], $0x1000  }
0x1e1: {  	[sflag:s24] =	ssyncset.done $0x0  }
0x1e2: {  	s21 =	rddreg [dreg:$0x15];
	[sflag:s24] =	ssyncadd.s32 $0xFFFFF000  }
0x1e3: {  	[spmem:s2] =	stream.indirect.scatter.add.f32 [tilespmem:s0], [sflag:$0xE], $0x80, s21, s26, $0xb8;
	[tilespmem:$0x1F000] =	vst v63  }
0x1e4: {  	_ =	swait.ge [sflag:s25], $0x1000  }
0x1e5: {  	[sflag:s25] =	ssyncset.done $0x0  }
0x1e6: {  	s21 =	rddreg [dreg:$0x16];
	[sflag:s25] =	ssyncadd.s32 $0xFFFFF000  }
0x1e7: {  	[tilespmem:s0], [sflag:$0x6] =	stream.indirect.gather [hbm4b:s4+s26], $0x80, s21, s26, $0xb8;
	[tilespmem:$0x1F000] =	vst v63  }
0x1e8: {  	_ =	swait.ge [sflag:s10], $0x1000  }
0x1e9: {  	[sflag:s10] =	ssyncset.done $0x0  }
0x1ea: {  	s21 =	rddreg [dreg:$0x17];
	[sflag:s10] =	ssyncadd.s32 $0xFFFFF000  }
0x1eb: {  	[spmem:s2] =	stream.indirect.scatter.add.f32 [tilespmem:s6], [sflag:$0xF], $0x80, s21, s26, $0xb8;
	[tilespmem:$0x1F000] =	vst v63  }
0x1ec: {  	_ =	swait.ge [sflag:s5], $0x1000  }
0x1ed: {  	[sflag:s5] =	ssyncset.done $0x0  }
0x1ee: {  	s21 =	rddreg [dreg:$0x18];
	[sflag:s5] =	ssyncadd.s32 $0xFFFFF000  }
0x1ef: {  	[tilespmem:s6], [sflag:$0x7] =	stream.indirect.gather [hbm4b:s4+s26], $0x80, s21, s26, $0xb8;
	[tilespmem:$0x1F000] =	vst v63  }
0x1f0: {  	_ =	swait.ge [sflag:s20], $0x1000  }
0x1f1: {  	[sflag:s20] =	ssyncset.done $0x0  }
0x1f2: {  	s29 =	simm.s32 $0x10;
	s21 =	rddreg [dreg:$0x19];
	[sflag:s20] =	ssyncadd.s32 $0xFFFFF000  }
0x1f3: {  	[spmem:s2] =	stream.indirect.scatter.add.f32 [tilespmem:s7], [sflag:$0x10], $0x80, s21, s26, $0xb8;
	[tilespmem:$0x1F000] =	vst v63  }
0x1f4: {  	_ =	swait.ge [sflag:s29], $0x1000  }
0x1f5: {  	[sflag:s29] =	ssyncset.done $0x0  }
0x1f6: {  	s21 =	rddreg [dreg:$0x1a];
	[sflag:s29] =	ssyncadd.s32 $0xFFFFF000  }
0x1f7: {  	[tilespmem:s7], [sflag:$0x8] =	stream.indirect.gather [hbm4b:s4+s26], $0x80, s21, s26, $0xb8;
	[tilespmem:$0x1F000] =	vst v63  }
0x1f8: {  	_ =	swait.ge [sflag:s9], $0x1000  }
0x1f9: {  	[sflag:s9] =	ssyncset.done $0x0  }
0x1fa: {  	s21 =	rddreg [dreg:$0x1b];
	[sflag:s9] =	ssyncadd.s32 $0xFFFFF000  }
0x1fb: {  	[spmem:s2] =	stream.indirect.scatter.add.f32 [tilespmem:s30], [sflag:$0x9], $0x80, s21, s26, $0xb8;
	[tilespmem:$0x1F000] =	vst v63  }
0x1fc: {  	_ =	swait.ge [sflag:s12], $0x1000  }
0x1fd: {  	[sflag:s12] =	ssyncset.done $0x0  }
0x1fe: {  	s21 =	rddreg [dreg:$0x1c];
	[sflag:s12] =	ssyncadd.s32 $0xFFFFF000  }
0x1ff: {  	[spmem:s2] =	stream.indirect.scatter.add.f32 [tilespmem:s8], [sflag:$0xA], $0x80, s21, s26, $0xb8;
	[tilespmem:$0x1F000] =	vst v63  }
0x200: {  	_ =	swait.ge [sflag:s14], $0x1000  }
0x201: {  	[sflag:s14] =	ssyncset.done $0x0  }
0x202: {  	s21 =	rddreg [dreg:$0x1d];
	[sflag:s14] =	ssyncadd.s32 $0xFFFFF000  }
0x203: {  	[spmem:s2] =	stream.indirect.scatter.add.f32 [tilespmem:s22], [sflag:$0xB], $0x80, s21, s26, $0xb8;
	[tilespmem:$0x1F000] =	vst v63  }
0x204: {  	_ =	swait.ge [sflag:s16], $0x1000  }
0x205: {  	[sflag:s16] =	ssyncset.done $0x0  }
0x206: {  	s8 =	rddreg [dreg:$0x1e];
	[sflag:s16] =	ssyncadd.s32 $0xFFFFF000  }
0x207: {  	[spmem:s2] =	stream.indirect.scatter.add.f32 [tilespmem:s23], [sflag:$0xC], $0x80, s8, s26, $0xb8;
	[tilespmem:$0x1F000] =	vst v63  }
0x208: {  	_ =	swait.ge [sflag:s18], $0x1000  }
0x209: {  	[sflag:s18] =	ssyncset.done $0x0  }
0x20a: {  	s21 =	rddreg [dreg:$0x1f];
	[sflag:s18] =	ssyncadd.s32 $0xFFFFF000  }
0x20b: {  	[spmem:s2] =	stream.indirect.scatter.add.f32 [tilespmem:s1], [sflag:$0xD], $0x80, s21, s26, $0xb8;
	[tilespmem:$0x1F000] =	vst v63  }
0x20c: {  	_ =	swait.ge [sflag:s24], $0x1000  }
0x20d: {  	s22 =	sld [smem:$0x7F8]  }
0x20e: {  	[sflag:s24] =	ssyncset.done $0x0  }
0x20f: {  	[sflag:s24] =	ssyncadd.s32 $0xFFFFF000  }
0x210: {  	[spmem:s2] =	stream.indirect.scatter.add.f32 [tilespmem:s0], [sflag:$0xE], $0x80, s22, s26, $0xb8;
	[tilespmem:$0x1F000] =	vst v63  }
0x211: {  	_ =	swait.ge [sflag:s10], $0x1000  }
0x212: {  	s23 =	sld [smem:$0x7F9]  }
0x213: {  	[sflag:s10] =	ssyncset.done $0x0  }
0x214: {  	[sflag:s10] =	ssyncadd.s32 $0xFFFFF000  }
0x215: {  	[spmem:s2] =	stream.indirect.scatter.add.f32 [tilespmem:s6], [sflag:$0xF], $0x80, s23, s26, $0xb8;
	[tilespmem:$0x1F000] =	vst v63  }
0x216: {  	_ =	swait.ge [sflag:s20], $0x1000  }
0x217: {  	s0 =	sld [smem:$0x7FA]  }
0x218: {  	[sflag:s20] =	ssyncset.done $0x0  }
0x219: {  	[sflag:s20] =	ssyncadd.s32 $0xFFFFF000  }
0x21a: {  	[spmem:s2] =	stream.indirect.scatter.add.f32 [tilespmem:s7], [sflag:$0x10], $0x80, s0, s26, $0xb8;
	[tilespmem:$0x1F000] =	vst v63  }
0x21b: {  	_ =	swait.ge [sflag:s11], $0x1000  }
0x21c: {  	[sflag:s11] =	ssyncset.done $0x0  }
0x21d: {  	[sflag:s11] =	ssyncadd.s32 $0xFFFFF000  }
0x21e: {  	_ =	swait.ge [sflag:s13], $0x1000  }
0x21f: {  	[sflag:s13] =	ssyncset.done $0x0  }
0x220: {  	[sflag:s13] =	ssyncadd.s32 $0xFFFFF000  }
0x221: {  	_ =	swait.ge [sflag:s15], $0x1000  }
0x222: {  	[sflag:s15] =	ssyncset.done $0x0  }
0x223: {  	[sflag:s15] =	ssyncadd.s32 $0xFFFFF000  }
0x224: {  	_ =	swait.ge [sflag:s17], $0x1000  }
0x225: {  	[sflag:s17] =	ssyncset.done $0x0  }
0x226: {  	[sflag:s17] =	ssyncadd.s32 $0xFFFFF000  }
0x227: {  	_ =	swait.ge [sflag:s19], $0x1000  }
0x228: {  	[sflag:s19] =	ssyncset.done $0x0  }
0x229: {  	[sflag:s19] =	ssyncadd.s32 $0xFFFFF000  }
0x22a: {  	_ =	swait.ge [sflag:s25], $0x1000  }
0x22b: {  	[sflag:s25] =	ssyncset.done $0x0  }
0x22c: {  	[sflag:s25] =	ssyncadd.s32 $0xFFFFF000  }
0x22d: {  	_ =	swait.ge [sflag:s5], $0x1000  }
0x22e: {  	[sflag:s5] =	ssyncset.done $0x0  }
0x22f: {  	[sflag:s5] =	ssyncadd.s32 $0xFFFFF000  }
0x230: {  	_ =	swait.ge [sflag:s29], $0x1000  }
0x231: {  	[sflag:s29] =	ssyncset.done $0x0  }
0x232: {  	[sflag:s29] =	ssyncadd.s32 $0xFFFFF000  }
0x233: {  	[bflag:$0x0] =	sbarrier.arrive $0xFFFF  }
0x234: {  	s29 =	sld [smem:$0x7FD]  }
0x235: {  	s1 =	stileid.u32;
	s7 =	sld [smem:$0x7F3]  }
0x236: {  	s3 =	sshll.u32 s1, $0x6  }
0x237: {  	s3 =	sor.u32 $0x1C11, s3;
	s6 =	sshrl.u32 s29, $0x3  }
0x238: {  	[hbm:s7], [sflag:s3] =	dma.local [spmem:s6], $0xA00  }
0x239: {  	s21 =	sld [smem:$0x7F4]  }
0x23a: {  	s23 =	sld [smem:$0x7FB];
	_ =	sdelay $0x2  }
0x23b: {  	[hbm:s21], [sflag:s3] =	dma.local [spmem:s23], $0xA00  }
0x23c: {  	s21 =	sld [smem:$0x7EE]  }
0x23d: {  	s23 =	sld [smem:$0x7F5];
	_ =	sdelay $0x1  }
0x23e: {  	s21 =	sshrl.u32 s21, $0x3  }
0x23f: {  	[hbm:s23], [sflag:s3] =	dma.local [spmem:s21], $0xA00  }
0x240: {  	s21 =	sld [smem:$0x7F6]  }
0x241: {  	s23 =	sld [smem:$0x7FC];
	_ =	sdelay $0x1  }
0x242: {  	s8 =	simm.s32 $0x11  }
0x243: {  	[hbm:s21], [sflag:s3] =	dma.local [spmem:s23], $0xA00  }
0x244: {  	_ =	swait.ge [sflag:s8], $0xA00  }
0x245: {  	[sflag:s8] =	ssyncset.done $0x0  }
0x246: {  	[sflag:s8] =	ssyncadd.s32 $0xFFFFF600  }
0x247: {  	_ =	swait.ge [sflag:s8], $0xA00  }
0x248: {  	[sflag:s8] =	ssyncset.done $0x0  }
0x249: {  	[sflag:s8] =	ssyncadd.s32 $0xFFFFF600  }
0x24a: {  	_ =	swait.ge [sflag:s8], $0xA00  }
0x24b: {  	[sflag:s8] =	ssyncset.done $0x0  }
0x24c: {  	[sflag:s8] =	ssyncadd.s32 $0xFFFFF600  }
0x24d: {  	_ =	swait.ge [sflag:s8], $0xA00  }
0x24e: {  	s22 =	sld [smem:$0x7E9]  }
0x24f: {  	s23 =	sld [smem:$0x7F7];
	_ =	sdelay $0x1  }
0x250: {  	s0 =	sadd.s32 $0x1, s22  }
0x251: {  	p0 =	sne.s32 s0, s23  }
.Ltmp2:
0x252: {  	_ = 	snop;
	(pc) =	sbr.rel @p0 .LBB2_1-.Ltmp2, $3  }
0x253: {  	_ =	sdelay $0x1  }
0x254: {  	[sflag:s8] =	ssyncset.done $0x0  }
0x255: {  	s28 =	simm.s32 $0x0;
	[sflag:s8] =	ssyncadd.s32 $0xFFFFF600  }
0x256: {  	_ =	sfence.sel $0x180000  }
0x257: {  	[bflag:$0x0] =	sbarrier.arrive $0xFFFF  }
0x258: {  	_ =	strace $0x9000004A  }
0x259: {  	s0 =	stileid.u32;
	[bflag:$0x2] =	sbarrier.arrive $0xFFFF  }
0x25a: {  	p0 =	sne.s32 s0, $0x0;
	s0 =	rddreg [dreg:$0x2]  }
0x25b: {  	s0 =	sadd.s32 @!p0 $0x100000, s0  }
0x25c: {  	[sflag:s0] =	ssyncadd.tile.s32 @!p0 $0x1;
	_ =	shalt  }
.Lfunc_end2:
_tile_overlayer_lowered:
.L_overlay_start_2:
0x25d: {  	(tag) =	ssettag $0x2  }
0x25e: {  	s0 =	rddreg [dreg:$0x0];
	s2 =	stileid.u32  }
0x25f: {  	s1 =	rddreg [dreg:$0x1];
	p0 =	sne.s32 s2, $0x0  }
0x260: {  	s3 =	rddreg [dreg:$0x2];
	[bflag:$0x3] =	sbarrier.arrive $0xFFFF;
	s2 =	simm.s32 @!p0 $0x1C12  }
0x261: {  	[timem:s3], [sflag:s2] =	dma.local @!p0 [hbm:s0], s1  }
0x262: {  	s0 =	simm.s32 @!p0 $0x12  }
0x263: {  	_ =	swait.ge @!p0 [sflag:s0], s1  }
0x264: {  	s1 =	ssub.s32 @!p0 $0x0, s1;
	[sflag:s0] =	ssyncset.done @!p0 $0x0  }
0x265: {  	[sflag:s0] =	ssyncadd.s32 @!p0 s1  }
0x266: {  	[bflag:$0x3] =	sbarrier.arrive $0xFFFF  }
0x267: {  	_ =	shalt  }

// kernel: kernel.14.cloned.1.call-start
scs
__scs_entry_jumppad:
0x0: {  	(pc) =	sbr.rel $0x88, $3  }
0x1: {  	(tag) =	ssettag $0x0;
	lr =	simm.s32 $0x1  }
0x2: {  	[smem:$0x3F95] =	sst lr;
	_ =	strace $0xD0000000  }
0x3: {  	_ = 	snop  }
0x4: {  	_ = 	snop  }
0x5: {  	_ = 	snop  }
0x6: {  	_ = 	snop  }
0x7: {  	_ = 	snop  }
__scs_overlays_trampoline_lowered:
0x8: {  	[smem:$0x3FA4] =	sst s0  }
0x9: {  	[smem:$0x3FA5] =	sst s1  }
0xa: {  	[smem:$0x3FA6] =	sst s2  }
0xb: {  	[smem:$0x3FA7] =	sst s3  }
0xc: {  	[smem:$0x3FA8] =	sst s4  }
0xd: {  	[smem:$0x3FA9] =	sst s5  }
0xe: {  	[smem:$0x3FAA] =	sst s6  }
0xf: {  	[smem:$0x3FAB] =	sst s7  }
0x10: {  	[smem:$0x3FAC] =	sst s8  }
0x11: {  	[smem:$0x3FAD] =	sst s9;
	s0 =	simm.s32 @!p0 $0x0  }
0x12: {  	s1 =	sld [smem:$0x3F93];
	s0 =	simm.s32 @p0 $0x1  }
0x13: {  	[smem:$0x3FAE] =	sst s0;
	s0 =	simm.s32 @!p1 $0x0  }
0x14: {  	s2 =	sld [smem:$0x3F92];
	s0 =	simm.s32 @p1 $0x1  }
0x15: {  	[smem:$0x3FAF] =	sst s0;
	s0 =	simm.s32 @!p2 $0x0  }
0x16: {  	s3 =	sld [smem:$0x3FDB];
	s0 =	simm.s32 @p2 $0x1  }
0x17: {  	s4 =	simm.s32 $0x1BF5;
	[smem:$0x3FB1] =	sst s0  }
0x18: {  	s0 =	sld [smem:$0x3F94];
	_ =	swait.ge [sflag:s4], $0x0  }
0x19: {  	s7 =	sld [smem:$0x3F95]  }
0x1a: {  	s8 =	sadd.s32 $0xFFFFE003, lr  }
0x1b: {  	s9 =	sadd.s32 $0xFFFFFEF7, lr;
	s5 =	simm.s32 $0xFFFFFFFF;
	p2 =	slt.u32 s8, $0xFFFFF086  }
0x1c: {  	p1 =	slt.u32 s9, $0xF7A;
	s5 =	simm.s32 @!p2 $0x0  }
0x1d: {  	s5 =	simm.s32 @p1 $0x1;
	p0 =	seq.s32 s7, s2  }
0x1e: {  	s7 =	smul.u32 @!p0 $0xF7A, s2;
	p2 =	seq.s32 @!p0 s5, $0x0  }
0x1f: {  	s9 =	smul.u32 $0xF7A, s1;
	s8 =	simm.s32 @!p0 $0x1BF5;
	p2 =	por !p2, p0  }
0x20: {  	[sflag:s8] =	ssyncset.s32 @!p0 $0xFFFFF086;
	s6 =	sadd.s32 @!p0 s3, s7;
	s7 =	simm.s32 @!p0 $0x108  }
0x21: {  	s3 =	sadd.s32 s3, s9;
	s6 =	sadd.s32 @!p0 $0x88, s6;
	s7 =	simm.s32 @p2 $0x1082  }
0x22: {  	[simem:s7], [sflag:s8] =	dma.local @!p0 [hbm:s6], $0xF7A  }
0x23: {  	s9 =	sor.u32 $0xD0000000, s2;
	s6 =	simm.s32 $0x108;
	_ =	swait.ge @!p0 [sflag:s8], $0x0  }
0x24: {  	s3 =	sadd.s32 $0x88, s3;
	s6 =	simm.s32 @!p1 $0x1082;
	[sflag:s4] =	ssyncset.s32 $0xFFFFF086  }
0x25: {  	[simem:s6], [sflag:s4] =	dma.local [hbm:s3], $0xF7A  }
0x26: {  	[smem:$0x3F95] =	sst s1;
	(tag) =	ssettag s2;
	_ =	strace s9  }
0x27: {  	s1 =	sld [smem:$0x3FA5]  }
0x28: {  	s2 =	sld [smem:$0x3FA6]  }
0x29: {  	s4 =	sld [smem:$0x3FA8]  }
0x2a: {  	p0 =	seq.s32 s5, $0x0;
	s5 =	sld [smem:$0x3FA9]  }
0x2b: {  	s6 =	sld [smem:$0x3FAA]  }
0x2c: {  	s7 =	sld [smem:$0x3FAB]  }
0x2d: {  	s3 =	simm.s32 $0x108;
	s8 =	sld [smem:$0x3FAC]  }
0x2e: {  	s3 =	simm.s32 @!p0 $0x1082;
	s9 =	sld [smem:$0x3FAD]  }
0x2f: {  	lr =	sadd.s32 s0, s3;
	s0 =	sld [smem:$0x3FA4]  }
0x30: {  	s3 =	sld [smem:$0x3FA7]  }
0x31: {  	[smem:$0x3FB0] =	sst s10  }
0x32: {  	s10 =	sld [smem:$0x3FAE];
	_ =	sdelay $0x3  }
0x33: {  	p0 =	seq.s32 s10, $0x1;
	s10 =	sld [smem:$0x3FB0];
	_ =	sdelay $0x3  }
0x34: {  	[smem:$0x3FB0] =	sst s10  }
0x35: {  	s10 =	sld [smem:$0x3FAF];
	_ =	sdelay $0x3  }
0x36: {  	p1 =	seq.s32 s10, $0x1;
	s10 =	sld [smem:$0x3FB0];
	_ =	sdelay $0x3  }
0x37: {  	[smem:$0x3FB0] =	sst s10  }
0x38: {  	s10 =	sld [smem:$0x3FB1]  }
0x39: {  	_ = 	snop;
	(pc) =	sbr.ind lr, $3  }
0x3a: {  	_ = 	snop  }
0x3b: {  	_ = 	snop  }
0x3c: {  	p2 =	seq.s32 s10, $0x1;
	s10 =	sld [smem:$0x3FB0]  }
0x3d: {  	_ =	shalt  }
0x3e: {  	_ =	shalt  }
0x3f: {  	_ =	shalt  }
0x40: {  	_ =	shalt  }
0x41: {  	_ =	shalt  }
0x42: {  	_ =	shalt  }
0x43: {  	_ =	shalt  }
0x44: {  	_ =	shalt  }
0x45: {  	_ =	shalt  }
0x46: {  	_ =	shalt  }
0x47: {  	_ =	shalt  }
0x48: {  	_ =	shalt  }
0x49: {  	_ =	shalt  }
0x4a: {  	_ =	shalt  }
0x4b: {  	_ =	shalt  }
0x4c: {  	_ =	shalt  }
0x4d: {  	_ =	shalt  }
0x4e: {  	_ =	shalt  }
0x4f: {  	_ =	shalt  }
0x50: {  	_ =	shalt  }
0x51: {  	_ =	shalt  }
0x52: {  	_ =	shalt  }
0x53: {  	_ =	shalt  }
0x54: {  	_ =	shalt  }
0x55: {  	_ =	shalt  }
0x56: {  	_ =	shalt  }
0x57: {  	_ =	shalt  }
0x58: {  	_ =	shalt  }
0x59: {  	_ =	shalt  }
0x5a: {  	_ =	shalt  }
0x5b: {  	_ =	shalt  }
0x5c: {  	_ =	shalt  }
0x5d: {  	_ =	shalt  }
0x5e: {  	_ =	shalt  }
0x5f: {  	_ =	shalt  }
0x60: {  	_ =	shalt  }
0x61: {  	_ =	shalt  }
0x62: {  	_ =	shalt  }
0x63: {  	_ =	shalt  }
0x64: {  	_ =	shalt  }
0x65: {  	_ =	shalt  }
0x66: {  	_ =	shalt  }
0x67: {  	_ =	shalt  }
0x68: {  	_ =	shalt  }
0x69: {  	_ =	shalt  }
0x6a: {  	_ =	shalt  }
0x6b: {  	_ =	shalt  }
0x6c: {  	_ =	shalt  }
0x6d: {  	_ =	shalt  }
0x6e: {  	_ =	shalt  }
0x6f: {  	_ =	shalt  }
0x70: {  	_ =	shalt  }
0x71: {  	_ =	shalt  }
0x72: {  	_ =	shalt  }
0x73: {  	_ =	shalt  }
0x74: {  	_ =	shalt  }
0x75: {  	_ =	shalt  }
0x76: {  	_ =	shalt  }
0x77: {  	_ =	shalt  }
0x78: {  	_ =	shalt  }
0x79: {  	_ =	shalt  }
0x7a: {  	_ =	shalt  }
0x7b: {  	_ =	shalt  }
0x7c: {  	_ =	shalt  }
0x7d: {  	_ =	shalt  }
0x7e: {  	_ =	shalt  }
0x7f: {  	_ =	shalt  }
0x80: {  	_ =	shalt  }
0x81: {  	_ =	shalt  }
0x82: {  	_ =	shalt  }
0x83: {  	_ =	shalt  }
0x84: {  	_ =	shalt  }
0x85: {  	_ =	shalt  }
0x86: {  	_ =	shalt  }
0x87: {  	_ =	shalt  }
.Lfunc_end0:
.L_simem_size_0:
called_computation.2_lowered:
.L_overlay_start_0:
0x88: {  	s2 =	sld [smem:$0x3FD9]  }
0x89: {  	s3 =	sld [smem:$0x3FFE];
	_ =	sdelay $0x1  }
0x8a: {  	s1 =	srdreg.scid  }
0x8b: {  	s0 =	sand.u32 $0x1, s1  }
0x8c: {  	s16 =	sshll.u32 s0, $0xA;
	s2 =	sadd.s32 s3, s2  }
0x8d: {  	s2 =	sadd.s32 s2, s16  }
0x8e: {  	[smem:$0x3FBC] =	sst s2  }
0x8f: {  	_ = 	snop  }
0x90: {  	(tm) =	ssettm $0x1  }
0x91: {  	s17 =	sld [smem:$0x3FFB];
	_ =	sdelay $0x3  }
0x92: {  	_ =	strace s17  }
0x93: {  	s2 =	sld [smem:$0x3FFC];
	_ =	sdelay $0x3  }
0x94: {  	_ =	strace s2  }
0x95: {  	s2 =	sld [smem:$0x3FFD];
	_ =	sdelay $0x3  }
0x96: {  	_ =	strace s2  }
0x97: {  	_ =	strace $0x8FFFFFFF  }
0x98: {  	s18 =	sld [smem:$0x3FDB];
	_ =	sdelay $0x1  }
0x99: {  	s19 =	simm.s32 $_scs_section_size  }
0x9a: {  	s4 =	simm.s32 $_size__tile_overlayer_lowered;
	s5 =	simm.s32 $_tile_overlayer_lowered  }
0x9b: {  	s22 =	simm.s32 $0x1BFF;
	s21 =	sshll.u32 s5, $0x1;
	s2 =	sadd.s32 s19, s18  }
0x9c: {  	s6 =	simm.s32 $0x0;
	s20 =	sshll.u32 s4, $0x1;
	s4 =	sadd.s32 s21, s2  }
0x9d: {  	[timem:s6], [sflag:s22] =	dma.local [hbm:s4], s20  }
0x9e: {  	_ =	swait.ge [sflag:s22], s20  }
0x9f: {  	s3 =	ssub.s32 $0x0, s20;
	[sflag:s22] =	ssyncset.done $0x0  }
0xa0: {  	[sflag:s22] =	ssyncadd.s32 s3;
	_ =	sdelay $0x1  }
0xa1: {  	s23 =	simm.s32 $0x1B8B  }
0xa2: {  	_ =	swait.ge [sflag:s23], $0x1  }
0xa3: {  	[sflag:s23] =	ssyncset.done $0x0  }
0xa4: {  	s25 =	simm.s32 $0x1B8E;
	s24 =	sld [smem:$0x3FFE];
	[sflag:s23] =	ssyncadd.s32 $0xFFFFFFFF  }
0xa5: {  	s26 =	simm.s32 $execute0_lowered;
	[smem:$0x3FD2] =	sst s25  }
0xa6: {  	s4 =	sshll.u32 s26, $0x1;
	_ =	strace $0x8000004C;
	[dreg:$0x1] =	wrdreg $0xFFFFFFFF  }
0xa7: {  	s28 =	simm.s32 $_size_execute0_lowered;
	s2 =	sadd.s32 s2, s4;
	[dreg:$0x0] =	wrdreg $0x0  }
0xa8: {  	s4 =	sshll.u32 s28, $0x1;
	[dreg:$0x2] =	wrdreg s2  }
0xa9: {  	[dreg:$0x3] =	wrdreg s4  }
0xaa: {  	[dreg:$0x4] =	wrdreg $0xC0  }
0xab: {  	_ =	task [dreg:s6], $0x5FFFF  }
0xac: {  	[dreg:$0x1] =	wrdreg $0xFFFFFFFF  }
0xad: {  	[dreg:$0x0] =	wrdreg $0x60  }
0xae: {  	[dreg:$0x2] =	wrdreg s24  }
0xaf: {  	[dreg:$0x3] =	wrdreg $0xB0000  }
0xb0: {  	[dreg:$0x4] =	wrdreg $0x9  }
0xb1: {  	_ =	task.clear_ibuf [dreg:s6], $0x5FFFF;
	_ =	strace $0x9000004C  }
0xb2: {  	s29 =	simm.s32 $0x9;
	_ =	strace $0x8000004E  }
0xb3: {  	_ =	swait.ge [sflag:s29], $0x1  }
0xb4: {  	[sflag:s29] =	ssyncadd.s32 $0xFFFFFFFF  }
0xb5: {  	_ =	strace $0x9000004E  }
0xb6: {  	_ =	sfence  }
0xb7: {  	s30 =	sld [smem:$0x0];
	_ =	sdelay $0x2  }
0xb8: {  	s31 =	sshll.u32 s1, $0xD;
	s1 =	sshrl.u32 s1, $0x2  }
0xb9: {  	s3 =	sand.u32 $0x4000, s31;
	s1 =	sadd.s32 s1, s30  }
0xba: {  	s0 =	sor.u32 s3, s0;
	s1 =	sshll.u32 s1, $0x11  }
0xbb: {  	s0 =	sor.u32 s1, s0  }
0xbc: {  	s0 =	sadd.s32 $0x8F2B, s0  }
0xbd: {  	[sflag:s0] =	ssyncadd.remote.s32 $0x1  }
0xbe: {  	_ =	sfence.sel $0xFFFF  }
0xbf: {  	[dreg:$0x0] =	wrdreg $0xFFFFFFFF;
	(pc) =	sbr.abs _section_cstart, $3  }
0xc0: {  	[dreg:$0x1] =	wrdreg $0xFFFFFFFF  }
0xc1: {  	_ =	task.clear_ibuf [dreg:s6], $0x2FFFF;
	_ =	strace $0x9FFFFFFF  }
0xc2: {  	(tm) =	ssettm $0x7FFFFFFF  }
0xc3: {  	_ =	shalt  }
tec
execute0_lowered:
.L_overlay_start_1:
0x0: {  	(tag) =	ssettag $0x1  }
0x1: {  	s1 =	rddreg [dreg:$0x0]  }
0x2: {  	s2 =	rddreg [dreg:$0x1];
	s28 =	simm.s32 $0x0  }
0x3: {  	s21 =	simm.s32 $0x80;
	[smem:$0x7FF] =	sst s28  }
0x4: {  	s22 =	simm.s32 $0x100;
	_ =	strace $0x8000004D;
	[dreg:$0x5] =	wrdreg s21  }
0x5: {  	s24 =	simm.s32 $0x180;
	[dreg:$0x6] =	wrdreg s22  }
0x6: {  	s25 =	simm.s32 $0x200;
	[dreg:$0x7] =	wrdreg s24  }
0x7: {  	s9 =	simm.s32 $0x280;
	[dreg:$0x8] =	wrdreg s25  }
0x8: {  	s11 =	simm.s32 $0x300;
	[dreg:$0x9] =	wrdreg s9  }
0x9: {  	s13 =	simm.s32 $0x380;
	[dreg:$0xa] =	wrdreg s11  }
0xa: {  	s15 =	simm.s32 $0x400;
	[dreg:$0xb] =	wrdreg s13  }
0xb: {  	[dreg:$0xc] =	wrdreg s15;
	s21 =	simm.s32 $0x500  }
0xc: {  	s22 =	simm.s32 $0x980;
	[dreg:$0x10] =	wrdreg s21  }
0xd: {  	s24 =	simm.s32 $0x580;
	[dreg:$0x11] =	wrdreg s22  }
0xe: {  	s0 =	srdreg.scid;
	s25 =	simm.s32 $0xA00;
	[dreg:$0x12] =	wrdreg s24  }
0xf: {  	s8 =	stileid.u32;
	s11 =	simm.s32 $0x680;
	[dreg:$0x13] =	wrdreg s25  }
0x10: {  	s31 =	simm.s32 $0x12;
	s13 =	simm.s32 $0x700;
	[dreg:$0x16] =	wrdreg s11  }
0x11: {  	s30 =	simm.s32 $0x1000;
	s15 =	simm.s32 $0x780;
	[dreg:$0x18] =	wrdreg s13  }
0x12: {  	s5 =	smul.u32 $0x50000, s8;
	[dreg:$0x1a] =	wrdreg s15;
	s21 =	simm.s32 $0xE00  }
0x13: {  	s3 =	sand.u32 $0x1, s0;
	s22 =	simm.s32 $0xE80;
	[dreg:$0x1f] =	wrdreg s21  }
0x14: {  	s5 =	sshrl.u32 s5, $0x2;
	s24 =	simm.s32 $0xF80;
	[smem:$0x7F8] =	sst s22  }
0x15: {  	s4 =	smul.u32 $0xA000, s8;
	s29 =	sadd.s32 s5, s2;
	[smem:$0x7FA] =	sst s24  }
0x16: {  	s0 =	smul.u32 $0xA0000, s3;
	s5 =	sadd.s32 $0x2000, s29;
	[smem:$0x7FD] =	sst s29  }
0x17: {  	s16 =	ssub.s32 $0x2, s3;
	s18 =	sadd.s32 $0x4000, s29;
	[smem:$0x7EA] =	sst s5  }
0x18: {  	s3 =	smul.u32 $0x140000, s3;
	s20 =	sadd.s32 $0x6000, s29;
	[smem:$0x7EB] =	sst s18  }
0x19: {  	s7 =	sshrl.u32 s16, $0x1;
	s23 =	sadd.s32 $0x8000, s29;
	[smem:$0x7EC] =	sst s20  }
0x1a: {  	s0 =	sadd.s32 s4, s0;
	s10 =	sadd.s32 $0xC000, s29;
	[smem:$0x7ED] =	sst s23  }
0x1b: {  	s0 =	sshrl.u32 s0, $0x3;
	s12 =	sadd.s32 $0xE000, s29;
	[smem:$0x7EF] =	sst s10  }
0x1c: {  	s14 =	sadd.s32 $0x10000, s29;
	s6 =	sadd.s32 s0, s1;
	[smem:$0x7F0] =	sst s12  }
0x1d: {  	s0 =	ssub.s32 s16, s7;
	[smem:$0x7F1] =	sst s14;
	s16 =	simm.s32 $0x880  }
0x1e: {  	s11 =	simm.s32 $0x9;
	s18 =	simm.s32 $0x480;
	[dreg:$0xd] =	wrdreg s16  }
0x1f: {  	s13 =	simm.s32 $0xA;
	s20 =	simm.s32 $0x900;
	[dreg:$0xe] =	wrdreg s18  }
0x20: {  	s15 =	simm.s32 $0xB;
	s10 =	simm.s32 $0xA80;
	[dreg:$0xf] =	wrdreg s20  }
0x21: {  	s4 =	sadd.s32 $0xA2C00, s1;
	s12 =	simm.s32 $0xB00;
	[dreg:$0x15] =	wrdreg s10  }
0x22: {  	s24 =	simm.s32 $0x6;
	s14 =	simm.s32 $0xB80;
	[dreg:$0x17] =	wrdreg s12  }
0x23: {  	s1 =	sadd.s32 $0xCAC00, s1;
	s17 =	sadd.s32 $0x2C00, s6;
	[dreg:$0x19] =	wrdreg s14  }
0x24: {  	s5 =	simm.s32 $0xF;
	s19 =	sadd.s32 $0x7AC00, s6;
	[dreg:$0x3] =	wrdreg s17  }
0x25: {  	s6 =	smul.u32 $0x14000, s8;
	s16 =	simm.s32 $0xC00;
	[dreg:$0x4] =	wrdreg s19  }
0x26: {  	s18 =	simm.s32 $0xD00;
	s20 =	simm.s32 $0xD80;
	[dreg:$0x1b] =	wrdreg s16  }
0x27: {  	s0 =	smax.u32 s0, $0x1;
	s12 =	simm.s32 $0x2;
	[dreg:$0x1d] =	wrdreg s18  }
0x28: {  	s14 =	simm.s32 $0x3;
	s10 =	simm.s32 $0x7;
	[smem:$0x7F7] =	sst s0  }
0x29: {  	s17 =	sadd.s32 $0x12000, s29;
	[dreg:$0x1e] =	wrdreg s20;
	s0 =	simm.s32 $0x0  }
0x2a: {  	s16 =	simm.s32 $0x4;
	s18 =	simm.s32 $0x5;
	s20 =	simm.s32 $0x8  }
0x2b: {  	s7 =	sadd.s32 $0xA000, s6;
	[smem:$0x7F2] =	sst s17;
	s19 =	sadd.s32 s6, s3  }
0x2c: {  	s23 =	sadd.s32 $0x5000, s6;
	s6 =	sadd.s32 $0xF000, s6;
	s17 =	simm.s32 $0xC80  }
0x2d: {  	s26 =	sadd.s32 s7, s2;
	s8 =	sshrl.u32 s19, $0x3;
	s9 =	sadd.s32 s3, s23  }
0x2e: {  	s7 =	sadd.s32 s3, s7;
	s3 =	sadd.s32 s3, s6;
	[dreg:$0x1c] =	wrdreg s17  }
0x2f: {  	s19 =	sadd.s32 s6, s2;
	[smem:$0x7EE] =	sst s26;
	s8 =	sadd.s32 s1, s8  }
0x30: {  	s9 =	sshrl.u32 s9, $0x3;
	s26 =	simm.s32 $0x600;
	[smem:$0x7F3] =	sst s8  }
0x31: {  	s7 =	sshrl.u32 s7, $0x3;
	s9 =	sadd.s32 s1, s9;
	[dreg:$0x14] =	wrdreg s26  }
0x32: {  	s3 =	sshrl.u32 s3, $0x3;
	s7 =	sadd.s32 s1, s7;
	[smem:$0x7F4] =	sst s9  }
0x33: {  	s17 =	simm.s32 $0xC;
	s1 =	sadd.s32 s1, s3;
	[smem:$0x7F5] =	sst s7  }
0x34: {  	s8 =	sadd.s32 s23, s2;
	s23 =	simm.s32 $0xF00;
	[smem:$0x7F6] =	sst s1  }
0x35: {  	s26 =	sshrl.u32 s19, $0x3;
	s19 =	simm.s32 $0xD;
	[smem:$0x7F9] =	sst s23  }
0x36: {  	s25 =	sshrl.u32 s8, $0x3;
	[smem:$0x7FC] =	sst s26;
	s26 =	simm.s32 $0x20  }
0x37: {  	v0 =	vimm.f32 $0.0e+00;
	s9 =	simm.s32 $0x1;
	[smem:$0x7FB] =	sst s25;
	s25 =	simm.s32 $0xE  }
.LBB2_1:
0x38: {  	[smem:$0x7E9] =	sst s0;
	s21 =	simm.s32 $0x0;
	s23 =	simm.s32 $0x200  }
.LBB2_2:
0x39: {  	p0 =	sne.s32 s23, $0x7E00;
	[tilespmem:s21+$0x9070] =	vst v0  }
0x3a: {  	[tilespmem:s21+$0x9000] =	vst v0  }
0x3b: {  	[tilespmem:s21+$0x9010] =	vst v0  }
.Ltmp0:
0x3c: {  	[tilespmem:s21+$0x9020] =	vst v0;
	(pc) =	sbr.rel @p0 .LBB2_2-.Ltmp0, $4  }
0x3d: {  	[tilespmem:s21+$0x9030] =	vst v0  }
0x3e: {  	[tilespmem:s21+$0x9040] =	vst v0  }
0x3f: {  	[tilespmem:s21+$0x9050] =	vst v0  }
0x40: {  	[tilespmem:s21+$0x9060] =	vst v0;
	s21 =	sshra.s32 s23, $0x2;
	s23 =	sadd.s32 $0x200, s23  }
0x41: {  	[tilespmem:s21+$0x9070] =	vst v0  }
0x42: {  	[tilespmem:s21+$0x9000] =	vst v0  }
0x43: {  	[tilespmem:s21+$0x9010] =	vst v0  }
0x44: {  	[tilespmem:s21+$0x9020] =	vst v0  }
0x45: {  	[tilespmem:s21+$0x9030] =	vst v0  }
0x46: {  	[tilespmem:s21+$0x9040] =	vst v0  }
0x47: {  	[tilespmem:s21+$0x9050] =	vst v0  }
0x48: {  	[tilespmem:s21+$0x9060] =	vst v0;
	s21 =	simm.s32 $0x9000;
	s3 =	sld [smem:$0x7EA]  }
0x49: {  	[spmem:s29] =	stream.linear.scatter [tilespmem:s21], [sflag:$0x11], $0x2000, $0x38;
	[tilespmem:$0x1F000] =	vst v63  }
0x4a: {  	s1 =	sld [smem:$0x7EB]  }
0x4b: {  	[spmem:s3] =	stream.linear.scatter [tilespmem:s21], [sflag:$0x11], $0x2000, $0x38;
	[tilespmem:$0x1F000] =	vst v63  }
0x4c: {  	s6 =	sld [smem:$0x7EC]  }
0x4d: {  	[spmem:s1] =	stream.linear.scatter [tilespmem:s21], [sflag:$0x11], $0x2000, $0x38;
	[tilespmem:$0x1F000] =	vst v63  }
0x4e: {  	s7 =	sld [smem:$0x7ED]  }
0x4f: {  	[spmem:s6] =	stream.linear.scatter [tilespmem:s21], [sflag:$0x11], $0x2000, $0x38;
	[tilespmem:$0x1F000] =	vst v63  }
0x50: {  	s8 =	sld [smem:$0x7EE]  }
0x51: {  	[spmem:s7] =	stream.linear.scatter [tilespmem:s21], [sflag:$0x11], $0x2000, $0x38;
	[tilespmem:$0x1F000] =	vst v63  }
0x52: {  	s22 =	sld [smem:$0x7EF]  }
0x53: {  	[spmem:s8] =	stream.linear.scatter [tilespmem:s21], [sflag:$0x11], $0x2000, $0x38;
	[tilespmem:$0x1F000] =	vst v63  }
0x54: {  	s23 =	sld [smem:$0x7F0]  }
0x55: {  	[spmem:s22] =	stream.linear.scatter [tilespmem:s21], [sflag:$0x11], $0x2000, $0x38;
	[tilespmem:$0x1F000] =	vst v63  }
0x56: {  	s29 =	sld [smem:$0x7F1]  }
0x57: {  	[spmem:s23] =	stream.linear.scatter [tilespmem:s21], [sflag:$0x11], $0x2000, $0x38;
	[tilespmem:$0x1F000] =	vst v63  }
0x58: {  	s0 =	sld [smem:$0x7F2]  }
0x59: {  	[spmem:s29] =	stream.linear.scatter [tilespmem:s21], [sflag:$0x11], $0x2000, $0x38;
	[tilespmem:$0x1F000] =	vst v63  }
0x5a: {  	s1 =	simm.s32 $0x11  }
0x5b: {  	[spmem:s0] =	stream.linear.scatter [tilespmem:s21], [sflag:$0x11], $0x2000, $0x38;
	[tilespmem:$0x1F000] =	vst v63  }
0x5c: {  	_ =	swait.ge [sflag:s1], $0x2000  }
0x5d: {  	[sflag:s1] =	ssyncset.done $0x0  }
0x5e: {  	[sflag:s1] =	ssyncadd.s32 $0xFFFFE000  }
0x5f: {  	_ =	swait.ge [sflag:s1], $0x2000  }
0x60: {  	[sflag:s1] =	ssyncset.done $0x0  }
0x61: {  	[sflag:s1] =	ssyncadd.s32 $0xFFFFE000  }
0x62: {  	_ =	swait.ge [sflag:s1], $0x2000  }
0x63: {  	[sflag:s1] =	ssyncset.done $0x0  }
0x64: {  	[sflag:s1] =	ssyncadd.s32 $0xFFFFE000  }
0x65: {  	_ =	swait.ge [sflag:s1], $0x2000  }
0x66: {  	[sflag:s1] =	ssyncset.done $0x0  }
0x67: {  	[sflag:s1] =	ssyncadd.s32 $0xFFFFE000  }
0x68: {  	_ =	swait.ge [sflag:s1], $0x2000  }
0x69: {  	[sflag:s1] =	ssyncset.done $0x0  }
0x6a: {  	[sflag:s1] =	ssyncadd.s32 $0xFFFFE000  }
0x6b: {  	_ =	swait.ge [sflag:s1], $0x2000  }
0x6c: {  	[sflag:s1] =	ssyncset.done $0x0  }
0x6d: {  	[sflag:s1] =	ssyncadd.s32 $0xFFFFE000  }
0x6e: {  	_ =	swait.ge [sflag:s1], $0x2000  }
0x6f: {  	[sflag:s1] =	ssyncset.done $0x0  }
0x70: {  	[sflag:s1] =	ssyncadd.s32 $0xFFFFE000  }
0x71: {  	_ =	swait.ge [sflag:s1], $0x2000  }
0x72: {  	[sflag:s1] =	ssyncset.done $0x0  }
0x73: {  	[sflag:s1] =	ssyncadd.s32 $0xFFFFE000  }
0x74: {  	_ =	swait.ge [sflag:s1], $0x2000  }
0x75: {  	[sflag:s1] =	ssyncset.done $0x0  }
0x76: {  	[sflag:s1] =	ssyncadd.s32 $0xFFFFE000  }
0x77: {  	_ =	swait.ge [sflag:s1], $0x2000  }
0x78: {  	[sflag:s1] =	ssyncset.done $0x0  }
0x79: {  	[sflag:s1] =	ssyncadd.s32 $0xFFFFE000  }
0x7a: {  	[bflag:$0x0] =	sbarrier.arrive $0xFFFF  }
0x7b: {  	s6 =	rddreg [dreg:$0x4]  }
0x7c: {  	s3 =	sadd.s32 $0x0, s6  }
0x7d: {  	[tilespmem:s28], [sflag:$0x12] =	stream.linear.gather [hbm4b:s3+s28], $0x800, $0x38;
	[tilespmem:$0x1F000] =	vst v63  }
0x7e: {  	_ =	swait.ge [sflag:s31], $0x800  }
0x7f: {  	s7 =	rddreg [dreg:$0x3];
	[sflag:s31] =	ssyncset.done $0x0  }
0x80: {  	s8 =	simm.s32 $0x800;
	[sflag:s31] =	ssyncadd.s32 $0xFFFFF800;
	s3 =	sadd.s32 $0x0, s7  }
0x81: {  	[tilespmem:s8], [sflag:$0x12] =	stream.linear.gather [hbm4b:s3+s28], $0x800, $0x38;
	[tilespmem:$0x1F000] =	vst v63  }
0x82: {  	_ =	swait.ge [sflag:s31], $0x800  }
0x83: {  	[sflag:s31] =	ssyncset.done $0x0  }
0x84: {  	[sflag:s31] =	ssyncadd.s32 $0xFFFFF800  }
0x85: {  	[tilespmem:s30], [sflag:$0x1] =	stream.indirect.gather [hbm4b:s4+s26], $0x80, s28, s26, $0xb8;
	[tilespmem:$0x1F000] =	vst v63  }
0x86: {  	s8 =	simm.s32 $0x2000;
	s22 =	rddreg [dreg:$0x5]  }
0x87: {  	[tilespmem:s8], [sflag:$0x2] =	stream.indirect.gather [hbm4b:s4+s26], $0x80, s22, s26, $0xb8;
	[tilespmem:$0x1F000] =	vst v63  }
0x88: {  	s28 =	rddreg [dreg:$0x6];
	s22 =	simm.s32 $0x3000  }
0x89: {  	[tilespmem:s22], [sflag:$0x3] =	stream.indirect.gather [hbm4b:s4+s26], $0x80, s28, s26, $0xb8;
	[tilespmem:$0x1F000] =	vst v63  }
0x8a: {  	s29 =	rddreg [dreg:$0x7];
	s28 =	simm.s32 $0x4000  }
0x8b: {  	[tilespmem:s28], [sflag:$0x4] =	stream.indirect.gather [hbm4b:s4+s26], $0x80, s29, s26, $0xb8;
	[tilespmem:$0x1F000] =	vst v63  }
0x8c: {  	s1 =	simm.s32 $0x5000;
	s0 =	rddreg [dreg:$0x8]  }
0x8d: {  	[tilespmem:s1], [sflag:$0x5] =	stream.indirect.gather [hbm4b:s4+s26], $0x80, s0, s26, $0xb8;
	[tilespmem:$0x1F000] =	vst v63  }
0x8e: {  	s6 =	rddreg [dreg:$0x9];
	s0 =	simm.s32 $0x6000  }
0x8f: {  	[tilespmem:s0], [sflag:$0x6] =	stream.indirect.gather [hbm4b:s4+s26], $0x80, s6, s26, $0xb8;
	[tilespmem:$0x1F000] =	vst v63  }
0x90: {  	s7 =	rddreg [dreg:$0xa];
	s6 =	simm.s32 $0x7000  }
0x91: {  	[tilespmem:s6], [sflag:$0x7] =	stream.indirect.gather [hbm4b:s4+s26], $0x80, s7, s26, $0xb8;
	[tilespmem:$0x1F000] =	vst v63  }
0x92: {  	s29 =	rddreg [dreg:$0xb];
	s7 =	simm.s32 $0x8000  }
0x93: {  	[tilespmem:s7], [sflag:$0x8] =	stream.indirect.gather [hbm4b:s4+s26], $0x80, s29, s26, $0xb8;
	[tilespmem:$0x1F000] =	vst v63  }
0x94: {  	_ =	swait.ge [sflag:s9], $0x1000  }
0x95: {  	[sflag:s9] =	ssyncset.done $0x0  }
0x96: {  	s23 =	simm.s32 $0x800;
	[sflag:s9] =	ssyncadd.s32 $0xFFFFF000  }
0x97: {  	[spmem:s2] =	stream.indirect.scatter.add.f32 [tilespmem:s30], [sflag:$0x9], $0x80, s23, s26, $0xb8;
	[tilespmem:$0x1F000] =	vst v63  }
0x98: {  	_ =	swait.ge [sflag:s11], $0x1000  }
0x99: {  	[sflag:s11] =	ssyncset.done $0x0  }
0x9a: {  	s23 =	rddreg [dreg:$0xc];
	[sflag:s11] =	ssyncadd.s32 $0xFFFFF000  }
0x9b: {  	[tilespmem:s30], [sflag:$0x1] =	stream.indirect.gather [hbm4b:s4+s26], $0x80, s23, s26, $0xb8;
	[tilespmem:$0x1F000] =	vst v63  }
0x9c: {  	_ =	swait.ge [sflag:s12], $0x1000  }
0x9d: {  	[sflag:s12] =	ssyncset.done $0x0  }
0x9e: {  	s29 =	rddreg [dreg:$0xd];
	[sflag:s12] =	ssyncadd.s32 $0xFFFFF000  }
0x9f: {  	[spmem:s2] =	stream.indirect.scatter.add.f32 [tilespmem:s8], [sflag:$0xA], $0x80, s29, s26, $0xb8;
	[tilespmem:$0x1F000] =	vst v63  }
0xa0: {  	_ =	swait.ge [sflag:s13], $0x1000  }
0xa1: {  	[sflag:s13] =	ssyncset.done $0x0  }
0xa2: {  	s21 =	rddreg [dreg:$0xe];
	[sflag:s13] =	ssyncadd.s32 $0xFFFFF000  }
0xa3: {  	[tilespmem:s8], [sflag:$0x2] =	stream.indirect.gather [hbm4b:s4+s26], $0x80, s21, s26, $0xb8;
	[tilespmem:$0x1F000] =	vst v63  }
0xa4: {  	_ =	swait.ge [sflag:s14], $0x1000  }
0xa5: {  	[sflag:s14] =	ssyncset.done $0x0  }
0xa6: {  	s23 =	rddreg [dreg:$0xf];
	[sflag:s14] =	ssyncadd.s32 $0xFFFFF000  }
0xa7: {  	[spmem:s2] =	stream.indirect.scatter.add.f32 [tilespmem:s22], [sflag:$0xB], $0x80, s23, s26, $0xb8;
	[tilespmem:$0x1F000] =	vst v63  }
0xa8: {  	_ =	swait.ge [sflag:s15], $0x1000  }
0xa9: {  	[sflag:s15] =	ssyncset.done $0x0  }
0xaa: {  	s29 =	rddreg [dreg:$0x10];
	[sflag:s15] =	ssyncadd.s32 $0xFFFFF000  }
0xab: {  	[tilespmem:s22], [sflag:$0x3] =	stream.indirect.gather [hbm4b:s4+s26], $0x80, s29, s26, $0xb8;
	[tilespmem:$0x1F000] =	vst v63  }
0xac: {  	_ =	swait.ge [sflag:s16], $0x1000  }
0xad: {  	[sflag:s16] =	ssyncset.done $0x0  }
0xae: {  	s21 =	rddreg [dreg:$0x11];
	[sflag:s16] =	ssyncadd.s32 $0xFFFFF000  }
0xaf: {  	[spmem:s2] =	stream.indirect.scatter.add.f32 [tilespmem:s28], [sflag:$0xC], $0x80, s21, s26, $0xb8;
	[tilespmem:$0x1F000] =	vst v63  }
0xb0: {  	_ =	swait.ge [sflag:s17], $0x1000  }
0xb1: {  	[sflag:s17] =	ssyncset.done $0x0  }
0xb2: {  	s23 =	rddreg [dreg:$0x12];
	[sflag:s17] =	ssyncadd.s32 $0xFFFFF000  }
0xb3: {  	[tilespmem:s28], [sflag:$0x4] =	stream.indirect.gather [hbm4b:s4+s26], $0x80, s23, s26, $0xb8;
	[tilespmem:$0x1F000] =	vst v63  }
0xb4: {  	_ =	swait.ge [sflag:s18], $0x1000  }
0xb5: {  	[sflag:s18] =	ssyncset.done $0x0  }
0xb6: {  	s29 =	rddreg [dreg:$0x13];
	[sflag:s18] =	ssyncadd.s32 $0xFFFFF000  }
0xb7: {  	[spmem:s2] =	stream.indirect.scatter.add.f32 [tilespmem:s1], [sflag:$0xD], $0x80, s29, s26, $0xb8;
	[tilespmem:$0x1F000] =	vst v63  }
0xb8: {  	_ =	swait.ge [sflag:s19], $0x1000  }
0xb9: {  	[sflag:s19] =	ssyncset.done $0x0  }
0xba: {  	s21 =	rddreg [dreg:$0x14];
	[sflag:s19] =	ssyncadd.s32 $0xFFFFF000  }
0xbb: {  	[tilespmem:s1], [sflag:$0x5] =	stream.indirect.gather [hbm4b:s4+s26], $0x80, s21, s26, $0xb8;
	[tilespmem:$0x1F000] =	vst v63  }
0xbc: {  	_ =	swait.ge [sflag:s24], $0x1000  }
0xbd: {  	[sflag:s24] =	ssyncset.done $0x0  }
0xbe: {  	s23 =	rddreg [dreg:$0x15];
	[sflag:s24] =	ssyncadd.s32 $0xFFFFF000  }
0xbf: {  	[spmem:s2] =	stream.indirect.scatter.add.f32 [tilespmem:s0], [sflag:$0xE], $0x80, s23, s26, $0xb8;
	[tilespmem:$0x1F000] =	vst v63  }
0xc0: {  	_ =	swait.ge [sflag:s25], $0x1000  }
0xc1: {  	[sflag:s25] =	ssyncset.done $0x0  }
0xc2: {  	s29 =	rddreg [dreg:$0x16];
	[sflag:s25] =	ssyncadd.s32 $0xFFFFF000  }
0xc3: {  	[tilespmem:s0], [sflag:$0x6] =	stream.indirect.gather [hbm4b:s4+s26], $0x80, s29, s26, $0xb8;
	[tilespmem:$0x1F000] =	vst v63  }
0xc4: {  	_ =	swait.ge [sflag:s10], $0x1000  }
0xc5: {  	[sflag:s10] =	ssyncset.done $0x0  }
0xc6: {  	s21 =	rddreg [dreg:$0x17];
	[sflag:s10] =	ssyncadd.s32 $0xFFFFF000  }
0xc7: {  	[spmem:s2] =	stream.indirect.scatter.add.f32 [tilespmem:s6], [sflag:$0xF], $0x80, s21, s26, $0xb8;
	[tilespmem:$0x1F000] =	vst v63  }
0xc8: {  	_ =	swait.ge [sflag:s5], $0x1000  }
0xc9: {  	[sflag:s5] =	ssyncset.done $0x0  }
0xca: {  	s23 =	rddreg [dreg:$0x18];
	[sflag:s5] =	ssyncadd.s32 $0xFFFFF000  }
0xcb: {  	[tilespmem:s6], [sflag:$0x7] =	stream.indirect.gather [hbm4b:s4+s26], $0x80, s23, s26, $0xb8;
	[tilespmem:$0x1F000] =	vst v63  }
0xcc: {  	_ =	swait.ge [sflag:s20], $0x1000  }
0xcd: {  	[sflag:s20] =	ssyncset.done $0x0  }
0xce: {  	s3 =	simm.s32 $0x10;
	s29 =	rddreg [dreg:$0x19];
	[sflag:s20] =	ssyncadd.s32 $0xFFFFF000  }
0xcf: {  	[spmem:s2] =	stream.indirect.scatter.add.f32 [tilespmem:s7], [sflag:$0x10], $0x80, s29, s26, $0xb8;
	[tilespmem:$0x1F000] =	vst v63  }
0xd0: {  	_ =	swait.ge [sflag:s3], $0x1000  }
0xd1: {  	[sflag:s3] =	ssyncset.done $0x0  }
0xd2: {  	s23 =	rddreg [dreg:$0x1a];
	[sflag:s3] =	ssyncadd.s32 $0xFFFFF000  }
0xd3: {  	[tilespmem:s7], [sflag:$0x8] =	stream.indirect.gather [hbm4b:s4+s26], $0x80, s23, s26, $0xb8;
	[tilespmem:$0x1F000] =	vst v63  }
0xd4: {  	_ =	swait.ge [sflag:s9], $0x1000  }
0xd5: {  	[sflag:s9] =	ssyncset.done $0x0  }
0xd6: {  	s29 =	rddreg [dreg:$0x1b];
	[sflag:s9] =	ssyncadd.s32 $0xFFFFF000  }
0xd7: {  	[spmem:s2] =	stream.indirect.scatter.add.f32 [tilespmem:s30], [sflag:$0x9], $0x80, s29, s26, $0xb8;
	[tilespmem:$0x1F000] =	vst v63  }
0xd8: {  	_ =	swait.ge [sflag:s12], $0x1000  }
0xd9: {  	[sflag:s12] =	ssyncset.done $0x0  }
0xda: {  	s30 =	rddreg [dreg:$0x1c];
	[sflag:s12] =	ssyncadd.s32 $0xFFFFF000  }
0xdb: {  	[spmem:s2] =	stream.indirect.scatter.add.f32 [tilespmem:s8], [sflag:$0xA], $0x80, s30, s26, $0xb8;
	[tilespmem:$0x1F000] =	vst v63  }
0xdc: {  	_ =	swait.ge [sflag:s14], $0x1000  }
0xdd: {  	[sflag:s14] =	ssyncset.done $0x0  }
0xde: {  	s21 =	rddreg [dreg:$0x1d];
	[sflag:s14] =	ssyncadd.s32 $0xFFFFF000  }
0xdf: {  	[spmem:s2] =	stream.indirect.scatter.add.f32 [tilespmem:s22], [sflag:$0xB], $0x80, s21, s26, $0xb8;
	[tilespmem:$0x1F000] =	vst v63  }
0xe0: {  	_ =	swait.ge [sflag:s16], $0x1000  }
0xe1: {  	[sflag:s16] =	ssyncset.done $0x0  }
0xe2: {  	s22 =	rddreg [dreg:$0x1e];
	[sflag:s16] =	ssyncadd.s32 $0xFFFFF000  }
0xe3: {  	[spmem:s2] =	stream.indirect.scatter.add.f32 [tilespmem:s28], [sflag:$0xC], $0x80, s22, s26, $0xb8;
	[tilespmem:$0x1F000] =	vst v63  }
0xe4: {  	_ =	swait.ge [sflag:s18], $0x1000  }
0xe5: {  	[sflag:s18] =	ssyncset.done $0x0  }
0xe6: {  	s23 =	rddreg [dreg:$0x1f];
	[sflag:s18] =	ssyncadd.s32 $0xFFFFF000  }
0xe7: {  	[spmem:s2] =	stream.indirect.scatter.add.f32 [tilespmem:s1], [sflag:$0xD], $0x80, s23, s26, $0xb8;
	[tilespmem:$0x1F000] =	vst v63  }
0xe8: {  	_ =	swait.ge [sflag:s24], $0x1000  }
0xe9: {  	s28 =	sld [smem:$0x7F8]  }
0xea: {  	[sflag:s24] =	ssyncset.done $0x0  }
0xeb: {  	[sflag:s24] =	ssyncadd.s32 $0xFFFFF000  }
0xec: {  	[spmem:s2] =	stream.indirect.scatter.add.f32 [tilespmem:s0], [sflag:$0xE], $0x80, s28, s26, $0xb8;
	[tilespmem:$0x1F000] =	vst v63  }
0xed: {  	_ =	swait.ge [sflag:s10], $0x1000  }
0xee: {  	s29 =	sld [smem:$0x7F9]  }
0xef: {  	[sflag:s10] =	ssyncset.done $0x0  }
0xf0: {  	[sflag:s10] =	ssyncadd.s32 $0xFFFFF000  }
0xf1: {  	[spmem:s2] =	stream.indirect.scatter.add.f32 [tilespmem:s6], [sflag:$0xF], $0x80, s29, s26, $0xb8;
	[tilespmem:$0x1F000] =	vst v63  }
0xf2: {  	_ =	swait.ge [sflag:s20], $0x1000  }
0xf3: {  	s30 =	sld [smem:$0x7FA]  }
0xf4: {  	[sflag:s20] =	ssyncset.done $0x0  }
0xf5: {  	[sflag:s20] =	ssyncadd.s32 $0xFFFFF000  }
0xf6: {  	[spmem:s2] =	stream.indirect.scatter.add.f32 [tilespmem:s7], [sflag:$0x10], $0x80, s30, s26, $0xb8;
	[tilespmem:$0x1F000] =	vst v63  }
0xf7: {  	_ =	swait.ge [sflag:s11], $0x1000  }
0xf8: {  	[sflag:s11] =	ssyncset.done $0x0  }
0xf9: {  	[sflag:s11] =	ssyncadd.s32 $0xFFFFF000  }
0xfa: {  	_ =	swait.ge [sflag:s13], $0x1000  }
0xfb: {  	[sflag:s13] =	ssyncset.done $0x0  }
0xfc: {  	[sflag:s13] =	ssyncadd.s32 $0xFFFFF000  }
0xfd: {  	_ =	swait.ge [sflag:s15], $0x1000  }
0xfe: {  	[sflag:s15] =	ssyncset.done $0x0  }
0xff: {  	[sflag:s15] =	ssyncadd.s32 $0xFFFFF000  }
0x100: {  	_ =	swait.ge [sflag:s17], $0x1000  }
0x101: {  	[sflag:s17] =	ssyncset.done $0x0  }
0x102: {  	[sflag:s17] =	ssyncadd.s32 $0xFFFFF000  }
0x103: {  	_ =	swait.ge [sflag:s19], $0x1000  }
0x104: {  	[sflag:s19] =	ssyncset.done $0x0  }
0x105: {  	[sflag:s19] =	ssyncadd.s32 $0xFFFFF000  }
0x106: {  	_ =	swait.ge [sflag:s25], $0x1000  }
0x107: {  	[sflag:s25] =	ssyncset.done $0x0  }
0x108: {  	[sflag:s25] =	ssyncadd.s32 $0xFFFFF000  }
0x109: {  	_ =	swait.ge [sflag:s5], $0x1000  }
0x10a: {  	[sflag:s5] =	ssyncset.done $0x0  }
0x10b: {  	s0 =	simm.s32 $0x10;
	[sflag:s5] =	ssyncadd.s32 $0xFFFFF000  }
0x10c: {  	s21 =	simm.s32 $0x100;
	_ =	swait.ge [sflag:s0], $0x1000  }
0x10d: {  	s23 =	simm.s32 $0x200;
	s3 =	rddreg [dreg:$0x4];
	[sflag:s0] =	ssyncset.done $0x0  }
.LBB2_4:
0x10e: {  	[sflag:s0] =	ssyncadd.s32 $0xFFFFF000;
	s3 =	sadd.s32 s21, s3;
	s22 =	simm.s32 $0x0  }
0x10f: {  	[tilespmem:s22], [sflag:$0x12] =	stream.linear.gather [hbm4b:s3+s22], $0x800, $0x38;
	[tilespmem:$0x1F000] =	vst v63  }
0x110: {  	_ =	swait.ge [sflag:s31], $0x800  }
0x111: {  	s29 =	rddreg [dreg:$0x3];
	[sflag:s31] =	ssyncset.done $0x0  }
0x112: {  	s30 =	simm.s32 $0x800;
	[sflag:s31] =	ssyncadd.s32 $0xFFFFF800;
	s3 =	sadd.s32 s21, s29  }
0x113: {  	[tilespmem:s30], [sflag:$0x12] =	stream.linear.gather [hbm4b:s3+s22], $0x800, $0x38;
	[tilespmem:$0x1F000] =	vst v63  }
0x114: {  	_ =	swait.ge [sflag:s31], $0x800  }
0x115: {  	[sflag:s31] =	ssyncset.done $0x0  }
0x116: {  	s30 =	simm.s32 $0x1000;
	[sflag:s31] =	ssyncadd.s32 $0xFFFFF800  }
0x117: {  	[tilespmem:s30], [sflag:$0x1] =	stream.indirect.gather [hbm4b:s4+s26], $0x80, s22, s26, $0xb8;
	[tilespmem:$0x1F000] =	vst v63  }
0x118: {  	s28 =	smov.u32 s23;
	s8 =	simm.s32 $0x2000;
	s1 =	rddreg [dreg:$0x5]  }
0x119: {  	[tilespmem:s8], [sflag:$0x2] =	stream.indirect.gather [hbm4b:s4+s26], $0x80, s1, s26, $0xb8;
	[tilespmem:$0x1F000] =	vst v63  }
0x11a: {  	s21 =	smov.u32 s28;
	s28 =	rddreg [dreg:$0x6];
	s22 =	simm.s32 $0x3000  }
0x11b: {  	[tilespmem:s22], [sflag:$0x3] =	stream.indirect.gather [hbm4b:s4+s26], $0x80, s28, s26, $0xb8;
	[tilespmem:$0x1F000] =	vst v63  }
0x11c: {  	s6 =	rddreg [dreg:$0x7];
	s31 =	simm.s32 $0x4000  }
0x11d: {  	[tilespmem:s31], [sflag:$0x4] =	stream.indirect.gather [hbm4b:s4+s26], $0x80, s6, s26, $0xb8;
	[tilespmem:$0x1F000] =	vst v63  }
0x11e: {  	s1 =	simm.s32 $0x5000;
	s28 =	rddreg [dreg:$0x8]  }
0x11f: {  	[tilespmem:s1], [sflag:$0x5] =	stream.indirect.gather [hbm4b:s4+s26], $0x80, s28, s26, $0xb8;
	[tilespmem:$0x1F000] =	vst v63  }
0x120: {  	s0 =	simm.s32 $0x6000;
	s7 =	rddreg [dreg:$0x9]  }
0x121: {  	[tilespmem:s0], [sflag:$0x6] =	stream.indirect.gather [hbm4b:s4+s26], $0x80, s7, s26, $0xb8;
	[tilespmem:$0x1F000] =	vst v63  }
0x122: {  	s6 =	simm.s32 $0x7000;
	s28 =	rddreg [dreg:$0xa]  }
0x123: {  	[tilespmem:s6], [sflag:$0x7] =	stream.indirect.gather [hbm4b:s4+s26], $0x80, s28, s26, $0xb8;
	[tilespmem:$0x1F000] =	vst v63  }
0x124: {  	s3 =	rddreg [dreg:$0xb];
	s7 =	simm.s32 $0x8000  }
0x125: {  	[tilespmem:s7], [sflag:$0x8] =	stream.indirect.gather [hbm4b:s4+s26], $0x80, s3, s26, $0xb8;
	[tilespmem:$0x1F000] =	vst v63  }
0x126: {  	_ =	swait.ge [sflag:s9], $0x1000  }
0x127: {  	[sflag:s9] =	ssyncset.done $0x0  }
0x128: {  	s28 =	simm.s32 $0x800;
	[sflag:s9] =	ssyncadd.s32 $0xFFFFF000  }
0x129: {  	[spmem:s2] =	stream.indirect.scatter.add.f32 [tilespmem:s30], [sflag:$0x9], $0x80, s28, s26, $0xb8;
	[tilespmem:$0x1F000] =	vst v63  }
0x12a: {  	_ =	swait.ge [sflag:s11], $0x1000  }
0x12b: {  	[sflag:s11] =	ssyncset.done $0x0  }
0x12c: {  	s3 =	rddreg [dreg:$0xc];
	[sflag:s11] =	ssyncadd.s32 $0xFFFFF000  }
0x12d: {  	[tilespmem:s30], [sflag:$0x1] =	stream.indirect.gather [hbm4b:s4+s26], $0x80, s3, s26, $0xb8;
	[tilespmem:$0x1F000] =	vst v63  }
0x12e: {  	_ =	swait.ge [sflag:s12], $0x1000  }
0x12f: {  	[sflag:s12] =	ssyncset.done $0x0  }
0x130: {  	s3 =	rddreg [dreg:$0xd];
	[sflag:s12] =	ssyncadd.s32 $0xFFFFF000  }
0x131: {  	[spmem:s2] =	stream.indirect.scatter.add.f32 [tilespmem:s8], [sflag:$0xA], $0x80, s3, s26, $0xb8;
	[tilespmem:$0x1F000] =	vst v63  }
0x132: {  	_ =	swait.ge [sflag:s13], $0x1000  }
0x133: {  	[sflag:s13] =	ssyncset.done $0x0  }
0x134: {  	s3 =	rddreg [dreg:$0xe];
	[sflag:s13] =	ssyncadd.s32 $0xFFFFF000  }
0x135: {  	[tilespmem:s8], [sflag:$0x2] =	stream.indirect.gather [hbm4b:s4+s26], $0x80, s3, s26, $0xb8;
	[tilespmem:$0x1F000] =	vst v63  }
0x136: {  	_ =	swait.ge [sflag:s14], $0x1000  }
0x137: {  	[sflag:s14] =	ssyncset.done $0x0  }
0x138: {  	s3 =	rddreg [dreg:$0xf];
	[sflag:s14] =	ssyncadd.s32 $0xFFFFF000  }
0x139: {  	[spmem:s2] =	stream.indirect.scatter.add.f32 [tilespmem:s22], [sflag:$0xB], $0x80, s3, s26, $0xb8;
	[tilespmem:$0x1F000] =	vst v63  }
0x13a: {  	_ =	swait.ge [sflag:s15], $0x1000  }
0x13b: {  	[sflag:s15] =	ssyncset.done $0x0  }
0x13c: {  	s3 =	rddreg [dreg:$0x10];
	[sflag:s15] =	ssyncadd.s32 $0xFFFFF000  }
0x13d: {  	[tilespmem:s22], [sflag:$0x3] =	stream.indirect.gather [hbm4b:s4+s26], $0x80, s3, s26, $0xb8;
	[tilespmem:$0x1F000] =	vst v63  }
0x13e: {  	_ =	swait.ge [sflag:s16], $0x1000  }
0x13f: {  	[sflag:s16] =	ssyncset.done $0x0  }
0x140: {  	s3 =	rddreg [dreg:$0x11];
	[sflag:s16] =	ssyncadd.s32 $0xFFFFF000  }
0x141: {  	[spmem:s2] =	stream.indirect.scatter.add.f32 [tilespmem:s31], [sflag:$0xC], $0x80, s3, s26, $0xb8;
	[tilespmem:$0x1F000] =	vst v63  }
0x142: {  	_ =	swait.ge [sflag:s17], $0x1000  }
0x143: {  	[sflag:s17] =	ssyncset.done $0x0  }
0x144: {  	s3 =	rddreg [dreg:$0x12];
	[sflag:s17] =	ssyncadd.s32 $0xFFFFF000  }
0x145: {  	[tilespmem:s31], [sflag:$0x4] =	stream.indirect.gather [hbm4b:s4+s26], $0x80, s3, s26, $0xb8;
	[tilespmem:$0x1F000] =	vst v63  }
0x146: {  	_ =	swait.ge [sflag:s18], $0x1000  }
0x147: {  	[sflag:s18] =	ssyncset.done $0x0  }
0x148: {  	s3 =	rddreg [dreg:$0x13];
	[sflag:s18] =	ssyncadd.s32 $0xFFFFF000  }
0x149: {  	[spmem:s2] =	stream.indirect.scatter.add.f32 [tilespmem:s1], [sflag:$0xD], $0x80, s3, s26, $0xb8;
	[tilespmem:$0x1F000] =	vst v63  }
0x14a: {  	_ =	swait.ge [sflag:s19], $0x1000  }
0x14b: {  	[sflag:s19] =	ssyncset.done $0x0  }
0x14c: {  	s3 =	rddreg [dreg:$0x14];
	[sflag:s19] =	ssyncadd.s32 $0xFFFFF000  }
0x14d: {  	[tilespmem:s1], [sflag:$0x5] =	stream.indirect.gather [hbm4b:s4+s26], $0x80, s3, s26, $0xb8;
	[tilespmem:$0x1F000] =	vst v63  }
0x14e: {  	_ =	swait.ge [sflag:s24], $0x1000  }
0x14f: {  	[sflag:s24] =	ssyncset.done $0x0  }
0x150: {  	s3 =	rddreg [dreg:$0x15];
	[sflag:s24] =	ssyncadd.s32 $0xFFFFF000  }
0x151: {  	[spmem:s2] =	stream.indirect.scatter.add.f32 [tilespmem:s0], [sflag:$0xE], $0x80, s3, s26, $0xb8;
	[tilespmem:$0x1F000] =	vst v63  }
0x152: {  	_ =	swait.ge [sflag:s25], $0x1000  }
0x153: {  	[sflag:s25] =	ssyncset.done $0x0  }
0x154: {  	s3 =	rddreg [dreg:$0x16];
	[sflag:s25] =	ssyncadd.s32 $0xFFFFF000  }
0x155: {  	[tilespmem:s0], [sflag:$0x6] =	stream.indirect.gather [hbm4b:s4+s26], $0x80, s3, s26, $0xb8;
	[tilespmem:$0x1F000] =	vst v63  }
0x156: {  	_ =	swait.ge [sflag:s10], $0x1000  }
0x157: {  	[sflag:s10] =	ssyncset.done $0x0  }
0x158: {  	s3 =	rddreg [dreg:$0x17];
	[sflag:s10] =	ssyncadd.s32 $0xFFFFF000  }
0x159: {  	[spmem:s2] =	stream.indirect.scatter.add.f32 [tilespmem:s6], [sflag:$0xF], $0x80, s3, s26, $0xb8;
	[tilespmem:$0x1F000] =	vst v63  }
0x15a: {  	_ =	swait.ge [sflag:s5], $0x1000  }
0x15b: {  	[sflag:s5] =	ssyncset.done $0x0  }
0x15c: {  	s3 =	rddreg [dreg:$0x18];
	[sflag:s5] =	ssyncadd.s32 $0xFFFFF000  }
0x15d: {  	[tilespmem:s6], [sflag:$0x7] =	stream.indirect.gather [hbm4b:s4+s26], $0x80, s3, s26, $0xb8;
	[tilespmem:$0x1F000] =	vst v63  }
0x15e: {  	_ =	swait.ge [sflag:s20], $0x1000  }
0x15f: {  	[sflag:s20] =	ssyncset.done $0x0  }
0x160: {  	s29 =	simm.s32 $0x10;
	s3 =	rddreg [dreg:$0x19];
	[sflag:s20] =	ssyncadd.s32 $0xFFFFF000  }
0x161: {  	[spmem:s2] =	stream.indirect.scatter.add.f32 [tilespmem:s7], [sflag:$0x10], $0x80, s3, s26, $0xb8;
	[tilespmem:$0x1F000] =	vst v63  }
0x162: {  	_ =	swait.ge [sflag:s29], $0x1000  }
0x163: {  	[sflag:s29] =	ssyncset.done $0x0  }
0x164: {  	s3 =	rddreg [dreg:$0x1a];
	[sflag:s29] =	ssyncadd.s32 $0xFFFFF000  }
0x165: {  	[tilespmem:s7], [sflag:$0x8] =	stream.indirect.gather [hbm4b:s4+s26], $0x80, s3, s26, $0xb8;
	[tilespmem:$0x1F000] =	vst v63  }
0x166: {  	_ =	swait.ge [sflag:s9], $0x1000  }
0x167: {  	[sflag:s9] =	ssyncset.done $0x0  }
0x168: {  	s29 =	rddreg [dreg:$0x1b];
	[sflag:s9] =	ssyncadd.s32 $0xFFFFF000  }
0x169: {  	[spmem:s2] =	stream.indirect.scatter.add.f32 [tilespmem:s30], [sflag:$0x9], $0x80, s29, s26, $0xb8;
	[tilespmem:$0x1F000] =	vst v63  }
0x16a: {  	_ =	swait.ge [sflag:s12], $0x1000  }
0x16b: {  	[sflag:s12] =	ssyncset.done $0x0  }
0x16c: {  	s29 =	rddreg [dreg:$0x1c];
	[sflag:s12] =	ssyncadd.s32 $0xFFFFF000  }
0x16d: {  	[spmem:s2] =	stream.indirect.scatter.add.f32 [tilespmem:s8], [sflag:$0xA], $0x80, s29, s26, $0xb8;
	[tilespmem:$0x1F000] =	vst v63  }
0x16e: {  	_ =	swait.ge [sflag:s14], $0x1000  }
0x16f: {  	[sflag:s14] =	ssyncset.done $0x0  }
0x170: {  	s8 =	rddreg [dreg:$0x1d];
	[sflag:s14] =	ssyncadd.s32 $0xFFFFF000  }
0x171: {  	[spmem:s2] =	stream.indirect.scatter.add.f32 [tilespmem:s22], [sflag:$0xB], $0x80, s8, s26, $0xb8;
	[tilespmem:$0x1F000] =	vst v63  }
0x172: {  	_ =	swait.ge [sflag:s16], $0x1000  }
0x173: {  	[sflag:s16] =	ssyncset.done $0x0  }
0x174: {  	s22 =	rddreg [dreg:$0x1e];
	[sflag:s16] =	ssyncadd.s32 $0xFFFFF000  }
0x175: {  	[spmem:s2] =	stream.indirect.scatter.add.f32 [tilespmem:s31], [sflag:$0xC], $0x80, s22, s26, $0xb8;
	[tilespmem:$0x1F000] =	vst v63  }
0x176: {  	_ =	swait.ge [sflag:s18], $0x1000  }
0x177: {  	[sflag:s18] =	ssyncset.done $0x0  }
0x178: {  	s29 =	rddreg [dreg:$0x1f];
	[sflag:s18] =	ssyncadd.s32 $0xFFFFF000  }
0x179: {  	[spmem:s2] =	stream.indirect.scatter.add.f32 [tilespmem:s1], [sflag:$0xD], $0x80, s29, s26, $0xb8;
	[tilespmem:$0x1F000] =	vst v63  }
0x17a: {  	_ =	swait.ge [sflag:s24], $0x1000  }
0x17b: {  	s8 =	sld [smem:$0x7F8]  }
0x17c: {  	[sflag:s24] =	ssyncset.done $0x0  }
0x17d: {  	[sflag:s24] =	ssyncadd.s32 $0xFFFFF000  }
0x17e: {  	[spmem:s2] =	stream.indirect.scatter.add.f32 [tilespmem:s0], [sflag:$0xE], $0x80, s8, s26, $0xb8;
	[tilespmem:$0x1F000] =	vst v63  }
0x17f: {  	_ =	swait.ge [sflag:s10], $0x1000  }
0x180: {  	s22 =	sld [smem:$0x7F9]  }
0x181: {  	[sflag:s10] =	ssyncset.done $0x0  }
0x182: {  	[sflag:s10] =	ssyncadd.s32 $0xFFFFF000  }
0x183: {  	[spmem:s2] =	stream.indirect.scatter.add.f32 [tilespmem:s6], [sflag:$0xF], $0x80, s22, s26, $0xb8;
	[tilespmem:$0x1F000] =	vst v63  }
0x184: {  	_ =	swait.ge [sflag:s20], $0x1000  }
0x185: {  	s29 =	sld [smem:$0x7FA]  }
0x186: {  	[sflag:s20] =	ssyncset.done $0x0  }
0x187: {  	[sflag:s20] =	ssyncadd.s32 $0xFFFFF000  }
0x188: {  	[spmem:s2] =	stream.indirect.scatter.add.f32 [tilespmem:s7], [sflag:$0x10], $0x80, s29, s26, $0xb8;
	[tilespmem:$0x1F000] =	vst v63  }
0x189: {  	_ =	swait.ge [sflag:s11], $0x1000  }
0x18a: {  	[sflag:s11] =	ssyncset.done $0x0  }
0x18b: {  	[sflag:s11] =	ssyncadd.s32 $0xFFFFF000  }
0x18c: {  	_ =	swait.ge [sflag:s13], $0x1000  }
0x18d: {  	[sflag:s13] =	ssyncset.done $0x0  }
0x18e: {  	[sflag:s13] =	ssyncadd.s32 $0xFFFFF000  }
0x18f: {  	_ =	swait.ge [sflag:s15], $0x1000  }
0x190: {  	[sflag:s15] =	ssyncset.done $0x0  }
0x191: {  	[sflag:s15] =	ssyncadd.s32 $0xFFFFF000  }
0x192: {  	_ =	swait.ge [sflag:s17], $0x1000  }
0x193: {  	[sflag:s17] =	ssyncset.done $0x0  }
0x194: {  	[sflag:s17] =	ssyncadd.s32 $0xFFFFF000  }
0x195: {  	_ =	swait.ge [sflag:s19], $0x1000  }
0x196: {  	[sflag:s19] =	ssyncset.done $0x0  }
0x197: {  	[sflag:s19] =	ssyncadd.s32 $0xFFFFF000  }
0x198: {  	_ =	swait.ge [sflag:s25], $0x1000  }
0x199: {  	[sflag:s25] =	ssyncset.done $0x0  }
0x19a: {  	p0 =	sne.s32 s23, $0x1300;
	[sflag:s25] =	ssyncadd.s32 $0xFFFFF000  }
.Ltmp1:
0x19b: {  	_ =	swait.ge [sflag:s5], $0x1000;
	(pc) =	sbr.rel @p0 .LBB2_4-.Ltmp1, $4  }
0x19c: {  	[sflag:s5] =	ssyncset.done $0x0  }
0x19d: {  	s0 =	simm.s32 $0x10;
	[sflag:s5] =	ssyncadd.s32 $0xFFFFF000  }
0x19e: {  	s23 =	sadd.s32 $0x100, s23;
	_ =	swait.ge [sflag:s0], $0x1000  }
0x19f: {  	s31 =	simm.s32 $0x12;
	s3 =	rddreg [dreg:$0x4];
	[sflag:s0] =	ssyncset.done $0x0  }
0x1a0: {  	[sflag:s0] =	ssyncadd.s32 $0xFFFFF000;
	s3 =	sadd.s32 s21, s3;
	s22 =	simm.s32 $0x0  }
0x1a1: {  	[tilespmem:s22], [sflag:$0x12] =	stream.linear.gather [hbm4b:s3+s22], $0x800, $0x38;
	[tilespmem:$0x1F000] =	vst v63  }
0x1a2: {  	_ =	swait.ge [sflag:s31], $0x800  }
0x1a3: {  	s23 =	rddreg [dreg:$0x3];
	[sflag:s31] =	ssyncset.done $0x0  }
0x1a4: {  	[sflag:s31] =	ssyncadd.s32 $0xFFFFF800;
	s3 =	sadd.s32 s21, s23  }
0x1a5: {  	[tilespmem:s28], [sflag:$0x12] =	stream.linear.gather [hbm4b:s3+s22], $0x800, $0x38;
	[tilespmem:$0x1F000] =	vst v63  }
0x1a6: {  	_ =	swait.ge [sflag:s31], $0x800  }
0x1a7: {  	[sflag:s31] =	ssyncset.done $0x0  }
0x1a8: {  	[sflag:s31] =	ssyncadd.s32 $0xFFFFF800  }
0x1a9: {  	[tilespmem:s30], [sflag:$0x1] =	stream.indirect.gather [hbm4b:s4+s26], $0x80, s22, s26, $0xb8;
	[tilespmem:$0x1F000] =	vst v63  }
0x1aa: {  	s8 =	simm.s32 $0x2000;
	s1 =	rddreg [dreg:$0x5]  }
0x1ab: {  	[tilespmem:s8], [sflag:$0x2] =	stream.indirect.gather [hbm4b:s4+s26], $0x80, s1, s26, $0xb8;
	[tilespmem:$0x1F000] =	vst v63  }
0x1ac: {  	s6 =	rddreg [dreg:$0x6];
	s22 =	simm.s32 $0x3000  }
0x1ad: {  	[tilespmem:s22], [sflag:$0x3] =	stream.indirect.gather [hbm4b:s4+s26], $0x80, s6, s26, $0xb8;
	[tilespmem:$0x1F000] =	vst v63  }
0x1ae: {  	s23 =	simm.s32 $0x4000;
	s7 =	rddreg [dreg:$0x7]  }
0x1af: {  	[tilespmem:s23], [sflag:$0x4] =	stream.indirect.gather [hbm4b:s4+s26], $0x80, s7, s26, $0xb8;
	[tilespmem:$0x1F000] =	vst v63  }
0x1b0: {  	s0 =	rddreg [dreg:$0x8];
	s1 =	simm.s32 $0x5000  }
0x1b1: {  	[tilespmem:s1], [sflag:$0x5] =	stream.indirect.gather [hbm4b:s4+s26], $0x80, s0, s26, $0xb8;
	[tilespmem:$0x1F000] =	vst v63  }
0x1b2: {  	s6 =	rddreg [dreg:$0x9];
	s0 =	simm.s32 $0x6000  }
0x1b3: {  	[tilespmem:s0], [sflag:$0x6] =	stream.indirect.gather [hbm4b:s4+s26], $0x80, s6, s26, $0xb8;
	[tilespmem:$0x1F000] =	vst v63  }
0x1b4: {  	s7 =	rddreg [dreg:$0xa];
	s6 =	simm.s32 $0x7000  }
0x1b5: {  	[tilespmem:s6], [sflag:$0x7] =	stream.indirect.gather [hbm4b:s4+s26], $0x80, s7, s26, $0xb8;
	[tilespmem:$0x1F000] =	vst v63  }
0x1b6: {  	s3 =	rddreg [dreg:$0xb];
	s7 =	simm.s32 $0x8000  }
0x1b7: {  	[tilespmem:s7], [sflag:$0x8] =	stream.indirect.gather [hbm4b:s4+s26], $0x80, s3, s26, $0xb8;
	[tilespmem:$0x1F000] =	vst v63  }
0x1b8: {  	_ =	swait.ge [sflag:s9], $0x1000  }
0x1b9: {  	[sflag:s9] =	ssyncset.done $0x0  }
0x1ba: {  	[sflag:s9] =	ssyncadd.s32 $0xFFFFF000  }
0x1bb: {  	[spmem:s2] =	stream.indirect.scatter.add.f32 [tilespmem:s30], [sflag:$0x9], $0x80, s28, s26, $0xb8;
	[tilespmem:$0x1F000] =	vst v63  }
0x1bc: {  	_ =	swait.ge [sflag:s11], $0x1000  }
0x1bd: {  	[sflag:s11] =	ssyncset.done $0x0  }
0x1be: {  	s21 =	rddreg [dreg:$0xc];
	[sflag:s11] =	ssyncadd.s32 $0xFFFFF000  }
0x1bf: {  	[tilespmem:s30], [sflag:$0x1] =	stream.indirect.gather [hbm4b:s4+s26], $0x80, s21, s26, $0xb8;
	[tilespmem:$0x1F000] =	vst v63  }
0x1c0: {  	_ =	swait.ge [sflag:s12], $0x1000  }
0x1c1: {  	[sflag:s12] =	ssyncset.done $0x0  }
0x1c2: {  	s21 =	rddreg [dreg:$0xd];
	[sflag:s12] =	ssyncadd.s32 $0xFFFFF000  }
0x1c3: {  	[spmem:s2] =	stream.indirect.scatter.add.f32 [tilespmem:s8], [sflag:$0xA], $0x80, s21, s26, $0xb8;
	[tilespmem:$0x1F000] =	vst v63  }
0x1c4: {  	_ =	swait.ge [sflag:s13], $0x1000  }
0x1c5: {  	[sflag:s13] =	ssyncset.done $0x0  }
0x1c6: {  	s21 =	rddreg [dreg:$0xe];
	[sflag:s13] =	ssyncadd.s32 $0xFFFFF000  }
0x1c7: {  	[tilespmem:s8], [sflag:$0x2] =	stream.indirect.gather [hbm4b:s4+s26], $0x80, s21, s26, $0xb8;
	[tilespmem:$0x1F000] =	vst v63  }
0x1c8: {  	_ =	swait.ge [sflag:s14], $0x1000  }
0x1c9: {  	[sflag:s14] =	ssyncset.done $0x0  }
0x1ca: {  	s21 =	rddreg [dreg:$0xf];
	[sflag:s14] =	ssyncadd.s32 $0xFFFFF000  }
0x1cb: {  	[spmem:s2] =	stream.indirect.scatter.add.f32 [tilespmem:s22], [sflag:$0xB], $0x80, s21, s26, $0xb8;
	[tilespmem:$0x1F000] =	vst v63  }
0x1cc: {  	_ =	swait.ge [sflag:s15], $0x1000  }
0x1cd: {  	[sflag:s15] =	ssyncset.done $0x0  }
0x1ce: {  	s21 =	rddreg [dreg:$0x10];
	[sflag:s15] =	ssyncadd.s32 $0xFFFFF000  }
0x1cf: {  	[tilespmem:s22], [sflag:$0x3] =	stream.indirect.gather [hbm4b:s4+s26], $0x80, s21, s26, $0xb8;
	[tilespmem:$0x1F000] =	vst v63  }
0x1d0: {  	_ =	swait.ge [sflag:s16], $0x1000  }
0x1d1: {  	[sflag:s16] =	ssyncset.done $0x0  }
0x1d2: {  	s21 =	rddreg [dreg:$0x11];
	[sflag:s16] =	ssyncadd.s32 $0xFFFFF000  }
0x1d3: {  	[spmem:s2] =	stream.indirect.scatter.add.f32 [tilespmem:s23], [sflag:$0xC], $0x80, s21, s26, $0xb8;
	[tilespmem:$0x1F000] =	vst v63  }
0x1d4: {  	_ =	swait.ge [sflag:s17], $0x1000  }
0x1d5: {  	[sflag:s17] =	ssyncset.done $0x0  }
0x1d6: {  	s21 =	rddreg [dreg:$0x12];
	[sflag:s17] =	ssyncadd.s32 $0xFFFFF000  }
0x1d7: {  	[tilespmem:s23], [sflag:$0x4] =	stream.indirect.gather [hbm4b:s4+s26], $0x80, s21, s26, $0xb8;
	[tilespmem:$0x1F000] =	vst v63  }
0x1d8: {  	_ =	swait.ge [sflag:s18], $0x1000  }
0x1d9: {  	[sflag:s18] =	ssyncset.done $0x0  }
0x1da: {  	s21 =	rddreg [dreg:$0x13];
	[sflag:s18] =	ssyncadd.s32 $0xFFFFF000  }
0x1db: {  	[spmem:s2] =	stream.indirect.scatter.add.f32 [tilespmem:s1], [sflag:$0xD], $0x80, s21, s26, $0xb8;
	[tilespmem:$0x1F000] =	vst v63  }
0x1dc: {  	_ =	swait.ge [sflag:s19], $0x1000  }
0x1dd: {  	[sflag:s19] =	ssyncset.done $0x0  }
0x1de: {  	s21 =	rddreg [dreg:$0x14];
	[sflag:s19] =	ssyncadd.s32 $0xFFFFF000  }
0x1df: {  	[tilespmem:s1], [sflag:$0x5] =	stream.indirect.gather [hbm4b:s4+s26], $0x80, s21, s26, $0xb8;
	[tilespmem:$0x1F000] =	vst v63  }
0x1e0: {  	_ =	swait.ge [sflag:s24], $0x1000  }
0x1e1: {  	[sflag:s24] =	ssyncset.done $0x0  }
0x1e2: {  	s21 =	rddreg [dreg:$0x15];
	[sflag:s24] =	ssyncadd.s32 $0xFFFFF000  }
0x1e3: {  	[spmem:s2] =	stream.indirect.scatter.add.f32 [tilespmem:s0], [sflag:$0xE], $0x80, s21, s26, $0xb8;
	[tilespmem:$0x1F000] =	vst v63  }
0x1e4: {  	_ =	swait.ge [sflag:s25], $0x1000  }
0x1e5: {  	[sflag:s25] =	ssyncset.done $0x0  }
0x1e6: {  	s21 =	rddreg [dreg:$0x16];
	[sflag:s25] =	ssyncadd.s32 $0xFFFFF000  }
0x1e7: {  	[tilespmem:s0], [sflag:$0x6] =	stream.indirect.gather [hbm4b:s4+s26], $0x80, s21, s26, $0xb8;
	[tilespmem:$0x1F000] =	vst v63  }
0x1e8: {  	_ =	swait.ge [sflag:s10], $0x1000  }
0x1e9: {  	[sflag:s10] =	ssyncset.done $0x0  }
0x1ea: {  	s21 =	rddreg [dreg:$0x17];
	[sflag:s10] =	ssyncadd.s32 $0xFFFFF000  }
0x1eb: {  	[spmem:s2] =	stream.indirect.scatter.add.f32 [tilespmem:s6], [sflag:$0xF], $0x80, s21, s26, $0xb8;
	[tilespmem:$0x1F000] =	vst v63  }
0x1ec: {  	_ =	swait.ge [sflag:s5], $0x1000  }
0x1ed: {  	[sflag:s5] =	ssyncset.done $0x0  }
0x1ee: {  	s21 =	rddreg [dreg:$0x18];
	[sflag:s5] =	ssyncadd.s32 $0xFFFFF000  }
0x1ef: {  	[tilespmem:s6], [sflag:$0x7] =	stream.indirect.gather [hbm4b:s4+s26], $0x80, s21, s26, $0xb8;
	[tilespmem:$0x1F000] =	vst v63  }
0x1f0: {  	_ =	swait.ge [sflag:s20], $0x1000  }
0x1f1: {  	[sflag:s20] =	ssyncset.done $0x0  }
0x1f2: {  	s29 =	simm.s32 $0x10;
	s21 =	rddreg [dreg:$0x19];
	[sflag:s20] =	ssyncadd.s32 $0xFFFFF000  }
0x1f3: {  	[spmem:s2] =	stream.indirect.scatter.add.f32 [tilespmem:s7], [sflag:$0x10], $0x80, s21, s26, $0xb8;
	[tilespmem:$0x1F000] =	vst v63  }
0x1f4: {  	_ =	swait.ge [sflag:s29], $0x1000  }
0x1f5: {  	[sflag:s29] =	ssyncset.done $0x0  }
0x1f6: {  	s21 =	rddreg [dreg:$0x1a];
	[sflag:s29] =	ssyncadd.s32 $0xFFFFF000  }
0x1f7: {  	[tilespmem:s7], [sflag:$0x8] =	stream.indirect.gather [hbm4b:s4+s26], $0x80, s21, s26, $0xb8;
	[tilespmem:$0x1F000] =	vst v63  }
0x1f8: {  	_ =	swait.ge [sflag:s9], $0x1000  }
0x1f9: {  	[sflag:s9] =	ssyncset.done $0x0  }
0x1fa: {  	s21 =	rddreg [dreg:$0x1b];
	[sflag:s9] =	ssyncadd.s32 $0xFFFFF000  }
0x1fb: {  	[spmem:s2] =	stream.indirect.scatter.add.f32 [tilespmem:s30], [sflag:$0x9], $0x80, s21, s26, $0xb8;
	[tilespmem:$0x1F000] =	vst v63  }
0x1fc: {  	_ =	swait.ge [sflag:s12], $0x1000  }
0x1fd: {  	[sflag:s12] =	ssyncset.done $0x0  }
0x1fe: {  	s21 =	rddreg [dreg:$0x1c];
	[sflag:s12] =	ssyncadd.s32 $0xFFFFF000  }
0x1ff: {  	[spmem:s2] =	stream.indirect.scatter.add.f32 [tilespmem:s8], [sflag:$0xA], $0x80, s21, s26, $0xb8;
	[tilespmem:$0x1F000] =	vst v63  }
0x200: {  	_ =	swait.ge [sflag:s14], $0x1000  }
0x201: {  	[sflag:s14] =	ssyncset.done $0x0  }
0x202: {  	s21 =	rddreg [dreg:$0x1d];
	[sflag:s14] =	ssyncadd.s32 $0xFFFFF000  }
0x203: {  	[spmem:s2] =	stream.indirect.scatter.add.f32 [tilespmem:s22], [sflag:$0xB], $0x80, s21, s26, $0xb8;
	[tilespmem:$0x1F000] =	vst v63  }
0x204: {  	_ =	swait.ge [sflag:s16], $0x1000  }
0x205: {  	[sflag:s16] =	ssyncset.done $0x0  }
0x206: {  	s8 =	rddreg [dreg:$0x1e];
	[sflag:s16] =	ssyncadd.s32 $0xFFFFF000  }
0x207: {  	[spmem:s2] =	stream.indirect.scatter.add.f32 [tilespmem:s23], [sflag:$0xC], $0x80, s8, s26, $0xb8;
	[tilespmem:$0x1F000] =	vst v63  }
0x208: {  	_ =	swait.ge [sflag:s18], $0x1000  }
0x209: {  	[sflag:s18] =	ssyncset.done $0x0  }
0x20a: {  	s21 =	rddreg [dreg:$0x1f];
	[sflag:s18] =	ssyncadd.s32 $0xFFFFF000  }
0x20b: {  	[spmem:s2] =	stream.indirect.scatter.add.f32 [tilespmem:s1], [sflag:$0xD], $0x80, s21, s26, $0xb8;
	[tilespmem:$0x1F000] =	vst v63  }
0x20c: {  	_ =	swait.ge [sflag:s24], $0x1000  }
0x20d: {  	s22 =	sld [smem:$0x7F8]  }
0x20e: {  	[sflag:s24] =	ssyncset.done $0x0  }
0x20f: {  	[sflag:s24] =	ssyncadd.s32 $0xFFFFF000  }
0x210: {  	[spmem:s2] =	stream.indirect.scatter.add.f32 [tilespmem:s0], [sflag:$0xE], $0x80, s22, s26, $0xb8;
	[tilespmem:$0x1F000] =	vst v63  }
0x211: {  	_ =	swait.ge [sflag:s10], $0x1000  }
0x212: {  	s23 =	sld [smem:$0x7F9]  }
0x213: {  	[sflag:s10] =	ssyncset.done $0x0  }
0x214: {  	[sflag:s10] =	ssyncadd.s32 $0xFFFFF000  }
0x215: {  	[spmem:s2] =	stream.indirect.scatter.add.f32 [tilespmem:s6], [sflag:$0xF], $0x80, s23, s26, $0xb8;
	[tilespmem:$0x1F000] =	vst v63  }
0x216: {  	_ =	swait.ge [sflag:s20], $0x1000  }
0x217: {  	s0 =	sld [smem:$0x7FA]  }
0x218: {  	[sflag:s20] =	ssyncset.done $0x0  }
0x219: {  	[sflag:s20] =	ssyncadd.s32 $0xFFFFF000  }
0x21a: {  	[spmem:s2] =	stream.indirect.scatter.add.f32 [tilespmem:s7], [sflag:$0x10], $0x80, s0, s26, $0xb8;
	[tilespmem:$0x1F000] =	vst v63  }
0x21b: {  	_ =	swait.ge [sflag:s11], $0x1000  }
0x21c: {  	[sflag:s11] =	ssyncset.done $0x0  }
0x21d: {  	[sflag:s11] =	ssyncadd.s32 $0xFFFFF000  }
0x21e: {  	_ =	swait.ge [sflag:s13], $0x1000  }
0x21f: {  	[sflag:s13] =	ssyncset.done $0x0  }
0x220: {  	[sflag:s13] =	ssyncadd.s32 $0xFFFFF000  }
0x221: {  	_ =	swait.ge [sflag:s15], $0x1000  }
0x222: {  	[sflag:s15] =	ssyncset.done $0x0  }
0x223: {  	[sflag:s15] =	ssyncadd.s32 $0xFFFFF000  }
0x224: {  	_ =	swait.ge [sflag:s17], $0x1000  }
0x225: {  	[sflag:s17] =	ssyncset.done $0x0  }
0x226: {  	[sflag:s17] =	ssyncadd.s32 $0xFFFFF000  }
0x227: {  	_ =	swait.ge [sflag:s19], $0x1000  }
0x228: {  	[sflag:s19] =	ssyncset.done $0x0  }
0x229: {  	[sflag:s19] =	ssyncadd.s32 $0xFFFFF000  }
0x22a: {  	_ =	swait.ge [sflag:s25], $0x1000  }
0x22b: {  	[sflag:s25] =	ssyncset.done $0x0  }
0x22c: {  	[sflag:s25] =	ssyncadd.s32 $0xFFFFF000  }
0x22d: {  	_ =	swait.ge [sflag:s5], $0x1000  }
0x22e: {  	[sflag:s5] =	ssyncset.done $0x0  }
0x22f: {  	[sflag:s5] =	ssyncadd.s32 $0xFFFFF000  }
0x230: {  	_ =	swait.ge [sflag:s29], $0x1000  }
0x231: {  	[sflag:s29] =	ssyncset.done $0x0  }
0x232: {  	[sflag:s29] =	ssyncadd.s32 $0xFFFFF000  }
0x233: {  	[bflag:$0x0] =	sbarrier.arrive $0xFFFF  }
0x234: {  	s29 =	sld [smem:$0x7FD]  }
0x235: {  	s1 =	stileid.u32;
	s7 =	sld [smem:$0x7F3]  }
0x236: {  	s3 =	sshll.u32 s1, $0x6  }
0x237: {  	s3 =	sor.u32 $0x1C11, s3;
	s6 =	sshrl.u32 s29, $0x3  }
0x238: {  	[hbm:s7], [sflag:s3] =	dma.local [spmem:s6], $0xA00  }
0x239: {  	s21 =	sld [smem:$0x7F4]  }
0x23a: {  	s23 =	sld [smem:$0x7FB];
	_ =	sdelay $0x2  }
0x23b: {  	[hbm:s21], [sflag:s3] =	dma.local [spmem:s23], $0xA00  }
0x23c: {  	s21 =	sld [smem:$0x7EE]  }
0x23d: {  	s23 =	sld [smem:$0x7F5];
	_ =	sdelay $0x1  }
0x23e: {  	s21 =	sshrl.u32 s21, $0x3  }
0x23f: {  	[hbm:s23], [sflag:s3] =	dma.local [spmem:s21], $0xA00  }
0x240: {  	s21 =	sld [smem:$0x7F6]  }
0x241: {  	s23 =	sld [smem:$0x7FC];
	_ =	sdelay $0x1  }
0x242: {  	s8 =	simm.s32 $0x11  }
0x243: {  	[hbm:s21], [sflag:s3] =	dma.local [spmem:s23], $0xA00  }
0x244: {  	_ =	swait.ge [sflag:s8], $0xA00  }
0x245: {  	[sflag:s8] =	ssyncset.done $0x0  }
0x246: {  	[sflag:s8] =	ssyncadd.s32 $0xFFFFF600  }
0x247: {  	_ =	swait.ge [sflag:s8], $0xA00  }
0x248: {  	[sflag:s8] =	ssyncset.done $0x0  }
0x249: {  	[sflag:s8] =	ssyncadd.s32 $0xFFFFF600  }
0x24a: {  	_ =	swait.ge [sflag:s8], $0xA00  }
0x24b: {  	[sflag:s8] =	ssyncset.done $0x0  }
0x24c: {  	[sflag:s8] =	ssyncadd.s32 $0xFFFFF600  }
0x24d: {  	_ =	swait.ge [sflag:s8], $0xA00  }
0x24e: {  	s22 =	sld [smem:$0x7E9]  }
0x24f: {  	s23 =	sld [smem:$0x7F7];
	_ =	sdelay $0x1  }
0x250: {  	s0 =	sadd.s32 $0x1, s22  }
0x251: {  	p0 =	sne.s32 s0, s23  }
.Ltmp2:
0x252: {  	_ = 	snop;
	(pc) =	sbr.rel @p0 .LBB2_1-.Ltmp2, $3  }
0x253: {  	_ =	sdelay $0x1  }
0x254: {  	[sflag:s8] =	ssyncset.done $0x0  }
0x255: {  	s28 =	simm.s32 $0x0;
	[sflag:s8] =	ssyncadd.s32 $0xFFFFF600  }
0x256: {  	_ =	sfence.sel $0x180000  }
0x257: {  	[bflag:$0x0] =	sbarrier.arrive $0xFFFF  }
0x258: {  	_ =	strace $0x9000004D  }
0x259: {  	s0 =	stileid.u32;
	[bflag:$0x2] =	sbarrier.arrive $0xFFFF  }
0x25a: {  	p0 =	sne.s32 s0, $0x0;
	s0 =	rddreg [dreg:$0x2]  }
0x25b: {  	s0 =	sadd.s32 @!p0 $0x100000, s0  }
0x25c: {  	[sflag:s0] =	ssyncadd.tile.s32 @!p0 $0x1;
	_ =	shalt  }
.Lfunc_end2:
_tile_overlayer_lowered:
.L_overlay_start_2:
0x25d: {  	(tag) =	ssettag $0x2  }
0x25e: {  	s0 =	rddreg [dreg:$0x0];
	s2 =	stileid.u32  }
0x25f: {  	s1 =	rddreg [dreg:$0x1];
	p0 =	sne.s32 s2, $0x0  }
0x260: {  	s3 =	rddreg [dreg:$0x2];
	[bflag:$0x3] =	sbarrier.arrive $0xFFFF;
	s2 =	simm.s32 @!p0 $0x1C12  }
0x261: {  	[timem:s3], [sflag:s2] =	dma.local @!p0 [hbm:s0], s1  }
0x262: {  	s0 =	simm.s32 @!p0 $0x12  }
0x263: {  	_ =	swait.ge @!p0 [sflag:s0], s1  }
0x264: {  	s1 =	ssub.s32 @!p0 $0x0, s1;
	[sflag:s0] =	ssyncset.done @!p0 $0x0  }
0x265: {  	[sflag:s0] =	ssyncadd.s32 @!p0 s1  }
0x266: {  	[bflag:$0x3] =	sbarrier.arrive $0xFFFF  }
0x267: {  	_ =	shalt  }

// kernel: kernel.8.cloned.1.call-start
scs
__scs_entry_jumppad:
0x0: {  	(pc) =	sbr.rel $0x88, $3  }
0x1: {  	(tag) =	ssettag $0x0;
	lr =	simm.s32 $0x1  }
0x2: {  	[smem:$0x3F95] =	sst lr;
	_ =	strace $0xD0000000  }
0x3: {  	_ = 	snop  }
0x4: {  	_ = 	snop  }
0x5: {  	_ = 	snop  }
0x6: {  	_ = 	snop  }
0x7: {  	_ = 	snop  }
__scs_overlays_trampoline_lowered:
0x8: {  	[smem:$0x3FA4] =	sst s0  }
0x9: {  	[smem:$0x3FA5] =	sst s1  }
0xa: {  	[smem:$0x3FA6] =	sst s2  }
0xb: {  	[smem:$0x3FA7] =	sst s3  }
0xc: {  	[smem:$0x3FA8] =	sst s4  }
0xd: {  	[smem:$0x3FA9] =	sst s5  }
0xe: {  	[smem:$0x3FAA] =	sst s6  }
0xf: {  	[smem:$0x3FAB] =	sst s7  }
0x10: {  	[smem:$0x3FAC] =	sst s8  }
0x11: {  	[smem:$0x3FAD] =	sst s9;
	s0 =	simm.s32 @!p0 $0x0  }
0x12: {  	s1 =	sld [smem:$0x3F93];
	s0 =	simm.s32 @p0 $0x1  }
0x13: {  	[smem:$0x3FAE] =	sst s0;
	s0 =	simm.s32 @!p1 $0x0  }
0x14: {  	s2 =	sld [smem:$0x3F92];
	s0 =	simm.s32 @p1 $0x1  }
0x15: {  	[smem:$0x3FAF] =	sst s0;
	s0 =	simm.s32 @!p2 $0x0  }
0x16: {  	s3 =	sld [smem:$0x3FDB];
	s0 =	simm.s32 @p2 $0x1  }
0x17: {  	s4 =	simm.s32 $0x1BF5;
	[smem:$0x3FB1] =	sst s0  }
0x18: {  	s0 =	sld [smem:$0x3F94];
	_ =	swait.ge [sflag:s4], $0x0  }
0x19: {  	s7 =	sld [smem:$0x3F95]  }
0x1a: {  	s8 =	sadd.s32 $0xFFFFE003, lr  }
0x1b: {  	s9 =	sadd.s32 $0xFFFFFEF7, lr;
	s5 =	simm.s32 $0xFFFFFFFF;
	p2 =	slt.u32 s8, $0xFFFFF086  }
0x1c: {  	p1 =	slt.u32 s9, $0xF7A;
	s5 =	simm.s32 @!p2 $0x0  }
0x1d: {  	s5 =	simm.s32 @p1 $0x1;
	p0 =	seq.s32 s7, s2  }
0x1e: {  	s7 =	smul.u32 @!p0 $0xF7A, s2;
	p2 =	seq.s32 @!p0 s5, $0x0  }
0x1f: {  	s9 =	smul.u32 $0xF7A, s1;
	s8 =	simm.s32 @!p0 $0x1BF5;
	p2 =	por !p2, p0  }
0x20: {  	[sflag:s8] =	ssyncset.s32 @!p0 $0xFFFFF086;
	s6 =	sadd.s32 @!p0 s3, s7;
	s7 =	simm.s32 @!p0 $0x108  }
0x21: {  	s3 =	sadd.s32 s3, s9;
	s6 =	sadd.s32 @!p0 $0x88, s6;
	s7 =	simm.s32 @p2 $0x1082  }
0x22: {  	[simem:s7], [sflag:s8] =	dma.local @!p0 [hbm:s6], $0xF7A  }
0x23: {  	s9 =	sor.u32 $0xD0000000, s2;
	s6 =	simm.s32 $0x108;
	_ =	swait.ge @!p0 [sflag:s8], $0x0  }
0x24: {  	s3 =	sadd.s32 $0x88, s3;
	s6 =	simm.s32 @!p1 $0x1082;
	[sflag:s4] =	ssyncset.s32 $0xFFFFF086  }
0x25: {  	[simem:s6], [sflag:s4] =	dma.local [hbm:s3], $0xF7A  }
0x26: {  	[smem:$0x3F95] =	sst s1;
	(tag) =	ssettag s2;
	_ =	strace s9  }
0x27: {  	s1 =	sld [smem:$0x3FA5]  }
0x28: {  	s2 =	sld [smem:$0x3FA6]  }
0x29: {  	s4 =	sld [smem:$0x3FA8]  }
0x2a: {  	p0 =	seq.s32 s5, $0x0;
	s5 =	sld [smem:$0x3FA9]  }
0x2b: {  	s6 =	sld [smem:$0x3FAA]  }
0x2c: {  	s7 =	sld [smem:$0x3FAB]  }
0x2d: {  	s3 =	simm.s32 $0x108;
	s8 =	sld [smem:$0x3FAC]  }
0x2e: {  	s3 =	simm.s32 @!p0 $0x1082;
	s9 =	sld [smem:$0x3FAD]  }
0x2f: {  	lr =	sadd.s32 s0, s3;
	s0 =	sld [smem:$0x3FA4]  }
0x30: {  	s3 =	sld [smem:$0x3FA7]  }
0x31: {  	[smem:$0x3FB0] =	sst s10  }
0x32: {  	s10 =	sld [smem:$0x3FAE];
	_ =	sdelay $0x3  }
0x33: {  	p0 =	seq.s32 s10, $0x1;
	s10 =	sld [smem:$0x3FB0];
	_ =	sdelay $0x3  }
0x34: {  	[smem:$0x3FB0] =	sst s10  }
0x35: {  	s10 =	sld [smem:$0x3FAF];
	_ =	sdelay $0x3  }
0x36: {  	p1 =	seq.s32 s10, $0x1;
	s10 =	sld [smem:$0x3FB0];
	_ =	sdelay $0x3  }
0x37: {  	[smem:$0x3FB0] =	sst s10  }
0x38: {  	s10 =	sld [smem:$0x3FB1]  }
0x39: {  	_ = 	snop;
	(pc) =	sbr.ind lr, $3  }
0x3a: {  	_ = 	snop  }
0x3b: {  	_ = 	snop  }
0x3c: {  	p2 =	seq.s32 s10, $0x1;
	s10 =	sld [smem:$0x3FB0]  }
0x3d: {  	_ =	shalt  }
0x3e: {  	_ =	shalt  }
0x3f: {  	_ =	shalt  }
0x40: {  	_ =	shalt  }
0x41: {  	_ =	shalt  }
0x42: {  	_ =	shalt  }
0x43: {  	_ =	shalt  }
0x44: {  	_ =	shalt  }
0x45: {  	_ =	shalt  }
0x46: {  	_ =	shalt  }
0x47: {  	_ =	shalt  }
0x48: {  	_ =	shalt  }
0x49: {  	_ =	shalt  }
0x4a: {  	_ =	shalt  }
0x4b: {  	_ =	shalt  }
0x4c: {  	_ =	shalt  }
0x4d: {  	_ =	shalt  }
0x4e: {  	_ =	shalt  }
0x4f: {  	_ =	shalt  }
0x50: {  	_ =	shalt  }
0x51: {  	_ =	shalt  }
0x52: {  	_ =	shalt  }
0x53: {  	_ =	shalt  }
0x54: {  	_ =	shalt  }
0x55: {  	_ =	shalt  }
0x56: {  	_ =	shalt  }
0x57: {  	_ =	shalt  }
0x58: {  	_ =	shalt  }
0x59: {  	_ =	shalt  }
0x5a: {  	_ =	shalt  }
0x5b: {  	_ =	shalt  }
0x5c: {  	_ =	shalt  }
0x5d: {  	_ =	shalt  }
0x5e: {  	_ =	shalt  }
0x5f: {  	_ =	shalt  }
0x60: {  	_ =	shalt  }
0x61: {  	_ =	shalt  }
0x62: {  	_ =	shalt  }
0x63: {  	_ =	shalt  }
0x64: {  	_ =	shalt  }
0x65: {  	_ =	shalt  }
0x66: {  	_ =	shalt  }
0x67: {  	_ =	shalt  }
0x68: {  	_ =	shalt  }
0x69: {  	_ =	shalt  }
0x6a: {  	_ =	shalt  }
0x6b: {  	_ =	shalt  }
0x6c: {  	_ =	shalt  }
0x6d: {  	_ =	shalt  }
0x6e: {  	_ =	shalt  }
0x6f: {  	_ =	shalt  }
0x70: {  	_ =	shalt  }
0x71: {  	_ =	shalt  }
0x72: {  	_ =	shalt  }
0x73: {  	_ =	shalt  }
0x74: {  	_ =	shalt  }
0x75: {  	_ =	shalt  }
0x76: {  	_ =	shalt  }
0x77: {  	_ =	shalt  }
0x78: {  	_ =	shalt  }
0x79: {  	_ =	shalt  }
0x7a: {  	_ =	shalt  }
0x7b: {  	_ =	shalt  }
0x7c: {  	_ =	shalt  }
0x7d: {  	_ =	shalt  }
0x7e: {  	_ =	shalt  }
0x7f: {  	_ =	shalt  }
0x80: {  	_ =	shalt  }
0x81: {  	_ =	shalt  }
0x82: {  	_ =	shalt  }
0x83: {  	_ =	shalt  }
0x84: {  	_ =	shalt  }
0x85: {  	_ =	shalt  }
0x86: {  	_ =	shalt  }
0x87: {  	_ =	shalt  }
.Lfunc_end0:
.L_simem_size_0:
called_computation_lowered:
.L_overlay_start_0:
0x88: {  	s2 =	sld [smem:$0x3FD9]  }
0x89: {  	s3 =	sld [smem:$0x3FFE];
	_ =	sdelay $0x1  }
0x8a: {  	s1 =	srdreg.scid  }
0x8b: {  	s0 =	sand.u32 $0x1, s1  }
0x8c: {  	s16 =	sshll.u32 s0, $0xA;
	s2 =	sadd.s32 s3, s2  }
0x8d: {  	s2 =	sadd.s32 s2, s16  }
0x8e: {  	[smem:$0x3FBC] =	sst s2  }
0x8f: {  	_ = 	snop  }
0x90: {  	(tm) =	ssettm $0x1  }
0x91: {  	s17 =	sld [smem:$0x3FFB];
	_ =	sdelay $0x3  }
0x92: {  	_ =	strace s17  }
0x93: {  	s2 =	sld [smem:$0x3FFC];
	_ =	sdelay $0x3  }
0x94: {  	_ =	strace s2  }
0x95: {  	s2 =	sld [smem:$0x3FFD];
	_ =	sdelay $0x3  }
0x96: {  	_ =	strace s2  }
0x97: {  	_ =	strace $0x8FFFFFFF  }
0x98: {  	s18 =	sld [smem:$0x3FDB];
	_ =	sdelay $0x1  }
0x99: {  	s19 =	simm.s32 $_scs_section_size  }
0x9a: {  	s4 =	simm.s32 $_size__tile_overlayer_lowered;
	s5 =	simm.s32 $_tile_overlayer_lowered  }
0x9b: {  	s22 =	simm.s32 $0x1BFF;
	s21 =	sshll.u32 s5, $0x1;
	s2 =	sadd.s32 s19, s18  }
0x9c: {  	s6 =	simm.s32 $0x0;
	s20 =	sshll.u32 s4, $0x1;
	s4 =	sadd.s32 s21, s2  }
0x9d: {  	[timem:s6], [sflag:s22] =	dma.local [hbm:s4], s20  }
0x9e: {  	_ =	swait.ge [sflag:s22], s20  }
0x9f: {  	s3 =	ssub.s32 $0x0, s20;
	[sflag:s22] =	ssyncset.done $0x0  }
0xa0: {  	[sflag:s22] =	ssyncadd.s32 s3;
	_ =	sdelay $0x1  }
0xa1: {  	s23 =	simm.s32 $0x1B8B  }
0xa2: {  	_ =	swait.ge [sflag:s23], $0x1  }
0xa3: {  	[sflag:s23] =	ssyncset.done $0x0  }
0xa4: {  	s25 =	simm.s32 $0x1B8E;
	s24 =	sld [smem:$0x3FFE];
	[sflag:s23] =	ssyncadd.s32 $0xFFFFFFFF  }
0xa5: {  	s26 =	simm.s32 $execute0_lowered;
	[smem:$0x3FD2] =	sst s25  }
0xa6: {  	s4 =	sshll.u32 s26, $0x1;
	_ =	strace $0x80000046;
	[dreg:$0x1] =	wrdreg $0xFFFFFFFF  }
0xa7: {  	s28 =	simm.s32 $_size_execute0_lowered;
	s2 =	sadd.s32 s2, s4;
	[dreg:$0x0] =	wrdreg $0x0  }
0xa8: {  	s4 =	sshll.u32 s28, $0x1;
	[dreg:$0x2] =	wrdreg s2  }
0xa9: {  	[dreg:$0x3] =	wrdreg s4  }
0xaa: {  	[dreg:$0x4] =	wrdreg $0xC0  }
0xab: {  	_ =	task [dreg:s6], $0x5FFFF  }
0xac: {  	[dreg:$0x1] =	wrdreg $0xFFFFFFFF  }
0xad: {  	[dreg:$0x0] =	wrdreg $0x60  }
0xae: {  	[dreg:$0x2] =	wrdreg s24  }
0xaf: {  	[dreg:$0x3] =	wrdreg $0x38000  }
0xb0: {  	[dreg:$0x4] =	wrdreg $0x9  }
0xb1: {  	_ =	task.clear_ibuf [dreg:s6], $0x5FFFF;
	_ =	strace $0x90000046  }
0xb2: {  	s29 =	simm.s32 $0x9;
	_ =	strace $0x80000048  }
0xb3: {  	_ =	swait.ge [sflag:s29], $0x1  }
0xb4: {  	[sflag:s29] =	ssyncadd.s32 $0xFFFFFFFF  }
0xb5: {  	_ =	strace $0x90000048  }
0xb6: {  	_ =	sfence  }
0xb7: {  	s30 =	sld [smem:$0x0];
	_ =	sdelay $0x2  }
0xb8: {  	s31 =	sshll.u32 s1, $0xD;
	s1 =	sshrl.u32 s1, $0x2  }
0xb9: {  	s3 =	sand.u32 $0x4000, s31;
	s1 =	sadd.s32 s1, s30  }
0xba: {  	s0 =	sor.u32 s3, s0;
	s1 =	sshll.u32 s1, $0x11  }
0xbb: {  	s0 =	sor.u32 s1, s0  }
0xbc: {  	s0 =	sadd.s32 $0x8F2B, s0  }
0xbd: {  	[sflag:s0] =	ssyncadd.remote.s32 $0x1  }
0xbe: {  	_ =	sfence.sel $0xFFFF  }
0xbf: {  	[dreg:$0x0] =	wrdreg $0xFFFFFFFF;
	(pc) =	sbr.abs _section_cstart, $3  }
0xc0: {  	[dreg:$0x1] =	wrdreg $0xFFFFFFFF  }
0xc1: {  	_ =	task.clear_ibuf [dreg:s6], $0x2FFFF;
	_ =	strace $0x9FFFFFFF  }
0xc2: {  	(tm) =	ssettm $0x7FFFFFFF  }
0xc3: {  	_ =	shalt  }
tec
execute0_lowered:
.L_overlay_start_1:
0x0: {  	(tag) =	ssettag $0x1  }
0x1: {  	s0 =	srdreg.scid;
	s4 =	rddreg [dreg:$0x0]  }
0x2: {  	s8 =	stileid.u32;
	s2 =	rddreg [dreg:$0x1];
	s3 =	simm.s32 $0x0  }
0x3: {  	s28 =	simm.s32 $0x80;
	s29 =	simm.s32 $0x100;
	s5 =	smul.u32 $0xA000, s8  }
0x4: {  	s30 =	simm.s32 $0x180;
	s31 =	simm.s32 $0x200;
	s12 =	smul.u32 $0x50000, s8  }
0x5: {  	s0 =	sand.u32 $0x1, s0;
	[smem:$0x7FF] =	sst s3;
	s8 =	smul.u32 $0x14000, s8  }
0x6: {  	s6 =	sadd.s32 $0x2AC00, s4;
	s1 =	smul.u32 $0xA0000, s0;
	_ =	strace $0x80000047  }
0x7: {  	s7 =	ssub.s32 $0x2, s0;
	s0 =	smul.u32 $0x140000, s0;
	s13 =	sshrl.u32 s12, $0x2  }
0x8: {  	s14 =	sshrl.u32 s7, $0x1;
	s18 =	sadd.s32 $0xA000, s8;
	s22 =	sadd.s32 $0x5000, s8  }
0x9: {  	s12 =	simm.s32 $0x680;
	s1 =	sadd.s32 s5, s1;
	s5 =	ssub.s32 s7, s14  }
0xa: {  	s21 =	sadd.s32 s8, s0;
	s23 =	sadd.s32 s0, s22;
	s8 =	sadd.s32 $0xF000, s8  }
0xb: {  	s7 =	sadd.s32 s0, s18;
	s24 =	sadd.s32 s22, s2;
	s22 =	simm.s32 $0x3  }
0xc: {  	s1 =	sshrl.u32 s1, $0x3;
	s7 =	sshrl.u32 s7, $0x3;
	s5 =	smax.u32 s5, $0x1  }
0xd: {  	s26 =	sshrl.u32 s24, $0x3;
	s1 =	sadd.s32 s1, s4;
	[dreg:$0xf] =	wrdreg s5  }
0xe: {  	s4 =	sadd.s32 s13, s2;
	s7 =	sadd.s32 s6, s7;
	[dreg:$0x10] =	wrdreg s26  }
0xf: {  	s14 =	simm.s32 $0x780;
	s15 =	sadd.s32 $0x2000, s4;
	[dreg:$0xd] =	wrdreg s7  }
0x10: {  	s0 =	sadd.s32 s0, s8;
	s16 =	sadd.s32 $0x4000, s4;
	[dreg:$0x3] =	wrdreg s15  }
0x11: {  	s25 =	sadd.s32 s8, s2;
	s17 =	sadd.s32 $0x6000, s4;
	[dreg:$0x4] =	wrdreg s16  }
0x12: {  	s8 =	simm.s32 $0x500;
	s9 =	sadd.s32 $0x8000, s4;
	[dreg:$0x5] =	wrdreg s17  }
0x13: {  	s0 =	sshrl.u32 s0, $0x3;
	s10 =	sadd.s32 $0xC000, s4;
	[dreg:$0x6] =	wrdreg s9  }
0x14: {  	s26 =	simm.s32 $0x800;
	s19 =	sadd.s32 $0xE000, s4;
	[dreg:$0x7] =	wrdreg s10  }
0x15: {  	s5 =	simm.s32 $0x380;
	s20 =	sadd.s32 $0x10000, s4;
	[dreg:$0x8] =	wrdreg s19  }
0x16: {  	s13 =	simm.s32 $0x700;
	s11 =	sadd.s32 $0x12000, s4;
	[dreg:$0x9] =	wrdreg s20  }
0x17: {  	s0 =	sadd.s32 s6, s0;
	s7 =	simm.s32 $0x480;
	[dreg:$0xa] =	wrdreg s11  }
0x18: {  	s9 =	sadd.s32 s18, s2;
	s10 =	sshrl.u32 s21, $0x3;
	[dreg:$0xe] =	wrdreg s0  }
0x19: {  	s19 =	sadd.s32 $0x2C00, s1;
	s20 =	simm.s32 $0x1800;
	s21 =	simm.s32 $0x1  }
0x1a: {  	s0 =	sshrl.u32 s25, $0x3;
	s1 =	simm.s32 $0x280;
	s11 =	simm.s32 $0x600  }
0x1b: {  	s15 =	simm.s32 $0x2;
	s10 =	sadd.s32 s6, s10;
	[dreg:$0x11] =	wrdreg s0  }
0x1c: {  	s16 =	simm.s32 $0x0;
	[dreg:$0xb] =	wrdreg s10;
	s10 =	sshrl.u32 s23, $0x3  }
0x1d: {  	s0 =	simm.s32 $0x300;
	s23 =	simm.s32 $0x20;
	s10 =	sadd.s32 s6, s10  }
0x1e: {  	v0 =	vimm.f32 $1.000000000e+00;
	v1 =	vimm.f32 $0.0e+00;
	s6 =	simm.s32 $0x400;
	[dreg:$0xc] =	wrdreg s10;
	s10 =	simm.s32 $0x580  }
.LBB2_1:
0x1f: {  	[tilespmem:$0x800] =	vst v0  }
0x20: {  	[tilespmem:$0x880] =	vst v0  }
0x21: {  	[tilespmem:$0x900] =	vst v0  }
0x22: {  	[tilespmem:$0x980] =	vst v0  }
0x23: {  	[tilespmem:$0xA00] =	vst v0  }
0x24: {  	[tilespmem:$0xA80] =	vst v0  }
0x25: {  	[tilespmem:$0xB00] =	vst v0  }
0x26: {  	[tilespmem:$0xB80] =	vst v0  }
0x27: {  	[tilespmem:$0xC00] =	vst v0  }
0x28: {  	[tilespmem:$0xC80] =	vst v0  }
0x29: {  	[tilespmem:$0xD00] =	vst v0  }
0x2a: {  	[tilespmem:$0xD80] =	vst v0  }
0x2b: {  	[tilespmem:$0xE00] =	vst v0  }
0x2c: {  	[tilespmem:$0xE80] =	vst v0  }
0x2d: {  	[tilespmem:$0xF00] =	vst v0  }
0x2e: {  	[tilespmem:$0xF80] =	vst v0  }
0x2f: {  	[tilespmem:$0x1000] =	vst v0  }
0x30: {  	[tilespmem:$0x1080] =	vst v0  }
0x31: {  	[tilespmem:$0x1100] =	vst v0  }
0x32: {  	[tilespmem:$0x1180] =	vst v0  }
0x33: {  	[tilespmem:$0x1200] =	vst v0  }
0x34: {  	[tilespmem:$0x1280] =	vst v0  }
0x35: {  	[tilespmem:$0x1300] =	vst v0  }
0x36: {  	[tilespmem:$0x1380] =	vst v0  }
0x37: {  	[tilespmem:$0x1400] =	vst v0  }
0x38: {  	[tilespmem:$0x1480] =	vst v0  }
0x39: {  	[tilespmem:$0x1500] =	vst v0  }
0x3a: {  	[tilespmem:$0x1580] =	vst v0  }
0x3b: {  	[tilespmem:$0x1600] =	vst v0  }
0x3c: {  	[tilespmem:$0x1680] =	vst v0  }
0x3d: {  	[tilespmem:$0x1700] =	vst v0  }
0x3e: {  	[tilespmem:$0x1780] =	vst v0;
	s17 =	simm.s32 $0x200;
	s18 =	simm.s32 $0x0  }
.LBB2_2:
0x3f: {  	p0 =	sne.s32 s17, $0x7E00;
	[tilespmem:s18+$0x1800] =	vst v1;
	s18 =	smov.u32 s17;
	s17 =	sadd.s32 $0x200, s17  }
.Ltmp0:
0x40: {  	(pc) =	sbr.rel @p0 .LBB2_2-.Ltmp0, $2  }
0x41: {  	_ =	sdelay $0x2  }
0x42: {  	s18 =	sshra.s32 s18, $0x2  }
0x43: {  	[tilespmem:s18+$0x1800] =	vst v1  }
0x44: {  	[spmem:s4] =	stream.linear.scatter [tilespmem:s20], [sflag:$0x1], $0x2000, $0x38;
	[tilespmem:$0x6000] =	vst v63  }
0x45: {  	s17 =	rddreg [dreg:$0x3]  }
0x46: {  	[spmem:s17] =	stream.linear.scatter [tilespmem:s20], [sflag:$0x1], $0x2000, $0x38;
	[tilespmem:$0x6000] =	vst v63  }
0x47: {  	s24 =	rddreg [dreg:$0x4]  }
0x48: {  	[spmem:s24] =	stream.linear.scatter [tilespmem:s20], [sflag:$0x1], $0x2000, $0x38;
	[tilespmem:$0x6000] =	vst v63  }
0x49: {  	s25 =	rddreg [dreg:$0x5]  }
0x4a: {  	[spmem:s25] =	stream.linear.scatter [tilespmem:s20], [sflag:$0x1], $0x2000, $0x38;
	[tilespmem:$0x6000] =	vst v63  }
0x4b: {  	s18 =	rddreg [dreg:$0x6]  }
0x4c: {  	[spmem:s18] =	stream.linear.scatter [tilespmem:s20], [sflag:$0x1], $0x2000, $0x38;
	[tilespmem:$0x6000] =	vst v63  }
0x4d: {  	_ = 	snop  }
0x4e: {  	[spmem:s9] =	stream.linear.scatter [tilespmem:s20], [sflag:$0x1], $0x2000, $0x38;
	[tilespmem:$0x6000] =	vst v63  }
0x4f: {  	s24 =	rddreg [dreg:$0x7]  }
0x50: {  	[spmem:s24] =	stream.linear.scatter [tilespmem:s20], [sflag:$0x1], $0x2000, $0x38;
	[tilespmem:$0x6000] =	vst v63  }
0x51: {  	s25 =	rddreg [dreg:$0x8]  }
0x52: {  	[spmem:s25] =	stream.linear.scatter [tilespmem:s20], [sflag:$0x1], $0x2000, $0x38;
	[tilespmem:$0x6000] =	vst v63  }
0x53: {  	s18 =	rddreg [dreg:$0x9]  }
0x54: {  	[spmem:s18] =	stream.linear.scatter [tilespmem:s20], [sflag:$0x1], $0x2000, $0x38;
	[tilespmem:$0x6000] =	vst v63  }
0x55: {  	s24 =	rddreg [dreg:$0xa]  }
0x56: {  	[spmem:s24] =	stream.linear.scatter [tilespmem:s20], [sflag:$0x1], $0x2000, $0x38;
	[tilespmem:$0x6000] =	vst v63  }
0x57: {  	_ =	swait.ge [sflag:s21], $0x2000  }
0x58: {  	[sflag:s21] =	ssyncset.done $0x0  }
0x59: {  	[sflag:s21] =	ssyncadd.s32 $0xFFFFE000  }
0x5a: {  	_ =	swait.ge [sflag:s21], $0x2000  }
0x5b: {  	[sflag:s21] =	ssyncset.done $0x0  }
0x5c: {  	[sflag:s21] =	ssyncadd.s32 $0xFFFFE000  }
0x5d: {  	_ =	swait.ge [sflag:s21], $0x2000  }
0x5e: {  	[sflag:s21] =	ssyncset.done $0x0  }
0x5f: {  	[sflag:s21] =	ssyncadd.s32 $0xFFFFE000  }
0x60: {  	_ =	swait.ge [sflag:s21], $0x2000  }
0x61: {  	[sflag:s21] =	ssyncset.done $0x0  }
0x62: {  	[sflag:s21] =	ssyncadd.s32 $0xFFFFE000  }
0x63: {  	_ =	swait.ge [sflag:s21], $0x2000  }
0x64: {  	[sflag:s21] =	ssyncset.done $0x0  }
0x65: {  	[sflag:s21] =	ssyncadd.s32 $0xFFFFE000  }
0x66: {  	_ =	swait.ge [sflag:s21], $0x2000  }
0x67: {  	[sflag:s21] =	ssyncset.done $0x0  }
0x68: {  	[sflag:s21] =	ssyncadd.s32 $0xFFFFE000  }
0x69: {  	_ =	swait.ge [sflag:s21], $0x2000  }
0x6a: {  	[sflag:s21] =	ssyncset.done $0x0  }
0x6b: {  	[sflag:s21] =	ssyncadd.s32 $0xFFFFE000  }
0x6c: {  	_ =	swait.ge [sflag:s21], $0x2000  }
0x6d: {  	[sflag:s21] =	ssyncset.done $0x0  }
0x6e: {  	[sflag:s21] =	ssyncadd.s32 $0xFFFFE000  }
0x6f: {  	_ =	swait.ge [sflag:s21], $0x2000  }
0x70: {  	[sflag:s21] =	ssyncset.done $0x0  }
0x71: {  	[sflag:s21] =	ssyncadd.s32 $0xFFFFE000  }
0x72: {  	_ =	swait.ge [sflag:s21], $0x2000  }
0x73: {  	[sflag:s21] =	ssyncset.done $0x0  }
0x74: {  	[sflag:s21] =	ssyncadd.s32 $0xFFFFE000  }
0x75: {  	s25 =	sadd.s32 $0x0, s19;
	[bflag:$0x0] =	sbarrier.arrive $0xFFFF  }
0x76: {  	[tilespmem:s3], [sflag:$0x3] =	stream.linear.gather [hbm4b:s25+s3], $0x800, $0x38;
	[tilespmem:$0x6000] =	vst v63  }
0x77: {  	_ =	swait.ge [sflag:s22], $0x800  }
0x78: {  	[sflag:s22] =	ssyncset.done $0x0  }
0x79: {  	[sflag:s22] =	ssyncadd.s32 $0xFFFFF800  }
0x7a: {  	[spmem:s2] =	stream.indirect.scatter.add.f32 [tilespmem:s26], [sflag:$0x1], $0x10, s3, s23, $0xb8;
	[tilespmem:$0x6000] =	vst v63  }
0x7b: {  	_ = 	snop  }
0x7c: {  	[spmem:s2] =	stream.indirect.scatter.add.f32 [tilespmem:s26], [sflag:$0x1], $0x10, s28, s23, $0xb8;
	[tilespmem:$0x6000] =	vst v63  }
0x7d: {  	_ = 	snop  }
0x7e: {  	[spmem:s2] =	stream.indirect.scatter.add.f32 [tilespmem:s26], [sflag:$0x1], $0x10, s29, s23, $0xb8;
	[tilespmem:$0x6000] =	vst v63  }
0x7f: {  	_ = 	snop  }
0x80: {  	[spmem:s2] =	stream.indirect.scatter.add.f32 [tilespmem:s26], [sflag:$0x1], $0x10, s30, s23, $0xb8;
	[tilespmem:$0x6000] =	vst v63  }
0x81: {  	_ = 	snop  }
0x82: {  	[spmem:s2] =	stream.indirect.scatter.add.f32 [tilespmem:s26], [sflag:$0x1], $0x10, s31, s23, $0xb8;
	[tilespmem:$0x6000] =	vst v63  }
0x83: {  	_ = 	snop  }
0x84: {  	[spmem:s2] =	stream.indirect.scatter.add.f32 [tilespmem:s26], [sflag:$0x1], $0x10, s1, s23, $0xb8;
	[tilespmem:$0x6000] =	vst v63  }
0x85: {  	_ = 	snop  }
0x86: {  	[spmem:s2] =	stream.indirect.scatter.add.f32 [tilespmem:s26], [sflag:$0x1], $0x10, s0, s23, $0xb8;
	[tilespmem:$0x6000] =	vst v63  }
0x87: {  	_ = 	snop  }
0x88: {  	[spmem:s2] =	stream.indirect.scatter.add.f32 [tilespmem:s26], [sflag:$0x1], $0x10, s5, s23, $0xb8;
	[tilespmem:$0x6000] =	vst v63  }
0x89: {  	_ = 	snop  }
0x8a: {  	[spmem:s2] =	stream.indirect.scatter.add.f32 [tilespmem:s26], [sflag:$0x1], $0x10, s6, s23, $0xb8;
	[tilespmem:$0x6000] =	vst v63  }
0x8b: {  	_ = 	snop  }
0x8c: {  	[spmem:s2] =	stream.indirect.scatter.add.f32 [tilespmem:s26], [sflag:$0x1], $0x10, s7, s23, $0xb8;
	[tilespmem:$0x6000] =	vst v63  }
0x8d: {  	_ = 	snop  }
0x8e: {  	[spmem:s2] =	stream.indirect.scatter.add.f32 [tilespmem:s26], [sflag:$0x1], $0x10, s8, s23, $0xb8;
	[tilespmem:$0x6000] =	vst v63  }
0x8f: {  	_ = 	snop  }
0x90: {  	[spmem:s2] =	stream.indirect.scatter.add.f32 [tilespmem:s26], [sflag:$0x1], $0x10, s10, s23, $0xb8;
	[tilespmem:$0x6000] =	vst v63  }
0x91: {  	_ = 	snop  }
0x92: {  	[spmem:s2] =	stream.indirect.scatter.add.f32 [tilespmem:s26], [sflag:$0x1], $0x10, s11, s23, $0xb8;
	[tilespmem:$0x6000] =	vst v63  }
0x93: {  	_ = 	snop  }
0x94: {  	[spmem:s2] =	stream.indirect.scatter.add.f32 [tilespmem:s26], [sflag:$0x1], $0x10, s12, s23, $0xb8;
	[tilespmem:$0x6000] =	vst v63  }
0x95: {  	_ = 	snop  }
0x96: {  	[spmem:s2] =	stream.indirect.scatter.add.f32 [tilespmem:s26], [sflag:$0x1], $0x10, s13, s23, $0xb8;
	[tilespmem:$0x6000] =	vst v63  }
0x97: {  	_ = 	snop  }
0x98: {  	[spmem:s2] =	stream.indirect.scatter.add.f32 [tilespmem:s26], [sflag:$0x1], $0x10, s14, s23, $0xb8;
	[tilespmem:$0x6000] =	vst v63  }
0x99: {  	_ =	swait.ge [sflag:s21], $0x200  }
0x9a: {  	[sflag:s21] =	ssyncset.done $0x0  }
0x9b: {  	[sflag:s21] =	ssyncadd.s32 $0xFFFFFE00  }
0x9c: {  	_ =	swait.ge [sflag:s21], $0x200  }
0x9d: {  	[sflag:s21] =	ssyncset.done $0x0  }
0x9e: {  	[sflag:s21] =	ssyncadd.s32 $0xFFFFFE00  }
0x9f: {  	_ =	swait.ge [sflag:s21], $0x200  }
0xa0: {  	[sflag:s21] =	ssyncset.done $0x0  }
0xa1: {  	[sflag:s21] =	ssyncadd.s32 $0xFFFFFE00  }
0xa2: {  	_ =	swait.ge [sflag:s21], $0x200  }
0xa3: {  	[sflag:s21] =	ssyncset.done $0x0  }
0xa4: {  	[sflag:s21] =	ssyncadd.s32 $0xFFFFFE00  }
0xa5: {  	_ =	swait.ge [sflag:s21], $0x200  }
0xa6: {  	[sflag:s21] =	ssyncset.done $0x0  }
0xa7: {  	[sflag:s21] =	ssyncadd.s32 $0xFFFFFE00  }
0xa8: {  	_ =	swait.ge [sflag:s21], $0x200  }
0xa9: {  	[sflag:s21] =	ssyncset.done $0x0  }
0xaa: {  	[sflag:s21] =	ssyncadd.s32 $0xFFFFFE00  }
0xab: {  	_ =	swait.ge [sflag:s21], $0x200  }
0xac: {  	[sflag:s21] =	ssyncset.done $0x0  }
0xad: {  	[sflag:s21] =	ssyncadd.s32 $0xFFFFFE00  }
0xae: {  	_ =	swait.ge [sflag:s21], $0x200  }
0xaf: {  	[sflag:s21] =	ssyncset.done $0x0  }
0xb0: {  	[sflag:s21] =	ssyncadd.s32 $0xFFFFFE00  }
0xb1: {  	_ =	swait.ge [sflag:s21], $0x200  }
0xb2: {  	[sflag:s21] =	ssyncset.done $0x0  }
0xb3: {  	[sflag:s21] =	ssyncadd.s32 $0xFFFFFE00  }
0xb4: {  	_ =	swait.ge [sflag:s21], $0x200  }
0xb5: {  	[sflag:s21] =	ssyncset.done $0x0  }
0xb6: {  	[sflag:s21] =	ssyncadd.s32 $0xFFFFFE00  }
0xb7: {  	_ =	swait.ge [sflag:s21], $0x200  }
0xb8: {  	[sflag:s21] =	ssyncset.done $0x0  }
0xb9: {  	[sflag:s21] =	ssyncadd.s32 $0xFFFFFE00  }
0xba: {  	_ =	swait.ge [sflag:s21], $0x200  }
0xbb: {  	[sflag:s21] =	ssyncset.done $0x0  }
0xbc: {  	[sflag:s21] =	ssyncadd.s32 $0xFFFFFE00  }
0xbd: {  	_ =	swait.ge [sflag:s21], $0x200  }
0xbe: {  	[sflag:s21] =	ssyncset.done $0x0  }
0xbf: {  	[sflag:s21] =	ssyncadd.s32 $0xFFFFFE00  }
0xc0: {  	_ =	swait.ge [sflag:s21], $0x200  }
0xc1: {  	[sflag:s21] =	ssyncset.done $0x0  }
0xc2: {  	[sflag:s21] =	ssyncadd.s32 $0xFFFFFE00  }
0xc3: {  	_ =	swait.ge [sflag:s21], $0x200  }
0xc4: {  	[sflag:s21] =	ssyncset.done $0x0  }
0xc5: {  	[sflag:s21] =	ssyncadd.s32 $0xFFFFFE00  }
0xc6: {  	_ =	swait.ge [sflag:s21], $0x200  }
0xc7: {  	s17 =	simm.s32 $0x100;
	s18 =	simm.s32 $0x200;
	[sflag:s21] =	ssyncset.done $0x0  }
.LBB2_4:
0xc8: {  	s25 =	sadd.s32 s17, s19  }
0xc9: {  	[sflag:s21] =	ssyncadd.s32 $0xFFFFFE00;
	s17 =	smov.u32 s18;
	s24 =	sadd.s32 $0x100, s18  }
0xca: {  	[tilespmem:s3], [sflag:$0x3] =	stream.linear.gather [hbm4b:s25+s3], $0x800, $0x38;
	[tilespmem:$0x6000] =	vst v63  }
0xcb: {  	p0 =	sne.s32 s18, $0x1300;
	_ =	swait.ge [sflag:s22], $0x800  }
0xcc: {  	[sflag:s22] =	ssyncset.done $0x0  }
0xcd: {  	[sflag:s22] =	ssyncadd.s32 $0xFFFFF800  }
0xce: {  	[spmem:s2] =	stream.indirect.scatter.add.f32 [tilespmem:s26], [sflag:$0x1], $0x10, s3, s23, $0xb8;
	[tilespmem:$0x6000] =	vst v63  }
0xcf: {  	_ = 	snop  }
0xd0: {  	[spmem:s2] =	stream.indirect.scatter.add.f32 [tilespmem:s26], [sflag:$0x1], $0x10, s28, s23, $0xb8;
	[tilespmem:$0x6000] =	vst v63  }
0xd1: {  	_ = 	snop  }
0xd2: {  	[spmem:s2] =	stream.indirect.scatter.add.f32 [tilespmem:s26], [sflag:$0x1], $0x10, s29, s23, $0xb8;
	[tilespmem:$0x6000] =	vst v63  }
0xd3: {  	_ = 	snop  }
0xd4: {  	[spmem:s2] =	stream.indirect.scatter.add.f32 [tilespmem:s26], [sflag:$0x1], $0x10, s30, s23, $0xb8;
	[tilespmem:$0x6000] =	vst v63  }
0xd5: {  	_ = 	snop  }
0xd6: {  	[spmem:s2] =	stream.indirect.scatter.add.f32 [tilespmem:s26], [sflag:$0x1], $0x10, s31, s23, $0xb8;
	[tilespmem:$0x6000] =	vst v63  }
0xd7: {  	_ = 	snop  }
0xd8: {  	[spmem:s2] =	stream.indirect.scatter.add.f32 [tilespmem:s26], [sflag:$0x1], $0x10, s1, s23, $0xb8;
	[tilespmem:$0x6000] =	vst v63  }
0xd9: {  	_ = 	snop  }
0xda: {  	[spmem:s2] =	stream.indirect.scatter.add.f32 [tilespmem:s26], [sflag:$0x1], $0x10, s0, s23, $0xb8;
	[tilespmem:$0x6000] =	vst v63  }
0xdb: {  	_ = 	snop  }
0xdc: {  	[spmem:s2] =	stream.indirect.scatter.add.f32 [tilespmem:s26], [sflag:$0x1], $0x10, s5, s23, $0xb8;
	[tilespmem:$0x6000] =	vst v63  }
0xdd: {  	_ = 	snop  }
0xde: {  	[spmem:s2] =	stream.indirect.scatter.add.f32 [tilespmem:s26], [sflag:$0x1], $0x10, s6, s23, $0xb8;
	[tilespmem:$0x6000] =	vst v63  }
0xdf: {  	_ = 	snop  }
0xe0: {  	[spmem:s2] =	stream.indirect.scatter.add.f32 [tilespmem:s26], [sflag:$0x1], $0x10, s7, s23, $0xb8;
	[tilespmem:$0x6000] =	vst v63  }
0xe1: {  	_ = 	snop  }
0xe2: {  	[spmem:s2] =	stream.indirect.scatter.add.f32 [tilespmem:s26], [sflag:$0x1], $0x10, s8, s23, $0xb8;
	[tilespmem:$0x6000] =	vst v63  }
0xe3: {  	_ = 	snop  }
0xe4: {  	[spmem:s2] =	stream.indirect.scatter.add.f32 [tilespmem:s26], [sflag:$0x1], $0x10, s10, s23, $0xb8;
	[tilespmem:$0x6000] =	vst v63  }
0xe5: {  	_ = 	snop  }
0xe6: {  	[spmem:s2] =	stream.indirect.scatter.add.f32 [tilespmem:s26], [sflag:$0x1], $0x10, s11, s23, $0xb8;
	[tilespmem:$0x6000] =	vst v63  }
0xe7: {  	_ = 	snop  }
0xe8: {  	[spmem:s2] =	stream.indirect.scatter.add.f32 [tilespmem:s26], [sflag:$0x1], $0x10, s12, s23, $0xb8;
	[tilespmem:$0x6000] =	vst v63  }
0xe9: {  	_ = 	snop  }
0xea: {  	[spmem:s2] =	stream.indirect.scatter.add.f32 [tilespmem:s26], [sflag:$0x1], $0x10, s13, s23, $0xb8;
	[tilespmem:$0x6000] =	vst v63  }
0xeb: {  	_ = 	snop  }
0xec: {  	[spmem:s2] =	stream.indirect.scatter.add.f32 [tilespmem:s26], [sflag:$0x1], $0x10, s14, s23, $0xb8;
	[tilespmem:$0x6000] =	vst v63  }
0xed: {  	_ =	swait.ge [sflag:s21], $0x200  }
0xee: {  	[sflag:s21] =	ssyncset.done $0x0  }
0xef: {  	[sflag:s21] =	ssyncadd.s32 $0xFFFFFE00  }
0xf0: {  	_ =	swait.ge [sflag:s21], $0x200  }
0xf1: {  	[sflag:s21] =	ssyncset.done $0x0  }
0xf2: {  	[sflag:s21] =	ssyncadd.s32 $0xFFFFFE00  }
0xf3: {  	_ =	swait.ge [sflag:s21], $0x200  }
0xf4: {  	[sflag:s21] =	ssyncset.done $0x0  }
0xf5: {  	[sflag:s21] =	ssyncadd.s32 $0xFFFFFE00  }
0xf6: {  	_ =	swait.ge [sflag:s21], $0x200  }
0xf7: {  	[sflag:s21] =	ssyncset.done $0x0  }
0xf8: {  	[sflag:s21] =	ssyncadd.s32 $0xFFFFFE00  }
0xf9: {  	_ =	swait.ge [sflag:s21], $0x200  }
0xfa: {  	[sflag:s21] =	ssyncset.done $0x0  }
0xfb: {  	[sflag:s21] =	ssyncadd.s32 $0xFFFFFE00  }
0xfc: {  	_ =	swait.ge [sflag:s21], $0x200  }
0xfd: {  	[sflag:s21] =	ssyncset.done $0x0  }
0xfe: {  	[sflag:s21] =	ssyncadd.s32 $0xFFFFFE00  }
0xff: {  	_ =	swait.ge [sflag:s21], $0x200  }
0x100: {  	[sflag:s21] =	ssyncset.done $0x0  }
0x101: {  	[sflag:s21] =	ssyncadd.s32 $0xFFFFFE00  }
0x102: {  	_ =	swait.ge [sflag:s21], $0x200  }
0x103: {  	[sflag:s21] =	ssyncset.done $0x0  }
0x104: {  	[sflag:s21] =	ssyncadd.s32 $0xFFFFFE00  }
0x105: {  	_ =	swait.ge [sflag:s21], $0x200  }
0x106: {  	[sflag:s21] =	ssyncset.done $0x0  }
0x107: {  	[sflag:s21] =	ssyncadd.s32 $0xFFFFFE00  }
0x108: {  	_ =	swait.ge [sflag:s21], $0x200  }
0x109: {  	[sflag:s21] =	ssyncset.done $0x0  }
0x10a: {  	[sflag:s21] =	ssyncadd.s32 $0xFFFFFE00  }
0x10b: {  	_ =	swait.ge [sflag:s21], $0x200  }
0x10c: {  	[sflag:s21] =	ssyncset.done $0x0  }
0x10d: {  	[sflag:s21] =	ssyncadd.s32 $0xFFFFFE00  }
0x10e: {  	_ =	swait.ge [sflag:s21], $0x200  }
0x10f: {  	[sflag:s21] =	ssyncset.done $0x0  }
0x110: {  	[sflag:s21] =	ssyncadd.s32 $0xFFFFFE00  }
0x111: {  	_ =	swait.ge [sflag:s21], $0x200  }
0x112: {  	[sflag:s21] =	ssyncset.done $0x0  }
0x113: {  	[sflag:s21] =	ssyncadd.s32 $0xFFFFFE00  }
0x114: {  	_ =	swait.ge [sflag:s21], $0x200  }
0x115: {  	[sflag:s21] =	ssyncset.done $0x0  }
0x116: {  	[sflag:s21] =	ssyncadd.s32 $0xFFFFFE00  }
.Ltmp1:
0x117: {  	_ =	swait.ge [sflag:s21], $0x200;
	(pc) =	sbr.rel @p0 .LBB2_4-.Ltmp1, $4  }
0x118: {  	[sflag:s21] =	ssyncset.done $0x0  }
0x119: {  	[sflag:s21] =	ssyncadd.s32 $0xFFFFFE00  }
0x11a: {  	_ =	swait.ge [sflag:s21], $0x200  }
0x11b: {  	s18 =	smov.u32 s24;
	[sflag:s21] =	ssyncset.done $0x0  }
0x11c: {  	s17 =	sadd.s32 s17, s19;
	[sflag:s21] =	ssyncadd.s32 $0xFFFFFE00  }
0x11d: {  	[tilespmem:s3], [sflag:$0x3] =	stream.linear.gather [hbm4b:s17+s3], $0x800, $0x38;
	[tilespmem:$0x6000] =	vst v63  }
0x11e: {  	_ =	swait.ge [sflag:s22], $0x800  }
0x11f: {  	[sflag:s22] =	ssyncset.done $0x0  }
0x120: {  	[sflag:s22] =	ssyncadd.s32 $0xFFFFF800  }
0x121: {  	[spmem:s2] =	stream.indirect.scatter.add.f32 [tilespmem:s26], [sflag:$0x1], $0x10, s3, s23, $0xb8;
	[tilespmem:$0x6000] =	vst v63  }
0x122: {  	_ = 	snop  }
0x123: {  	[spmem:s2] =	stream.indirect.scatter.add.f32 [tilespmem:s26], [sflag:$0x1], $0x10, s28, s23, $0xb8;
	[tilespmem:$0x6000] =	vst v63  }
0x124: {  	_ = 	snop  }
0x125: {  	[spmem:s2] =	stream.indirect.scatter.add.f32 [tilespmem:s26], [sflag:$0x1], $0x10, s29, s23, $0xb8;
	[tilespmem:$0x6000] =	vst v63  }
0x126: {  	_ = 	snop  }
0x127: {  	[spmem:s2] =	stream.indirect.scatter.add.f32 [tilespmem:s26], [sflag:$0x1], $0x10, s30, s23, $0xb8;
	[tilespmem:$0x6000] =	vst v63  }
0x128: {  	_ = 	snop  }
0x129: {  	[spmem:s2] =	stream.indirect.scatter.add.f32 [tilespmem:s26], [sflag:$0x1], $0x10, s31, s23, $0xb8;
	[tilespmem:$0x6000] =	vst v63  }
0x12a: {  	_ = 	snop  }
0x12b: {  	[spmem:s2] =	stream.indirect.scatter.add.f32 [tilespmem:s26], [sflag:$0x1], $0x10, s1, s23, $0xb8;
	[tilespmem:$0x6000] =	vst v63  }
0x12c: {  	_ = 	snop  }
0x12d: {  	[spmem:s2] =	stream.indirect.scatter.add.f32 [tilespmem:s26], [sflag:$0x1], $0x10, s0, s23, $0xb8;
	[tilespmem:$0x6000] =	vst v63  }
0x12e: {  	_ = 	snop  }
0x12f: {  	[spmem:s2] =	stream.indirect.scatter.add.f32 [tilespmem:s26], [sflag:$0x1], $0x10, s5, s23, $0xb8;
	[tilespmem:$0x6000] =	vst v63  }
0x130: {  	_ = 	snop  }
0x131: {  	[spmem:s2] =	stream.indirect.scatter.add.f32 [tilespmem:s26], [sflag:$0x1], $0x10, s6, s23, $0xb8;
	[tilespmem:$0x6000] =	vst v63  }
0x132: {  	_ = 	snop  }
0x133: {  	[spmem:s2] =	stream.indirect.scatter.add.f32 [tilespmem:s26], [sflag:$0x1], $0x10, s7, s23, $0xb8;
	[tilespmem:$0x6000] =	vst v63  }
0x134: {  	_ = 	snop  }
0x135: {  	[spmem:s2] =	stream.indirect.scatter.add.f32 [tilespmem:s26], [sflag:$0x1], $0x10, s8, s23, $0xb8;
	[tilespmem:$0x6000] =	vst v63  }
0x136: {  	_ = 	snop  }
0x137: {  	[spmem:s2] =	stream.indirect.scatter.add.f32 [tilespmem:s26], [sflag:$0x1], $0x10, s10, s23, $0xb8;
	[tilespmem:$0x6000] =	vst v63  }
0x138: {  	_ = 	snop  }
0x139: {  	[spmem:s2] =	stream.indirect.scatter.add.f32 [tilespmem:s26], [sflag:$0x1], $0x10, s11, s23, $0xb8;
	[tilespmem:$0x6000] =	vst v63  }
0x13a: {  	_ = 	snop  }
0x13b: {  	[spmem:s2] =	stream.indirect.scatter.add.f32 [tilespmem:s26], [sflag:$0x1], $0x10, s12, s23, $0xb8;
	[tilespmem:$0x6000] =	vst v63  }
0x13c: {  	_ = 	snop  }
0x13d: {  	[spmem:s2] =	stream.indirect.scatter.add.f32 [tilespmem:s26], [sflag:$0x1], $0x10, s13, s23, $0xb8;
	[tilespmem:$0x6000] =	vst v63  }
0x13e: {  	_ = 	snop  }
0x13f: {  	[spmem:s2] =	stream.indirect.scatter.add.f32 [tilespmem:s26], [sflag:$0x1], $0x10, s14, s23, $0xb8;
	[tilespmem:$0x6000] =	vst v63  }
0x140: {  	_ =	swait.ge [sflag:s21], $0x200  }
0x141: {  	[sflag:s21] =	ssyncset.done $0x0  }
0x142: {  	[sflag:s21] =	ssyncadd.s32 $0xFFFFFE00  }
0x143: {  	_ =	swait.ge [sflag:s21], $0x200  }
0x144: {  	[sflag:s21] =	ssyncset.done $0x0  }
0x145: {  	[sflag:s21] =	ssyncadd.s32 $0xFFFFFE00  }
0x146: {  	_ =	swait.ge [sflag:s21], $0x200  }
0x147: {  	[sflag:s21] =	ssyncset.done $0x0  }
0x148: {  	[sflag:s21] =	ssyncadd.s32 $0xFFFFFE00  }
0x149: {  	_ =	swait.ge [sflag:s21], $0x200  }
0x14a: {  	[sflag:s21] =	ssyncset.done $0x0  }
0x14b: {  	[sflag:s21] =	ssyncadd.s32 $0xFFFFFE00  }
0x14c: {  	_ =	swait.ge [sflag:s21], $0x200  }
0x14d: {  	[sflag:s21] =	ssyncset.done $0x0  }
0x14e: {  	[sflag:s21] =	ssyncadd.s32 $0xFFFFFE00  }
0x14f: {  	_ =	swait.ge [sflag:s21], $0x200  }
0x150: {  	[sflag:s21] =	ssyncset.done $0x0  }
0x151: {  	[sflag:s21] =	ssyncadd.s32 $0xFFFFFE00  }
0x152: {  	_ =	swait.ge [sflag:s21], $0x200  }
0x153: {  	[sflag:s21] =	ssyncset.done $0x0  }
0x154: {  	[sflag:s21] =	ssyncadd.s32 $0xFFFFFE00  }
0x155: {  	_ =	swait.ge [sflag:s21], $0x200  }
0x156: {  	[sflag:s21] =	ssyncset.done $0x0  }
0x157: {  	[sflag:s21] =	ssyncadd.s32 $0xFFFFFE00  }
0x158: {  	_ =	swait.ge [sflag:s21], $0x200  }
0x159: {  	[sflag:s21] =	ssyncset.done $0x0  }
0x15a: {  	[sflag:s21] =	ssyncadd.s32 $0xFFFFFE00  }
0x15b: {  	_ =	swait.ge [sflag:s21], $0x200  }
0x15c: {  	[sflag:s21] =	ssyncset.done $0x0  }
0x15d: {  	[sflag:s21] =	ssyncadd.s32 $0xFFFFFE00  }
0x15e: {  	_ =	swait.ge [sflag:s21], $0x200  }
0x15f: {  	[sflag:s21] =	ssyncset.done $0x0  }
0x160: {  	[sflag:s21] =	ssyncadd.s32 $0xFFFFFE00  }
0x161: {  	_ =	swait.ge [sflag:s21], $0x200  }
0x162: {  	[sflag:s21] =	ssyncset.done $0x0  }
0x163: {  	[sflag:s21] =	ssyncadd.s32 $0xFFFFFE00  }
0x164: {  	_ =	swait.ge [sflag:s21], $0x200  }
0x165: {  	[sflag:s21] =	ssyncset.done $0x0  }
0x166: {  	[sflag:s21] =	ssyncadd.s32 $0xFFFFFE00  }
0x167: {  	_ =	swait.ge [sflag:s21], $0x200  }
0x168: {  	[sflag:s21] =	ssyncset.done $0x0  }
0x169: {  	[sflag:s21] =	ssyncadd.s32 $0xFFFFFE00  }
0x16a: {  	_ =	swait.ge [sflag:s21], $0x200  }
0x16b: {  	[sflag:s21] =	ssyncset.done $0x0  }
0x16c: {  	[sflag:s21] =	ssyncadd.s32 $0xFFFFFE00  }
0x16d: {  	_ =	swait.ge [sflag:s21], $0x200  }
0x16e: {  	[sflag:s21] =	ssyncset.done $0x0  }
0x16f: {  	s24 =	stileid.u32;
	[sflag:s21] =	ssyncadd.s32 $0xFFFFFE00  }
0x170: {  	s17 =	sshll.u32 s24, $0x6;
	[bflag:$0x0] =	sbarrier.arrive $0xFFFF  }
0x171: {  	s18 =	sshrl.u32 s4, $0x3;
	s17 =	sor.u32 $0x1C02, s17;
	s24 =	rddreg [dreg:$0xb]  }
0x172: {  	[hbm:s24], [sflag:s17] =	dma.local [spmem:s18], $0xA00  }
0x173: {  	s18 =	rddreg [dreg:$0xc]  }
0x174: {  	s24 =	rddreg [dreg:$0x10]  }
0x175: {  	[hbm:s18], [sflag:s17] =	dma.local [spmem:s24], $0xA00  }
0x176: {  	s25 =	sshrl.u32 s9, $0x3;
	s24 =	rddreg [dreg:$0xd]  }
0x177: {  	[hbm:s24], [sflag:s17] =	dma.local [spmem:s25], $0xA00  }
0x178: {  	s18 =	rddreg [dreg:$0xe]  }
0x179: {  	s24 =	rddreg [dreg:$0x11]  }
0x17a: {  	[hbm:s18], [sflag:s17] =	dma.local [spmem:s24], $0xA00  }
0x17b: {  	_ =	swait.ge [sflag:s15], $0xA00  }
0x17c: {  	[sflag:s15] =	ssyncset.done $0x0  }
0x17d: {  	[sflag:s15] =	ssyncadd.s32 $0xFFFFF600  }
0x17e: {  	_ =	swait.ge [sflag:s15], $0xA00  }
0x17f: {  	[sflag:s15] =	ssyncset.done $0x0  }
0x180: {  	[sflag:s15] =	ssyncadd.s32 $0xFFFFF600  }
0x181: {  	_ =	swait.ge [sflag:s15], $0xA00  }
0x182: {  	[sflag:s15] =	ssyncset.done $0x0  }
0x183: {  	[sflag:s15] =	ssyncadd.s32 $0xFFFFF600  }
0x184: {  	_ =	swait.ge [sflag:s15], $0xA00  }
0x185: {  	s16 =	sadd.s32 $0x1, s16;
	s25 =	rddreg [dreg:$0xf]  }
0x186: {  	p0 =	sne.s32 s16, s25  }
.Ltmp2:
0x187: {  	_ = 	snop;
	(pc) =	sbr.rel @p0 .LBB2_1-.Ltmp2, $3  }
0x188: {  	_ =	sdelay $0x1  }
0x189: {  	[sflag:s15] =	ssyncset.done $0x0  }
0x18a: {  	[sflag:s15] =	ssyncadd.s32 $0xFFFFF600  }
0x18b: {  	_ =	sfence.sel $0x180000  }
0x18c: {  	[bflag:$0x0] =	sbarrier.arrive $0xFFFF  }
0x18d: {  	_ =	strace $0x90000047  }
0x18e: {  	s0 =	stileid.u32;
	[bflag:$0x2] =	sbarrier.arrive $0xFFFF  }
0x18f: {  	p0 =	sne.s32 s0, $0x0;
	s0 =	rddreg [dreg:$0x2]  }
0x190: {  	s0 =	sadd.s32 @!p0 $0x100000, s0  }
0x191: {  	[sflag:s0] =	ssyncadd.tile.s32 @!p0 $0x1;
	_ =	shalt  }
.Lfunc_end2:
_tile_overlayer_lowered:
.L_overlay_start_2:
0x192: {  	(tag) =	ssettag $0x2  }
0x193: {  	s0 =	rddreg [dreg:$0x0];
	s2 =	stileid.u32  }
0x194: {  	s1 =	rddreg [dreg:$0x1];
	p0 =	sne.s32 s2, $0x0  }
0x195: {  	s3 =	rddreg [dreg:$0x2];
	[bflag:$0x3] =	sbarrier.arrive $0xFFFF;
	s2 =	simm.s32 @!p0 $0x1C03  }
0x196: {  	[timem:s3], [sflag:s2] =	dma.local @!p0 [hbm:s0], s1  }
0x197: {  	s0 =	simm.s32 @!p0 $0x3  }
0x198: {  	_ =	swait.ge @!p0 [sflag:s0], s1  }
0x199: {  	s1 =	ssub.s32 @!p0 $0x0, s1;
	[sflag:s0] =	ssyncset.done @!p0 $0x0  }
0x19a: {  	[sflag:s0] =	ssyncadd.s32 @!p0 s1  }
0x19b: {  	[bflag:$0x3] =	sbarrier.arrive $0xFFFF  }
0x19c: {  	_ =	shalt  }

</sc_bundles>
